<compile_context>
chip_gen: v7x
topology: tpu7x:2x2x1
jax: 0.10.2.dev20260603
libtpu: 0.0.44.dev20260713+nightly
codegen_flags: <defaults>
</compile_context>

<pallas_src>
import functools

import jax
import jax.numpy as jnp
from jax import lax
from jax.experimental import pallas as pl
from jax.experimental.pallas import tpu as pltpu
from jax.experimental.pallas import tpu_sc as plsc

B = 16384
EMB = 64

_info = plsc.get_sparse_core_info()
_NC, _NS = _info.num_cores, _info.num_subcores
_NW = _NC * _NS
_BPW = B // _NW
_RING = 8
_HALF = 256


@functools.partial(
    pl.kernel,
    out_type=(
        jax.ShapeDtypeStruct((B, EMB), jnp.float32),
        jax.ShapeDtypeStruct((B, EMB), jnp.float32),
    ),
    mesh=plsc.VectorSubcoreMesh(core_axis_name="c", subcore_axis_name="s"),
    scratch_types=(
        pltpu.VMEM((_BPW,), jnp.int32),
        pltpu.VMEM((_BPW,), jnp.int32),
        pltpu.VMEM((_RING, EMB, 128), jnp.float32),
        pltpu.VMEM((_HALF, EMB), jnp.float32),
        pltpu.SemaphoreType.DMA,
        pltpu.SemaphoreType.DMA,
        pltpu.SemaphoreType.DMA,
        pltpu.SemaphoreType.DMA,
        pltpu.SemaphoreType.DMA,
        pltpu.SemaphoreType.DMA,
        pltpu.SemaphoreType.DMA,
        pltpu.SemaphoreType.DMA,
        pltpu.SemaphoreType.DMA,
    ),
    compiler_params=pltpu.CompilerParams(needs_layout_passes=False),
)
def _sc_gather(user_t, artist_table, user_idx, artist_idx,
               u_out, a_out, uidx_v, aidx_v, blocks_v, rows_v,
               sem0, sem1, sem2, sem3, sem4, sem5, sem6, sem7, rsem):
    wid = lax.axis_index("s") * _NC + lax.axis_index("c")
    base = wid * _BPW
    sems = (sem0, sem1, sem2, sem3, sem4, sem5, sem6, sem7)
    lanes = lax.iota(jnp.int32, 16)

    pltpu.sync_copy(user_idx.at[pl.ds(base, _BPW)], uidx_v)
    pltpu.sync_copy(artist_idx.at[pl.ds(base, _BPW)], aidx_v)

    def fire_block(tc, slot):
        off = pl.multiple_of(tc * 128, 128)
        pltpu.async_copy(user_t.at[:, pl.ds(off, 128)],
                         blocks_v.at[slot], sems[slot])

    def wait_block(slot):
        pltpu.make_async_copy(user_t.at[:, pl.ds(0, 128)],
                              blocks_v.at[slot], sems[slot]).wait()

    def extract(j, slot, lane):
        l16 = jnp.full((16,), lane, jnp.int32)
        s16 = jnp.full((16,), slot, jnp.int32)
        for g in range(4):
            v = plsc.load_gather(blocks_v, [s16, lanes + (g * 16), l16])
            rows_v[j & (_HALF - 1), pl.ds(g * 16, 16)] = v

    half_mark = _HALF // 16

    def chunk_steady(k, carry, v, start_i):
        pend = list(carry)
        for i in range(start_i, 16):
            r = v[i]
            fire_block(r >> 7, i % _RING)
            pend.append(r & 127)
            olane = pend.pop(0)
            oslot = (i + 1) % _RING
            wait_block(oslot)
            extract(k * 16 + i - (_RING - 1), oslot, olane)
            if i == _RING - 2 and not isinstance(k, int):
                @pl.when(k == half_mark)
                def _():
                    pltpu.sync_copy(rows_v, u_out.at[pl.ds(base, _HALF)])
        return tuple(pend)

    v0 = uidx_v[pl.ds(0, 16)]
    pend0 = []
    for i in range(_RING - 1):
        fire_block(v0[i] >> 7, i)
        pend0.append(v0[i] & 127)

    carry = chunk_steady(0, tuple(pend0), v0, _RING - 1)

    def chunk_body(k, c):
        v = uidx_v[pl.ds(k * 16, 16)]
        return chunk_steady(k, c, v, 0)

    carry = lax.fori_loop(1, _BPW // 16, chunk_body, carry)
    for t in range(_RING - 1):
        oj = _BPW - (_RING - 1) + t
        wait_block(oj % _RING)
        extract(oj, oj % _RING, carry[t])

    pltpu.sync_copy(rows_v, u_out.at[pl.ds(base + _HALF, _HALF)])

    def afire(k, carry):
        v = aidx_v[pl.ds(k * 16, 16)]
        for i in range(16):
            pltpu.async_copy(artist_table.at[v[i]],
                             rows_v.at[(k * 16 + i) & (_HALF - 1)], rsem)
        return carry

    def adrain(j, carry):
        pltpu.make_async_copy(artist_table.at[0],
                              rows_v.at[j & (_HALF - 1)], rsem).wait()
        return carry

    for h in range(2):
        lax.fori_loop(h * (_HALF // 16), (h + 1) * (_HALF // 16), afire, 0)
        lax.fori_loop(h * _HALF, (h + 1) * _HALF, adrain, 0)
        pltpu.sync_copy(rows_v, a_out.at[pl.ds(base + h * _HALF, _HALF)])


_BLK = 2048


def _mlp_body(u_ref, a_ref, w1u_ref, w1a_ref, b1_ref, w2_ref, b2_ref,
              w3_ref, b3_ref, w4_ref, b4_ref, out_ref):
    u = u_ref[...]
    a = a_ref[...]
    x = (jnp.dot(u, w1u_ref[...], preferred_element_type=jnp.float32)
         + jnp.dot(a, w1a_ref[...], preferred_element_type=jnp.float32)
         + b1_ref[...])
    x = jnp.maximum(x, 0.0)
    x = jnp.dot(x, w2_ref[...], preferred_element_type=jnp.float32) + b2_ref[...]
    x = jnp.maximum(x, 0.0)
    x = jnp.dot(x, w3_ref[...], preferred_element_type=jnp.float32) + b3_ref[...]
    x = jnp.maximum(x, 0.0)
    z = jnp.sum(x * w4_ref[...], axis=1) + b4_ref[0]
    out_ref[...] = 1.0 / (1.0 + jnp.exp(-z))


def _mlp(u_emb, a_emb, W1, b1, W2, b2, W3, b3, W4, b4):
    w1u, w1a = W1[:EMB], W1[EMB:]
    w4 = jnp.reshape(W4, (1, 32))
    grid = (B // _BLK,)
    full = lambda i: (0, 0)
    return pl.pallas_call(
        _mlp_body,
        grid=grid,
        in_specs=[
            pl.BlockSpec((_BLK, EMB), lambda i: (i, 0)),
            pl.BlockSpec((_BLK, EMB), lambda i: (i, 0)),
            pl.BlockSpec((EMB, 128), full),
            pl.BlockSpec((EMB, 128), full),
            pl.BlockSpec((1, 128), full),
            pl.BlockSpec((128, EMB), full),
            pl.BlockSpec((1, EMB), full),
            pl.BlockSpec((EMB, 32), full),
            pl.BlockSpec((1, 32), full),
            pl.BlockSpec((1, 32), full),
            pl.BlockSpec((1,), lambda i: (0,)),
        ],
        out_specs=pl.BlockSpec((_BLK,), lambda i: (i,)),
        out_shape=jax.ShapeDtypeStruct((B,), jnp.float32),
    )(u_emb, a_emb, w1u, w1a, b1[None, :], W2, b2[None, :], W3, b3[None, :],
      w4, b4)


def kernel(user_idx, artist_idx, user_table, artist_table,
           W1, b1, W2, b2, W3, b3, W4, b4):
    u_emb, a_emb = _sc_gather(user_table.T, artist_table,
                              user_idx.astype(jnp.int32),
                              artist_idx.astype(jnp.int32))
    return _mlp(u_emb, a_emb, W1, b1, W2, b2, W3, b3, W4, b4)

# --- scband reference (transcript-rebuilt; emitter-appended) ---
"""Pipeline reference for scband-ncfmodel-77283641524587 (READ-ONLY COPY).

The authoritative reference and input builder live on the scoring server;
editing this copy changes nothing except your own understanding.
"""

import jax, jax.numpy as jnp
import numpy as np

N_USERS = 1000000
N_ARTISTS = 100000
EMB = 64
B = 16384

def setup_inputs(seed: int = 0) -> dict:
    key = jax.random.key(seed)
    ks = jax.random.split(key, 12)
    user_idx = jax.random.randint(ks[0], (B,), 0, N_USERS, dtype=jnp.int64) if jax.config.jax_enable_x64 else jax.random.randint(ks[0], (B,), 0, N_USERS).astype(jnp.int32)
    artist_idx = jax.random.randint(ks[1], (B,), 0, N_ARTISTS).astype(user_idx.dtype)
    user_table = jax.random.normal(ks[2], (N_USERS, EMB), dtype=jnp.float32) * 0.01
    artist_table = jax.random.normal(ks[3], (N_ARTISTS, EMB), dtype=jnp.float32) * 0.01
    def xavier(k, fan_in, fan_out):
        limit = jnp.sqrt(6.0 / (fan_in + fan_out))
        return jax.random.uniform(k, (fan_in, fan_out), dtype=jnp.float32, minval=-limit, maxval=limit)
    W1 = xavier(ks[4], 2 * EMB, 128); b1 = jnp.zeros((128,), jnp.float32)
    W2 = xavier(ks[5], 128, 64);      b2 = jnp.zeros((64,), jnp.float32)
    W3 = xavier(ks[6], 64, 32);       b3 = jnp.zeros((32,), jnp.float32)
    W4 = xavier(ks[7], 32, 1);        b4 = jnp.zeros((1,), jnp.float32)
    return {"user_idx": user_idx, "artist_idx": artist_idx,
            "user_table": user_table, "artist_table": artist_table,
            "W1": W1, "b1": b1, "W2": W2, "b2": b2,
            "W3": W3, "b3": b3, "W4": W4, "b4": b4}

def reference(user_idx, artist_idx, user_table, artist_table,
              W1, b1, W2, b2, W3, b3, W4, b4):
    # Embedding lookups (gather)
    user_emb = jnp.take(user_table, user_idx, axis=0)
    artist_emb = jnp.take(artist_table, artist_idx, axis=0)
    x = jnp.concatenate([user_emb, artist_emb], axis=-1)
    # MLP (dropout is identity at inference)
    x = jax.nn.relu(x @ W1 + b1)
    x = jax.nn.relu(x @ W2 + b2)
    x = jax.nn.relu(x @ W3 + b3)
    out = jax.nn.sigmoid(x @ W4 + b4)
    return jnp.squeeze(out, axis=-1)

if __name__ == "__main__":
    import jax
    _d = setup_inputs()
    print(jax.jit(kernel)(*tuple(_d.values())))

</pallas_src>

<mosaic_0001>
#map = affine_map<(d0, d1) -> (0, 0)>
#map1 = affine_map<(d0, d1) -> (0)>
module attributes {stable_mosaic.version = 14 : i64} {
  func.func @_sc_gather(%arg0: i32, %arg1: i32, %arg2: memref<64x1000000xf32, #tpu.memory_space<hbm>>, %arg3: memref<100000x64xf32, #tpu.memory_space<hbm>>, %arg4: memref<16384xi32, #tpu.memory_space<hbm>>, %arg5: memref<16384xi32, #tpu.memory_space<hbm>>, %arg6: memref<16384x64xf32, #tpu.memory_space<hbm>>, %arg7: memref<16384x64xf32, #tpu.memory_space<hbm>>, %arg8: memref<512xi32, #tpu.memory_space<vmem>>, %arg9: memref<512xi32, #tpu.memory_space<vmem>>, %arg10: memref<8x64x128xf32, #tpu.memory_space<vmem>>, %arg11: memref<256x64xf32, #tpu.memory_space<vmem>>, %arg12: memref<!tpu.dma_semaphore, #tpu.memory_space<semaphore_mem>>, %arg13: memref<!tpu.dma_semaphore, #tpu.memory_space<semaphore_mem>>, %arg14: memref<!tpu.dma_semaphore, #tpu.memory_space<semaphore_mem>>, %arg15: memref<!tpu.dma_semaphore, #tpu.memory_space<semaphore_mem>>, %arg16: memref<!tpu.dma_semaphore, #tpu.memory_space<semaphore_mem>>, %arg17: memref<!tpu.dma_semaphore, #tpu.memory_space<semaphore_mem>>, %arg18: memref<!tpu.dma_semaphore, #tpu.memory_space<semaphore_mem>>, %arg19: memref<!tpu.dma_semaphore, #tpu.memory_space<semaphore_mem>>, %arg20: memref<!tpu.dma_semaphore, #tpu.memory_space<semaphore_mem>>) attributes {dimension_semantics = [#tpu.dimension_semantics<core_parallel>, #tpu.dimension_semantics<subcore_parallel>], iteration_bounds = array<i64: 2, 16>, scalar_prefetch = 0 : i64, scratch_operands = 13 : i64, tpu.core_type = #tpu.core_type<sc_vector_subcore>, window_params = [{transform_indices = #map}, {transform_indices = #map}, {transform_indices = #map1}, {transform_indices = #map1}, {transform_indices = #map}, {transform_indices = #map}]} {
    %mul3A = arith.constant 2 : i32
    %mul3A_0 = arith.muli %arg1, %mul3A : i32
    %add3A = arith.addi %mul3A_0, %arg0 : i32
    %mul3A_1 = arith.constant 512 : i32
    %mul3A_2 = arith.muli %add3A, %mul3A_1 : i32
    %iota3A = tpu.iota {dimensions = array<i32: 0>} : vector<16xi32>
    "tpu.region"() ({
      %run_scoped3A = tpu.sem_alloc : memref<!tpu.dma_semaphore, #tpu.memory_space<semaphore_mem>>
      %dma_start3A_1195 = tpu.memref_slice %arg4[%mul3A_2] : memref<16384xi32, #tpu.memory_space<hbm>> -> memref<512xi32, #tpu.memory_space<hbm>>
      %dma_start3A_1196 = tpu.memref_slice %arg4[%mul3A_2] : memref<16384xi32, #tpu.memory_space<hbm>> -> memref<512xi32, #tpu.memory_space<hbm>>
      tpu.enqueue_dma source(%dma_start3A_1196 : memref<512xi32, #tpu.memory_space<hbm>>) target(%arg8 : memref<512xi32, #tpu.memory_space<vmem>>) target_semaphore(%run_scoped3A : memref<!tpu.dma_semaphore, #tpu.memory_space<semaphore_mem>>)
      %dma_wait3A_1197 = tpu.memref_slice %arg4[%mul3A_2] : memref<16384xi32, #tpu.memory_space<hbm>> -> memref<512xi32, #tpu.memory_space<hbm>>
      %dma_wait3A_1198 = tpu.memref_slice %arg4[%mul3A_2] : memref<16384xi32, #tpu.memory_space<hbm>> -> memref<512xi32, #tpu.memory_space<hbm>>
      tpu.wait_dma2 semaphore(%run_scoped3A : memref<!tpu.dma_semaphore, #tpu.memory_space<semaphore_mem>>) src(%dma_wait3A_1198 : memref<512xi32, #tpu.memory_space<hbm>>) dst(%arg8 : memref<512xi32, #tpu.memory_space<vmem>>)
      tpu.yield
    }) : () -> ()
    "tpu.region"() ({
      %run_scoped3A = tpu.sem_alloc : memref<!tpu.dma_semaphore, #tpu.memory_space<semaphore_mem>>
      %dma_start3A_1195 = tpu.memref_slice %arg5[%mul3A_2] : memref<16384xi32, #tpu.memory_space<hbm>> -> memref<512xi32, #tpu.memory_space<hbm>>
      %dma_start3A_1196 = tpu.memref_slice %arg5[%mul3A_2] : memref<16384xi32, #tpu.memory_space<hbm>> -> memref<512xi32, #tpu.memory_space<hbm>>
      tpu.enqueue_dma source(%dma_start3A_1196 : memref<512xi32, #tpu.memory_space<hbm>>) target(%arg9 : memref<512xi32, #tpu.memory_space<vmem>>) target_semaphore(%run_scoped3A : memref<!tpu.dma_semaphore, #tpu.memory_space<semaphore_mem>>)
      %dma_wait3A_1197 = tpu.memref_slice %arg5[%mul3A_2] : memref<16384xi32, #tpu.memory_space<hbm>> -> memref<512xi32, #tpu.memory_space<hbm>>
      %dma_wait3A_1198 = tpu.memref_slice %arg5[%mul3A_2] : memref<16384xi32, #tpu.memory_space<hbm>> -> memref<512xi32, #tpu.memory_space<hbm>>
      tpu.wait_dma2 semaphore(%run_scoped3A : memref<!tpu.dma_semaphore, #tpu.memory_space<semaphore_mem>>) src(%dma_wait3A_1198 : memref<512xi32, #tpu.memory_space<hbm>>) dst(%arg9 : memref<512xi32, #tpu.memory_space<vmem>>)
      tpu.yield
    }) : () -> ()
    %get3A = arith.constant 0 : index
    %get3A_3 = tpu.vector_load %arg8[%get3A] {strides = array<i32>} : memref<512xi32, #tpu.memory_space<vmem>>, vector<16xi32>,
    %slice3A = vector.extract_strided_slice %get3A_3 {offsets = [0], sizes = [1], strides = [1]} : vector<16xi32> to vector<1xi32>
    %squeeze3A = vector.extract %slice3A[0] : i32 from vector<1xi32>
    %shift_right_arithmetic3A = arith.constant 7 : i32
    %shift_right_arithmetic3A_4 = arith.shrsi %squeeze3A, %shift_right_arithmetic3A : i32
    %mul3A_5 = arith.constant 128 : i32
    %mul3A_6 = arith.muli %shift_right_arithmetic3A_4, %mul3A_5 : i32
    %multiple_of3A = tpu.assume_multiple %mul3A_6, 128 : i32
    %dma_start3A = arith.constant 0 : i32
    %dma_start3A_7 = arith.constant 0 : i32
    %dma_start3A_8 = arith.constant 0 : i32
    %dma_start3A_9 = tpu.memref_slice %arg10[%dma_start3A, %dma_start3A_7, %dma_start3A_8] : memref<8x64x128xf32, #tpu.memory_space<vmem>> -> memref<1x64x128xf32, #tpu.memory_space<vmem>>
    %dma_start3A_10 = tpu.memref_squeeze %dma_start3A_9 : memref<1x64x128xf32, #tpu.memory_space<vmem>> -> memref<64x128xf32, #tpu.memory_space<vmem>>
    %dma_start3A_11 = arith.constant 0 : i32
    %dma_start3A_12 = tpu.memref_slice %arg2[%dma_start3A_11, %multiple_of3A] : memref<64x1000000xf32, #tpu.memory_space<hbm>> -> memref<64x128xf32, #tpu.memory_space<hbm>>
    %dma_start3A_13 = arith.constant 0 : i32
    %dma_start3A_14 = arith.constant 0 : i32
    %dma_start3A_15 = tpu.memref_slice %arg10[%dma_start3A, %dma_start3A_13, %dma_start3A_14] : memref<8x64x128xf32, #tpu.memory_space<vmem>> -> memref<1x64x128xf32, #tpu.memory_space<vmem>>
    %dma_start3A_16 = tpu.memref_squeeze %dma_start3A_15 : memref<1x64x128xf32, #tpu.memory_space<vmem>> -> memref<64x128xf32, #tpu.memory_space<vmem>>
    %dma_start3A_17 = arith.constant 0 : i32
    %dma_start3A_18 = tpu.memref_slice %arg2[%dma_start3A_17, %multiple_of3A] : memref<64x1000000xf32, #tpu.memory_space<hbm>> -> memref<64x128xf32, #tpu.memory_space<hbm>>
    tpu.enqueue_dma source(%dma_start3A_18 : memref<64x128xf32, #tpu.memory_space<hbm>>) target(%dma_start3A_16 : memref<64x128xf32, #tpu.memory_space<vmem>>) target_semaphore(%arg12 : memref<!tpu.dma_semaphore, #tpu.memory_space<semaphore_mem>>)
    %slice3A_19 = vector.extract_strided_slice %get3A_3 {offsets = [0], sizes = [1], strides = [1]} : vector<16xi32> to vector<1xi32>
    %squeeze3A_20 = vector.extract %slice3A_19[0] : i32 from vector<1xi32>
    %and3A = arith.constant 127 : i32
    %and3A_21 = arith.andi %squeeze3A_20, %and3A : i32
    %slice3A_22 = vector.extract_strided_slice %get3A_3 {offsets = [1], sizes = [1], strides = [1]} : vector<16xi32> to vector<1xi32>
    %squeeze3A_23 = vector.extract %slice3A_22[0] : i32 from vector<1xi32>
    %shift_right_arithmetic3A_24 = arith.constant 7 : i32
    %shift_right_arithmetic3A_25 = arith.shrsi %squeeze3A_23, %shift_right_arithmetic3A_24 : i32
    %mul3A_26 = arith.constant 128 : i32
    %mul3A_27 = arith.muli %shift_right_arithmetic3A_25, %mul3A_26 : i32
    %multiple_of3A_28 = tpu.assume_multiple %mul3A_27, 128 : i32
    %dma_start3A_29 = arith.constant 1 : i32
    %dma_start3A_30 = arith.constant 0 : i32
    %dma_start3A_31 = arith.constant 0 : i32
    %dma_start3A_32 = tpu.memref_slice %arg10[%dma_start3A_29, %dma_start3A_30, %dma_start3A_31] : memref<8x64x128xf32, #tpu.memory_space<vmem>> -> memref<1x64x128xf32, #tpu.memory_space<vmem>>
    %dma_start3A_33 = tpu.memref_squeeze %dma_start3A_32 : memref<1x64x128xf32, #tpu.memory_space<vmem>> -> memref<64x128xf32, #tpu.memory_space<vmem>>
    %dma_start3A_34 = arith.constant 0 : i32
    %dma_start3A_35 = tpu.memref_slice %arg2[%dma_start3A_34, %multiple_of3A_28] : memref<64x1000000xf32, #tpu.memory_space<hbm>> -> memref<64x128xf32, #tpu.memory_space<hbm>>
    %dma_start3A_36 = arith.constant 0 : i32
    %dma_start3A_37 = arith.constant 0 : i32
    %dma_start3A_38 = tpu.memref_slice %arg10[%dma_start3A_29, %dma_start3A_36, %dma_start3A_37] : memref<8x64x128xf32, #tpu.memory_space<vmem>> -> memref<1x64x128xf32, #tpu.memory_space<vmem>>
    %dma_start3A_39 = tpu.memref_squeeze %dma_start3A_38 : memref<1x64x128xf32, #tpu.memory_space<vmem>> -> memref<64x128xf32, #tpu.memory_space<vmem>>
    %dma_start3A_40 = arith.constant 0 : i32
    %dma_start3A_41 = tpu.memref_slice %arg2[%dma_start3A_40, %multiple_of3A_28] : memref<64x1000000xf32, #tpu.memory_space<hbm>> -> memref<64x128xf32, #tpu.memory_space<hbm>>
    tpu.enqueue_dma source(%dma_start3A_41 : memref<64x128xf32, #tpu.memory_space<hbm>>) target(%dma_start3A_39 : memref<64x128xf32, #tpu.memory_space<vmem>>) target_semaphore(%arg13 : memref<!tpu.dma_semaphore, #tpu.memory_space<semaphore_mem>>)
    %slice3A_42 = vector.extract_strided_slice %get3A_3 {offsets = [1], sizes = [1], strides = [1]} : vector<16xi32> to vector<1xi32>
    %squeeze3A_43 = vector.extract %slice3A_42[0] : i32 from vector<1xi32>
    %and3A_44 = arith.constant 127 : i32
    %and3A_45 = arith.andi %squeeze3A_43, %and3A_44 : i32
    %slice3A_46 = vector.extract_strided_slice %get3A_3 {offsets = [2], sizes = [1], strides = [1]} : vector<16xi32> to vector<1xi32>
    %squeeze3A_47 = vector.extract %slice3A_46[0] : i32 from vector<1xi32>
    %shift_right_arithmetic3A_48 = arith.constant 7 : i32
    %shift_right_arithmetic3A_49 = arith.shrsi %squeeze3A_47, %shift_right_arithmetic3A_48 : i32
    %mul3A_50 = arith.constant 128 : i32
    %mul3A_51 = arith.muli %shift_right_arithmetic3A_49, %mul3A_50 : i32
    %multiple_of3A_52 = tpu.assume_multiple %mul3A_51, 128 : i32
    %dma_start3A_53 = arith.constant 2 : i32
    %dma_start3A_54 = arith.constant 0 : i32
    %dma_start3A_55 = arith.constant 0 : i32
    %dma_start3A_56 = tpu.memref_slice %arg10[%dma_start3A_53, %dma_start3A_54, %dma_start3A_55] : memref<8x64x128xf32, #tpu.memory_space<vmem>> -> memref<1x64x128xf32, #tpu.memory_space<vmem>>
    %dma_start3A_57 = tpu.memref_squeeze %dma_start3A_56 : memref<1x64x128xf32, #tpu.memory_space<vmem>> -> memref<64x128xf32, #tpu.memory_space<vmem>>
    %dma_start3A_58 = arith.constant 0 : i32
    %dma_start3A_59 = tpu.memref_slice %arg2[%dma_start3A_58, %multiple_of3A_52] : memref<64x1000000xf32, #tpu.memory_space<hbm>> -> memref<64x128xf32, #tpu.memory_space<hbm>>
    %dma_start3A_60 = arith.constant 0 : i32
    %dma_start3A_61 = arith.constant 0 : i32
    %dma_start3A_62 = tpu.memref_slice %arg10[%dma_start3A_53, %dma_start3A_60, %dma_start3A_61] : memref<8x64x128xf32, #tpu.memory_space<vmem>> -> memref<1x64x128xf32, #tpu.memory_space<vmem>>
    %dma_start3A_63 = tpu.memref_squeeze %dma_start3A_62 : memref<1x64x128xf32, #tpu.memory_space<vmem>> -> memref<64x128xf32, #tpu.memory_space<vmem>>
    %dma_start3A_64 = arith.constant 0 : i32
    %dma_start3A_65 = tpu.memref_slice %arg2[%dma_start3A_64, %multiple_of3A_52] : memref<64x1000000xf32, #tpu.memory_space<hbm>> -> memref<64x128xf32, #tpu.memory_space<hbm>>
    tpu.enqueue_dma source(%dma_start3A_65 : memref<64x128xf32, #tpu.memory_space<hbm>>) target(%dma_start3A_63 : memref<64x128xf32, #tpu.memory_space<vmem>>) target_semaphore(%arg14 : memref<!tpu.dma_semaphore, #tpu.memory_space<semaphore_mem>>)
    %slice3A_66 = vector.extract_strided_slice %get3A_3 {offsets = [2], sizes = [1], strides = [1]} : vector<16xi32> to vector<1xi32>
    %squeeze3A_67 = vector.extract %slice3A_66[0] : i32 from vector<1xi32>
    %and3A_68 = arith.constant 127 : i32
    %and3A_69 = arith.andi %squeeze3A_67, %and3A_68 : i32
    %slice3A_70 = vector.extract_strided_slice %get3A_3 {offsets = [3], sizes = [1], strides = [1]} : vector<16xi32> to vector<1xi32>
    %squeeze3A_71 = vector.extract %slice3A_70[0] : i32 from vector<1xi32>
    %shift_right_arithmetic3A_72 = arith.constant 7 : i32
    %shift_right_arithmetic3A_73 = arith.shrsi %squeeze3A_71, %shift_right_arithmetic3A_72 : i32
    %mul3A_74 = arith.constant 128 : i32
    %mul3A_75 = arith.muli %shift_right_arithmetic3A_73, %mul3A_74 : i32
    %multiple_of3A_76 = tpu.assume_multiple %mul3A_75, 128 : i32
    %dma_start3A_77 = arith.constant 3 : i32
    %dma_start3A_78 = arith.constant 0 : i32
    %dma_start3A_79 = arith.constant 0 : i32
    %dma_start3A_80 = tpu.memref_slice %arg10[%dma_start3A_77, %dma_start3A_78, %dma_start3A_79] : memref<8x64x128xf32, #tpu.memory_space<vmem>> -> memref<1x64x128xf32, #tpu.memory_space<vmem>>
    %dma_start3A_81 = tpu.memref_squeeze %dma_start3A_80 : memref<1x64x128xf32, #tpu.memory_space<vmem>> -> memref<64x128xf32, #tpu.memory_space<vmem>>
    %dma_start3A_82 = arith.constant 0 : i32
    %dma_start3A_83 = tpu.memref_slice %arg2[%dma_start3A_82, %multiple_of3A_76] : memref<64x1000000xf32, #tpu.memory_space<hbm>> -> memref<64x128xf32, #tpu.memory_space<hbm>>
    %dma_start3A_84 = arith.constant 0 : i32
    %dma_start3A_85 = arith.constant 0 : i32
    %dma_start3A_86 = tpu.memref_slice %arg10[%dma_start3A_77, %dma_start3A_84, %dma_start3A_85] : memref<8x64x128xf32, #tpu.memory_space<vmem>> -> memref<1x64x128xf32, #tpu.memory_space<vmem>>
    %dma_start3A_87 = tpu.memref_squeeze %dma_start3A_86 : memref<1x64x128xf32, #tpu.memory_space<vmem>> -> memref<64x128xf32, #tpu.memory_space<vmem>>
    %dma_start3A_88 = arith.constant 0 : i32
    %dma_start3A_89 = tpu.memref_slice %arg2[%dma_start3A_88, %multiple_of3A_76] : memref<64x1000000xf32, #tpu.memory_space<hbm>> -> memref<64x128xf32, #tpu.memory_space<hbm>>
    tpu.enqueue_dma source(%dma_start3A_89 : memref<64x128xf32, #tpu.memory_space<hbm>>) target(%dma_start3A_87 : memref<64x128xf32, #tpu.memory_space<vmem>>) target_semaphore(%arg15 : memref<!tpu.dma_semaphore, #tpu.memory_space<semaphore_mem>>)
    %slice3A_90 = vector.extract_strided_slice %get3A_3 {offsets = [3], sizes = [1], strides = [1]} : vector<16xi32> to vector<1xi32>
    %squeeze3A_91 = vector.extract %slice3A_90[0] : i32 from vector<1xi32>
    %and3A_92 = arith.constant 127 : i32
    %and3A_93 = arith.andi %squeeze3A_91, %and3A_92 : i32
    %slice3A_94 = vector.extract_strided_slice %get3A_3 {offsets = [4], sizes = [1], strides = [1]} : vector<16xi32> to vector<1xi32>
    %squeeze3A_95 = vector.extract %slice3A_94[0] : i32 from vector<1xi32>
    %shift_right_arithmetic3A_96 = arith.constant 7 : i32
    %shift_right_arithmetic3A_97 = arith.shrsi %squeeze3A_95, %shift_right_arithmetic3A_96 : i32
    %mul3A_98 = arith.constant 128 : i32
    %mul3A_99 = arith.muli %shift_right_arithmetic3A_97, %mul3A_98 : i32
    %multiple_of3A_100 = tpu.assume_multiple %mul3A_99, 128 : i32
    %dma_start3A_101 = arith.constant 4 : i32
    %dma_start3A_102 = arith.constant 0 : i32
    %dma_start3A_103 = arith.constant 0 : i32
    %dma_start3A_104 = tpu.memref_slice %arg10[%dma_start3A_101, %dma_start3A_102, %dma_start3A_103] : memref<8x64x128xf32, #tpu.memory_space<vmem>> -> memref<1x64x128xf32, #tpu.memory_space<vmem>>
    %dma_start3A_105 = tpu.memref_squeeze %dma_start3A_104 : memref<1x64x128xf32, #tpu.memory_space<vmem>> -> memref<64x128xf32, #tpu.memory_space<vmem>>
    %dma_start3A_106 = arith.constant 0 : i32
    %dma_start3A_107 = tpu.memref_slice %arg2[%dma_start3A_106, %multiple_of3A_100] : memref<64x1000000xf32, #tpu.memory_space<hbm>> -> memref<64x128xf32, #tpu.memory_space<hbm>>
    %dma_start3A_108 = arith.constant 0 : i32
    %dma_start3A_109 = arith.constant 0 : i32
    %dma_start3A_110 = tpu.memref_slice %arg10[%dma_start3A_101, %dma_start3A_108, %dma_start3A_109] : memref<8x64x128xf32, #tpu.memory_space<vmem>> -> memref<1x64x128xf32, #tpu.memory_space<vmem>>
    %dma_start3A_111 = tpu.memref_squeeze %dma_start3A_110 : memref<1x64x128xf32, #tpu.memory_space<vmem>> -> memref<64x128xf32, #tpu.memory_space<vmem>>
    %dma_start3A_112 = arith.constant 0 : i32
    %dma_start3A_113 = tpu.memref_slice %arg2[%dma_start3A_112, %multiple_of3A_100] : memref<64x1000000xf32, #tpu.memory_space<hbm>> -> memref<64x128xf32, #tpu.memory_space<hbm>>
    tpu.enqueue_dma source(%dma_start3A_113 : memref<64x128xf32, #tpu.memory_space<hbm>>) target(%dma_start3A_111 : memref<64x128xf32, #tpu.memory_space<vmem>>) target_semaphore(%arg16 : memref<!tpu.dma_semaphore, #tpu.memory_space<semaphore_mem>>)
    %slice3A_114 = vector.extract_strided_slice %get3A_3 {offsets = [4], sizes = [1], strides = [1]} : vector<16xi32> to vector<1xi32>
    %squeeze3A_115 = vector.extract %slice3A_114[0] : i32 from vector<1xi32>
    %and3A_116 = arith.constant 127 : i32
    %and3A_117 = arith.andi %squeeze3A_115, %and3A_116 : i32
    %slice3A_118 = vector.extract_strided_slice %get3A_3 {offsets = [5], sizes = [1], strides = [1]} : vector<16xi32> to vector<1xi32>
    %squeeze3A_119 = vector.extract %slice3A_118[0] : i32 from vector<1xi32>
    %shift_right_arithmetic3A_120 = arith.constant 7 : i32
    %shift_right_arithmetic3A_121 = arith.shrsi %squeeze3A_119, %shift_right_arithmetic3A_120 : i32
    %mul3A_122 = arith.constant 128 : i32
    %mul3A_123 = arith.muli %shift_right_arithmetic3A_121, %mul3A_122 : i32
    %multiple_of3A_124 = tpu.assume_multiple %mul3A_123, 128 : i32
    %dma_start3A_125 = arith.constant 5 : i32
    %dma_start3A_126 = arith.constant 0 : i32
    %dma_start3A_127 = arith.constant 0 : i32
    %dma_start3A_128 = tpu.memref_slice %arg10[%dma_start3A_125, %dma_start3A_126, %dma_start3A_127] : memref<8x64x128xf32, #tpu.memory_space<vmem>> -> memref<1x64x128xf32, #tpu.memory_space<vmem>>
    %dma_start3A_129 = tpu.memref_squeeze %dma_start3A_128 : memref<1x64x128xf32, #tpu.memory_space<vmem>> -> memref<64x128xf32, #tpu.memory_space<vmem>>
    %dma_start3A_130 = arith.constant 0 : i32
    %dma_start3A_131 = tpu.memref_slice %arg2[%dma_start3A_130, %multiple_of3A_124] : memref<64x1000000xf32, #tpu.memory_space<hbm>> -> memref<64x128xf32, #tpu.memory_space<hbm>>
    %dma_start3A_132 = arith.constant 0 : i32
    %dma_start3A_133 = arith.constant 0 : i32
    %dma_start3A_134 = tpu.memref_slice %arg10[%dma_start3A_125, %dma_start3A_132, %dma_start3A_133] : memref<8x64x128xf32, #tpu.memory_space<vmem>> -> memref<1x64x128xf32, #tpu.memory_space<vmem>>
    %dma_start3A_135 = tpu.memref_squeeze %dma_start3A_134 : memref<1x64x128xf32, #tpu.memory_space<vmem>> -> memref<64x128xf32, #tpu.memory_space<vmem>>
    %dma_start3A_136 = arith.constant 0 : i32
    %dma_start3A_137 = tpu.memref_slice %arg2[%dma_start3A_136, %multiple_of3A_124] : memref<64x1000000xf32, #tpu.memory_space<hbm>> -> memref<64x128xf32, #tpu.memory_space<hbm>>
    tpu.enqueue_dma source(%dma_start3A_137 : memref<64x128xf32, #tpu.memory_space<hbm>>) target(%dma_start3A_135 : memref<64x128xf32, #tpu.memory_space<vmem>>) target_semaphore(%arg17 : memref<!tpu.dma_semaphore, #tpu.memory_space<semaphore_mem>>)
    %slice3A_138 = vector.extract_strided_slice %get3A_3 {offsets = [5], sizes = [1], strides = [1]} : vector<16xi32> to vector<1xi32>
    %squeeze3A_139 = vector.extract %slice3A_138[0] : i32 from vector<1xi32>
    %and3A_140 = arith.constant 127 : i32
    %and3A_141 = arith.andi %squeeze3A_139, %and3A_140 : i32
    %slice3A_142 = vector.extract_strided_slice %get3A_3 {offsets = [6], sizes = [1], strides = [1]} : vector<16xi32> to vector<1xi32>
    %squeeze3A_143 = vector.extract %slice3A_142[0] : i32 from vector<1xi32>
    %shift_right_arithmetic3A_144 = arith.constant 7 : i32
    %shift_right_arithmetic3A_145 = arith.shrsi %squeeze3A_143, %shift_right_arithmetic3A_144 : i32
    %mul3A_146 = arith.constant 128 : i32
    %mul3A_147 = arith.muli %shift_right_arithmetic3A_145, %mul3A_146 : i32
    %multiple_of3A_148 = tpu.assume_multiple %mul3A_147, 128 : i32
    %dma_start3A_149 = arith.constant 6 : i32
    %dma_start3A_150 = arith.constant 0 : i32
    %dma_start3A_151 = arith.constant 0 : i32
    %dma_start3A_152 = tpu.memref_slice %arg10[%dma_start3A_149, %dma_start3A_150, %dma_start3A_151] : memref<8x64x128xf32, #tpu.memory_space<vmem>> -> memref<1x64x128xf32, #tpu.memory_space<vmem>>
    %dma_start3A_153 = tpu.memref_squeeze %dma_start3A_152 : memref<1x64x128xf32, #tpu.memory_space<vmem>> -> memref<64x128xf32, #tpu.memory_space<vmem>>
    %dma_start3A_154 = arith.constant 0 : i32
    %dma_start3A_155 = tpu.memref_slice %arg2[%dma_start3A_154, %multiple_of3A_148] : memref<64x1000000xf32, #tpu.memory_space<hbm>> -> memref<64x128xf32, #tpu.memory_space<hbm>>
    %dma_start3A_156 = arith.constant 0 : i32
    %dma_start3A_157 = arith.constant 0 : i32
    %dma_start3A_158 = tpu.memref_slice %arg10[%dma_start3A_149, %dma_start3A_156, %dma_start3A_157] : memref<8x64x128xf32, #tpu.memory_space<vmem>> -> memref<1x64x128xf32, #tpu.memory_space<vmem>>
    %dma_start3A_159 = tpu.memref_squeeze %dma_start3A_158 : memref<1x64x128xf32, #tpu.memory_space<vmem>> -> memref<64x128xf32, #tpu.memory_space<vmem>>
    %dma_start3A_160 = arith.constant 0 : i32
    %dma_start3A_161 = tpu.memref_slice %arg2[%dma_start3A_160, %multiple_of3A_148] : memref<64x1000000xf32, #tpu.memory_space<hbm>> -> memref<64x128xf32, #tpu.memory_space<hbm>>
    tpu.enqueue_dma source(%dma_start3A_161 : memref<64x128xf32, #tpu.memory_space<hbm>>) target(%dma_start3A_159 : memref<64x128xf32, #tpu.memory_space<vmem>>) target_semaphore(%arg18 : memref<!tpu.dma_semaphore, #tpu.memory_space<semaphore_mem>>)
    %slice3A_162 = vector.extract_strided_slice %get3A_3 {offsets = [6], sizes = [1], strides = [1]} : vector<16xi32> to vector<1xi32>
    %squeeze3A_163 = vector.extract %slice3A_162[0] : i32 from vector<1xi32>
    %and3A_164 = arith.constant 127 : i32
    %and3A_165 = arith.andi %squeeze3A_163, %and3A_164 : i32
    %slice3A_166 = vector.extract_strided_slice %get3A_3 {offsets = [7], sizes = [1], strides = [1]} : vector<16xi32> to vector<1xi32>
    %squeeze3A_167 = vector.extract %slice3A_166[0] : i32 from vector<1xi32>
    %shift_right_arithmetic3A_168 = arith.constant 7 : i32
    %shift_right_arithmetic3A_169 = arith.shrsi %squeeze3A_167, %shift_right_arithmetic3A_168 : i32
    %mul3A_170 = arith.constant 128 : i32
    %mul3A_171 = arith.muli %shift_right_arithmetic3A_169, %mul3A_170 : i32
    %multiple_of3A_172 = tpu.assume_multiple %mul3A_171, 128 : i32
    %dma_start3A_173 = arith.constant 7 : i32
    %dma_start3A_174 = arith.constant 0 : i32
    %dma_start3A_175 = arith.constant 0 : i32
    %dma_start3A_176 = tpu.memref_slice %arg10[%dma_start3A_173, %dma_start3A_174, %dma_start3A_175] : memref<8x64x128xf32, #tpu.memory_space<vmem>> -> memref<1x64x128xf32, #tpu.memory_space<vmem>>
    %dma_start3A_177 = tpu.memref_squeeze %dma_start3A_176 : memref<1x64x128xf32, #tpu.memory_space<vmem>> -> memref<64x128xf32, #tpu.memory_space<vmem>>
    %dma_start3A_178 = arith.constant 0 : i32
    %dma_start3A_179 = tpu.memref_slice %arg2[%dma_start3A_178, %multiple_of3A_172] : memref<64x1000000xf32, #tpu.memory_space<hbm>> -> memref<64x128xf32, #tpu.memory_space<hbm>>
    %dma_start3A_180 = arith.constant 0 : i32
    %dma_start3A_181 = arith.constant 0 : i32
    %dma_start3A_182 = tpu.memref_slice %arg10[%dma_start3A_173, %dma_start3A_180, %dma_start3A_181] : memref<8x64x128xf32, #tpu.memory_space<vmem>> -> memref<1x64x128xf32, #tpu.memory_space<vmem>>
    %dma_start3A_183 = tpu.memref_squeeze %dma_start3A_182 : memref<1x64x128xf32, #tpu.memory_space<vmem>> -> memref<64x128xf32, #tpu.memory_space<vmem>>
    %dma_start3A_184 = arith.constant 0 : i32
    %dma_start3A_185 = tpu.memref_slice %arg2[%dma_start3A_184, %multiple_of3A_172] : memref<64x1000000xf32, #tpu.memory_space<hbm>> -> memref<64x128xf32, #tpu.memory_space<hbm>>
    tpu.enqueue_dma source(%dma_start3A_185 : memref<64x128xf32, #tpu.memory_space<hbm>>) target(%dma_start3A_183 : memref<64x128xf32, #tpu.memory_space<vmem>>) target_semaphore(%arg19 : memref<!tpu.dma_semaphore, #tpu.memory_space<semaphore_mem>>)
    %and3A_186 = arith.constant 127 : i32
    %and3A_187 = arith.andi %squeeze3A_167, %and3A_186 : i32
    %dma_wait3A = arith.constant 0 : i32
    %dma_wait3A_188 = arith.constant 0 : i32
    %dma_wait3A_189 = arith.constant 0 : i32
    %dma_wait3A_190 = tpu.memref_slice %arg10[%dma_wait3A, %dma_wait3A_188, %dma_wait3A_189] : memref<8x64x128xf32, #tpu.memory_space<vmem>> -> memref<1x64x128xf32, #tpu.memory_space<vmem>>
    %dma_wait3A_191 = tpu.memref_squeeze %dma_wait3A_190 : memref<1x64x128xf32, #tpu.memory_space<vmem>> -> memref<64x128xf32, #tpu.memory_space<vmem>>
    %dma_wait3A_192 = arith.constant 0 : i32
    %dma_wait3A_193 = arith.constant 0 : i32
    %dma_wait3A_194 = tpu.memref_slice %arg2[%dma_wait3A_192, %dma_wait3A_193] : memref<64x1000000xf32, #tpu.memory_space<hbm>> -> memref<64x128xf32, #tpu.memory_space<hbm>>
    %dma_wait3A_195 = arith.constant 0 : i32
    %dma_wait3A_196 = arith.constant 0 : i32
    %dma_wait3A_197 = tpu.memref_slice %arg10[%dma_wait3A, %dma_wait3A_195, %dma_wait3A_196] : memref<8x64x128xf32, #tpu.memory_space<vmem>> -> memref<1x64x128xf32, #tpu.memory_space<vmem>>
    %dma_wait3A_198 = tpu.memref_squeeze %dma_wait3A_197 : memref<1x64x128xf32, #tpu.memory_space<vmem>> -> memref<64x128xf32, #tpu.memory_space<vmem>>
    %dma_wait3A_199 = arith.constant 0 : i32
    %dma_wait3A_200 = arith.constant 0 : i32
    %dma_wait3A_201 = tpu.memref_slice %arg2[%dma_wait3A_199, %dma_wait3A_200] : memref<64x1000000xf32, #tpu.memory_space<hbm>> -> memref<64x128xf32, #tpu.memory_space<hbm>>
    tpu.wait_dma2 semaphore(%arg12 : memref<!tpu.dma_semaphore, #tpu.memory_space<semaphore_mem>>) src(%dma_wait3A_201 : memref<64x128xf32, #tpu.memory_space<hbm>>) dst(%dma_wait3A_198 : memref<64x128xf32, #tpu.memory_space<vmem>>)
    %broadcast_in_dim3A = vector.broadcast %and3A_21 : i32 to vector<16xi32>
    %broadcast_in_dim3A_202 = arith.constant 0 : i32
    %broadcast_in_dim3A_203 = vector.broadcast %broadcast_in_dim3A_202 : i32 to vector<16xi32>
    %add3A_204 = arith.constant 0 : i32
    %add3A_205 = vector.broadcast %add3A_204 : i32 to vector<16xi32>
    %add3A_206 = arith.addi %iota3A, %add3A_205 : vector<16xi32>
    %gather3A = tpu.vector_load_idx %arg10[%broadcast_in_dim3A_203, %add3A_206, %broadcast_in_dim3A] : memref<8x64x128xf32, #tpu.memory_space<vmem>>[vector<16xi32>, vector<16xi32>, vector<16xi32>], vector<16xf32>,
    %swap3A = arith.constant 0 : i32
    %swap3A_207 = arith.index_cast %swap3A : i32 to index
    %swap3A_208 = arith.constant 0 : index
    %swap3A_209 = tpu.vector_load %arg11[%swap3A_207, %swap3A_208] {strides = array<i32>} : memref<256x64xf32, #tpu.memory_space<vmem>>, vector<16xf32>,
    tpu.vector_store %arg11[%swap3A_207, %swap3A_208], %gather3A {strides = array<i32>} : memref<256x64xf32, #tpu.memory_space<vmem>>, vector<16xf32>,
    %add3A_210 = arith.constant 16 : i32
    %add3A_211 = vector.broadcast %add3A_210 : i32 to vector<16xi32>
    %add3A_212 = arith.addi %iota3A, %add3A_211 : vector<16xi32>
    %gather3A_213 = tpu.vector_load_idx %arg10[%broadcast_in_dim3A_203, %add3A_212, %broadcast_in_dim3A] : memref<8x64x128xf32, #tpu.memory_space<vmem>>[vector<16xi32>, vector<16xi32>, vector<16xi32>], vector<16xf32>,
    %swap3A_214 = arith.constant 0 : i32
    %swap3A_215 = arith.index_cast %swap3A_214 : i32 to index
    %swap3A_216 = arith.constant 16 : index
    %swap3A_217 = tpu.vector_load %arg11[%swap3A_215, %swap3A_216] {strides = array<i32>} : memref<256x64xf32, #tpu.memory_space<vmem>>, vector<16xf32>,
    tpu.vector_store %arg11[%swap3A_215, %swap3A_216], %gather3A_213 {strides = array<i32>} : memref<256x64xf32, #tpu.memory_space<vmem>>, vector<16xf32>,
    %add3A_218 = arith.constant 32 : i32
    %add3A_219 = vector.broadcast %add3A_218 : i32 to vector<16xi32>
    %add3A_220 = arith.addi %iota3A, %add3A_219 : vector<16xi32>
    %gather3A_221 = tpu.vector_load_idx %arg10[%broadcast_in_dim3A_203, %add3A_220, %broadcast_in_dim3A] : memref<8x64x128xf32, #tpu.memory_space<vmem>>[vector<16xi32>, vector<16xi32>, vector<16xi32>], vector<16xf32>,
    %swap3A_222 = arith.constant 0 : i32
    %swap3A_223 = arith.index_cast %swap3A_222 : i32 to index
    %swap3A_224 = arith.constant 32 : index
    %swap3A_225 = tpu.vector_load %arg11[%swap3A_223, %swap3A_224] {strides = array<i32>} : memref<256x64xf32, #tpu.memory_space<vmem>>, vector<16xf32>,
    tpu.vector_store %arg11[%swap3A_223, %swap3A_224], %gather3A_221 {strides = array<i32>} : memref<256x64xf32, #tpu.memory_space<vmem>>, vector<16xf32>,
    %add3A_226 = arith.constant 48 : i32
    %add3A_227 = vector.broadcast %add3A_226 : i32 to vector<16xi32>
    %add3A_228 = arith.addi %iota3A, %add3A_227 : vector<16xi32>
    %gather3A_229 = tpu.vector_load_idx %arg10[%broadcast_in_dim3A_203, %add3A_228, %broadcast_in_dim3A] : memref<8x64x128xf32, #tpu.memory_space<vmem>>[vector<16xi32>, vector<16xi32>, vector<16xi32>], vector<16xf32>,
    %swap3A_230 = arith.constant 0 : i32
    %swap3A_231 = arith.index_cast %swap3A_230 : i32 to index
    %swap3A_232 = arith.constant 48 : index
    %swap3A_233 = tpu.vector_load %arg11[%swap3A_231, %swap3A_232] {strides = array<i32>} : memref<256x64xf32, #tpu.memory_space<vmem>>, vector<16xf32>,
    tpu.vector_store %arg11[%swap3A_231, %swap3A_232], %gather3A_229 {strides = array<i32>} : memref<256x64xf32, #tpu.memory_space<vmem>>, vector<16xf32>,
    %slice3A_234 = vector.extract_strided_slice %get3A_3 {offsets = [8], sizes = [1], strides = [1]} : vector<16xi32> to vector<1xi32>
    %squeeze3A_235 = vector.extract %slice3A_234[0] : i32 from vector<1xi32>
    %shift_right_arithmetic3A_236 = arith.constant 7 : i32
    %shift_right_arithmetic3A_237 = arith.shrsi %squeeze3A_235, %shift_right_arithmetic3A_236 : i32
    %mul3A_238 = arith.constant 128 : i32
    %mul3A_239 = arith.muli %shift_right_arithmetic3A_237, %mul3A_238 : i32
    %multiple_of3A_240 = tpu.assume_multiple %mul3A_239, 128 : i32
    %dma_start3A_241 = arith.constant 0 : i32
    %dma_start3A_242 = arith.constant 0 : i32
    %dma_start3A_243 = arith.constant 0 : i32
    %dma_start3A_244 = tpu.memref_slice %arg10[%dma_start3A_241, %dma_start3A_242, %dma_start3A_243] : memref<8x64x128xf32, #tpu.memory_space<vmem>> -> memref<1x64x128xf32, #tpu.memory_space<vmem>>
    %dma_start3A_245 = tpu.memref_squeeze %dma_start3A_244 : memref<1x64x128xf32, #tpu.memory_space<vmem>> -> memref<64x128xf32, #tpu.memory_space<vmem>>
    %dma_start3A_246 = arith.constant 0 : i32
    %dma_start3A_247 = tpu.memref_slice %arg2[%dma_start3A_246, %multiple_of3A_240] : memref<64x1000000xf32, #tpu.memory_space<hbm>> -> memref<64x128xf32, #tpu.memory_space<hbm>>
    %dma_start3A_248 = arith.constant 0 : i32
    %dma_start3A_249 = arith.constant 0 : i32
    %dma_start3A_250 = tpu.memref_slice %arg10[%dma_start3A_241, %dma_start3A_248, %dma_start3A_249] : memref<8x64x128xf32, #tpu.memory_space<vmem>> -> memref<1x64x128xf32, #tpu.memory_space<vmem>>
    %dma_start3A_251 = tpu.memref_squeeze %dma_start3A_250 : memref<1x64x128xf32, #tpu.memory_space<vmem>> -> memref<64x128xf32, #tpu.memory_space<vmem>>
    %dma_start3A_252 = arith.constant 0 : i32
    %dma_start3A_253 = tpu.memref_slice %arg2[%dma_start3A_252, %multiple_of3A_240] : memref<64x1000000xf32, #tpu.memory_space<hbm>> -> memref<64x128xf32, #tpu.memory_space<hbm>>
    tpu.enqueue_dma source(%dma_start3A_253 : memref<64x128xf32, #tpu.memory_space<hbm>>) target(%dma_start3A_251 : memref<64x128xf32, #tpu.memory_space<vmem>>) target_semaphore(%arg12 : memref<!tpu.dma_semaphore, #tpu.memory_space<semaphore_mem>>)
    %and3A_254 = arith.constant 127 : i32
    %and3A_255 = arith.andi %squeeze3A_235, %and3A_254 : i32
    %dma_wait3A_256 = arith.constant 1 : i32
    %dma_wait3A_257 = arith.constant 0 : i32
    %dma_wait3A_258 = arith.constant 0 : i32
    %dma_wait3A_259 = tpu.memref_slice %arg10[%dma_wait3A_256, %dma_wait3A_257, %dma_wait3A_258] : memref<8x64x128xf32, #tpu.memory_space<vmem>> -> memref<1x64x128xf32, #tpu.memory_space<vmem>>
    %dma_wait3A_260 = tpu.memref_squeeze %dma_wait3A_259 : memref<1x64x128xf32, #tpu.memory_space<vmem>> -> memref<64x128xf32, #tpu.memory_space<vmem>>
    %dma_wait3A_261 = arith.constant 0 : i32
    %dma_wait3A_262 = arith.constant 0 : i32
    %dma_wait3A_263 = tpu.memref_slice %arg2[%dma_wait3A_261, %dma_wait3A_262] : memref<64x1000000xf32, #tpu.memory_space<hbm>> -> memref<64x128xf32, #tpu.memory_space<hbm>>
    %dma_wait3A_264 = arith.constant 0 : i32
    %dma_wait3A_265 = arith.constant 0 : i32
    %dma_wait3A_266 = tpu.memref_slice %arg10[%dma_wait3A_256, %dma_wait3A_264, %dma_wait3A_265] : memref<8x64x128xf32, #tpu.memory_space<vmem>> -> memref<1x64x128xf32, #tpu.memory_space<vmem>>
    %dma_wait3A_267 = tpu.memref_squeeze %dma_wait3A_266 : memref<1x64x128xf32, #tpu.memory_space<vmem>> -> memref<64x128xf32, #tpu.memory_space<vmem>>
    %dma_wait3A_268 = arith.constant 0 : i32
    %dma_wait3A_269 = arith.constant 0 : i32
    %dma_wait3A_270 = tpu.memref_slice %arg2[%dma_wait3A_268, %dma_wait3A_269] : memref<64x1000000xf32, #tpu.memory_space<hbm>> -> memref<64x128xf32, #tpu.memory_space<hbm>>
    tpu.wait_dma2 semaphore(%arg13 : memref<!tpu.dma_semaphore, #tpu.memory_space<semaphore_mem>>) src(%dma_wait3A_270 : memref<64x128xf32, #tpu.memory_space<hbm>>) dst(%dma_wait3A_267 : memref<64x128xf32, #tpu.memory_space<vmem>>)
    %broadcast_in_dim3A_271 = vector.broadcast %and3A_45 : i32 to vector<16xi32>
    %broadcast_in_dim3A_272 = arith.constant 1 : i32
    %broadcast_in_dim3A_273 = vector.broadcast %broadcast_in_dim3A_272 : i32 to vector<16xi32>
    %add3A_274 = arith.constant 0 : i32
    %add3A_275 = vector.broadcast %add3A_274 : i32 to vector<16xi32>
    %add3A_276 = arith.addi %iota3A, %add3A_275 : vector<16xi32>
    %gather3A_277 = tpu.vector_load_idx %arg10[%broadcast_in_dim3A_273, %add3A_276, %broadcast_in_dim3A_271] : memref<8x64x128xf32, #tpu.memory_space<vmem>>[vector<16xi32>, vector<16xi32>, vector<16xi32>], vector<16xf32>,
    %swap3A_278 = arith.constant 1 : i32
    %swap3A_279 = arith.index_cast %swap3A_278 : i32 to index
    %swap3A_280 = arith.constant 0 : index
    %swap3A_281 = tpu.vector_load %arg11[%swap3A_279, %swap3A_280] {strides = array<i32>} : memref<256x64xf32, #tpu.memory_space<vmem>>, vector<16xf32>,
    tpu.vector_store %arg11[%swap3A_279, %swap3A_280], %gather3A_277 {strides = array<i32>} : memref<256x64xf32, #tpu.memory_space<vmem>>, vector<16xf32>,
    %add3A_282 = arith.constant 16 : i32
    %add3A_283 = vector.broadcast %add3A_282 : i32 to vector<16xi32>
    %add3A_284 = arith.addi %iota3A, %add3A_283 : vector<16xi32>
    %gather3A_285 = tpu.vector_load_idx %arg10[%broadcast_in_dim3A_273, %add3A_284, %broadcast_in_dim3A_271] : memref<8x64x128xf32, #tpu.memory_space<vmem>>[vector<16xi32>, vector<16xi32>, vector<16xi32>], vector<16xf32>,
    %swap3A_286 = arith.constant 1 : i32
    %swap3A_287 = arith.index_cast %swap3A_286 : i32 to index
    %swap3A_288 = arith.constant 16 : index
    %swap3A_289 = tpu.vector_load %arg11[%swap3A_287, %swap3A_288] {strides = array<i32>} : memref<256x64xf32, #tpu.memory_space<vmem>>, vector<16xf32>,
    tpu.vector_store %arg11[%swap3A_287, %swap3A_288], %gather3A_285 {strides = array<i32>} : memref<256x64xf32, #tpu.memory_space<vmem>>, vector<16xf32>,
    %add3A_290 = arith.constant 32 : i32
    %add3A_291 = vector.broadcast %add3A_290 : i32 to vector<16xi32>
    %add3A_292 = arith.addi %iota3A, %add3A_291 : vector<16xi32>
    %gather3A_293 = tpu.vector_load_idx %arg10[%broadcast_in_dim3A_273, %add3A_292, %broadcast_in_dim3A_271] : memref<8x64x128xf32, #tpu.memory_space<vmem>>[vector<16xi32>, vector<16xi32>, vector<16xi32>], vector<16xf32>,
    %swap3A_294 = arith.constant 1 : i32
    %swap3A_295 = arith.index_cast %swap3A_294 : i32 to index
    %swap3A_296 = arith.constant 32 : index
    %swap3A_297 = tpu.vector_load %arg11[%swap3A_295, %swap3A_296] {strides = array<i32>} : memref<256x64xf32, #tpu.memory_space<vmem>>, vector<16xf32>,
    tpu.vector_store %arg11[%swap3A_295, %swap3A_296], %gather3A_293 {strides = array<i32>} : memref<256x64xf32, #tpu.memory_space<vmem>>, vector<16xf32>,
    %add3A_298 = arith.constant 48 : i32
    %add3A_299 = vector.broadcast %add3A_298 : i32 to vector<16xi32>
    %add3A_300 = arith.addi %iota3A, %add3A_299 : vector<16xi32>
    %gather3A_301 = tpu.vector_load_idx %arg10[%broadcast_in_dim3A_273, %add3A_300, %broadcast_in_dim3A_271] : memref<8x64x128xf32, #tpu.memory_space<vmem>>[vector<16xi32>, vector<16xi32>, vector<16xi32>], vector<16xf32>,
    %swap3A_302 = arith.constant 1 : i32
    %swap3A_303 = arith.index_cast %swap3A_302 : i32 to index
    %swap3A_304 = arith.constant 48 : index
    %swap3A_305 = tpu.vector_load %arg11[%swap3A_303, %swap3A_304] {strides = array<i32>} : memref<256x64xf32, #tpu.memory_space<vmem>>, vector<16xf32>,
    tpu.vector_store %arg11[%swap3A_303, %swap3A_304], %gather3A_301 {strides = array<i32>} : memref<256x64xf32, #tpu.memory_space<vmem>>, vector<16xf32>,
    %slice3A_306 = vector.extract_strided_slice %get3A_3 {offsets = [9], sizes = [1], strides = [1]} : vector<16xi32> to vector<1xi32>
    %squeeze3A_307 = vector.extract %slice3A_306[0] : i32 from vector<1xi32>
    %shift_right_arithmetic3A_308 = arith.constant 7 : i32
    %shift_right_arithmetic3A_309 = arith.shrsi %squeeze3A_307, %shift_right_arithmetic3A_308 : i32
    %mul3A_310 = arith.constant 128 : i32
    %mul3A_311 = arith.muli %shift_right_arithmetic3A_309, %mul3A_310 : i32
    %multiple_of3A_312 = tpu.assume_multiple %mul3A_311, 128 : i32
    %dma_start3A_313 = arith.constant 1 : i32
    %dma_start3A_314 = arith.constant 0 : i32
    %dma_start3A_315 = arith.constant 0 : i32
    %dma_start3A_316 = tpu.memref_slice %arg10[%dma_start3A_313, %dma_start3A_314, %dma_start3A_315] : memref<8x64x128xf32, #tpu.memory_space<vmem>> -> memref<1x64x128xf32, #tpu.memory_space<vmem>>
    %dma_start3A_317 = tpu.memref_squeeze %dma_start3A_316 : memref<1x64x128xf32, #tpu.memory_space<vmem>> -> memref<64x128xf32, #tpu.memory_space<vmem>>
    %dma_start3A_318 = arith.constant 0 : i32
    %dma_start3A_319 = tpu.memref_slice %arg2[%dma_start3A_318, %multiple_of3A_312] : memref<64x1000000xf32, #tpu.memory_space<hbm>> -> memref<64x128xf32, #tpu.memory_space<hbm>>
    %dma_start3A_320 = arith.constant 0 : i32
    %dma_start3A_321 = arith.constant 0 : i32
    %dma_start3A_322 = tpu.memref_slice %arg10[%dma_start3A_313, %dma_start3A_320, %dma_start3A_321] : memref<8x64x128xf32, #tpu.memory_space<vmem>> -> memref<1x64x128xf32, #tpu.memory_space<vmem>>
    %dma_start3A_323 = tpu.memref_squeeze %dma_start3A_322 : memref<1x64x128xf32, #tpu.memory_space<vmem>> -> memref<64x128xf32, #tpu.memory_space<vmem>>
    %dma_start3A_324 = arith.constant 0 : i32
    %dma_start3A_325 = tpu.memref_slice %arg2[%dma_start3A_324, %multiple_of3A_312] : memref<64x1000000xf32, #tpu.memory_space<hbm>> -> memref<64x128xf32, #tpu.memory_space<hbm>>
    tpu.enqueue_dma source(%dma_start3A_325 : memref<64x128xf32, #tpu.memory_space<hbm>>) target(%dma_start3A_323 : memref<64x128xf32, #tpu.memory_space<vmem>>) target_semaphore(%arg13 : memref<!tpu.dma_semaphore, #tpu.memory_space<semaphore_mem>>)
    %and3A_326 = arith.constant 127 : i32
    %and3A_327 = arith.andi %squeeze3A_307, %and3A_326 : i32
    %dma_wait3A_328 = arith.constant 2 : i32
    %dma_wait3A_329 = arith.constant 0 : i32
    %dma_wait3A_330 = arith.constant 0 : i32
    %dma_wait3A_331 = tpu.memref_slice %arg10[%dma_wait3A_328, %dma_wait3A_329, %dma_wait3A_330] : memref<8x64x128xf32, #tpu.memory_space<vmem>> -> memref<1x64x128xf32, #tpu.memory_space<vmem>>
    %dma_wait3A_332 = tpu.memref_squeeze %dma_wait3A_331 : memref<1x64x128xf32, #tpu.memory_space<vmem>> -> memref<64x128xf32, #tpu.memory_space<vmem>>
    %dma_wait3A_333 = arith.constant 0 : i32
    %dma_wait3A_334 = arith.constant 0 : i32
    %dma_wait3A_335 = tpu.memref_slice %arg2[%dma_wait3A_333, %dma_wait3A_334] : memref<64x1000000xf32, #tpu.memory_space<hbm>> -> memref<64x128xf32, #tpu.memory_space<hbm>>
    %dma_wait3A_336 = arith.constant 0 : i32
    %dma_wait3A_337 = arith.constant 0 : i32
    %dma_wait3A_338 = tpu.memref_slice %arg10[%dma_wait3A_328, %dma_wait3A_336, %dma_wait3A_337] : memref<8x64x128xf32, #tpu.memory_space<vmem>> -> memref<1x64x128xf32, #tpu.memory_space<vmem>>
    %dma_wait3A_339 = tpu.memref_squeeze %dma_wait3A_338 : memref<1x64x128xf32, #tpu.memory_space<vmem>> -> memref<64x128xf32, #tpu.memory_space<vmem>>
    %dma_wait3A_340 = arith.constant 0 : i32
    %dma_wait3A_341 = arith.constant 0 : i32
    %dma_wait3A_342 = tpu.memref_slice %arg2[%dma_wait3A_340, %dma_wait3A_341] : memref<64x1000000xf32, #tpu.memory_space<hbm>> -> memref<64x128xf32, #tpu.memory_space<hbm>>
    tpu.wait_dma2 semaphore(%arg14 : memref<!tpu.dma_semaphore, #tpu.memory_space<semaphore_mem>>) src(%dma_wait3A_342 : memref<64x128xf32, #tpu.memory_space<hbm>>) dst(%dma_wait3A_339 : memref<64x128xf32, #tpu.memory_space<vmem>>)
    %broadcast_in_dim3A_343 = vector.broadcast %and3A_69 : i32 to vector<16xi32>
    %broadcast_in_dim3A_344 = arith.constant 2 : i32
    %broadcast_in_dim3A_345 = vector.broadcast %broadcast_in_dim3A_344 : i32 to vector<16xi32>
    %add3A_346 = arith.constant 0 : i32
    %add3A_347 = vector.broadcast %add3A_346 : i32 to vector<16xi32>
    %add3A_348 = arith.addi %iota3A, %add3A_347 : vector<16xi32>
    %gather3A_349 = tpu.vector_load_idx %arg10[%broadcast_in_dim3A_345, %add3A_348, %broadcast_in_dim3A_343] : memref<8x64x128xf32, #tpu.memory_space<vmem>>[vector<16xi32>, vector<16xi32>, vector<16xi32>], vector<16xf32>,
    %swap3A_350 = arith.constant 2 : i32
    %swap3A_351 = arith.index_cast %swap3A_350 : i32 to index
    %swap3A_352 = arith.constant 0 : index
    %swap3A_353 = tpu.vector_load %arg11[%swap3A_351, %swap3A_352] {strides = array<i32>} : memref<256x64xf32, #tpu.memory_space<vmem>>, vector<16xf32>,
    tpu.vector_store %arg11[%swap3A_351, %swap3A_352], %gather3A_349 {strides = array<i32>} : memref<256x64xf32, #tpu.memory_space<vmem>>, vector<16xf32>,
    %add3A_354 = arith.constant 16 : i32
    %add3A_355 = vector.broadcast %add3A_354 : i32 to vector<16xi32>
    %add3A_356 = arith.addi %iota3A, %add3A_355 : vector<16xi32>
    %gather3A_357 = tpu.vector_load_idx %arg10[%broadcast_in_dim3A_345, %add3A_356, %broadcast_in_dim3A_343] : memref<8x64x128xf32, #tpu.memory_space<vmem>>[vector<16xi32>, vector<16xi32>, vector<16xi32>], vector<16xf32>,
    %swap3A_358 = arith.constant 2 : i32
    %swap3A_359 = arith.index_cast %swap3A_358 : i32 to index
    %swap3A_360 = arith.constant 16 : index
    %swap3A_361 = tpu.vector_load %arg11[%swap3A_359, %swap3A_360] {strides = array<i32>} : memref<256x64xf32, #tpu.memory_space<vmem>>, vector<16xf32>,
    tpu.vector_store %arg11[%swap3A_359, %swap3A_360], %gather3A_357 {strides = array<i32>} : memref<256x64xf32, #tpu.memory_space<vmem>>, vector<16xf32>,
    %add3A_362 = arith.constant 32 : i32
    %add3A_363 = vector.broadcast %add3A_362 : i32 to vector<16xi32>
    %add3A_364 = arith.addi %iota3A, %add3A_363 : vector<16xi32>
    %gather3A_365 = tpu.vector_load_idx %arg10[%broadcast_in_dim3A_345, %add3A_364, %broadcast_in_dim3A_343] : memref<8x64x128xf32, #tpu.memory_space<vmem>>[vector<16xi32>, vector<16xi32>, vector<16xi32>], vector<16xf32>,
    %swap3A_366 = arith.constant 2 : i32
    %swap3A_367 = arith.index_cast %swap3A_366 : i32 to index
    %swap3A_368 = arith.constant 32 : index
    %swap3A_369 = tpu.vector_load %arg11[%swap3A_367, %swap3A_368] {strides = array<i32>} : memref<256x64xf32, #tpu.memory_space<vmem>>, vector<16xf32>,
    tpu.vector_store %arg11[%swap3A_367, %swap3A_368], %gather3A_365 {strides = array<i32>} : memref<256x64xf32, #tpu.memory_space<vmem>>, vector<16xf32>,
    %add3A_370 = arith.constant 48 : i32
    %add3A_371 = vector.broadcast %add3A_370 : i32 to vector<16xi32>
    %add3A_372 = arith.addi %iota3A, %add3A_371 : vector<16xi32>
    %gather3A_373 = tpu.vector_load_idx %arg10[%broadcast_in_dim3A_345, %add3A_372, %broadcast_in_dim3A_343] : memref<8x64x128xf32, #tpu.memory_space<vmem>>[vector<16xi32>, vector<16xi32>, vector<16xi32>], vector<16xf32>,
    %swap3A_374 = arith.constant 2 : i32
    %swap3A_375 = arith.index_cast %swap3A_374 : i32 to index
    %swap3A_376 = arith.constant 48 : index
    %swap3A_377 = tpu.vector_load %arg11[%swap3A_375, %swap3A_376] {strides = array<i32>} : memref<256x64xf32, #tpu.memory_space<vmem>>, vector<16xf32>,
    tpu.vector_store %arg11[%swap3A_375, %swap3A_376], %gather3A_373 {strides = array<i32>} : memref<256x64xf32, #tpu.memory_space<vmem>>, vector<16xf32>,
    %slice3A_378 = vector.extract_strided_slice %get3A_3 {offsets = [10], sizes = [1], strides = [1]} : vector<16xi32> to vector<1xi32>
    %squeeze3A_379 = vector.extract %slice3A_378[0] : i32 from vector<1xi32>
    %shift_right_arithmetic3A_380 = arith.constant 7 : i32
    %shift_right_arithmetic3A_381 = arith.shrsi %squeeze3A_379, %shift_right_arithmetic3A_380 : i32
    %mul3A_382 = arith.constant 128 : i32
    %mul3A_383 = arith.muli %shift_right_arithmetic3A_381, %mul3A_382 : i32
    %multiple_of3A_384 = tpu.assume_multiple %mul3A_383, 128 : i32
    %dma_start3A_385 = arith.constant 2 : i32
    %dma_start3A_386 = arith.constant 0 : i32
    %dma_start3A_387 = arith.constant 0 : i32
    %dma_start3A_388 = tpu.memref_slice %arg10[%dma_start3A_385, %dma_start3A_386, %dma_start3A_387] : memref<8x64x128xf32, #tpu.memory_space<vmem>> -> memref<1x64x128xf32, #tpu.memory_space<vmem>>
    %dma_start3A_389 = tpu.memref_squeeze %dma_start3A_388 : memref<1x64x128xf32, #tpu.memory_space<vmem>> -> memref<64x128xf32, #tpu.memory_space<vmem>>
    %dma_start3A_390 = arith.constant 0 : i32
    %dma_start3A_391 = tpu.memref_slice %arg2[%dma_start3A_390, %multiple_of3A_384] : memref<64x1000000xf32, #tpu.memory_space<hbm>> -> memref<64x128xf32, #tpu.memory_space<hbm>>
    %dma_start3A_392 = arith.constant 0 : i32
    %dma_start3A_393 = arith.constant 0 : i32
    %dma_start3A_394 = tpu.memref_slice %arg10[%dma_start3A_385, %dma_start3A_392, %dma_start3A_393] : memref<8x64x128xf32, #tpu.memory_space<vmem>> -> memref<1x64x128xf32, #tpu.memory_space<vmem>>
    %dma_start3A_395 = tpu.memref_squeeze %dma_start3A_394 : memref<1x64x128xf32, #tpu.memory_space<vmem>> -> memref<64x128xf32, #tpu.memory_space<vmem>>
    %dma_start3A_396 = arith.constant 0 : i32
    %dma_start3A_397 = tpu.memref_slice %arg2[%dma_start3A_396, %multiple_of3A_384] : memref<64x1000000xf32, #tpu.memory_space<hbm>> -> memref<64x128xf32, #tpu.memory_space<hbm>>
    tpu.enqueue_dma source(%dma_start3A_397 : memref<64x128xf32, #tpu.memory_space<hbm>>) target(%dma_start3A_395 : memref<64x128xf32, #tpu.memory_space<vmem>>) target_semaphore(%arg14 : memref<!tpu.dma_semaphore, #tpu.memory_space<semaphore_mem>>)
    %and3A_398 = arith.constant 127 : i32
    %and3A_399 = arith.andi %squeeze3A_379, %and3A_398 : i32
    %dma_wait3A_400 = arith.constant 3 : i32
    %dma_wait3A_401 = arith.constant 0 : i32
    %dma_wait3A_402 = arith.constant 0 : i32
    %dma_wait3A_403 = tpu.memref_slice %arg10[%dma_wait3A_400, %dma_wait3A_401, %dma_wait3A_402] : memref<8x64x128xf32, #tpu.memory_space<vmem>> -> memref<1x64x128xf32, #tpu.memory_space<vmem>>
    %dma_wait3A_404 = tpu.memref_squeeze %dma_wait3A_403 : memref<1x64x128xf32, #tpu.memory_space<vmem>> -> memref<64x128xf32, #tpu.memory_space<vmem>>
    %dma_wait3A_405 = arith.constant 0 : i32
    %dma_wait3A_406 = arith.constant 0 : i32
    %dma_wait3A_407 = tpu.memref_slice %arg2[%dma_wait3A_405, %dma_wait3A_406] : memref<64x1000000xf32, #tpu.memory_space<hbm>> -> memref<64x128xf32, #tpu.memory_space<hbm>>
    %dma_wait3A_408 = arith.constant 0 : i32
    %dma_wait3A_409 = arith.constant 0 : i32
    %dma_wait3A_410 = tpu.memref_slice %arg10[%dma_wait3A_400, %dma_wait3A_408, %dma_wait3A_409] : memref<8x64x128xf32, #tpu.memory_space<vmem>> -> memref<1x64x128xf32, #tpu.memory_space<vmem>>
    %dma_wait3A_411 = tpu.memref_squeeze %dma_wait3A_410 : memref<1x64x128xf32, #tpu.memory_space<vmem>> -> memref<64x128xf32, #tpu.memory_space<vmem>>
    %dma_wait3A_412 = arith.constant 0 : i32
    %dma_wait3A_413 = arith.constant 0 : i32
    %dma_wait3A_414 = tpu.memref_slice %arg2[%dma_wait3A_412, %dma_wait3A_413] : memref<64x1000000xf32, #tpu.memory_space<hbm>> -> memref<64x128xf32, #tpu.memory_space<hbm>>
    tpu.wait_dma2 semaphore(%arg15 : memref<!tpu.dma_semaphore, #tpu.memory_space<semaphore_mem>>) src(%dma_wait3A_414 : memref<64x128xf32, #tpu.memory_space<hbm>>) dst(%dma_wait3A_411 : memref<64x128xf32, #tpu.memory_space<vmem>>)
    %broadcast_in_dim3A_415 = vector.broadcast %and3A_93 : i32 to vector<16xi32>
    %broadcast_in_dim3A_416 = arith.constant 3 : i32
    %broadcast_in_dim3A_417 = vector.broadcast %broadcast_in_dim3A_416 : i32 to vector<16xi32>
    %add3A_418 = arith.constant 0 : i32
    %add3A_419 = vector.broadcast %add3A_418 : i32 to vector<16xi32>
    %add3A_420 = arith.addi %iota3A, %add3A_419 : vector<16xi32>
    %gather3A_421 = tpu.vector_load_idx %arg10[%broadcast_in_dim3A_417, %add3A_420, %broadcast_in_dim3A_415] : memref<8x64x128xf32, #tpu.memory_space<vmem>>[vector<16xi32>, vector<16xi32>, vector<16xi32>], vector<16xf32>,
    %swap3A_422 = arith.constant 3 : i32
    %swap3A_423 = arith.index_cast %swap3A_422 : i32 to index
    %swap3A_424 = arith.constant 0 : index
    %swap3A_425 = tpu.vector_load %arg11[%swap3A_423, %swap3A_424] {strides = array<i32>} : memref<256x64xf32, #tpu.memory_space<vmem>>, vector<16xf32>,
    tpu.vector_store %arg11[%swap3A_423, %swap3A_424], %gather3A_421 {strides = array<i32>} : memref<256x64xf32, #tpu.memory_space<vmem>>, vector<16xf32>,
    %add3A_426 = arith.constant 16 : i32
    %add3A_427 = vector.broadcast %add3A_426 : i32 to vector<16xi32>
    %add3A_428 = arith.addi %iota3A, %add3A_427 : vector<16xi32>
    %gather3A_429 = tpu.vector_load_idx %arg10[%broadcast_in_dim3A_417, %add3A_428, %broadcast_in_dim3A_415] : memref<8x64x128xf32, #tpu.memory_space<vmem>>[vector<16xi32>, vector<16xi32>, vector<16xi32>], vector<16xf32>,
    %swap3A_430 = arith.constant 3 : i32
    %swap3A_431 = arith.index_cast %swap3A_430 : i32 to index
    %swap3A_432 = arith.constant 16 : index
    %swap3A_433 = tpu.vector_load %arg11[%swap3A_431, %swap3A_432] {strides = array<i32>} : memref<256x64xf32, #tpu.memory_space<vmem>>, vector<16xf32>,
    tpu.vector_store %arg11[%swap3A_431, %swap3A_432], %gather3A_429 {strides = array<i32>} : memref<256x64xf32, #tpu.memory_space<vmem>>, vector<16xf32>,
    %add3A_434 = arith.constant 32 : i32
    %add3A_435 = vector.broadcast %add3A_434 : i32 to vector<16xi32>
    %add3A_436 = arith.addi %iota3A, %add3A_435 : vector<16xi32>
    %gather3A_437 = tpu.vector_load_idx %arg10[%broadcast_in_dim3A_417, %add3A_436, %broadcast_in_dim3A_415] : memref<8x64x128xf32, #tpu.memory_space<vmem>>[vector<16xi32>, vector<16xi32>, vector<16xi32>], vector<16xf32>,
    %swap3A_438 = arith.constant 3 : i32
    %swap3A_439 = arith.index_cast %swap3A_438 : i32 to index
    %swap3A_440 = arith.constant 32 : index
    %swap3A_441 = tpu.vector_load %arg11[%swap3A_439, %swap3A_440] {strides = array<i32>} : memref<256x64xf32, #tpu.memory_space<vmem>>, vector<16xf32>,
    tpu.vector_store %arg11[%swap3A_439, %swap3A_440], %gather3A_437 {strides = array<i32>} : memref<256x64xf32, #tpu.memory_space<vmem>>, vector<16xf32>,
    %add3A_442 = arith.constant 48 : i32
    %add3A_443 = vector.broadcast %add3A_442 : i32 to vector<16xi32>
    %add3A_444 = arith.addi %iota3A, %add3A_443 : vector<16xi32>
    %gather3A_445 = tpu.vector_load_idx %arg10[%broadcast_in_dim3A_417, %add3A_444, %broadcast_in_dim3A_415] : memref<8x64x128xf32, #tpu.memory_space<vmem>>[vector<16xi32>, vector<16xi32>, vector<16xi32>], vector<16xf32>,
    %swap3A_446 = arith.constant 3 : i32
    %swap3A_447 = arith.index_cast %swap3A_446 : i32 to index
    %swap3A_448 = arith.constant 48 : index
    %swap3A_449 = tpu.vector_load %arg11[%swap3A_447, %swap3A_448] {strides = array<i32>} : memref<256x64xf32, #tpu.memory_space<vmem>>, vector<16xf32>,
    tpu.vector_store %arg11[%swap3A_447, %swap3A_448], %gather3A_445 {strides = array<i32>} : memref<256x64xf32, #tpu.memory_space<vmem>>, vector<16xf32>,
    %slice3A_450 = vector.extract_strided_slice %get3A_3 {offsets = [11], sizes = [1], strides = [1]} : vector<16xi32> to vector<1xi32>
    %squeeze3A_451 = vector.extract %slice3A_450[0] : i32 from vector<1xi32>
    %shift_right_arithmetic3A_452 = arith.constant 7 : i32
    %shift_right_arithmetic3A_453 = arith.shrsi %squeeze3A_451, %shift_right_arithmetic3A_452 : i32
    %mul3A_454 = arith.constant 128 : i32
    %mul3A_455 = arith.muli %shift_right_arithmetic3A_453, %mul3A_454 : i32
    %multiple_of3A_456 = tpu.assume_multiple %mul3A_455, 128 : i32
    %dma_start3A_457 = arith.constant 3 : i32
    %dma_start3A_458 = arith.constant 0 : i32
    %dma_start3A_459 = arith.constant 0 : i32
    %dma_start3A_460 = tpu.memref_slice %arg10[%dma_start3A_457, %dma_start3A_458, %dma_start3A_459] : memref<8x64x128xf32, #tpu.memory_space<vmem>> -> memref<1x64x128xf32, #tpu.memory_space<vmem>>
    %dma_start3A_461 = tpu.memref_squeeze %dma_start3A_460 : memref<1x64x128xf32, #tpu.memory_space<vmem>> -> memref<64x128xf32, #tpu.memory_space<vmem>>
    %dma_start3A_462 = arith.constant 0 : i32
    %dma_start3A_463 = tpu.memref_slice %arg2[%dma_start3A_462, %multiple_of3A_456] : memref<64x1000000xf32, #tpu.memory_space<hbm>> -> memref<64x128xf32, #tpu.memory_space<hbm>>
    %dma_start3A_464 = arith.constant 0 : i32
    %dma_start3A_465 = arith.constant 0 : i32
    %dma_start3A_466 = tpu.memref_slice %arg10[%dma_start3A_457, %dma_start3A_464, %dma_start3A_465] : memref<8x64x128xf32, #tpu.memory_space<vmem>> -> memref<1x64x128xf32, #tpu.memory_space<vmem>>
    %dma_start3A_467 = tpu.memref_squeeze %dma_start3A_466 : memref<1x64x128xf32, #tpu.memory_space<vmem>> -> memref<64x128xf32, #tpu.memory_space<vmem>>
    %dma_start3A_468 = arith.constant 0 : i32
    %dma_start3A_469 = tpu.memref_slice %arg2[%dma_start3A_468, %multiple_of3A_456] : memref<64x1000000xf32, #tpu.memory_space<hbm>> -> memref<64x128xf32, #tpu.memory_space<hbm>>
    tpu.enqueue_dma source(%dma_start3A_469 : memref<64x128xf32, #tpu.memory_space<hbm>>) target(%dma_start3A_467 : memref<64x128xf32, #tpu.memory_space<vmem>>) target_semaphore(%arg15 : memref<!tpu.dma_semaphore, #tpu.memory_space<semaphore_mem>>)
    %and3A_470 = arith.constant 127 : i32
    %and3A_471 = arith.andi %squeeze3A_451, %and3A_470 : i32
    %dma_wait3A_472 = arith.constant 4 : i32
    %dma_wait3A_473 = arith.constant 0 : i32
    %dma_wait3A_474 = arith.constant 0 : i32
    %dma_wait3A_475 = tpu.memref_slice %arg10[%dma_wait3A_472, %dma_wait3A_473, %dma_wait3A_474] : memref<8x64x128xf32, #tpu.memory_space<vmem>> -> memref<1x64x128xf32, #tpu.memory_space<vmem>>
    %dma_wait3A_476 = tpu.memref_squeeze %dma_wait3A_475 : memref<1x64x128xf32, #tpu.memory_space<vmem>> -> memref<64x128xf32, #tpu.memory_space<vmem>>
    %dma_wait3A_477 = arith.constant 0 : i32
    %dma_wait3A_478 = arith.constant 0 : i32
    %dma_wait3A_479 = tpu.memref_slice %arg2[%dma_wait3A_477, %dma_wait3A_478] : memref<64x1000000xf32, #tpu.memory_space<hbm>> -> memref<64x128xf32, #tpu.memory_space<hbm>>
    %dma_wait3A_480 = arith.constant 0 : i32
    %dma_wait3A_481 = arith.constant 0 : i32
    %dma_wait3A_482 = tpu.memref_slice %arg10[%dma_wait3A_472, %dma_wait3A_480, %dma_wait3A_481] : memref<8x64x128xf32, #tpu.memory_space<vmem>> -> memref<1x64x128xf32, #tpu.memory_space<vmem>>
    %dma_wait3A_483 = tpu.memref_squeeze %dma_wait3A_482 : memref<1x64x128xf32, #tpu.memory_space<vmem>> -> memref<64x128xf32, #tpu.memory_space<vmem>>
    %dma_wait3A_484 = arith.constant 0 : i32
    %dma_wait3A_485 = arith.constant 0 : i32
    %dma_wait3A_486 = tpu.memref_slice %arg2[%dma_wait3A_484, %dma_wait3A_485] : memref<64x1000000xf32, #tpu.memory_space<hbm>> -> memref<64x128xf32, #tpu.memory_space<hbm>>
    tpu.wait_dma2 semaphore(%arg16 : memref<!tpu.dma_semaphore, #tpu.memory_space<semaphore_mem>>) src(%dma_wait3A_486 : memref<64x128xf32, #tpu.memory_space<hbm>>) dst(%dma_wait3A_483 : memref<64x128xf32, #tpu.memory_space<vmem>>)
    %broadcast_in_dim3A_487 = vector.broadcast %and3A_117 : i32 to vector<16xi32>
    %broadcast_in_dim3A_488 = arith.constant 4 : i32
    %broadcast_in_dim3A_489 = vector.broadcast %broadcast_in_dim3A_488 : i32 to vector<16xi32>
    %add3A_490 = arith.constant 0 : i32
    %add3A_491 = vector.broadcast %add3A_490 : i32 to vector<16xi32>
    %add3A_492 = arith.addi %iota3A, %add3A_491 : vector<16xi32>
    %gather3A_493 = tpu.vector_load_idx %arg10[%broadcast_in_dim3A_489, %add3A_492, %broadcast_in_dim3A_487] : memref<8x64x128xf32, #tpu.memory_space<vmem>>[vector<16xi32>, vector<16xi32>, vector<16xi32>], vector<16xf32>,
    %swap3A_494 = arith.constant 4 : i32
    %swap3A_495 = arith.index_cast %swap3A_494 : i32 to index
    %swap3A_496 = arith.constant 0 : index
    %swap3A_497 = tpu.vector_load %arg11[%swap3A_495, %swap3A_496] {strides = array<i32>} : memref<256x64xf32, #tpu.memory_space<vmem>>, vector<16xf32>,
    tpu.vector_store %arg11[%swap3A_495, %swap3A_496], %gather3A_493 {strides = array<i32>} : memref<256x64xf32, #tpu.memory_space<vmem>>, vector<16xf32>,
    %add3A_498 = arith.constant 16 : i32
    %add3A_499 = vector.broadcast %add3A_498 : i32 to vector<16xi32>
    %add3A_500 = arith.addi %iota3A, %add3A_499 : vector<16xi32>
    %gather3A_501 = tpu.vector_load_idx %arg10[%broadcast_in_dim3A_489, %add3A_500, %broadcast_in_dim3A_487] : memref<8x64x128xf32, #tpu.memory_space<vmem>>[vector<16xi32>, vector<16xi32>, vector<16xi32>], vector<16xf32>,
    %swap3A_502 = arith.constant 4 : i32
    %swap3A_503 = arith.index_cast %swap3A_502 : i32 to index
    %swap3A_504 = arith.constant 16 : index
    %swap3A_505 = tpu.vector_load %arg11[%swap3A_503, %swap3A_504] {strides = array<i32>} : memref<256x64xf32, #tpu.memory_space<vmem>>, vector<16xf32>,
    tpu.vector_store %arg11[%swap3A_503, %swap3A_504], %gather3A_501 {strides = array<i32>} : memref<256x64xf32, #tpu.memory_space<vmem>>, vector<16xf32>,
    %add3A_506 = arith.constant 32 : i32
    %add3A_507 = vector.broadcast %add3A_506 : i32 to vector<16xi32>
    %add3A_508 = arith.addi %iota3A, %add3A_507 : vector<16xi32>
    %gather3A_509 = tpu.vector_load_idx %arg10[%broadcast_in_dim3A_489, %add3A_508, %broadcast_in_dim3A_487] : memref<8x64x128xf32, #tpu.memory_space<vmem>>[vector<16xi32>, vector<16xi32>, vector<16xi32>], vector<16xf32>,
    %swap3A_510 = arith.constant 4 : i32
    %swap3A_511 = arith.index_cast %swap3A_510 : i32 to index
    %swap3A_512 = arith.constant 32 : index
    %swap3A_513 = tpu.vector_load %arg11[%swap3A_511, %swap3A_512] {strides = array<i32>} : memref<256x64xf32, #tpu.memory_space<vmem>>, vector<16xf32>,
    tpu.vector_store %arg11[%swap3A_511, %swap3A_512], %gather3A_509 {strides = array<i32>} : memref<256x64xf32, #tpu.memory_space<vmem>>, vector<16xf32>,
    %add3A_514 = arith.constant 48 : i32
    %add3A_515 = vector.broadcast %add3A_514 : i32 to vector<16xi32>
    %add3A_516 = arith.addi %iota3A, %add3A_515 : vector<16xi32>
    %gather3A_517 = tpu.vector_load_idx %arg10[%broadcast_in_dim3A_489, %add3A_516, %broadcast_in_dim3A_487] : memref<8x64x128xf32, #tpu.memory_space<vmem>>[vector<16xi32>, vector<16xi32>, vector<16xi32>], vector<16xf32>,
    %swap3A_518 = arith.constant 4 : i32
    %swap3A_519 = arith.index_cast %swap3A_518 : i32 to index
    %swap3A_520 = arith.constant 48 : index
    %swap3A_521 = tpu.vector_load %arg11[%swap3A_519, %swap3A_520] {strides = array<i32>} : memref<256x64xf32, #tpu.memory_space<vmem>>, vector<16xf32>,
    tpu.vector_store %arg11[%swap3A_519, %swap3A_520], %gather3A_517 {strides = array<i32>} : memref<256x64xf32, #tpu.memory_space<vmem>>, vector<16xf32>,
    %slice3A_522 = vector.extract_strided_slice %get3A_3 {offsets = [12], sizes = [1], strides = [1]} : vector<16xi32> to vector<1xi32>
    %squeeze3A_523 = vector.extract %slice3A_522[0] : i32 from vector<1xi32>
    %shift_right_arithmetic3A_524 = arith.constant 7 : i32
    %shift_right_arithmetic3A_525 = arith.shrsi %squeeze3A_523, %shift_right_arithmetic3A_524 : i32
    %mul3A_526 = arith.constant 128 : i32
    %mul3A_527 = arith.muli %shift_right_arithmetic3A_525, %mul3A_526 : i32
    %multiple_of3A_528 = tpu.assume_multiple %mul3A_527, 128 : i32
    %dma_start3A_529 = arith.constant 4 : i32
    %dma_start3A_530 = arith.constant 0 : i32
    %dma_start3A_531 = arith.constant 0 : i32
    %dma_start3A_532 = tpu.memref_slice %arg10[%dma_start3A_529, %dma_start3A_530, %dma_start3A_531] : memref<8x64x128xf32, #tpu.memory_space<vmem>> -> memref<1x64x128xf32, #tpu.memory_space<vmem>>
    %dma_start3A_533 = tpu.memref_squeeze %dma_start3A_532 : memref<1x64x128xf32, #tpu.memory_space<vmem>> -> memref<64x128xf32, #tpu.memory_space<vmem>>
    %dma_start3A_534 = arith.constant 0 : i32
    %dma_start3A_535 = tpu.memref_slice %arg2[%dma_start3A_534, %multiple_of3A_528] : memref<64x1000000xf32, #tpu.memory_space<hbm>> -> memref<64x128xf32, #tpu.memory_space<hbm>>
    %dma_start3A_536 = arith.constant 0 : i32
    %dma_start3A_537 = arith.constant 0 : i32
    %dma_start3A_538 = tpu.memref_slice %arg10[%dma_start3A_529, %dma_start3A_536, %dma_start3A_537] : memref<8x64x128xf32, #tpu.memory_space<vmem>> -> memref<1x64x128xf32, #tpu.memory_space<vmem>>
    %dma_start3A_539 = tpu.memref_squeeze %dma_start3A_538 : memref<1x64x128xf32, #tpu.memory_space<vmem>> -> memref<64x128xf32, #tpu.memory_space<vmem>>
    %dma_start3A_540 = arith.constant 0 : i32
    %dma_start3A_541 = tpu.memref_slice %arg2[%dma_start3A_540, %multiple_of3A_528] : memref<64x1000000xf32, #tpu.memory_space<hbm>> -> memref<64x128xf32, #tpu.memory_space<hbm>>
    tpu.enqueue_dma source(%dma_start3A_541 : memref<64x128xf32, #tpu.memory_space<hbm>>) target(%dma_start3A_539 : memref<64x128xf32, #tpu.memory_space<vmem>>) target_semaphore(%arg16 : memref<!tpu.dma_semaphore, #tpu.memory_space<semaphore_mem>>)
    %and3A_542 = arith.constant 127 : i32
    %and3A_543 = arith.andi %squeeze3A_523, %and3A_542 : i32
    %dma_wait3A_544 = arith.constant 5 : i32
    %dma_wait3A_545 = arith.constant 0 : i32
    %dma_wait3A_546 = arith.constant 0 : i32
    %dma_wait3A_547 = tpu.memref_slice %arg10[%dma_wait3A_544, %dma_wait3A_545, %dma_wait3A_546] : memref<8x64x128xf32, #tpu.memory_space<vmem>> -> memref<1x64x128xf32, #tpu.memory_space<vmem>>
    %dma_wait3A_548 = tpu.memref_squeeze %dma_wait3A_547 : memref<1x64x128xf32, #tpu.memory_space<vmem>> -> memref<64x128xf32, #tpu.memory_space<vmem>>
    %dma_wait3A_549 = arith.constant 0 : i32
    %dma_wait3A_550 = arith.constant 0 : i32
    %dma_wait3A_551 = tpu.memref_slice %arg2[%dma_wait3A_549, %dma_wait3A_550] : memref<64x1000000xf32, #tpu.memory_space<hbm>> -> memref<64x128xf32, #tpu.memory_space<hbm>>
    %dma_wait3A_552 = arith.constant 0 : i32
    %dma_wait3A_553 = arith.constant 0 : i32
    %dma_wait3A_554 = tpu.memref_slice %arg10[%dma_wait3A_544, %dma_wait3A_552, %dma_wait3A_553] : memref<8x64x128xf32, #tpu.memory_space<vmem>> -> memref<1x64x128xf32, #tpu.memory_space<vmem>>
    %dma_wait3A_555 = tpu.memref_squeeze %dma_wait3A_554 : memref<1x64x128xf32, #tpu.memory_space<vmem>> -> memref<64x128xf32, #tpu.memory_space<vmem>>
    %dma_wait3A_556 = arith.constant 0 : i32
    %dma_wait3A_557 = arith.constant 0 : i32
    %dma_wait3A_558 = tpu.memref_slice %arg2[%dma_wait3A_556, %dma_wait3A_557] : memref<64x1000000xf32, #tpu.memory_space<hbm>> -> memref<64x128xf32, #tpu.memory_space<hbm>>
    tpu.wait_dma2 semaphore(%arg17 : memref<!tpu.dma_semaphore, #tpu.memory_space<semaphore_mem>>) src(%dma_wait3A_558 : memref<64x128xf32, #tpu.memory_space<hbm>>) dst(%dma_wait3A_555 : memref<64x128xf32, #tpu.memory_space<vmem>>)
    %broadcast_in_dim3A_559 = vector.broadcast %and3A_141 : i32 to vector<16xi32>
    %broadcast_in_dim3A_560 = arith.constant 5 : i32
    %broadcast_in_dim3A_561 = vector.broadcast %broadcast_in_dim3A_560 : i32 to vector<16xi32>
    %add3A_562 = arith.constant 0 : i32
    %add3A_563 = vector.broadcast %add3A_562 : i32 to vector<16xi32>
    %add3A_564 = arith.addi %iota3A, %add3A_563 : vector<16xi32>
    %gather3A_565 = tpu.vector_load_idx %arg10[%broadcast_in_dim3A_561, %add3A_564, %broadcast_in_dim3A_559] : memref<8x64x128xf32, #tpu.memory_space<vmem>>[vector<16xi32>, vector<16xi32>, vector<16xi32>], vector<16xf32>,
    %swap3A_566 = arith.constant 5 : i32
    %swap3A_567 = arith.index_cast %swap3A_566 : i32 to index
    %swap3A_568 = arith.constant 0 : index
    %swap3A_569 = tpu.vector_load %arg11[%swap3A_567, %swap3A_568] {strides = array<i32>} : memref<256x64xf32, #tpu.memory_space<vmem>>, vector<16xf32>,
    tpu.vector_store %arg11[%swap3A_567, %swap3A_568], %gather3A_565 {strides = array<i32>} : memref<256x64xf32, #tpu.memory_space<vmem>>, vector<16xf32>,
    %add3A_570 = arith.constant 16 : i32
    %add3A_571 = vector.broadcast %add3A_570 : i32 to vector<16xi32>
    %add3A_572 = arith.addi %iota3A, %add3A_571 : vector<16xi32>
    %gather3A_573 = tpu.vector_load_idx %arg10[%broadcast_in_dim3A_561, %add3A_572, %broadcast_in_dim3A_559] : memref<8x64x128xf32, #tpu.memory_space<vmem>>[vector<16xi32>, vector<16xi32>, vector<16xi32>], vector<16xf32>,
    %swap3A_574 = arith.constant 5 : i32
    %swap3A_575 = arith.index_cast %swap3A_574 : i32 to index
    %swap3A_576 = arith.constant 16 : index
    %swap3A_577 = tpu.vector_load %arg11[%swap3A_575, %swap3A_576] {strides = array<i32>} : memref<256x64xf32, #tpu.memory_space<vmem>>, vector<16xf32>,
    tpu.vector_store %arg11[%swap3A_575, %swap3A_576], %gather3A_573 {strides = array<i32>} : memref<256x64xf32, #tpu.memory_space<vmem>>, vector<16xf32>,
    %add3A_578 = arith.constant 32 : i32
    %add3A_579 = vector.broadcast %add3A_578 : i32 to vector<16xi32>
    %add3A_580 = arith.addi %iota3A, %add3A_579 : vector<16xi32>
    %gather3A_581 = tpu.vector_load_idx %arg10[%broadcast_in_dim3A_561, %add3A_580, %broadcast_in_dim3A_559] : memref<8x64x128xf32, #tpu.memory_space<vmem>>[vector<16xi32>, vector<16xi32>, vector<16xi32>], vector<16xf32>,
    %swap3A_582 = arith.constant 5 : i32
    %swap3A_583 = arith.index_cast %swap3A_582 : i32 to index
    %swap3A_584 = arith.constant 32 : index
    %swap3A_585 = tpu.vector_load %arg11[%swap3A_583, %swap3A_584] {strides = array<i32>} : memref<256x64xf32, #tpu.memory_space<vmem>>, vector<16xf32>,
    tpu.vector_store %arg11[%swap3A_583, %swap3A_584], %gather3A_581 {strides = array<i32>} : memref<256x64xf32, #tpu.memory_space<vmem>>, vector<16xf32>,
    %add3A_586 = arith.constant 48 : i32
    %add3A_587 = vector.broadcast %add3A_586 : i32 to vector<16xi32>
    %add3A_588 = arith.addi %iota3A, %add3A_587 : vector<16xi32>
    %gather3A_589 = tpu.vector_load_idx %arg10[%broadcast_in_dim3A_561, %add3A_588, %broadcast_in_dim3A_559] : memref<8x64x128xf32, #tpu.memory_space<vmem>>[vector<16xi32>, vector<16xi32>, vector<16xi32>], vector<16xf32>,
    %swap3A_590 = arith.constant 5 : i32
    %swap3A_591 = arith.index_cast %swap3A_590 : i32 to index
    %swap3A_592 = arith.constant 48 : index
    %swap3A_593 = tpu.vector_load %arg11[%swap3A_591, %swap3A_592] {strides = array<i32>} : memref<256x64xf32, #tpu.memory_space<vmem>>, vector<16xf32>,
    tpu.vector_store %arg11[%swap3A_591, %swap3A_592], %gather3A_589 {strides = array<i32>} : memref<256x64xf32, #tpu.memory_space<vmem>>, vector<16xf32>,
    %slice3A_594 = vector.extract_strided_slice %get3A_3 {offsets = [13], sizes = [1], strides = [1]} : vector<16xi32> to vector<1xi32>
    %squeeze3A_595 = vector.extract %slice3A_594[0] : i32 from vector<1xi32>
    %shift_right_arithmetic3A_596 = arith.constant 7 : i32
    %shift_right_arithmetic3A_597 = arith.shrsi %squeeze3A_595, %shift_right_arithmetic3A_596 : i32
    %mul3A_598 = arith.constant 128 : i32
    %mul3A_599 = arith.muli %shift_right_arithmetic3A_597, %mul3A_598 : i32
    %multiple_of3A_600 = tpu.assume_multiple %mul3A_599, 128 : i32
    %dma_start3A_601 = arith.constant 5 : i32
    %dma_start3A_602 = arith.constant 0 : i32
    %dma_start3A_603 = arith.constant 0 : i32
    %dma_start3A_604 = tpu.memref_slice %arg10[%dma_start3A_601, %dma_start3A_602, %dma_start3A_603] : memref<8x64x128xf32, #tpu.memory_space<vmem>> -> memref<1x64x128xf32, #tpu.memory_space<vmem>>
    %dma_start3A_605 = tpu.memref_squeeze %dma_start3A_604 : memref<1x64x128xf32, #tpu.memory_space<vmem>> -> memref<64x128xf32, #tpu.memory_space<vmem>>
    %dma_start3A_606 = arith.constant 0 : i32
    %dma_start3A_607 = tpu.memref_slice %arg2[%dma_start3A_606, %multiple_of3A_600] : memref<64x1000000xf32, #tpu.memory_space<hbm>> -> memref<64x128xf32, #tpu.memory_space<hbm>>
    %dma_start3A_608 = arith.constant 0 : i32
    %dma_start3A_609 = arith.constant 0 : i32
    %dma_start3A_610 = tpu.memref_slice %arg10[%dma_start3A_601, %dma_start3A_608, %dma_start3A_609] : memref<8x64x128xf32, #tpu.memory_space<vmem>> -> memref<1x64x128xf32, #tpu.memory_space<vmem>>
    %dma_start3A_611 = tpu.memref_squeeze %dma_start3A_610 : memref<1x64x128xf32, #tpu.memory_space<vmem>> -> memref<64x128xf32, #tpu.memory_space<vmem>>
    %dma_start3A_612 = arith.constant 0 : i32
    %dma_start3A_613 = tpu.memref_slice %arg2[%dma_start3A_612, %multiple_of3A_600] : memref<64x1000000xf32, #tpu.memory_space<hbm>> -> memref<64x128xf32, #tpu.memory_space<hbm>>
    tpu.enqueue_dma source(%dma_start3A_613 : memref<64x128xf32, #tpu.memory_space<hbm>>) target(%dma_start3A_611 : memref<64x128xf32, #tpu.memory_space<vmem>>) target_semaphore(%arg17 : memref<!tpu.dma_semaphore, #tpu.memory_space<semaphore_mem>>)
    %and3A_614 = arith.constant 127 : i32
    %and3A_615 = arith.andi %squeeze3A_595, %and3A_614 : i32
    %dma_wait3A_616 = arith.constant 6 : i32
    %dma_wait3A_617 = arith.constant 0 : i32
    %dma_wait3A_618 = arith.constant 0 : i32
    %dma_wait3A_619 = tpu.memref_slice %arg10[%dma_wait3A_616, %dma_wait3A_617, %dma_wait3A_618] : memref<8x64x128xf32, #tpu.memory_space<vmem>> -> memref<1x64x128xf32, #tpu.memory_space<vmem>>
    %dma_wait3A_620 = tpu.memref_squeeze %dma_wait3A_619 : memref<1x64x128xf32, #tpu.memory_space<vmem>> -> memref<64x128xf32, #tpu.memory_space<vmem>>
    %dma_wait3A_621 = arith.constant 0 : i32
    %dma_wait3A_622 = arith.constant 0 : i32
    %dma_wait3A_623 = tpu.memref_slice %arg2[%dma_wait3A_621, %dma_wait3A_622] : memref<64x1000000xf32, #tpu.memory_space<hbm>> -> memref<64x128xf32, #tpu.memory_space<hbm>>
    %dma_wait3A_624 = arith.constant 0 : i32
    %dma_wait3A_625 = arith.constant 0 : i32
    %dma_wait3A_626 = tpu.memref_slice %arg10[%dma_wait3A_616, %dma_wait3A_624, %dma_wait3A_625] : memref<8x64x128xf32, #tpu.memory_space<vmem>> -> memref<1x64x128xf32, #tpu.memory_space<vmem>>
    %dma_wait3A_627 = tpu.memref_squeeze %dma_wait3A_626 : memref<1x64x128xf32, #tpu.memory_space<vmem>> -> memref<64x128xf32, #tpu.memory_space<vmem>>
    %dma_wait3A_628 = arith.constant 0 : i32
    %dma_wait3A_629 = arith.constant 0 : i32
    %dma_wait3A_630 = tpu.memref_slice %arg2[%dma_wait3A_628, %dma_wait3A_629] : memref<64x1000000xf32, #tpu.memory_space<hbm>> -> memref<64x128xf32, #tpu.memory_space<hbm>>
    tpu.wait_dma2 semaphore(%arg18 : memref<!tpu.dma_semaphore, #tpu.memory_space<semaphore_mem>>) src(%dma_wait3A_630 : memref<64x128xf32, #tpu.memory_space<hbm>>) dst(%dma_wait3A_627 : memref<64x128xf32, #tpu.memory_space<vmem>>)
    %broadcast_in_dim3A_631 = vector.broadcast %and3A_165 : i32 to vector<16xi32>
    %broadcast_in_dim3A_632 = arith.constant 6 : i32
    %broadcast_in_dim3A_633 = vector.broadcast %broadcast_in_dim3A_632 : i32 to vector<16xi32>
    %add3A_634 = arith.constant 0 : i32
    %add3A_635 = vector.broadcast %add3A_634 : i32 to vector<16xi32>
    %add3A_636 = arith.addi %iota3A, %add3A_635 : vector<16xi32>
    %gather3A_637 = tpu.vector_load_idx %arg10[%broadcast_in_dim3A_633, %add3A_636, %broadcast_in_dim3A_631] : memref<8x64x128xf32, #tpu.memory_space<vmem>>[vector<16xi32>, vector<16xi32>, vector<16xi32>], vector<16xf32>,
    %swap3A_638 = arith.constant 6 : i32
    %swap3A_639 = arith.index_cast %swap3A_638 : i32 to index
    %swap3A_640 = arith.constant 0 : index
    %swap3A_641 = tpu.vector_load %arg11[%swap3A_639, %swap3A_640] {strides = array<i32>} : memref<256x64xf32, #tpu.memory_space<vmem>>, vector<16xf32>,
    tpu.vector_store %arg11[%swap3A_639, %swap3A_640], %gather3A_637 {strides = array<i32>} : memref<256x64xf32, #tpu.memory_space<vmem>>, vector<16xf32>,
    %add3A_642 = arith.constant 16 : i32
    %add3A_643 = vector.broadcast %add3A_642 : i32 to vector<16xi32>
    %add3A_644 = arith.addi %iota3A, %add3A_643 : vector<16xi32>
    %gather3A_645 = tpu.vector_load_idx %arg10[%broadcast_in_dim3A_633, %add3A_644, %broadcast_in_dim3A_631] : memref<8x64x128xf32, #tpu.memory_space<vmem>>[vector<16xi32>, vector<16xi32>, vector<16xi32>], vector<16xf32>,
    %swap3A_646 = arith.constant 6 : i32
    %swap3A_647 = arith.index_cast %swap3A_646 : i32 to index
    %swap3A_648 = arith.constant 16 : index
    %swap3A_649 = tpu.vector_load %arg11[%swap3A_647, %swap3A_648] {strides = array<i32>} : memref<256x64xf32, #tpu.memory_space<vmem>>, vector<16xf32>,
    tpu.vector_store %arg11[%swap3A_647, %swap3A_648], %gather3A_645 {strides = array<i32>} : memref<256x64xf32, #tpu.memory_space<vmem>>, vector<16xf32>,
    %add3A_650 = arith.constant 32 : i32
    %add3A_651 = vector.broadcast %add3A_650 : i32 to vector<16xi32>
    %add3A_652 = arith.addi %iota3A, %add3A_651 : vector<16xi32>
    %gather3A_653 = tpu.vector_load_idx %arg10[%broadcast_in_dim3A_633, %add3A_652, %broadcast_in_dim3A_631] : memref<8x64x128xf32, #tpu.memory_space<vmem>>[vector<16xi32>, vector<16xi32>, vector<16xi32>], vector<16xf32>,
    %swap3A_654 = arith.constant 6 : i32
    %swap3A_655 = arith.index_cast %swap3A_654 : i32 to index
    %swap3A_656 = arith.constant 32 : index
    %swap3A_657 = tpu.vector_load %arg11[%swap3A_655, %swap3A_656] {strides = array<i32>} : memref<256x64xf32, #tpu.memory_space<vmem>>, vector<16xf32>,
    tpu.vector_store %arg11[%swap3A_655, %swap3A_656], %gather3A_653 {strides = array<i32>} : memref<256x64xf32, #tpu.memory_space<vmem>>, vector<16xf32>,
    %add3A_658 = arith.constant 48 : i32
    %add3A_659 = vector.broadcast %add3A_658 : i32 to vector<16xi32>
    %add3A_660 = arith.addi %iota3A, %add3A_659 : vector<16xi32>
    %gather3A_661 = tpu.vector_load_idx %arg10[%broadcast_in_dim3A_633, %add3A_660, %broadcast_in_dim3A_631] : memref<8x64x128xf32, #tpu.memory_space<vmem>>[vector<16xi32>, vector<16xi32>, vector<16xi32>], vector<16xf32>,
    %swap3A_662 = arith.constant 6 : i32
    %swap3A_663 = arith.index_cast %swap3A_662 : i32 to index
    %swap3A_664 = arith.constant 48 : index
    %swap3A_665 = tpu.vector_load %arg11[%swap3A_663, %swap3A_664] {strides = array<i32>} : memref<256x64xf32, #tpu.memory_space<vmem>>, vector<16xf32>,
    tpu.vector_store %arg11[%swap3A_663, %swap3A_664], %gather3A_661 {strides = array<i32>} : memref<256x64xf32, #tpu.memory_space<vmem>>, vector<16xf32>,
    %slice3A_666 = vector.extract_strided_slice %get3A_3 {offsets = [14], sizes = [1], strides = [1]} : vector<16xi32> to vector<1xi32>
    %squeeze3A_667 = vector.extract %slice3A_666[0] : i32 from vector<1xi32>
    %shift_right_arithmetic3A_668 = arith.constant 7 : i32
    %shift_right_arithmetic3A_669 = arith.shrsi %squeeze3A_667, %shift_right_arithmetic3A_668 : i32
    %mul3A_670 = arith.constant 128 : i32
    %mul3A_671 = arith.muli %shift_right_arithmetic3A_669, %mul3A_670 : i32
    %multiple_of3A_672 = tpu.assume_multiple %mul3A_671, 128 : i32
    %dma_start3A_673 = arith.constant 6 : i32
    %dma_start3A_674 = arith.constant 0 : i32
    %dma_start3A_675 = arith.constant 0 : i32
    %dma_start3A_676 = tpu.memref_slice %arg10[%dma_start3A_673, %dma_start3A_674, %dma_start3A_675] : memref<8x64x128xf32, #tpu.memory_space<vmem>> -> memref<1x64x128xf32, #tpu.memory_space<vmem>>
    %dma_start3A_677 = tpu.memref_squeeze %dma_start3A_676 : memref<1x64x128xf32, #tpu.memory_space<vmem>> -> memref<64x128xf32, #tpu.memory_space<vmem>>
    %dma_start3A_678 = arith.constant 0 : i32
    %dma_start3A_679 = tpu.memref_slice %arg2[%dma_start3A_678, %multiple_of3A_672] : memref<64x1000000xf32, #tpu.memory_space<hbm>> -> memref<64x128xf32, #tpu.memory_space<hbm>>
    %dma_start3A_680 = arith.constant 0 : i32
    %dma_start3A_681 = arith.constant 0 : i32
    %dma_start3A_682 = tpu.memref_slice %arg10[%dma_start3A_673, %dma_start3A_680, %dma_start3A_681] : memref<8x64x128xf32, #tpu.memory_space<vmem>> -> memref<1x64x128xf32, #tpu.memory_space<vmem>>
    %dma_start3A_683 = tpu.memref_squeeze %dma_start3A_682 : memref<1x64x128xf32, #tpu.memory_space<vmem>> -> memref<64x128xf32, #tpu.memory_space<vmem>>
    %dma_start3A_684 = arith.constant 0 : i32
    %dma_start3A_685 = tpu.memref_slice %arg2[%dma_start3A_684, %multiple_of3A_672] : memref<64x1000000xf32, #tpu.memory_space<hbm>> -> memref<64x128xf32, #tpu.memory_space<hbm>>
    tpu.enqueue_dma source(%dma_start3A_685 : memref<64x128xf32, #tpu.memory_space<hbm>>) target(%dma_start3A_683 : memref<64x128xf32, #tpu.memory_space<vmem>>) target_semaphore(%arg18 : memref<!tpu.dma_semaphore, #tpu.memory_space<semaphore_mem>>)
    %and3A_686 = arith.constant 127 : i32
    %and3A_687 = arith.andi %squeeze3A_667, %and3A_686 : i32
    %dma_wait3A_688 = arith.constant 7 : i32
    %dma_wait3A_689 = arith.constant 0 : i32
    %dma_wait3A_690 = arith.constant 0 : i32
    %dma_wait3A_691 = tpu.memref_slice %arg10[%dma_wait3A_688, %dma_wait3A_689, %dma_wait3A_690] : memref<8x64x128xf32, #tpu.memory_space<vmem>> -> memref<1x64x128xf32, #tpu.memory_space<vmem>>
    %dma_wait3A_692 = tpu.memref_squeeze %dma_wait3A_691 : memref<1x64x128xf32, #tpu.memory_space<vmem>> -> memref<64x128xf32, #tpu.memory_space<vmem>>
    %dma_wait3A_693 = arith.constant 0 : i32
    %dma_wait3A_694 = arith.constant 0 : i32
    %dma_wait3A_695 = tpu.memref_slice %arg2[%dma_wait3A_693, %dma_wait3A_694] : memref<64x1000000xf32, #tpu.memory_space<hbm>> -> memref<64x128xf32, #tpu.memory_space<hbm>>
    %dma_wait3A_696 = arith.constant 0 : i32
    %dma_wait3A_697 = arith.constant 0 : i32
    %dma_wait3A_698 = tpu.memref_slice %arg10[%dma_wait3A_688, %dma_wait3A_696, %dma_wait3A_697] : memref<8x64x128xf32, #tpu.memory_space<vmem>> -> memref<1x64x128xf32, #tpu.memory_space<vmem>>
    %dma_wait3A_699 = tpu.memref_squeeze %dma_wait3A_698 : memref<1x64x128xf32, #tpu.memory_space<vmem>> -> memref<64x128xf32, #tpu.memory_space<vmem>>
    %dma_wait3A_700 = arith.constant 0 : i32
    %dma_wait3A_701 = arith.constant 0 : i32
    %dma_wait3A_702 = tpu.memref_slice %arg2[%dma_wait3A_700, %dma_wait3A_701] : memref<64x1000000xf32, #tpu.memory_space<hbm>> -> memref<64x128xf32, #tpu.memory_space<hbm>>
    tpu.wait_dma2 semaphore(%arg19 : memref<!tpu.dma_semaphore, #tpu.memory_space<semaphore_mem>>) src(%dma_wait3A_702 : memref<64x128xf32, #tpu.memory_space<hbm>>) dst(%dma_wait3A_699 : memref<64x128xf32, #tpu.memory_space<vmem>>)
    %broadcast_in_dim3A_703 = vector.broadcast %and3A_187 : i32 to vector<16xi32>
    %broadcast_in_dim3A_704 = arith.constant 7 : i32
    %broadcast_in_dim3A_705 = vector.broadcast %broadcast_in_dim3A_704 : i32 to vector<16xi32>
    %add3A_706 = arith.constant 0 : i32
    %add3A_707 = vector.broadcast %add3A_706 : i32 to vector<16xi32>
    %add3A_708 = arith.addi %iota3A, %add3A_707 : vector<16xi32>
    %gather3A_709 = tpu.vector_load_idx %arg10[%broadcast_in_dim3A_705, %add3A_708, %broadcast_in_dim3A_703] : memref<8x64x128xf32, #tpu.memory_space<vmem>>[vector<16xi32>, vector<16xi32>, vector<16xi32>], vector<16xf32>,
    %swap3A_710 = arith.constant 7 : i32
    %swap3A_711 = arith.index_cast %swap3A_710 : i32 to index
    %swap3A_712 = arith.constant 0 : index
    %swap3A_713 = tpu.vector_load %arg11[%swap3A_711, %swap3A_712] {strides = array<i32>} : memref<256x64xf32, #tpu.memory_space<vmem>>, vector<16xf32>,
    tpu.vector_store %arg11[%swap3A_711, %swap3A_712], %gather3A_709 {strides = array<i32>} : memref<256x64xf32, #tpu.memory_space<vmem>>, vector<16xf32>,
    %add3A_714 = arith.constant 16 : i32
    %add3A_715 = vector.broadcast %add3A_714 : i32 to vector<16xi32>
    %add3A_716 = arith.addi %iota3A, %add3A_715 : vector<16xi32>
    %gather3A_717 = tpu.vector_load_idx %arg10[%broadcast_in_dim3A_705, %add3A_716, %broadcast_in_dim3A_703] : memref<8x64x128xf32, #tpu.memory_space<vmem>>[vector<16xi32>, vector<16xi32>, vector<16xi32>], vector<16xf32>,
    %swap3A_718 = arith.constant 7 : i32
    %swap3A_719 = arith.index_cast %swap3A_718 : i32 to index
    %swap3A_720 = arith.constant 16 : index
    %swap3A_721 = tpu.vector_load %arg11[%swap3A_719, %swap3A_720] {strides = array<i32>} : memref<256x64xf32, #tpu.memory_space<vmem>>, vector<16xf32>,
    tpu.vector_store %arg11[%swap3A_719, %swap3A_720], %gather3A_717 {strides = array<i32>} : memref<256x64xf32, #tpu.memory_space<vmem>>, vector<16xf32>,
    %add3A_722 = arith.constant 32 : i32
    %add3A_723 = vector.broadcast %add3A_722 : i32 to vector<16xi32>
    %add3A_724 = arith.addi %iota3A, %add3A_723 : vector<16xi32>
    %gather3A_725 = tpu.vector_load_idx %arg10[%broadcast_in_dim3A_705, %add3A_724, %broadcast_in_dim3A_703] : memref<8x64x128xf32, #tpu.memory_space<vmem>>[vector<16xi32>, vector<16xi32>, vector<16xi32>], vector<16xf32>,
    %swap3A_726 = arith.constant 7 : i32
    %swap3A_727 = arith.index_cast %swap3A_726 : i32 to index
    %swap3A_728 = arith.constant 32 : index
    %swap3A_729 = tpu.vector_load %arg11[%swap3A_727, %swap3A_728] {strides = array<i32>} : memref<256x64xf32, #tpu.memory_space<vmem>>, vector<16xf32>,
    tpu.vector_store %arg11[%swap3A_727, %swap3A_728], %gather3A_725 {strides = array<i32>} : memref<256x64xf32, #tpu.memory_space<vmem>>, vector<16xf32>,
    %add3A_730 = arith.constant 48 : i32
    %add3A_731 = vector.broadcast %add3A_730 : i32 to vector<16xi32>
    %add3A_732 = arith.addi %iota3A, %add3A_731 : vector<16xi32>
    %gather3A_733 = tpu.vector_load_idx %arg10[%broadcast_in_dim3A_705, %add3A_732, %broadcast_in_dim3A_703] : memref<8x64x128xf32, #tpu.memory_space<vmem>>[vector<16xi32>, vector<16xi32>, vector<16xi32>], vector<16xf32>,
    %swap3A_734 = arith.constant 7 : i32
    %swap3A_735 = arith.index_cast %swap3A_734 : i32 to index
    %swap3A_736 = arith.constant 48 : index
    %swap3A_737 = tpu.vector_load %arg11[%swap3A_735, %swap3A_736] {strides = array<i32>} : memref<256x64xf32, #tpu.memory_space<vmem>>, vector<16xf32>,
    tpu.vector_store %arg11[%swap3A_735, %swap3A_736], %gather3A_733 {strides = array<i32>} : memref<256x64xf32, #tpu.memory_space<vmem>>, vector<16xf32>,
    %slice3A_738 = vector.extract_strided_slice %get3A_3 {offsets = [15], sizes = [1], strides = [1]} : vector<16xi32> to vector<1xi32>
    %squeeze3A_739 = vector.extract %slice3A_738[0] : i32 from vector<1xi32>
    %shift_right_arithmetic3A_740 = arith.constant 7 : i32
    %shift_right_arithmetic3A_741 = arith.shrsi %squeeze3A_739, %shift_right_arithmetic3A_740 : i32
    %mul3A_742 = arith.constant 128 : i32
    %mul3A_743 = arith.muli %shift_right_arithmetic3A_741, %mul3A_742 : i32
    %multiple_of3A_744 = tpu.assume_multiple %mul3A_743, 128 : i32
    %dma_start3A_745 = arith.constant 7 : i32
    %dma_start3A_746 = arith.constant 0 : i32
    %dma_start3A_747 = arith.constant 0 : i32
    %dma_start3A_748 = tpu.memref_slice %arg10[%dma_start3A_745, %dma_start3A_746, %dma_start3A_747] : memref<8x64x128xf32, #tpu.memory_space<vmem>> -> memref<1x64x128xf32, #tpu.memory_space<vmem>>
    %dma_start3A_749 = tpu.memref_squeeze %dma_start3A_748 : memref<1x64x128xf32, #tpu.memory_space<vmem>> -> memref<64x128xf32, #tpu.memory_space<vmem>>
    %dma_start3A_750 = arith.constant 0 : i32
    %dma_start3A_751 = tpu.memref_slice %arg2[%dma_start3A_750, %multiple_of3A_744] : memref<64x1000000xf32, #tpu.memory_space<hbm>> -> memref<64x128xf32, #tpu.memory_space<hbm>>
    %dma_start3A_752 = arith.constant 0 : i32
    %dma_start3A_753 = arith.constant 0 : i32
    %dma_start3A_754 = tpu.memref_slice %arg10[%dma_start3A_745, %dma_start3A_752, %dma_start3A_753] : memref<8x64x128xf32, #tpu.memory_space<vmem>> -> memref<1x64x128xf32, #tpu.memory_space<vmem>>
    %dma_start3A_755 = tpu.memref_squeeze %dma_start3A_754 : memref<1x64x128xf32, #tpu.memory_space<vmem>> -> memref<64x128xf32, #tpu.memory_space<vmem>>
    %dma_start3A_756 = arith.constant 0 : i32
    %dma_start3A_757 = tpu.memref_slice %arg2[%dma_start3A_756, %multiple_of3A_744] : memref<64x1000000xf32, #tpu.memory_space<hbm>> -> memref<64x128xf32, #tpu.memory_space<hbm>>
    tpu.enqueue_dma source(%dma_start3A_757 : memref<64x128xf32, #tpu.memory_space<hbm>>) target(%dma_start3A_755 : memref<64x128xf32, #tpu.memory_space<vmem>>) target_semaphore(%arg19 : memref<!tpu.dma_semaphore, #tpu.memory_space<semaphore_mem>>)
    %and3A_758 = arith.constant 127 : i32
    %and3A_759 = arith.andi %squeeze3A_739, %and3A_758 : i32
    %dma_wait3A_760 = arith.constant 0 : i32
    %dma_wait3A_761 = arith.constant 0 : i32
    %dma_wait3A_762 = arith.constant 0 : i32
    %dma_wait3A_763 = tpu.memref_slice %arg10[%dma_wait3A_760, %dma_wait3A_761, %dma_wait3A_762] : memref<8x64x128xf32, #tpu.memory_space<vmem>> -> memref<1x64x128xf32, #tpu.memory_space<vmem>>
    %dma_wait3A_764 = tpu.memref_squeeze %dma_wait3A_763 : memref<1x64x128xf32, #tpu.memory_space<vmem>> -> memref<64x128xf32, #tpu.memory_space<vmem>>
    %dma_wait3A_765 = arith.constant 0 : i32
    %dma_wait3A_766 = arith.constant 0 : i32
    %dma_wait3A_767 = tpu.memref_slice %arg2[%dma_wait3A_765, %dma_wait3A_766] : memref<64x1000000xf32, #tpu.memory_space<hbm>> -> memref<64x128xf32, #tpu.memory_space<hbm>>
    %dma_wait3A_768 = arith.constant 0 : i32
    %dma_wait3A_769 = arith.constant 0 : i32
    %dma_wait3A_770 = tpu.memref_slice %arg10[%dma_wait3A_760, %dma_wait3A_768, %dma_wait3A_769] : memref<8x64x128xf32, #tpu.memory_space<vmem>> -> memref<1x64x128xf32, #tpu.memory_space<vmem>>
    %dma_wait3A_771 = tpu.memref_squeeze %dma_wait3A_770 : memref<1x64x128xf32, #tpu.memory_space<vmem>> -> memref<64x128xf32, #tpu.memory_space<vmem>>
    %dma_wait3A_772 = arith.constant 0 : i32
    %dma_wait3A_773 = arith.constant 0 : i32
    %dma_wait3A_774 = tpu.memref_slice %arg2[%dma_wait3A_772, %dma_wait3A_773] : memref<64x1000000xf32, #tpu.memory_space<hbm>> -> memref<64x128xf32, #tpu.memory_space<hbm>>
    tpu.wait_dma2 semaphore(%arg12 : memref<!tpu.dma_semaphore, #tpu.memory_space<semaphore_mem>>) src(%dma_wait3A_774 : memref<64x128xf32, #tpu.memory_space<hbm>>) dst(%dma_wait3A_771 : memref<64x128xf32, #tpu.memory_space<vmem>>)
    %broadcast_in_dim3A_775 = vector.broadcast %and3A_255 : i32 to vector<16xi32>
    %broadcast_in_dim3A_776 = arith.constant 0 : i32
    %broadcast_in_dim3A_777 = vector.broadcast %broadcast_in_dim3A_776 : i32 to vector<16xi32>
    %add3A_778 = arith.constant 0 : i32
    %add3A_779 = vector.broadcast %add3A_778 : i32 to vector<16xi32>
    %add3A_780 = arith.addi %iota3A, %add3A_779 : vector<16xi32>
    %gather3A_781 = tpu.vector_load_idx %arg10[%broadcast_in_dim3A_777, %add3A_780, %broadcast_in_dim3A_775] : memref<8x64x128xf32, #tpu.memory_space<vmem>>[vector<16xi32>, vector<16xi32>, vector<16xi32>], vector<16xf32>,
    %swap3A_782 = arith.constant 8 : i32
    %swap3A_783 = arith.index_cast %swap3A_782 : i32 to index
    %swap3A_784 = arith.constant 0 : index
    %swap3A_785 = tpu.vector_load %arg11[%swap3A_783, %swap3A_784] {strides = array<i32>} : memref<256x64xf32, #tpu.memory_space<vmem>>, vector<16xf32>,
    tpu.vector_store %arg11[%swap3A_783, %swap3A_784], %gather3A_781 {strides = array<i32>} : memref<256x64xf32, #tpu.memory_space<vmem>>, vector<16xf32>,
    %add3A_786 = arith.constant 16 : i32
    %add3A_787 = vector.broadcast %add3A_786 : i32 to vector<16xi32>
    %add3A_788 = arith.addi %iota3A, %add3A_787 : vector<16xi32>
    %gather3A_789 = tpu.vector_load_idx %arg10[%broadcast_in_dim3A_777, %add3A_788, %broadcast_in_dim3A_775] : memref<8x64x128xf32, #tpu.memory_space<vmem>>[vector<16xi32>, vector<16xi32>, vector<16xi32>], vector<16xf32>,
    %swap3A_790 = arith.constant 8 : i32
    %swap3A_791 = arith.index_cast %swap3A_790 : i32 to index
    %swap3A_792 = arith.constant 16 : index
    %swap3A_793 = tpu.vector_load %arg11[%swap3A_791, %swap3A_792] {strides = array<i32>} : memref<256x64xf32, #tpu.memory_space<vmem>>, vector<16xf32>,
    tpu.vector_store %arg11[%swap3A_791, %swap3A_792], %gather3A_789 {strides = array<i32>} : memref<256x64xf32, #tpu.memory_space<vmem>>, vector<16xf32>,
    %add3A_794 = arith.constant 32 : i32
    %add3A_795 = vector.broadcast %add3A_794 : i32 to vector<16xi32>
    %add3A_796 = arith.addi %iota3A, %add3A_795 : vector<16xi32>
    %gather3A_797 = tpu.vector_load_idx %arg10[%broadcast_in_dim3A_777, %add3A_796, %broadcast_in_dim3A_775] : memref<8x64x128xf32, #tpu.memory_space<vmem>>[vector<16xi32>, vector<16xi32>, vector<16xi32>], vector<16xf32>,
    %swap3A_798 = arith.constant 8 : i32
    %swap3A_799 = arith.index_cast %swap3A_798 : i32 to index
    %swap3A_800 = arith.constant 32 : index
    %swap3A_801 = tpu.vector_load %arg11[%swap3A_799, %swap3A_800] {strides = array<i32>} : memref<256x64xf32, #tpu.memory_space<vmem>>, vector<16xf32>,
    tpu.vector_store %arg11[%swap3A_799, %swap3A_800], %gather3A_797 {strides = array<i32>} : memref<256x64xf32, #tpu.memory_space<vmem>>, vector<16xf32>,
    %add3A_802 = arith.constant 48 : i32
    %add3A_803 = vector.broadcast %add3A_802 : i32 to vector<16xi32>
    %add3A_804 = arith.addi %iota3A, %add3A_803 : vector<16xi32>
    %gather3A_805 = tpu.vector_load_idx %arg10[%broadcast_in_dim3A_777, %add3A_804, %broadcast_in_dim3A_775] : memref<8x64x128xf32, #tpu.memory_space<vmem>>[vector<16xi32>, vector<16xi32>, vector<16xi32>], vector<16xf32>,
    %swap3A_806 = arith.constant 8 : i32
    %swap3A_807 = arith.index_cast %swap3A_806 : i32 to index
    %swap3A_808 = arith.constant 48 : index
    %swap3A_809 = tpu.vector_load %arg11[%swap3A_807, %swap3A_808] {strides = array<i32>} : memref<256x64xf32, #tpu.memory_space<vmem>>, vector<16xf32>,
    tpu.vector_store %arg11[%swap3A_807, %swap3A_808], %gather3A_805 {strides = array<i32>} : memref<256x64xf32, #tpu.memory_space<vmem>>, vector<16xf32>,
    %scan3A = arith.constant 1 : i32
    %scan3A_810 = arith.constant 31 : i32
    %scan3A_811 = arith.addi %scan3A, %scan3A_810 : i32
    %scan3A_812 = arith.constant 1 : i32
    %scan3A_813:7 = scf.for %scan3A_1195 = %scan3A to %scan3A_811 step %scan3A_812 iter_args(%scan3A_1196 = %and3A_327, %scan3A_1197 = %and3A_399, %scan3A_1198 = %and3A_471, %scan3A_1199 = %and3A_543, %scan3A_1200 = %and3A_615, %scan3A_1201 = %and3A_687, %scan3A_1202 = %and3A_759) -> (i32, i32, i32, i32, i32, i32, i32)  : i32 {
      %mul3A_1203 = arith.constant 16 : i32
      %mul3A_1204 = arith.muli %scan3A_1195, %mul3A_1203 : i32
      %get3A_1205 = arith.index_cast %mul3A_1204 : i32 to index
      %get3A_1206 = tpu.vector_load %arg8[%get3A_1205] {strides = array<i32>} : memref<512xi32, #tpu.memory_space<vmem>>, vector<16xi32>,
      %slice3A_1207 = vector.extract_strided_slice %get3A_1206 {offsets = [0], sizes = [1], strides = [1]} : vector<16xi32> to vector<1xi32>
      %squeeze3A_1208 = vector.extract %slice3A_1207[0] : i32 from vector<1xi32>
      %shift_right_arithmetic3A_1209 = arith.constant 7 : i32
      %shift_right_arithmetic3A_1210 = arith.shrsi %squeeze3A_1208, %shift_right_arithmetic3A_1209 : i32
      %mul3A_1211 = arith.constant 128 : i32
      %mul3A_1212 = arith.muli %shift_right_arithmetic3A_1210, %mul3A_1211 : i32
      %multiple_of3A_1213 = tpu.assume_multiple %mul3A_1212, 128 : i32
      %dma_start3A_1214 = arith.constant 0 : i32
      %dma_start3A_1215 = arith.constant 0 : i32
      %dma_start3A_1216 = arith.constant 0 : i32
      %dma_start3A_1217 = tpu.memref_slice %arg10[%dma_start3A_1214, %dma_start3A_1215, %dma_start3A_1216] : memref<8x64x128xf32, #tpu.memory_space<vmem>> -> memref<1x64x128xf32, #tpu.memory_space<vmem>>
      %dma_start3A_1218 = tpu.memref_squeeze %dma_start3A_1217 : memref<1x64x128xf32, #tpu.memory_space<vmem>> -> memref<64x128xf32, #tpu.memory_space<vmem>>
      %dma_start3A_1219 = arith.constant 0 : i32
      %dma_start3A_1220 = tpu.memref_slice %arg2[%dma_start3A_1219, %multiple_of3A_1213] : memref<64x1000000xf32, #tpu.memory_space<hbm>> -> memref<64x128xf32, #tpu.memory_space<hbm>>
      %dma_start3A_1221 = arith.constant 0 : i32
      %dma_start3A_1222 = arith.constant 0 : i32
      %dma_start3A_1223 = tpu.memref_slice %arg10[%dma_start3A_1214, %dma_start3A_1221, %dma_start3A_1222] : memref<8x64x128xf32, #tpu.memory_space<vmem>> -> memref<1x64x128xf32, #tpu.memory_space<vmem>>
      %dma_start3A_1224 = tpu.memref_squeeze %dma_start3A_1223 : memref<1x64x128xf32, #tpu.memory_space<vmem>> -> memref<64x128xf32, #tpu.memory_space<vmem>>
      %dma_start3A_1225 = arith.constant 0 : i32
      %dma_start3A_1226 = tpu.memref_slice %arg2[%dma_start3A_1225, %multiple_of3A_1213] : memref<64x1000000xf32, #tpu.memory_space<hbm>> -> memref<64x128xf32, #tpu.memory_space<hbm>>
      tpu.enqueue_dma source(%dma_start3A_1226 : memref<64x128xf32, #tpu.memory_space<hbm>>) target(%dma_start3A_1224 : memref<64x128xf32, #tpu.memory_space<vmem>>) target_semaphore(%arg12 : memref<!tpu.dma_semaphore, #tpu.memory_space<semaphore_mem>>)
      %and3A_1227 = arith.constant 127 : i32
      %and3A_1228 = arith.andi %squeeze3A_1208, %and3A_1227 : i32
      %dma_wait3A_1229 = arith.constant 1 : i32
      %dma_wait3A_1230 = arith.constant 0 : i32
      %dma_wait3A_1231 = arith.constant 0 : i32
      %dma_wait3A_1232 = tpu.memref_slice %arg10[%dma_wait3A_1229, %dma_wait3A_1230, %dma_wait3A_1231] : memref<8x64x128xf32, #tpu.memory_space<vmem>> -> memref<1x64x128xf32, #tpu.memory_space<vmem>>
      %dma_wait3A_1233 = tpu.memref_squeeze %dma_wait3A_1232 : memref<1x64x128xf32, #tpu.memory_space<vmem>> -> memref<64x128xf32, #tpu.memory_space<vmem>>
      %dma_wait3A_1234 = arith.constant 0 : i32
      %dma_wait3A_1235 = arith.constant 0 : i32
      %dma_wait3A_1236 = tpu.memref_slice %arg2[%dma_wait3A_1234, %dma_wait3A_1235] : memref<64x1000000xf32, #tpu.memory_space<hbm>> -> memref<64x128xf32, #tpu.memory_space<hbm>>
      %dma_wait3A_1237 = arith.constant 0 : i32
      %dma_wait3A_1238 = arith.constant 0 : i32
      %dma_wait3A_1239 = tpu.memref_slice %arg10[%dma_wait3A_1229, %dma_wait3A_1237, %dma_wait3A_1238] : memref<8x64x128xf32, #tpu.memory_space<vmem>> -> memref<1x64x128xf32, #tpu.memory_space<vmem>>
      %dma_wait3A_1240 = tpu.memref_squeeze %dma_wait3A_1239 : memref<1x64x128xf32, #tpu.memory_space<vmem>> -> memref<64x128xf32, #tpu.memory_space<vmem>>
      %dma_wait3A_1241 = arith.constant 0 : i32
      %dma_wait3A_1242 = arith.constant 0 : i32
      %dma_wait3A_1243 = tpu.memref_slice %arg2[%dma_wait3A_1241, %dma_wait3A_1242] : memref<64x1000000xf32, #tpu.memory_space<hbm>> -> memref<64x128xf32, #tpu.memory_space<hbm>>
      tpu.wait_dma2 semaphore(%arg13 : memref<!tpu.dma_semaphore, #tpu.memory_space<semaphore_mem>>) src(%dma_wait3A_1243 : memref<64x128xf32, #tpu.memory_space<hbm>>) dst(%dma_wait3A_1240 : memref<64x128xf32, #tpu.memory_space<vmem>>)
      %mul3A_1244 = arith.constant 16 : i32
      %mul3A_1245 = arith.muli %scan3A_1195, %mul3A_1244 : i32
      %add3A_1246 = arith.constant 0 : i32
      %add3A_1247 = arith.addi %mul3A_1245, %add3A_1246 : i32
      %sub3A = arith.constant 7 : i32
      %sub3A_1248 = arith.subi %add3A_1247, %sub3A : i32
      %broadcast_in_dim3A_1249 = vector.broadcast %scan3A_1196 : i32 to vector<16xi32>
      %broadcast_in_dim3A_1250 = arith.constant 1 : i32
      %broadcast_in_dim3A_1251 = vector.broadcast %broadcast_in_dim3A_1250 : i32 to vector<16xi32>
      %add3A_1252 = arith.constant 0 : i32
      %add3A_1253 = vector.broadcast %add3A_1252 : i32 to vector<16xi32>
      %add3A_1254 = arith.addi %iota3A, %add3A_1253 : vector<16xi32>
      %gather3A_1255 = tpu.vector_load_idx %arg10[%broadcast_in_dim3A_1251, %add3A_1254, %broadcast_in_dim3A_1249] : memref<8x64x128xf32, #tpu.memory_space<vmem>>[vector<16xi32>, vector<16xi32>, vector<16xi32>], vector<16xf32>,
      %and3A_1256 = arith.constant 255 : i32
      %and3A_1257 = arith.andi %sub3A_1248, %and3A_1256 : i32
      %swap3A_1258 = arith.index_cast %and3A_1257 : i32 to index
      %swap3A_1259 = arith.constant 0 : index
      %swap3A_1260 = tpu.vector_load %arg11[%swap3A_1258, %swap3A_1259] {strides = array<i32>} : memref<256x64xf32, #tpu.memory_space<vmem>>, vector<16xf32>,
      tpu.vector_store %arg11[%swap3A_1258, %swap3A_1259], %gather3A_1255 {strides = array<i32>} : memref<256x64xf32, #tpu.memory_space<vmem>>, vector<16xf32>,
      %add3A_1261 = arith.constant 16 : i32
      %add3A_1262 = vector.broadcast %add3A_1261 : i32 to vector<16xi32>
      %add3A_1263 = arith.addi %iota3A, %add3A_1262 : vector<16xi32>
      %gather3A_1264 = tpu.vector_load_idx %arg10[%broadcast_in_dim3A_1251, %add3A_1263, %broadcast_in_dim3A_1249] : memref<8x64x128xf32, #tpu.memory_space<vmem>>[vector<16xi32>, vector<16xi32>, vector<16xi32>], vector<16xf32>,
      %and3A_1265 = arith.constant 255 : i32
      %and3A_1266 = arith.andi %sub3A_1248, %and3A_1265 : i32
      %swap3A_1267 = arith.index_cast %and3A_1266 : i32 to index
      %swap3A_1268 = arith.constant 16 : index
      %swap3A_1269 = tpu.vector_load %arg11[%swap3A_1267, %swap3A_1268] {strides = array<i32>} : memref<256x64xf32, #tpu.memory_space<vmem>>, vector<16xf32>,
      tpu.vector_store %arg11[%swap3A_1267, %swap3A_1268], %gather3A_1264 {strides = array<i32>} : memref<256x64xf32, #tpu.memory_space<vmem>>, vector<16xf32>,
      %add3A_1270 = arith.constant 32 : i32
      %add3A_1271 = vector.broadcast %add3A_1270 : i32 to vector<16xi32>
      %add3A_1272 = arith.addi %iota3A, %add3A_1271 : vector<16xi32>
      %gather3A_1273 = tpu.vector_load_idx %arg10[%broadcast_in_dim3A_1251, %add3A_1272, %broadcast_in_dim3A_1249] : memref<8x64x128xf32, #tpu.memory_space<vmem>>[vector<16xi32>, vector<16xi32>, vector<16xi32>], vector<16xf32>,
      %and3A_1274 = arith.constant 255 : i32
      %and3A_1275 = arith.andi %sub3A_1248, %and3A_1274 : i32
      %swap3A_1276 = arith.index_cast %and3A_1275 : i32 to index
      %swap3A_1277 = arith.constant 32 : index
      %swap3A_1278 = tpu.vector_load %arg11[%swap3A_1276, %swap3A_1277] {strides = array<i32>} : memref<256x64xf32, #tpu.memory_space<vmem>>, vector<16xf32>,
      tpu.vector_store %arg11[%swap3A_1276, %swap3A_1277], %gather3A_1273 {strides = array<i32>} : memref<256x64xf32, #tpu.memory_space<vmem>>, vector<16xf32>,
      %add3A_1279 = arith.constant 48 : i32
      %add3A_1280 = vector.broadcast %add3A_1279 : i32 to vector<16xi32>
      %add3A_1281 = arith.addi %iota3A, %add3A_1280 : vector<16xi32>
      %gather3A_1282 = tpu.vector_load_idx %arg10[%broadcast_in_dim3A_1251, %add3A_1281, %broadcast_in_dim3A_1249] : memref<8x64x128xf32, #tpu.memory_space<vmem>>[vector<16xi32>, vector<16xi32>, vector<16xi32>], vector<16xf32>,
      %and3A_1283 = arith.constant 255 : i32
      %and3A_1284 = arith.andi %sub3A_1248, %and3A_1283 : i32
      %swap3A_1285 = arith.index_cast %and3A_1284 : i32 to index
      %swap3A_1286 = arith.constant 48 : index
      %swap3A_1287 = tpu.vector_load %arg11[%swap3A_1285, %swap3A_1286] {strides = array<i32>} : memref<256x64xf32, #tpu.memory_space<vmem>>, vector<16xf32>,
      tpu.vector_store %arg11[%swap3A_1285, %swap3A_1286], %gather3A_1282 {strides = array<i32>} : memref<256x64xf32, #tpu.memory_space<vmem>>, vector<16xf32>,
      %slice3A_1288 = vector.extract_strided_slice %get3A_1206 {offsets = [1], sizes = [1], strides = [1]} : vector<16xi32> to vector<1xi32>
      %squeeze3A_1289 = vector.extract %slice3A_1288[0] : i32 from vector<1xi32>
      %shift_right_arithmetic3A_1290 = arith.constant 7 : i32
      %shift_right_arithmetic3A_1291 = arith.shrsi %squeeze3A_1289, %shift_right_arithmetic3A_1290 : i32
      %mul3A_1292 = arith.constant 128 : i32
      %mul3A_1293 = arith.muli %shift_right_arithmetic3A_1291, %mul3A_1292 : i32
      %multiple_of3A_1294 = tpu.assume_multiple %mul3A_1293, 128 : i32
      %dma_start3A_1295 = arith.constant 1 : i32
      %dma_start3A_1296 = arith.constant 0 : i32
      %dma_start3A_1297 = arith.constant 0 : i32
      %dma_start3A_1298 = tpu.memref_slice %arg10[%dma_start3A_1295, %dma_start3A_1296, %dma_start3A_1297] : memref<8x64x128xf32, #tpu.memory_space<vmem>> -> memref<1x64x128xf32, #tpu.memory_space<vmem>>
      %dma_start3A_1299 = tpu.memref_squeeze %dma_start3A_1298 : memref<1x64x128xf32, #tpu.memory_space<vmem>> -> memref<64x128xf32, #tpu.memory_space<vmem>>
      %dma_start3A_1300 = arith.constant 0 : i32
      %dma_start3A_1301 = tpu.memref_slice %arg2[%dma_start3A_1300, %multiple_of3A_1294] : memref<64x1000000xf32, #tpu.memory_space<hbm>> -> memref<64x128xf32, #tpu.memory_space<hbm>>
      %dma_start3A_1302 = arith.constant 0 : i32
      %dma_start3A_1303 = arith.constant 0 : i32
      %dma_start3A_1304 = tpu.memref_slice %arg10[%dma_start3A_1295, %dma_start3A_1302, %dma_start3A_1303] : memref<8x64x128xf32, #tpu.memory_space<vmem>> -> memref<1x64x128xf32, #tpu.memory_space<vmem>>
      %dma_start3A_1305 = tpu.memref_squeeze %dma_start3A_1304 : memref<1x64x128xf32, #tpu.memory_space<vmem>> -> memref<64x128xf32, #tpu.memory_space<vmem>>
      %dma_start3A_1306 = arith.constant 0 : i32
      %dma_start3A_1307 = tpu.memref_slice %arg2[%dma_start3A_1306, %multiple_of3A_1294] : memref<64x1000000xf32, #tpu.memory_space<hbm>> -> memref<64x128xf32, #tpu.memory_space<hbm>>
      tpu.enqueue_dma source(%dma_start3A_1307 : memref<64x128xf32, #tpu.memory_space<hbm>>) target(%dma_start3A_1305 : memref<64x128xf32, #tpu.memory_space<vmem>>) target_semaphore(%arg13 : memref<!tpu.dma_semaphore, #tpu.memory_space<semaphore_mem>>)
      %and3A_1308 = arith.constant 127 : i32
      %and3A_1309 = arith.andi %squeeze3A_1289, %and3A_1308 : i32
      %dma_wait3A_1310 = arith.constant 2 : i32
      %dma_wait3A_1311 = arith.constant 0 : i32
      %dma_wait3A_1312 = arith.constant 0 : i32
      %dma_wait3A_1313 = tpu.memref_slice %arg10[%dma_wait3A_1310, %dma_wait3A_1311, %dma_wait3A_1312] : memref<8x64x128xf32, #tpu.memory_space<vmem>> -> memref<1x64x128xf32, #tpu.memory_space<vmem>>
      %dma_wait3A_1314 = tpu.memref_squeeze %dma_wait3A_1313 : memref<1x64x128xf32, #tpu.memory_space<vmem>> -> memref<64x128xf32, #tpu.memory_space<vmem>>
      %dma_wait3A_1315 = arith.constant 0 : i32
      %dma_wait3A_1316 = arith.constant 0 : i32
      %dma_wait3A_1317 = tpu.memref_slice %arg2[%dma_wait3A_1315, %dma_wait3A_1316] : memref<64x1000000xf32, #tpu.memory_space<hbm>> -> memref<64x128xf32, #tpu.memory_space<hbm>>
      %dma_wait3A_1318 = arith.constant 0 : i32
      %dma_wait3A_1319 = arith.constant 0 : i32
      %dma_wait3A_1320 = tpu.memref_slice %arg10[%dma_wait3A_1310, %dma_wait3A_1318, %dma_wait3A_1319] : memref<8x64x128xf32, #tpu.memory_space<vmem>> -> memref<1x64x128xf32, #tpu.memory_space<vmem>>
      %dma_wait3A_1321 = tpu.memref_squeeze %dma_wait3A_1320 : memref<1x64x128xf32, #tpu.memory_space<vmem>> -> memref<64x128xf32, #tpu.memory_space<vmem>>
      %dma_wait3A_1322 = arith.constant 0 : i32
      %dma_wait3A_1323 = arith.constant 0 : i32
      %dma_wait3A_1324 = tpu.memref_slice %arg2[%dma_wait3A_1322, %dma_wait3A_1323] : memref<64x1000000xf32, #tpu.memory_space<hbm>> -> memref<64x128xf32, #tpu.memory_space<hbm>>
      tpu.wait_dma2 semaphore(%arg14 : memref<!tpu.dma_semaphore, #tpu.memory_space<semaphore_mem>>) src(%dma_wait3A_1324 : memref<64x128xf32, #tpu.memory_space<hbm>>) dst(%dma_wait3A_1321 : memref<64x128xf32, #tpu.memory_space<vmem>>)
      %mul3A_1325 = arith.constant 16 : i32
      %mul3A_1326 = arith.muli %scan3A_1195, %mul3A_1325 : i32
      %add3A_1327 = arith.constant 1 : i32
      %add3A_1328 = arith.addi %mul3A_1326, %add3A_1327 : i32
      %sub3A_1329 = arith.constant 7 : i32
      %sub3A_1330 = arith.subi %add3A_1328, %sub3A_1329 : i32
      %broadcast_in_dim3A_1331 = vector.broadcast %scan3A_1197 : i32 to vector<16xi32>
      %broadcast_in_dim3A_1332 = arith.constant 2 : i32
      %broadcast_in_dim3A_1333 = vector.broadcast %broadcast_in_dim3A_1332 : i32 to vector<16xi32>
      %add3A_1334 = arith.constant 0 : i32
      %add3A_1335 = vector.broadcast %add3A_1334 : i32 to vector<16xi32>
      %add3A_1336 = arith.addi %iota3A, %add3A_1335 : vector<16xi32>
      %gather3A_1337 = tpu.vector_load_idx %arg10[%broadcast_in_dim3A_1333, %add3A_1336, %broadcast_in_dim3A_1331] : memref<8x64x128xf32, #tpu.memory_space<vmem>>[vector<16xi32>, vector<16xi32>, vector<16xi32>], vector<16xf32>,
      %and3A_1338 = arith.constant 255 : i32
      %and3A_1339 = arith.andi %sub3A_1330, %and3A_1338 : i32
      %swap3A_1340 = arith.index_cast %and3A_1339 : i32 to index
      %swap3A_1341 = arith.constant 0 : index
      %swap3A_1342 = tpu.vector_load %arg11[%swap3A_1340, %swap3A_1341] {strides = array<i32>} : memref<256x64xf32, #tpu.memory_space<vmem>>, vector<16xf32>,
      tpu.vector_store %arg11[%swap3A_1340, %swap3A_1341], %gather3A_1337 {strides = array<i32>} : memref<256x64xf32, #tpu.memory_space<vmem>>, vector<16xf32>,
      %add3A_1343 = arith.constant 16 : i32
      %add3A_1344 = vector.broadcast %add3A_1343 : i32 to vector<16xi32>
      %add3A_1345 = arith.addi %iota3A, %add3A_1344 : vector<16xi32>
      %gather3A_1346 = tpu.vector_load_idx %arg10[%broadcast_in_dim3A_1333, %add3A_1345, %broadcast_in_dim3A_1331] : memref<8x64x128xf32, #tpu.memory_space<vmem>>[vector<16xi32>, vector<16xi32>, vector<16xi32>], vector<16xf32>,
      %and3A_1347 = arith.constant 255 : i32
      %and3A_1348 = arith.andi %sub3A_1330, %and3A_1347 : i32
      %swap3A_1349 = arith.index_cast %and3A_1348 : i32 to index
      %swap3A_1350 = arith.constant 16 : index
      %swap3A_1351 = tpu.vector_load %arg11[%swap3A_1349, %swap3A_1350] {strides = array<i32>} : memref<256x64xf32, #tpu.memory_space<vmem>>, vector<16xf32>,
      tpu.vector_store %arg11[%swap3A_1349, %swap3A_1350], %gather3A_1346 {strides = array<i32>} : memref<256x64xf32, #tpu.memory_space<vmem>>, vector<16xf32>,
      %add3A_1352 = arith.constant 32 : i32
      %add3A_1353 = vector.broadcast %add3A_1352 : i32 to vector<16xi32>
      %add3A_1354 = arith.addi %iota3A, %add3A_1353 : vector<16xi32>
      %gather3A_1355 = tpu.vector_load_idx %arg10[%broadcast_in_dim3A_1333, %add3A_1354, %broadcast_in_dim3A_1331] : memref<8x64x128xf32, #tpu.memory_space<vmem>>[vector<16xi32>, vector<16xi32>, vector<16xi32>], vector<16xf32>,
      %and3A_1356 = arith.constant 255 : i32
      %and3A_1357 = arith.andi %sub3A_1330, %and3A_1356 : i32
      %swap3A_1358 = arith.index_cast %and3A_1357 : i32 to index
      %swap3A_1359 = arith.constant 32 : index
      %swap3A_1360 = tpu.vector_load %arg11[%swap3A_1358, %swap3A_1359] {strides = array<i32>} : memref<256x64xf32, #tpu.memory_space<vmem>>, vector<16xf32>,
      tpu.vector_store %arg11[%swap3A_1358, %swap3A_1359], %gather3A_1355 {strides = array<i32>} : memref<256x64xf32, #tpu.memory_space<vmem>>, vector<16xf32>,
      %add3A_1361 = arith.constant 48 : i32
      %add3A_1362 = vector.broadcast %add3A_1361 : i32 to vector<16xi32>
      %add3A_1363 = arith.addi %iota3A, %add3A_1362 : vector<16xi32>
      %gather3A_1364 = tpu.vector_load_idx %arg10[%broadcast_in_dim3A_1333, %add3A_1363, %broadcast_in_dim3A_1331] : memref<8x64x128xf32, #tpu.memory_space<vmem>>[vector<16xi32>, vector<16xi32>, vector<16xi32>], vector<16xf32>,
      %and3A_1365 = arith.constant 255 : i32
      %and3A_1366 = arith.andi %sub3A_1330, %and3A_1365 : i32
      %swap3A_1367 = arith.index_cast %and3A_1366 : i32 to index
      %swap3A_1368 = arith.constant 48 : index
      %swap3A_1369 = tpu.vector_load %arg11[%swap3A_1367, %swap3A_1368] {strides = array<i32>} : memref<256x64xf32, #tpu.memory_space<vmem>>, vector<16xf32>,
      tpu.vector_store %arg11[%swap3A_1367, %swap3A_1368], %gather3A_1364 {strides = array<i32>} : memref<256x64xf32, #tpu.memory_space<vmem>>, vector<16xf32>,
      %slice3A_1370 = vector.extract_strided_slice %get3A_1206 {offsets = [2], sizes = [1], strides = [1]} : vector<16xi32> to vector<1xi32>
      %squeeze3A_1371 = vector.extract %slice3A_1370[0] : i32 from vector<1xi32>
      %shift_right_arithmetic3A_1372 = arith.constant 7 : i32
      %shift_right_arithmetic3A_1373 = arith.shrsi %squeeze3A_1371, %shift_right_arithmetic3A_1372 : i32
      %mul3A_1374 = arith.constant 128 : i32
      %mul3A_1375 = arith.muli %shift_right_arithmetic3A_1373, %mul3A_1374 : i32
      %multiple_of3A_1376 = tpu.assume_multiple %mul3A_1375, 128 : i32
      %dma_start3A_1377 = arith.constant 2 : i32
      %dma_start3A_1378 = arith.constant 0 : i32
      %dma_start3A_1379 = arith.constant 0 : i32
      %dma_start3A_1380 = tpu.memref_slice %arg10[%dma_start3A_1377, %dma_start3A_1378, %dma_start3A_1379] : memref<8x64x128xf32, #tpu.memory_space<vmem>> -> memref<1x64x128xf32, #tpu.memory_space<vmem>>
      %dma_start3A_1381 = tpu.memref_squeeze %dma_start3A_1380 : memref<1x64x128xf32, #tpu.memory_space<vmem>> -> memref<64x128xf32, #tpu.memory_space<vmem>>
      %dma_start3A_1382 = arith.constant 0 : i32
      %dma_start3A_1383 = tpu.memref_slice %arg2[%dma_start3A_1382, %multiple_of3A_1376] : memref<64x1000000xf32, #tpu.memory_space<hbm>> -> memref<64x128xf32, #tpu.memory_space<hbm>>
      %dma_start3A_1384 = arith.constant 0 : i32
      %dma_start3A_1385 = arith.constant 0 : i32
      %dma_start3A_1386 = tpu.memref_slice %arg10[%dma_start3A_1377, %dma_start3A_1384, %dma_start3A_1385] : memref<8x64x128xf32, #tpu.memory_space<vmem>> -> memref<1x64x128xf32, #tpu.memory_space<vmem>>
      %dma_start3A_1387 = tpu.memref_squeeze %dma_start3A_1386 : memref<1x64x128xf32, #tpu.memory_space<vmem>> -> memref<64x128xf32, #tpu.memory_space<vmem>>
      %dma_start3A_1388 = arith.constant 0 : i32
      %dma_start3A_1389 = tpu.memref_slice %arg2[%dma_start3A_1388, %multiple_of3A_1376] : memref<64x1000000xf32, #tpu.memory_space<hbm>> -> memref<64x128xf32, #tpu.memory_space<hbm>>
      tpu.enqueue_dma source(%dma_start3A_1389 : memref<64x128xf32, #tpu.memory_space<hbm>>) target(%dma_start3A_1387 : memref<64x128xf32, #tpu.memory_space<vmem>>) target_semaphore(%arg14 : memref<!tpu.dma_semaphore, #tpu.memory_space<semaphore_mem>>)
      %and3A_1390 = arith.constant 127 : i32
      %and3A_1391 = arith.andi %squeeze3A_1371, %and3A_1390 : i32
      %dma_wait3A_1392 = arith.constant 3 : i32
      %dma_wait3A_1393 = arith.constant 0 : i32
      %dma_wait3A_1394 = arith.constant 0 : i32
      %dma_wait3A_1395 = tpu.memref_slice %arg10[%dma_wait3A_1392, %dma_wait3A_1393, %dma_wait3A_1394] : memref<8x64x128xf32, #tpu.memory_space<vmem>> -> memref<1x64x128xf32, #tpu.memory_space<vmem>>
      %dma_wait3A_1396 = tpu.memref_squeeze %dma_wait3A_1395 : memref<1x64x128xf32, #tpu.memory_space<vmem>> -> memref<64x128xf32, #tpu.memory_space<vmem>>
      %dma_wait3A_1397 = arith.constant 0 : i32
      %dma_wait3A_1398 = arith.constant 0 : i32
      %dma_wait3A_1399 = tpu.memref_slice %arg2[%dma_wait3A_1397, %dma_wait3A_1398] : memref<64x1000000xf32, #tpu.memory_space<hbm>> -> memref<64x128xf32, #tpu.memory_space<hbm>>
      %dma_wait3A_1400 = arith.constant 0 : i32
      %dma_wait3A_1401 = arith.constant 0 : i32
      %dma_wait3A_1402 = tpu.memref_slice %arg10[%dma_wait3A_1392, %dma_wait3A_1400, %dma_wait3A_1401] : memref<8x64x128xf32, #tpu.memory_space<vmem>> -> memref<1x64x128xf32, #tpu.memory_space<vmem>>
      %dma_wait3A_1403 = tpu.memref_squeeze %dma_wait3A_1402 : memref<1x64x128xf32, #tpu.memory_space<vmem>> -> memref<64x128xf32, #tpu.memory_space<vmem>>
      %dma_wait3A_1404 = arith.constant 0 : i32
      %dma_wait3A_1405 = arith.constant 0 : i32
      %dma_wait3A_1406 = tpu.memref_slice %arg2[%dma_wait3A_1404, %dma_wait3A_1405] : memref<64x1000000xf32, #tpu.memory_space<hbm>> -> memref<64x128xf32, #tpu.memory_space<hbm>>
      tpu.wait_dma2 semaphore(%arg15 : memref<!tpu.dma_semaphore, #tpu.memory_space<semaphore_mem>>) src(%dma_wait3A_1406 : memref<64x128xf32, #tpu.memory_space<hbm>>) dst(%dma_wait3A_1403 : memref<64x128xf32, #tpu.memory_space<vmem>>)
      %mul3A_1407 = arith.constant 16 : i32
      %mul3A_1408 = arith.muli %scan3A_1195, %mul3A_1407 : i32
      %add3A_1409 = arith.constant 2 : i32
      %add3A_1410 = arith.addi %mul3A_1408, %add3A_1409 : i32
      %sub3A_1411 = arith.constant 7 : i32
      %sub3A_1412 = arith.subi %add3A_1410, %sub3A_1411 : i32
      %broadcast_in_dim3A_1413 = vector.broadcast %scan3A_1198 : i32 to vector<16xi32>
      %broadcast_in_dim3A_1414 = arith.constant 3 : i32
      %broadcast_in_dim3A_1415 = vector.broadcast %broadcast_in_dim3A_1414 : i32 to vector<16xi32>
      %add3A_1416 = arith.constant 0 : i32
      %add3A_1417 = vector.broadcast %add3A_1416 : i32 to vector<16xi32>
      %add3A_1418 = arith.addi %iota3A, %add3A_1417 : vector<16xi32>
      %gather3A_1419 = tpu.vector_load_idx %arg10[%broadcast_in_dim3A_1415, %add3A_1418, %broadcast_in_dim3A_1413] : memref<8x64x128xf32, #tpu.memory_space<vmem>>[vector<16xi32>, vector<16xi32>, vector<16xi32>], vector<16xf32>,
      %and3A_1420 = arith.constant 255 : i32
      %and3A_1421 = arith.andi %sub3A_1412, %and3A_1420 : i32
      %swap3A_1422 = arith.index_cast %and3A_1421 : i32 to index
      %swap3A_1423 = arith.constant 0 : index
      %swap3A_1424 = tpu.vector_load %arg11[%swap3A_1422, %swap3A_1423] {strides = array<i32>} : memref<256x64xf32, #tpu.memory_space<vmem>>, vector<16xf32>,
      tpu.vector_store %arg11[%swap3A_1422, %swap3A_1423], %gather3A_1419 {strides = array<i32>} : memref<256x64xf32, #tpu.memory_space<vmem>>, vector<16xf32>,
      %add3A_1425 = arith.constant 16 : i32
      %add3A_1426 = vector.broadcast %add3A_1425 : i32 to vector<16xi32>
      %add3A_1427 = arith.addi %iota3A, %add3A_1426 : vector<16xi32>
      %gather3A_1428 = tpu.vector_load_idx %arg10[%broadcast_in_dim3A_1415, %add3A_1427, %broadcast_in_dim3A_1413] : memref<8x64x128xf32, #tpu.memory_space<vmem>>[vector<16xi32>, vector<16xi32>, vector<16xi32>], vector<16xf32>,
      %and3A_1429 = arith.constant 255 : i32
      %and3A_1430 = arith.andi %sub3A_1412, %and3A_1429 : i32
      %swap3A_1431 = arith.index_cast %and3A_1430 : i32 to index
      %swap3A_1432 = arith.constant 16 : index
      %swap3A_1433 = tpu.vector_load %arg11[%swap3A_1431, %swap3A_1432] {strides = array<i32>} : memref<256x64xf32, #tpu.memory_space<vmem>>, vector<16xf32>,
      tpu.vector_store %arg11[%swap3A_1431, %swap3A_1432], %gather3A_1428 {strides = array<i32>} : memref<256x64xf32, #tpu.memory_space<vmem>>, vector<16xf32>,
      %add3A_1434 = arith.constant 32 : i32
      %add3A_1435 = vector.broadcast %add3A_1434 : i32 to vector<16xi32>
      %add3A_1436 = arith.addi %iota3A, %add3A_1435 : vector<16xi32>
      %gather3A_1437 = tpu.vector_load_idx %arg10[%broadcast_in_dim3A_1415, %add3A_1436, %broadcast_in_dim3A_1413] : memref<8x64x128xf32, #tpu.memory_space<vmem>>[vector<16xi32>, vector<16xi32>, vector<16xi32>], vector<16xf32>,
      %and3A_1438 = arith.constant 255 : i32
      %and3A_1439 = arith.andi %sub3A_1412, %and3A_1438 : i32
      %swap3A_1440 = arith.index_cast %and3A_1439 : i32 to index
      %swap3A_1441 = arith.constant 32 : index
      %swap3A_1442 = tpu.vector_load %arg11[%swap3A_1440, %swap3A_1441] {strides = array<i32>} : memref<256x64xf32, #tpu.memory_space<vmem>>, vector<16xf32>,
      tpu.vector_store %arg11[%swap3A_1440, %swap3A_1441], %gather3A_1437 {strides = array<i32>} : memref<256x64xf32, #tpu.memory_space<vmem>>, vector<16xf32>,
      %add3A_1443 = arith.constant 48 : i32
      %add3A_1444 = vector.broadcast %add3A_1443 : i32 to vector<16xi32>
      %add3A_1445 = arith.addi %iota3A, %add3A_1444 : vector<16xi32>
      %gather3A_1446 = tpu.vector_load_idx %arg10[%broadcast_in_dim3A_1415, %add3A_1445, %broadcast_in_dim3A_1413] : memref<8x64x128xf32, #tpu.memory_space<vmem>>[vector<16xi32>, vector<16xi32>, vector<16xi32>], vector<16xf32>,
      %and3A_1447 = arith.constant 255 : i32
      %and3A_1448 = arith.andi %sub3A_1412, %and3A_1447 : i32
      %swap3A_1449 = arith.index_cast %and3A_1448 : i32 to index
      %swap3A_1450 = arith.constant 48 : index
      %swap3A_1451 = tpu.vector_load %arg11[%swap3A_1449, %swap3A_1450] {strides = array<i32>} : memref<256x64xf32, #tpu.memory_space<vmem>>, vector<16xf32>,
      tpu.vector_store %arg11[%swap3A_1449, %swap3A_1450], %gather3A_1446 {strides = array<i32>} : memref<256x64xf32, #tpu.memory_space<vmem>>, vector<16xf32>,
      %slice3A_1452 = vector.extract_strided_slice %get3A_1206 {offsets = [3], sizes = [1], strides = [1]} : vector<16xi32> to vector<1xi32>
      %squeeze3A_1453 = vector.extract %slice3A_1452[0] : i32 from vector<1xi32>
      %shift_right_arithmetic3A_1454 = arith.constant 7 : i32
      %shift_right_arithmetic3A_1455 = arith.shrsi %squeeze3A_1453, %shift_right_arithmetic3A_1454 : i32
      %mul3A_1456 = arith.constant 128 : i32
      %mul3A_1457 = arith.muli %shift_right_arithmetic3A_1455, %mul3A_1456 : i32
      %multiple_of3A_1458 = tpu.assume_multiple %mul3A_1457, 128 : i32
      %dma_start3A_1459 = arith.constant 3 : i32
      %dma_start3A_1460 = arith.constant 0 : i32
      %dma_start3A_1461 = arith.constant 0 : i32
      %dma_start3A_1462 = tpu.memref_slice %arg10[%dma_start3A_1459, %dma_start3A_1460, %dma_start3A_1461] : memref<8x64x128xf32, #tpu.memory_space<vmem>> -> memref<1x64x128xf32, #tpu.memory_space<vmem>>
      %dma_start3A_1463 = tpu.memref_squeeze %dma_start3A_1462 : memref<1x64x128xf32, #tpu.memory_space<vmem>> -> memref<64x128xf32, #tpu.memory_space<vmem>>
      %dma_start3A_1464 = arith.constant 0 : i32
      %dma_start3A_1465 = tpu.memref_slice %arg2[%dma_start3A_1464, %multiple_of3A_1458] : memref<64x1000000xf32, #tpu.memory_space<hbm>> -> memref<64x128xf32, #tpu.memory_space<hbm>>
      %dma_start3A_1466 = arith.constant 0 : i32
      %dma_start3A_1467 = arith.constant 0 : i32
      %dma_start3A_1468 = tpu.memref_slice %arg10[%dma_start3A_1459, %dma_start3A_1466, %dma_start3A_1467] : memref<8x64x128xf32, #tpu.memory_space<vmem>> -> memref<1x64x128xf32, #tpu.memory_space<vmem>>
      %dma_start3A_1469 = tpu.memref_squeeze %dma_start3A_1468 : memref<1x64x128xf32, #tpu.memory_space<vmem>> -> memref<64x128xf32, #tpu.memory_space<vmem>>
      %dma_start3A_1470 = arith.constant 0 : i32
      %dma_start3A_1471 = tpu.memref_slice %arg2[%dma_start3A_1470, %multiple_of3A_1458] : memref<64x1000000xf32, #tpu.memory_space<hbm>> -> memref<64x128xf32, #tpu.memory_space<hbm>>
      tpu.enqueue_dma source(%dma_start3A_1471 : memref<64x128xf32, #tpu.memory_space<hbm>>) target(%dma_start3A_1469 : memref<64x128xf32, #tpu.memory_space<vmem>>) target_semaphore(%arg15 : memref<!tpu.dma_semaphore, #tpu.memory_space<semaphore_mem>>)
      %and3A_1472 = arith.constant 127 : i32
      %and3A_1473 = arith.andi %squeeze3A_1453, %and3A_1472 : i32
      %dma_wait3A_1474 = arith.constant 4 : i32
      %dma_wait3A_1475 = arith.constant 0 : i32
      %dma_wait3A_1476 = arith.constant 0 : i32
      %dma_wait3A_1477 = tpu.memref_slice %arg10[%dma_wait3A_1474, %dma_wait3A_1475, %dma_wait3A_1476] : memref<8x64x128xf32, #tpu.memory_space<vmem>> -> memref<1x64x128xf32, #tpu.memory_space<vmem>>
      %dma_wait3A_1478 = tpu.memref_squeeze %dma_wait3A_1477 : memref<1x64x128xf32, #tpu.memory_space<vmem>> -> memref<64x128xf32, #tpu.memory_space<vmem>>
      %dma_wait3A_1479 = arith.constant 0 : i32
      %dma_wait3A_1480 = arith.constant 0 : i32
      %dma_wait3A_1481 = tpu.memref_slice %arg2[%dma_wait3A_1479, %dma_wait3A_1480] : memref<64x1000000xf32, #tpu.memory_space<hbm>> -> memref<64x128xf32, #tpu.memory_space<hbm>>
      %dma_wait3A_1482 = arith.constant 0 : i32
      %dma_wait3A_1483 = arith.constant 0 : i32
      %dma_wait3A_1484 = tpu.memref_slice %arg10[%dma_wait3A_1474, %dma_wait3A_1482, %dma_wait3A_1483] : memref<8x64x128xf32, #tpu.memory_space<vmem>> -> memref<1x64x128xf32, #tpu.memory_space<vmem>>
      %dma_wait3A_1485 = tpu.memref_squeeze %dma_wait3A_1484 : memref<1x64x128xf32, #tpu.memory_space<vmem>> -> memref<64x128xf32, #tpu.memory_space<vmem>>
      %dma_wait3A_1486 = arith.constant 0 : i32
      %dma_wait3A_1487 = arith.constant 0 : i32
      %dma_wait3A_1488 = tpu.memref_slice %arg2[%dma_wait3A_1486, %dma_wait3A_1487] : memref<64x1000000xf32, #tpu.memory_space<hbm>> -> memref<64x128xf32, #tpu.memory_space<hbm>>
      tpu.wait_dma2 semaphore(%arg16 : memref<!tpu.dma_semaphore, #tpu.memory_space<semaphore_mem>>) src(%dma_wait3A_1488 : memref<64x128xf32, #tpu.memory_space<hbm>>) dst(%dma_wait3A_1485 : memref<64x128xf32, #tpu.memory_space<vmem>>)
      %mul3A_1489 = arith.constant 16 : i32
      %mul3A_1490 = arith.muli %scan3A_1195, %mul3A_1489 : i32
      %add3A_1491 = arith.constant 3 : i32
      %add3A_1492 = arith.addi %mul3A_1490, %add3A_1491 : i32
      %sub3A_1493 = arith.constant 7 : i32
      %sub3A_1494 = arith.subi %add3A_1492, %sub3A_1493 : i32
      %broadcast_in_dim3A_1495 = vector.broadcast %scan3A_1199 : i32 to vector<16xi32>
      %broadcast_in_dim3A_1496 = arith.constant 4 : i32
      %broadcast_in_dim3A_1497 = vector.broadcast %broadcast_in_dim3A_1496 : i32 to vector<16xi32>
      %add3A_1498 = arith.constant 0 : i32
      %add3A_1499 = vector.broadcast %add3A_1498 : i32 to vector<16xi32>
      %add3A_1500 = arith.addi %iota3A, %add3A_1499 : vector<16xi32>
      %gather3A_1501 = tpu.vector_load_idx %arg10[%broadcast_in_dim3A_1497, %add3A_1500, %broadcast_in_dim3A_1495] : memref<8x64x128xf32, #tpu.memory_space<vmem>>[vector<16xi32>, vector<16xi32>, vector<16xi32>], vector<16xf32>,
      %and3A_1502 = arith.constant 255 : i32
      %and3A_1503 = arith.andi %sub3A_1494, %and3A_1502 : i32
      %swap3A_1504 = arith.index_cast %and3A_1503 : i32 to index
      %swap3A_1505 = arith.constant 0 : index
      %swap3A_1506 = tpu.vector_load %arg11[%swap3A_1504, %swap3A_1505] {strides = array<i32>} : memref<256x64xf32, #tpu.memory_space<vmem>>, vector<16xf32>,
      tpu.vector_store %arg11[%swap3A_1504, %swap3A_1505], %gather3A_1501 {strides = array<i32>} : memref<256x64xf32, #tpu.memory_space<vmem>>, vector<16xf32>,
      %add3A_1507 = arith.constant 16 : i32
      %add3A_1508 = vector.broadcast %add3A_1507 : i32 to vector<16xi32>
      %add3A_1509 = arith.addi %iota3A, %add3A_1508 : vector<16xi32>
      %gather3A_1510 = tpu.vector_load_idx %arg10[%broadcast_in_dim3A_1497, %add3A_1509, %broadcast_in_dim3A_1495] : memref<8x64x128xf32, #tpu.memory_space<vmem>>[vector<16xi32>, vector<16xi32>, vector<16xi32>], vector<16xf32>,
      %and3A_1511 = arith.constant 255 : i32
      %and3A_1512 = arith.andi %sub3A_1494, %and3A_1511 : i32
      %swap3A_1513 = arith.index_cast %and3A_1512 : i32 to index
      %swap3A_1514 = arith.constant 16 : index
      %swap3A_1515 = tpu.vector_load %arg11[%swap3A_1513, %swap3A_1514] {strides = array<i32>} : memref<256x64xf32, #tpu.memory_space<vmem>>, vector<16xf32>,
      tpu.vector_store %arg11[%swap3A_1513, %swap3A_1514], %gather3A_1510 {strides = array<i32>} : memref<256x64xf32, #tpu.memory_space<vmem>>, vector<16xf32>,
      %add3A_1516 = arith.constant 32 : i32
      %add3A_1517 = vector.broadcast %add3A_1516 : i32 to vector<16xi32>
      %add3A_1518 = arith.addi %iota3A, %add3A_1517 : vector<16xi32>
      %gather3A_1519 = tpu.vector_load_idx %arg10[%broadcast_in_dim3A_1497, %add3A_1518, %broadcast_in_dim3A_1495] : memref<8x64x128xf32, #tpu.memory_space<vmem>>[vector<16xi32>, vector<16xi32>, vector<16xi32>], vector<16xf32>,
      %and3A_1520 = arith.constant 255 : i32
      %and3A_1521 = arith.andi %sub3A_1494, %and3A_1520 : i32
      %swap3A_1522 = arith.index_cast %and3A_1521 : i32 to index
      %swap3A_1523 = arith.constant 32 : index
      %swap3A_1524 = tpu.vector_load %arg11[%swap3A_1522, %swap3A_1523] {strides = array<i32>} : memref<256x64xf32, #tpu.memory_space<vmem>>, vector<16xf32>,
      tpu.vector_store %arg11[%swap3A_1522, %swap3A_1523], %gather3A_1519 {strides = array<i32>} : memref<256x64xf32, #tpu.memory_space<vmem>>, vector<16xf32>,
      %add3A_1525 = arith.constant 48 : i32
      %add3A_1526 = vector.broadcast %add3A_1525 : i32 to vector<16xi32>
      %add3A_1527 = arith.addi %iota3A, %add3A_1526 : vector<16xi32>
      %gather3A_1528 = tpu.vector_load_idx %arg10[%broadcast_in_dim3A_1497, %add3A_1527, %broadcast_in_dim3A_1495] : memref<8x64x128xf32, #tpu.memory_space<vmem>>[vector<16xi32>, vector<16xi32>, vector<16xi32>], vector<16xf32>,
      %and3A_1529 = arith.constant 255 : i32
      %and3A_1530 = arith.andi %sub3A_1494, %and3A_1529 : i32
      %swap3A_1531 = arith.index_cast %and3A_1530 : i32 to index
      %swap3A_1532 = arith.constant 48 : index
      %swap3A_1533 = tpu.vector_load %arg11[%swap3A_1531, %swap3A_1532] {strides = array<i32>} : memref<256x64xf32, #tpu.memory_space<vmem>>, vector<16xf32>,
      tpu.vector_store %arg11[%swap3A_1531, %swap3A_1532], %gather3A_1528 {strides = array<i32>} : memref<256x64xf32, #tpu.memory_space<vmem>>, vector<16xf32>,
      %slice3A_1534 = vector.extract_strided_slice %get3A_1206 {offsets = [4], sizes = [1], strides = [1]} : vector<16xi32> to vector<1xi32>
      %squeeze3A_1535 = vector.extract %slice3A_1534[0] : i32 from vector<1xi32>
      %shift_right_arithmetic3A_1536 = arith.constant 7 : i32
      %shift_right_arithmetic3A_1537 = arith.shrsi %squeeze3A_1535, %shift_right_arithmetic3A_1536 : i32
      %mul3A_1538 = arith.constant 128 : i32
      %mul3A_1539 = arith.muli %shift_right_arithmetic3A_1537, %mul3A_1538 : i32
      %multiple_of3A_1540 = tpu.assume_multiple %mul3A_1539, 128 : i32
      %dma_start3A_1541 = arith.constant 4 : i32
      %dma_start3A_1542 = arith.constant 0 : i32
      %dma_start3A_1543 = arith.constant 0 : i32
      %dma_start3A_1544 = tpu.memref_slice %arg10[%dma_start3A_1541, %dma_start3A_1542, %dma_start3A_1543] : memref<8x64x128xf32, #tpu.memory_space<vmem>> -> memref<1x64x128xf32, #tpu.memory_space<vmem>>
      %dma_start3A_1545 = tpu.memref_squeeze %dma_start3A_1544 : memref<1x64x128xf32, #tpu.memory_space<vmem>> -> memref<64x128xf32, #tpu.memory_space<vmem>>
      %dma_start3A_1546 = arith.constant 0 : i32
      %dma_start3A_1547 = tpu.memref_slice %arg2[%dma_start3A_1546, %multiple_of3A_1540] : memref<64x1000000xf32, #tpu.memory_space<hbm>> -> memref<64x128xf32, #tpu.memory_space<hbm>>
      %dma_start3A_1548 = arith.constant 0 : i32
      %dma_start3A_1549 = arith.constant 0 : i32
      %dma_start3A_1550 = tpu.memref_slice %arg10[%dma_start3A_1541, %dma_start3A_1548, %dma_start3A_1549] : memref<8x64x128xf32, #tpu.memory_space<vmem>> -> memref<1x64x128xf32, #tpu.memory_space<vmem>>
      %dma_start3A_1551 = tpu.memref_squeeze %dma_start3A_1550 : memref<1x64x128xf32, #tpu.memory_space<vmem>> -> memref<64x128xf32, #tpu.memory_space<vmem>>
      %dma_start3A_1552 = arith.constant 0 : i32
      %dma_start3A_1553 = tpu.memref_slice %arg2[%dma_start3A_1552, %multiple_of3A_1540] : memref<64x1000000xf32, #tpu.memory_space<hbm>> -> memref<64x128xf32, #tpu.memory_space<hbm>>
      tpu.enqueue_dma source(%dma_start3A_1553 : memref<64x128xf32, #tpu.memory_space<hbm>>) target(%dma_start3A_1551 : memref<64x128xf32, #tpu.memory_space<vmem>>) target_semaphore(%arg16 : memref<!tpu.dma_semaphore, #tpu.memory_space<semaphore_mem>>)
      %and3A_1554 = arith.constant 127 : i32
      %and3A_1555 = arith.andi %squeeze3A_1535, %and3A_1554 : i32
      %dma_wait3A_1556 = arith.constant 5 : i32
      %dma_wait3A_1557 = arith.constant 0 : i32
      %dma_wait3A_1558 = arith.constant 0 : i32
      %dma_wait3A_1559 = tpu.memref_slice %arg10[%dma_wait3A_1556, %dma_wait3A_1557, %dma_wait3A_1558] : memref<8x64x128xf32, #tpu.memory_space<vmem>> -> memref<1x64x128xf32, #tpu.memory_space<vmem>>
      %dma_wait3A_1560 = tpu.memref_squeeze %dma_wait3A_1559 : memref<1x64x128xf32, #tpu.memory_space<vmem>> -> memref<64x128xf32, #tpu.memory_space<vmem>>
      %dma_wait3A_1561 = arith.constant 0 : i32
      %dma_wait3A_1562 = arith.constant 0 : i32
      %dma_wait3A_1563 = tpu.memref_slice %arg2[%dma_wait3A_1561, %dma_wait3A_1562] : memref<64x1000000xf32, #tpu.memory_space<hbm>> -> memref<64x128xf32, #tpu.memory_space<hbm>>
      %dma_wait3A_1564 = arith.constant 0 : i32
      %dma_wait3A_1565 = arith.constant 0 : i32
      %dma_wait3A_1566 = tpu.memref_slice %arg10[%dma_wait3A_1556, %dma_wait3A_1564, %dma_wait3A_1565] : memref<8x64x128xf32, #tpu.memory_space<vmem>> -> memref<1x64x128xf32, #tpu.memory_space<vmem>>
      %dma_wait3A_1567 = tpu.memref_squeeze %dma_wait3A_1566 : memref<1x64x128xf32, #tpu.memory_space<vmem>> -> memref<64x128xf32, #tpu.memory_space<vmem>>
      %dma_wait3A_1568 = arith.constant 0 : i32
      %dma_wait3A_1569 = arith.constant 0 : i32
      %dma_wait3A_1570 = tpu.memref_slice %arg2[%dma_wait3A_1568, %dma_wait3A_1569] : memref<64x1000000xf32, #tpu.memory_space<hbm>> -> memref<64x128xf32, #tpu.memory_space<hbm>>
      tpu.wait_dma2 semaphore(%arg17 : memref<!tpu.dma_semaphore, #tpu.memory_space<semaphore_mem>>) src(%dma_wait3A_1570 : memref<64x128xf32, #tpu.memory_space<hbm>>) dst(%dma_wait3A_1567 : memref<64x128xf32, #tpu.memory_space<vmem>>)
      %mul3A_1571 = arith.constant 16 : i32
      %mul3A_1572 = arith.muli %scan3A_1195, %mul3A_1571 : i32
      %add3A_1573 = arith.constant 4 : i32
      %add3A_1574 = arith.addi %mul3A_1572, %add3A_1573 : i32
      %sub3A_1575 = arith.constant 7 : i32
      %sub3A_1576 = arith.subi %add3A_1574, %sub3A_1575 : i32
      %broadcast_in_dim3A_1577 = vector.broadcast %scan3A_1200 : i32 to vector<16xi32>
      %broadcast_in_dim3A_1578 = arith.constant 5 : i32
      %broadcast_in_dim3A_1579 = vector.broadcast %broadcast_in_dim3A_1578 : i32 to vector<16xi32>
      %add3A_1580 = arith.constant 0 : i32
      %add3A_1581 = vector.broadcast %add3A_1580 : i32 to vector<16xi32>
      %add3A_1582 = arith.addi %iota3A, %add3A_1581 : vector<16xi32>
      %gather3A_1583 = tpu.vector_load_idx %arg10[%broadcast_in_dim3A_1579, %add3A_1582, %broadcast_in_dim3A_1577] : memref<8x64x128xf32, #tpu.memory_space<vmem>>[vector<16xi32>, vector<16xi32>, vector<16xi32>], vector<16xf32>,
      %and3A_1584 = arith.constant 255 : i32
      %and3A_1585 = arith.andi %sub3A_1576, %and3A_1584 : i32
      %swap3A_1586 = arith.index_cast %and3A_1585 : i32 to index
      %swap3A_1587 = arith.constant 0 : index
      %swap3A_1588 = tpu.vector_load %arg11[%swap3A_1586, %swap3A_1587] {strides = array<i32>} : memref<256x64xf32, #tpu.memory_space<vmem>>, vector<16xf32>,
      tpu.vector_store %arg11[%swap3A_1586, %swap3A_1587], %gather3A_1583 {strides = array<i32>} : memref<256x64xf32, #tpu.memory_space<vmem>>, vector<16xf32>,
      %add3A_1589 = arith.constant 16 : i32
      %add3A_1590 = vector.broadcast %add3A_1589 : i32 to vector<16xi32>
      %add3A_1591 = arith.addi %iota3A, %add3A_1590 : vector<16xi32>
      %gather3A_1592 = tpu.vector_load_idx %arg10[%broadcast_in_dim3A_1579, %add3A_1591, %broadcast_in_dim3A_1577] : memref<8x64x128xf32, #tpu.memory_space<vmem>>[vector<16xi32>, vector<16xi32>, vector<16xi32>], vector<16xf32>,
      %and3A_1593 = arith.constant 255 : i32
      %and3A_1594 = arith.andi %sub3A_1576, %and3A_1593 : i32
      %swap3A_1595 = arith.index_cast %and3A_1594 : i32 to index
      %swap3A_1596 = arith.constant 16 : index
      %swap3A_1597 = tpu.vector_load %arg11[%swap3A_1595, %swap3A_1596] {strides = array<i32>} : memref<256x64xf32, #tpu.memory_space<vmem>>, vector<16xf32>,
      tpu.vector_store %arg11[%swap3A_1595, %swap3A_1596], %gather3A_1592 {strides = array<i32>} : memref<256x64xf32, #tpu.memory_space<vmem>>, vector<16xf32>,
      %add3A_1598 = arith.constant 32 : i32
      %add3A_1599 = vector.broadcast %add3A_1598 : i32 to vector<16xi32>
      %add3A_1600 = arith.addi %iota3A, %add3A_1599 : vector<16xi32>
      %gather3A_1601 = tpu.vector_load_idx %arg10[%broadcast_in_dim3A_1579, %add3A_1600, %broadcast_in_dim3A_1577] : memref<8x64x128xf32, #tpu.memory_space<vmem>>[vector<16xi32>, vector<16xi32>, vector<16xi32>], vector<16xf32>,
      %and3A_1602 = arith.constant 255 : i32
      %and3A_1603 = arith.andi %sub3A_1576, %and3A_1602 : i32
      %swap3A_1604 = arith.index_cast %and3A_1603 : i32 to index
      %swap3A_1605 = arith.constant 32 : index
      %swap3A_1606 = tpu.vector_load %arg11[%swap3A_1604, %swap3A_1605] {strides = array<i32>} : memref<256x64xf32, #tpu.memory_space<vmem>>, vector<16xf32>,
      tpu.vector_store %arg11[%swap3A_1604, %swap3A_1605], %gather3A_1601 {strides = array<i32>} : memref<256x64xf32, #tpu.memory_space<vmem>>, vector<16xf32>,
      %add3A_1607 = arith.constant 48 : i32
      %add3A_1608 = vector.broadcast %add3A_1607 : i32 to vector<16xi32>
      %add3A_1609 = arith.addi %iota3A, %add3A_1608 : vector<16xi32>
      %gather3A_1610 = tpu.vector_load_idx %arg10[%broadcast_in_dim3A_1579, %add3A_1609, %broadcast_in_dim3A_1577] : memref<8x64x128xf32, #tpu.memory_space<vmem>>[vector<16xi32>, vector<16xi32>, vector<16xi32>], vector<16xf32>,
      %and3A_1611 = arith.constant 255 : i32
      %and3A_1612 = arith.andi %sub3A_1576, %and3A_1611 : i32
      %swap3A_1613 = arith.index_cast %and3A_1612 : i32 to index
      %swap3A_1614 = arith.constant 48 : index
      %swap3A_1615 = tpu.vector_load %arg11[%swap3A_1613, %swap3A_1614] {strides = array<i32>} : memref<256x64xf32, #tpu.memory_space<vmem>>, vector<16xf32>,
      tpu.vector_store %arg11[%swap3A_1613, %swap3A_1614], %gather3A_1610 {strides = array<i32>} : memref<256x64xf32, #tpu.memory_space<vmem>>, vector<16xf32>,
      %slice3A_1616 = vector.extract_strided_slice %get3A_1206 {offsets = [5], sizes = [1], strides = [1]} : vector<16xi32> to vector<1xi32>
      %squeeze3A_1617 = vector.extract %slice3A_1616[0] : i32 from vector<1xi32>
      %shift_right_arithmetic3A_1618 = arith.constant 7 : i32
      %shift_right_arithmetic3A_1619 = arith.shrsi %squeeze3A_1617, %shift_right_arithmetic3A_1618 : i32
      %mul3A_1620 = arith.constant 128 : i32
      %mul3A_1621 = arith.muli %shift_right_arithmetic3A_1619, %mul3A_1620 : i32
      %multiple_of3A_1622 = tpu.assume_multiple %mul3A_1621, 128 : i32
      %dma_start3A_1623 = arith.constant 5 : i32
      %dma_start3A_1624 = arith.constant 0 : i32
      %dma_start3A_1625 = arith.constant 0 : i32
      %dma_start3A_1626 = tpu.memref_slice %arg10[%dma_start3A_1623, %dma_start3A_1624, %dma_start3A_1625] : memref<8x64x128xf32, #tpu.memory_space<vmem>> -> memref<1x64x128xf32, #tpu.memory_space<vmem>>
      %dma_start3A_1627 = tpu.memref_squeeze %dma_start3A_1626 : memref<1x64x128xf32, #tpu.memory_space<vmem>> -> memref<64x128xf32, #tpu.memory_space<vmem>>
      %dma_start3A_1628 = arith.constant 0 : i32
      %dma_start3A_1629 = tpu.memref_slice %arg2[%dma_start3A_1628, %multiple_of3A_1622] : memref<64x1000000xf32, #tpu.memory_space<hbm>> -> memref<64x128xf32, #tpu.memory_space<hbm>>
      %dma_start3A_1630 = arith.constant 0 : i32
      %dma_start3A_1631 = arith.constant 0 : i32
      %dma_start3A_1632 = tpu.memref_slice %arg10[%dma_start3A_1623, %dma_start3A_1630, %dma_start3A_1631] : memref<8x64x128xf32, #tpu.memory_space<vmem>> -> memref<1x64x128xf32, #tpu.memory_space<vmem>>
      %dma_start3A_1633 = tpu.memref_squeeze %dma_start3A_1632 : memref<1x64x128xf32, #tpu.memory_space<vmem>> -> memref<64x128xf32, #tpu.memory_space<vmem>>
      %dma_start3A_1634 = arith.constant 0 : i32
      %dma_start3A_1635 = tpu.memref_slice %arg2[%dma_start3A_1634, %multiple_of3A_1622] : memref<64x1000000xf32, #tpu.memory_space<hbm>> -> memref<64x128xf32, #tpu.memory_space<hbm>>
      tpu.enqueue_dma source(%dma_start3A_1635 : memref<64x128xf32, #tpu.memory_space<hbm>>) target(%dma_start3A_1633 : memref<64x128xf32, #tpu.memory_space<vmem>>) target_semaphore(%arg17 : memref<!tpu.dma_semaphore, #tpu.memory_space<semaphore_mem>>)
      %and3A_1636 = arith.constant 127 : i32
      %and3A_1637 = arith.andi %squeeze3A_1617, %and3A_1636 : i32
      %dma_wait3A_1638 = arith.constant 6 : i32
      %dma_wait3A_1639 = arith.constant 0 : i32
      %dma_wait3A_1640 = arith.constant 0 : i32
      %dma_wait3A_1641 = tpu.memref_slice %arg10[%dma_wait3A_1638, %dma_wait3A_1639, %dma_wait3A_1640] : memref<8x64x128xf32, #tpu.memory_space<vmem>> -> memref<1x64x128xf32, #tpu.memory_space<vmem>>
      %dma_wait3A_1642 = tpu.memref_squeeze %dma_wait3A_1641 : memref<1x64x128xf32, #tpu.memory_space<vmem>> -> memref<64x128xf32, #tpu.memory_space<vmem>>
      %dma_wait3A_1643 = arith.constant 0 : i32
      %dma_wait3A_1644 = arith.constant 0 : i32
      %dma_wait3A_1645 = tpu.memref_slice %arg2[%dma_wait3A_1643, %dma_wait3A_1644] : memref<64x1000000xf32, #tpu.memory_space<hbm>> -> memref<64x128xf32, #tpu.memory_space<hbm>>
      %dma_wait3A_1646 = arith.constant 0 : i32
      %dma_wait3A_1647 = arith.constant 0 : i32
      %dma_wait3A_1648 = tpu.memref_slice %arg10[%dma_wait3A_1638, %dma_wait3A_1646, %dma_wait3A_1647] : memref<8x64x128xf32, #tpu.memory_space<vmem>> -> memref<1x64x128xf32, #tpu.memory_space<vmem>>
      %dma_wait3A_1649 = tpu.memref_squeeze %dma_wait3A_1648 : memref<1x64x128xf32, #tpu.memory_space<vmem>> -> memref<64x128xf32, #tpu.memory_space<vmem>>
      %dma_wait3A_1650 = arith.constant 0 : i32
      %dma_wait3A_1651 = arith.constant 0 : i32
      %dma_wait3A_1652 = tpu.memref_slice %arg2[%dma_wait3A_1650, %dma_wait3A_1651] : memref<64x1000000xf32, #tpu.memory_space<hbm>> -> memref<64x128xf32, #tpu.memory_space<hbm>>
      tpu.wait_dma2 semaphore(%arg18 : memref<!tpu.dma_semaphore, #tpu.memory_space<semaphore_mem>>) src(%dma_wait3A_1652 : memref<64x128xf32, #tpu.memory_space<hbm>>) dst(%dma_wait3A_1649 : memref<64x128xf32, #tpu.memory_space<vmem>>)
      %mul3A_1653 = arith.constant 16 : i32
      %mul3A_1654 = arith.muli %scan3A_1195, %mul3A_1653 : i32
      %add3A_1655 = arith.constant 5 : i32
      %add3A_1656 = arith.addi %mul3A_1654, %add3A_1655 : i32
      %sub3A_1657 = arith.constant 7 : i32
      %sub3A_1658 = arith.subi %add3A_1656, %sub3A_1657 : i32
      %broadcast_in_dim3A_1659 = vector.broadcast %scan3A_1201 : i32 to vector<16xi32>
      %broadcast_in_dim3A_1660 = arith.constant 6 : i32
      %broadcast_in_dim3A_1661 = vector.broadcast %broadcast_in_dim3A_1660 : i32 to vector<16xi32>
      %add3A_1662 = arith.constant 0 : i32
      %add3A_1663 = vector.broadcast %add3A_1662 : i32 to vector<16xi32>
      %add3A_1664 = arith.addi %iota3A, %add3A_1663 : vector<16xi32>
      %gather3A_1665 = tpu.vector_load_idx %arg10[%broadcast_in_dim3A_1661, %add3A_1664, %broadcast_in_dim3A_1659] : memref<8x64x128xf32, #tpu.memory_space<vmem>>[vector<16xi32>, vector<16xi32>, vector<16xi32>], vector<16xf32>,
      %and3A_1666 = arith.constant 255 : i32
      %and3A_1667 = arith.andi %sub3A_1658, %and3A_1666 : i32
      %swap3A_1668 = arith.index_cast %and3A_1667 : i32 to index
      %swap3A_1669 = arith.constant 0 : index
      %swap3A_1670 = tpu.vector_load %arg11[%swap3A_1668, %swap3A_1669] {strides = array<i32>} : memref<256x64xf32, #tpu.memory_space<vmem>>, vector<16xf32>,
      tpu.vector_store %arg11[%swap3A_1668, %swap3A_1669], %gather3A_1665 {strides = array<i32>} : memref<256x64xf32, #tpu.memory_space<vmem>>, vector<16xf32>,
      %add3A_1671 = arith.constant 16 : i32
      %add3A_1672 = vector.broadcast %add3A_1671 : i32 to vector<16xi32>
      %add3A_1673 = arith.addi %iota3A, %add3A_1672 : vector<16xi32>
      %gather3A_1674 = tpu.vector_load_idx %arg10[%broadcast_in_dim3A_1661, %add3A_1673, %broadcast_in_dim3A_1659] : memref<8x64x128xf32, #tpu.memory_space<vmem>>[vector<16xi32>, vector<16xi32>, vector<16xi32>], vector<16xf32>,
      %and3A_1675 = arith.constant 255 : i32
      %and3A_1676 = arith.andi %sub3A_1658, %and3A_1675 : i32
      %swap3A_1677 = arith.index_cast %and3A_1676 : i32 to index
      %swap3A_1678 = arith.constant 16 : index
      %swap3A_1679 = tpu.vector_load %arg11[%swap3A_1677, %swap3A_1678] {strides = array<i32>} : memref<256x64xf32, #tpu.memory_space<vmem>>, vector<16xf32>,
      tpu.vector_store %arg11[%swap3A_1677, %swap3A_1678], %gather3A_1674 {strides = array<i32>} : memref<256x64xf32, #tpu.memory_space<vmem>>, vector<16xf32>,
      %add3A_1680 = arith.constant 32 : i32
      %add3A_1681 = vector.broadcast %add3A_1680 : i32 to vector<16xi32>
      %add3A_1682 = arith.addi %iota3A, %add3A_1681 : vector<16xi32>
      %gather3A_1683 = tpu.vector_load_idx %arg10[%broadcast_in_dim3A_1661, %add3A_1682, %broadcast_in_dim3A_1659] : memref<8x64x128xf32, #tpu.memory_space<vmem>>[vector<16xi32>, vector<16xi32>, vector<16xi32>], vector<16xf32>,
      %and3A_1684 = arith.constant 255 : i32
      %and3A_1685 = arith.andi %sub3A_1658, %and3A_1684 : i32
      %swap3A_1686 = arith.index_cast %and3A_1685 : i32 to index
      %swap3A_1687 = arith.constant 32 : index
      %swap3A_1688 = tpu.vector_load %arg11[%swap3A_1686, %swap3A_1687] {strides = array<i32>} : memref<256x64xf32, #tpu.memory_space<vmem>>, vector<16xf32>,
      tpu.vector_store %arg11[%swap3A_1686, %swap3A_1687], %gather3A_1683 {strides = array<i32>} : memref<256x64xf32, #tpu.memory_space<vmem>>, vector<16xf32>,
      %add3A_1689 = arith.constant 48 : i32
      %add3A_1690 = vector.broadcast %add3A_1689 : i32 to vector<16xi32>
      %add3A_1691 = arith.addi %iota3A, %add3A_1690 : vector<16xi32>
      %gather3A_1692 = tpu.vector_load_idx %arg10[%broadcast_in_dim3A_1661, %add3A_1691, %broadcast_in_dim3A_1659] : memref<8x64x128xf32, #tpu.memory_space<vmem>>[vector<16xi32>, vector<16xi32>, vector<16xi32>], vector<16xf32>,
      %and3A_1693 = arith.constant 255 : i32
      %and3A_1694 = arith.andi %sub3A_1658, %and3A_1693 : i32
      %swap3A_1695 = arith.index_cast %and3A_1694 : i32 to index
      %swap3A_1696 = arith.constant 48 : index
      %swap3A_1697 = tpu.vector_load %arg11[%swap3A_1695, %swap3A_1696] {strides = array<i32>} : memref<256x64xf32, #tpu.memory_space<vmem>>, vector<16xf32>,
      tpu.vector_store %arg11[%swap3A_1695, %swap3A_1696], %gather3A_1692 {strides = array<i32>} : memref<256x64xf32, #tpu.memory_space<vmem>>, vector<16xf32>,
      %slice3A_1698 = vector.extract_strided_slice %get3A_1206 {offsets = [6], sizes = [1], strides = [1]} : vector<16xi32> to vector<1xi32>
      %squeeze3A_1699 = vector.extract %slice3A_1698[0] : i32 from vector<1xi32>
      %shift_right_arithmetic3A_1700 = arith.constant 7 : i32
      %shift_right_arithmetic3A_1701 = arith.shrsi %squeeze3A_1699, %shift_right_arithmetic3A_1700 : i32
      %mul3A_1702 = arith.constant 128 : i32
      %mul3A_1703 = arith.muli %shift_right_arithmetic3A_1701, %mul3A_1702 : i32
      %multiple_of3A_1704 = tpu.assume_multiple %mul3A_1703, 128 : i32
      %dma_start3A_1705 = arith.constant 6 : i32
      %dma_start3A_1706 = arith.constant 0 : i32
      %dma_start3A_1707 = arith.constant 0 : i32
      %dma_start3A_1708 = tpu.memref_slice %arg10[%dma_start3A_1705, %dma_start3A_1706, %dma_start3A_1707] : memref<8x64x128xf32, #tpu.memory_space<vmem>> -> memref<1x64x128xf32, #tpu.memory_space<vmem>>
      %dma_start3A_1709 = tpu.memref_squeeze %dma_start3A_1708 : memref<1x64x128xf32, #tpu.memory_space<vmem>> -> memref<64x128xf32, #tpu.memory_space<vmem>>
      %dma_start3A_1710 = arith.constant 0 : i32
      %dma_start3A_1711 = tpu.memref_slice %arg2[%dma_start3A_1710, %multiple_of3A_1704] : memref<64x1000000xf32, #tpu.memory_space<hbm>> -> memref<64x128xf32, #tpu.memory_space<hbm>>
      %dma_start3A_1712 = arith.constant 0 : i32
      %dma_start3A_1713 = arith.constant 0 : i32
      %dma_start3A_1714 = tpu.memref_slice %arg10[%dma_start3A_1705, %dma_start3A_1712, %dma_start3A_1713] : memref<8x64x128xf32, #tpu.memory_space<vmem>> -> memref<1x64x128xf32, #tpu.memory_space<vmem>>
      %dma_start3A_1715 = tpu.memref_squeeze %dma_start3A_1714 : memref<1x64x128xf32, #tpu.memory_space<vmem>> -> memref<64x128xf32, #tpu.memory_space<vmem>>
      %dma_start3A_1716 = arith.constant 0 : i32
      %dma_start3A_1717 = tpu.memref_slice %arg2[%dma_start3A_1716, %multiple_of3A_1704] : memref<64x1000000xf32, #tpu.memory_space<hbm>> -> memref<64x128xf32, #tpu.memory_space<hbm>>
      tpu.enqueue_dma source(%dma_start3A_1717 : memref<64x128xf32, #tpu.memory_space<hbm>>) target(%dma_start3A_1715 : memref<64x128xf32, #tpu.memory_space<vmem>>) target_semaphore(%arg18 : memref<!tpu.dma_semaphore, #tpu.memory_space<semaphore_mem>>)
      %and3A_1718 = arith.constant 127 : i32
      %and3A_1719 = arith.andi %squeeze3A_1699, %and3A_1718 : i32
      %dma_wait3A_1720 = arith.constant 7 : i32
      %dma_wait3A_1721 = arith.constant 0 : i32
      %dma_wait3A_1722 = arith.constant 0 : i32
      %dma_wait3A_1723 = tpu.memref_slice %arg10[%dma_wait3A_1720, %dma_wait3A_1721, %dma_wait3A_1722] : memref<8x64x128xf32, #tpu.memory_space<vmem>> -> memref<1x64x128xf32, #tpu.memory_space<vmem>>
      %dma_wait3A_1724 = tpu.memref_squeeze %dma_wait3A_1723 : memref<1x64x128xf32, #tpu.memory_space<vmem>> -> memref<64x128xf32, #tpu.memory_space<vmem>>
      %dma_wait3A_1725 = arith.constant 0 : i32
      %dma_wait3A_1726 = arith.constant 0 : i32
      %dma_wait3A_1727 = tpu.memref_slice %arg2[%dma_wait3A_1725, %dma_wait3A_1726] : memref<64x1000000xf32, #tpu.memory_space<hbm>> -> memref<64x128xf32, #tpu.memory_space<hbm>>
      %dma_wait3A_1728 = arith.constant 0 : i32
      %dma_wait3A_1729 = arith.constant 0 : i32
      %dma_wait3A_1730 = tpu.memref_slice %arg10[%dma_wait3A_1720, %dma_wait3A_1728, %dma_wait3A_1729] : memref<8x64x128xf32, #tpu.memory_space<vmem>> -> memref<1x64x128xf32, #tpu.memory_space<vmem>>
      %dma_wait3A_1731 = tpu.memref_squeeze %dma_wait3A_1730 : memref<1x64x128xf32, #tpu.memory_space<vmem>> -> memref<64x128xf32, #tpu.memory_space<vmem>>
      %dma_wait3A_1732 = arith.constant 0 : i32
      %dma_wait3A_1733 = arith.constant 0 : i32
      %dma_wait3A_1734 = tpu.memref_slice %arg2[%dma_wait3A_1732, %dma_wait3A_1733] : memref<64x1000000xf32, #tpu.memory_space<hbm>> -> memref<64x128xf32, #tpu.memory_space<hbm>>
      tpu.wait_dma2 semaphore(%arg19 : memref<!tpu.dma_semaphore, #tpu.memory_space<semaphore_mem>>) src(%dma_wait3A_1734 : memref<64x128xf32, #tpu.memory_space<hbm>>) dst(%dma_wait3A_1731 : memref<64x128xf32, #tpu.memory_space<vmem>>)
      %mul3A_1735 = arith.constant 16 : i32
      %mul3A_1736 = arith.muli %scan3A_1195, %mul3A_1735 : i32
      %add3A_1737 = arith.constant 6 : i32
      %add3A_1738 = arith.addi %mul3A_1736, %add3A_1737 : i32
      %sub3A_1739 = arith.constant 7 : i32
      %sub3A_1740 = arith.subi %add3A_1738, %sub3A_1739 : i32
      %broadcast_in_dim3A_1741 = vector.broadcast %scan3A_1202 : i32 to vector<16xi32>
      %broadcast_in_dim3A_1742 = arith.constant 7 : i32
      %broadcast_in_dim3A_1743 = vector.broadcast %broadcast_in_dim3A_1742 : i32 to vector<16xi32>
      %add3A_1744 = arith.constant 0 : i32
      %add3A_1745 = vector.broadcast %add3A_1744 : i32 to vector<16xi32>
      %add3A_1746 = arith.addi %iota3A, %add3A_1745 : vector<16xi32>
      %gather3A_1747 = tpu.vector_load_idx %arg10[%broadcast_in_dim3A_1743, %add3A_1746, %broadcast_in_dim3A_1741] : memref<8x64x128xf32, #tpu.memory_space<vmem>>[vector<16xi32>, vector<16xi32>, vector<16xi32>], vector<16xf32>,
      %and3A_1748 = arith.constant 255 : i32
      %and3A_1749 = arith.andi %sub3A_1740, %and3A_1748 : i32
      %swap3A_1750 = arith.index_cast %and3A_1749 : i32 to index
      %swap3A_1751 = arith.constant 0 : index
      %swap3A_1752 = tpu.vector_load %arg11[%swap3A_1750, %swap3A_1751] {strides = array<i32>} : memref<256x64xf32, #tpu.memory_space<vmem>>, vector<16xf32>,
      tpu.vector_store %arg11[%swap3A_1750, %swap3A_1751], %gather3A_1747 {strides = array<i32>} : memref<256x64xf32, #tpu.memory_space<vmem>>, vector<16xf32>,
      %add3A_1753 = arith.constant 16 : i32
      %add3A_1754 = vector.broadcast %add3A_1753 : i32 to vector<16xi32>
      %add3A_1755 = arith.addi %iota3A, %add3A_1754 : vector<16xi32>
      %gather3A_1756 = tpu.vector_load_idx %arg10[%broadcast_in_dim3A_1743, %add3A_1755, %broadcast_in_dim3A_1741] : memref<8x64x128xf32, #tpu.memory_space<vmem>>[vector<16xi32>, vector<16xi32>, vector<16xi32>], vector<16xf32>,
      %and3A_1757 = arith.constant 255 : i32
      %and3A_1758 = arith.andi %sub3A_1740, %and3A_1757 : i32
      %swap3A_1759 = arith.index_cast %and3A_1758 : i32 to index
      %swap3A_1760 = arith.constant 16 : index
      %swap3A_1761 = tpu.vector_load %arg11[%swap3A_1759, %swap3A_1760] {strides = array<i32>} : memref<256x64xf32, #tpu.memory_space<vmem>>, vector<16xf32>,
      tpu.vector_store %arg11[%swap3A_1759, %swap3A_1760], %gather3A_1756 {strides = array<i32>} : memref<256x64xf32, #tpu.memory_space<vmem>>, vector<16xf32>,
      %add3A_1762 = arith.constant 32 : i32
      %add3A_1763 = vector.broadcast %add3A_1762 : i32 to vector<16xi32>
      %add3A_1764 = arith.addi %iota3A, %add3A_1763 : vector<16xi32>
      %gather3A_1765 = tpu.vector_load_idx %arg10[%broadcast_in_dim3A_1743, %add3A_1764, %broadcast_in_dim3A_1741] : memref<8x64x128xf32, #tpu.memory_space<vmem>>[vector<16xi32>, vector<16xi32>, vector<16xi32>], vector<16xf32>,
      %and3A_1766 = arith.constant 255 : i32
      %and3A_1767 = arith.andi %sub3A_1740, %and3A_1766 : i32
      %swap3A_1768 = arith.index_cast %and3A_1767 : i32 to index
      %swap3A_1769 = arith.constant 32 : index
      %swap3A_1770 = tpu.vector_load %arg11[%swap3A_1768, %swap3A_1769] {strides = array<i32>} : memref<256x64xf32, #tpu.memory_space<vmem>>, vector<16xf32>,
      tpu.vector_store %arg11[%swap3A_1768, %swap3A_1769], %gather3A_1765 {strides = array<i32>} : memref<256x64xf32, #tpu.memory_space<vmem>>, vector<16xf32>,
      %add3A_1771 = arith.constant 48 : i32
      %add3A_1772 = vector.broadcast %add3A_1771 : i32 to vector<16xi32>
      %add3A_1773 = arith.addi %iota3A, %add3A_1772 : vector<16xi32>
      %gather3A_1774 = tpu.vector_load_idx %arg10[%broadcast_in_dim3A_1743, %add3A_1773, %broadcast_in_dim3A_1741] : memref<8x64x128xf32, #tpu.memory_space<vmem>>[vector<16xi32>, vector<16xi32>, vector<16xi32>], vector<16xf32>,
      %and3A_1775 = arith.constant 255 : i32
      %and3A_1776 = arith.andi %sub3A_1740, %and3A_1775 : i32
      %swap3A_1777 = arith.index_cast %and3A_1776 : i32 to index
      %swap3A_1778 = arith.constant 48 : index
      %swap3A_1779 = tpu.vector_load %arg11[%swap3A_1777, %swap3A_1778] {strides = array<i32>} : memref<256x64xf32, #tpu.memory_space<vmem>>, vector<16xf32>,
      tpu.vector_store %arg11[%swap3A_1777, %swap3A_1778], %gather3A_1774 {strides = array<i32>} : memref<256x64xf32, #tpu.memory_space<vmem>>, vector<16xf32>,
      %eq3A = arith.constant 16 : i32
      %eq3A_1780 = arith.cmpi eq, %scan3A_1195, %eq3A : i32
      %convert_element_type3A = arith.extui %eq3A_1780 : i1 to i32
      %cond3A = arith.constant 0 : i32
      %cond3A_1781 = arith.cmpi ne, %convert_element_type3A, %cond3A : i32
      scf.if %cond3A_1781 {
        "tpu.region"() ({
          %run_scoped3A = tpu.sem_alloc : memref<!tpu.dma_semaphore, #tpu.memory_space<semaphore_mem>>
          %dma_start3A_2520 = arith.constant 0 : i32
          %dma_start3A_2521 = tpu.memref_slice %arg6[%mul3A_2, %dma_start3A_2520] : memref<16384x64xf32, #tpu.memory_space<hbm>> -> memref<256x64xf32, #tpu.memory_space<hbm>>
          %dma_start3A_2522 = arith.constant 0 : i32
          %dma_start3A_2523 = tpu.memref_slice %arg6[%mul3A_2, %dma_start3A_2522] : memref<16384x64xf32, #tpu.memory_space<hbm>> -> memref<256x64xf32, #tpu.memory_space<hbm>>
          tpu.enqueue_dma source(%arg11 : memref<256x64xf32, #tpu.memory_space<vmem>>) target(%dma_start3A_2523 : memref<256x64xf32, #tpu.memory_space<hbm>>) target_semaphore(%run_scoped3A : memref<!tpu.dma_semaphore, #tpu.memory_space<semaphore_mem>>)
          %dma_wait3A_2524 = arith.constant 0 : i32
          %dma_wait3A_2525 = tpu.memref_slice %arg6[%mul3A_2, %dma_wait3A_2524] : memref<16384x64xf32, #tpu.memory_space<hbm>> -> memref<256x64xf32, #tpu.memory_space<hbm>>
          %dma_wait3A_2526 = arith.constant 0 : i32
          %dma_wait3A_2527 = tpu.memref_slice %arg6[%mul3A_2, %dma_wait3A_2526] : memref<16384x64xf32, #tpu.memory_space<hbm>> -> memref<256x64xf32, #tpu.memory_space<hbm>>
          tpu.wait_dma2 semaphore(%run_scoped3A : memref<!tpu.dma_semaphore, #tpu.memory_space<semaphore_mem>>) src(%arg11 : memref<256x64xf32, #tpu.memory_space<vmem>>) dst(%dma_wait3A_2527 : memref<256x64xf32, #tpu.memory_space<hbm>>)
          tpu.yield
        }) : () -> ()
      } else {
      }
      %slice3A_1782 = vector.extract_strided_slice %get3A_1206 {offsets = [7], sizes = [1], strides = [1]} : vector<16xi32> to vector<1xi32>
      %squeeze3A_1783 = vector.extract %slice3A_1782[0] : i32 from vector<1xi32>
      %shift_right_arithmetic3A_1784 = arith.constant 7 : i32
      %shift_right_arithmetic3A_1785 = arith.shrsi %squeeze3A_1783, %shift_right_arithmetic3A_1784 : i32
      %mul3A_1786 = arith.constant 128 : i32
      %mul3A_1787 = arith.muli %shift_right_arithmetic3A_1785, %mul3A_1786 : i32
      %multiple_of3A_1788 = tpu.assume_multiple %mul3A_1787, 128 : i32
      %dma_start3A_1789 = arith.constant 7 : i32
      %dma_start3A_1790 = arith.constant 0 : i32
      %dma_start3A_1791 = arith.constant 0 : i32
      %dma_start3A_1792 = tpu.memref_slice %arg10[%dma_start3A_1789, %dma_start3A_1790, %dma_start3A_1791] : memref<8x64x128xf32, #tpu.memory_space<vmem>> -> memref<1x64x128xf32, #tpu.memory_space<vmem>>
      %dma_start3A_1793 = tpu.memref_squeeze %dma_start3A_1792 : memref<1x64x128xf32, #tpu.memory_space<vmem>> -> memref<64x128xf32, #tpu.memory_space<vmem>>
      %dma_start3A_1794 = arith.constant 0 : i32
      %dma_start3A_1795 = tpu.memref_slice %arg2[%dma_start3A_1794, %multiple_of3A_1788] : memref<64x1000000xf32, #tpu.memory_space<hbm>> -> memref<64x128xf32, #tpu.memory_space<hbm>>
      %dma_start3A_1796 = arith.constant 0 : i32
      %dma_start3A_1797 = arith.constant 0 : i32
      %dma_start3A_1798 = tpu.memref_slice %arg10[%dma_start3A_1789, %dma_start3A_1796, %dma_start3A_1797] : memref<8x64x128xf32, #tpu.memory_space<vmem>> -> memref<1x64x128xf32, #tpu.memory_space<vmem>>
      %dma_start3A_1799 = tpu.memref_squeeze %dma_start3A_1798 : memref<1x64x128xf32, #tpu.memory_space<vmem>> -> memref<64x128xf32, #tpu.memory_space<vmem>>
      %dma_start3A_1800 = arith.constant 0 : i32
      %dma_start3A_1801 = tpu.memref_slice %arg2[%dma_start3A_1800, %multiple_of3A_1788] : memref<64x1000000xf32, #tpu.memory_space<hbm>> -> memref<64x128xf32, #tpu.memory_space<hbm>>
      tpu.enqueue_dma source(%dma_start3A_1801 : memref<64x128xf32, #tpu.memory_space<hbm>>) target(%dma_start3A_1799 : memref<64x128xf32, #tpu.memory_space<vmem>>) target_semaphore(%arg19 : memref<!tpu.dma_semaphore, #tpu.memory_space<semaphore_mem>>)
      %and3A_1802 = arith.constant 127 : i32
      %and3A_1803 = arith.andi %squeeze3A_1783, %and3A_1802 : i32
      %dma_wait3A_1804 = arith.constant 0 : i32
      %dma_wait3A_1805 = arith.constant 0 : i32
      %dma_wait3A_1806 = arith.constant 0 : i32
      %dma_wait3A_1807 = tpu.memref_slice %arg10[%dma_wait3A_1804, %dma_wait3A_1805, %dma_wait3A_1806] : memref<8x64x128xf32, #tpu.memory_space<vmem>> -> memref<1x64x128xf32, #tpu.memory_space<vmem>>
      %dma_wait3A_1808 = tpu.memref_squeeze %dma_wait3A_1807 : memref<1x64x128xf32, #tpu.memory_space<vmem>> -> memref<64x128xf32, #tpu.memory_space<vmem>>
      %dma_wait3A_1809 = arith.constant 0 : i32
      %dma_wait3A_1810 = arith.constant 0 : i32
      %dma_wait3A_1811 = tpu.memref_slice %arg2[%dma_wait3A_1809, %dma_wait3A_1810] : memref<64x1000000xf32, #tpu.memory_space<hbm>> -> memref<64x128xf32, #tpu.memory_space<hbm>>
      %dma_wait3A_1812 = arith.constant 0 : i32
      %dma_wait3A_1813 = arith.constant 0 : i32
      %dma_wait3A_1814 = tpu.memref_slice %arg10[%dma_wait3A_1804, %dma_wait3A_1812, %dma_wait3A_1813] : memref<8x64x128xf32, #tpu.memory_space<vmem>> -> memref<1x64x128xf32, #tpu.memory_space<vmem>>
      %dma_wait3A_1815 = tpu.memref_squeeze %dma_wait3A_1814 : memref<1x64x128xf32, #tpu.memory_space<vmem>> -> memref<64x128xf32, #tpu.memory_space<vmem>>
      %dma_wait3A_1816 = arith.constant 0 : i32
      %dma_wait3A_1817 = arith.constant 0 : i32
      %dma_wait3A_1818 = tpu.memref_slice %arg2[%dma_wait3A_1816, %dma_wait3A_1817] : memref<64x1000000xf32, #tpu.memory_space<hbm>> -> memref<64x128xf32, #tpu.memory_space<hbm>>
      tpu.wait_dma2 semaphore(%arg12 : memref<!tpu.dma_semaphore, #tpu.memory_space<semaphore_mem>>) src(%dma_wait3A_1818 : memref<64x128xf32, #tpu.memory_space<hbm>>) dst(%dma_wait3A_1815 : memref<64x128xf32, #tpu.memory_space<vmem>>)
      %mul3A_1819 = arith.constant 16 : i32
      %mul3A_1820 = arith.muli %scan3A_1195, %mul3A_1819 : i32
      %add3A_1821 = arith.constant 7 : i32
      %add3A_1822 = arith.addi %mul3A_1820, %add3A_1821 : i32
      %sub3A_1823 = arith.constant 7 : i32
      %sub3A_1824 = arith.subi %add3A_1822, %sub3A_1823 : i32
      %broadcast_in_dim3A_1825 = vector.broadcast %and3A_1228 : i32 to vector<16xi32>
      %broadcast_in_dim3A_1826 = arith.constant 0 : i32
      %broadcast_in_dim3A_1827 = vector.broadcast %broadcast_in_dim3A_1826 : i32 to vector<16xi32>
      %add3A_1828 = arith.constant 0 : i32
      %add3A_1829 = vector.broadcast %add3A_1828 : i32 to vector<16xi32>
      %add3A_1830 = arith.addi %iota3A, %add3A_1829 : vector<16xi32>
      %gather3A_1831 = tpu.vector_load_idx %arg10[%broadcast_in_dim3A_1827, %add3A_1830, %broadcast_in_dim3A_1825] : memref<8x64x128xf32, #tpu.memory_space<vmem>>[vector<16xi32>, vector<16xi32>, vector<16xi32>], vector<16xf32>,
      %and3A_1832 = arith.constant 255 : i32
      %and3A_1833 = arith.andi %sub3A_1824, %and3A_1832 : i32
      %swap3A_1834 = arith.index_cast %and3A_1833 : i32 to index
      %swap3A_1835 = arith.constant 0 : index
      %swap3A_1836 = tpu.vector_load %arg11[%swap3A_1834, %swap3A_1835] {strides = array<i32>} : memref<256x64xf32, #tpu.memory_space<vmem>>, vector<16xf32>,
      tpu.vector_store %arg11[%swap3A_1834, %swap3A_1835], %gather3A_1831 {strides = array<i32>} : memref<256x64xf32, #tpu.memory_space<vmem>>, vector<16xf32>,
      %add3A_1837 = arith.constant 16 : i32
      %add3A_1838 = vector.broadcast %add3A_1837 : i32 to vector<16xi32>
      %add3A_1839 = arith.addi %iota3A, %add3A_1838 : vector<16xi32>
      %gather3A_1840 = tpu.vector_load_idx %arg10[%broadcast_in_dim3A_1827, %add3A_1839, %broadcast_in_dim3A_1825] : memref<8x64x128xf32, #tpu.memory_space<vmem>>[vector<16xi32>, vector<16xi32>, vector<16xi32>], vector<16xf32>,
      %and3A_1841 = arith.constant 255 : i32
      %and3A_1842 = arith.andi %sub3A_1824, %and3A_1841 : i32
      %swap3A_1843 = arith.index_cast %and3A_1842 : i32 to index
      %swap3A_1844 = arith.constant 16 : index
      %swap3A_1845 = tpu.vector_load %arg11[%swap3A_1843, %swap3A_1844] {strides = array<i32>} : memref<256x64xf32, #tpu.memory_space<vmem>>, vector<16xf32>,
      tpu.vector_store %arg11[%swap3A_1843, %swap3A_1844], %gather3A_1840 {strides = array<i32>} : memref<256x64xf32, #tpu.memory_space<vmem>>, vector<16xf32>,
      %add3A_1846 = arith.constant 32 : i32
      %add3A_1847 = vector.broadcast %add3A_1846 : i32 to vector<16xi32>
      %add3A_1848 = arith.addi %iota3A, %add3A_1847 : vector<16xi32>
      %gather3A_1849 = tpu.vector_load_idx %arg10[%broadcast_in_dim3A_1827, %add3A_1848, %broadcast_in_dim3A_1825] : memref<8x64x128xf32, #tpu.memory_space<vmem>>[vector<16xi32>, vector<16xi32>, vector<16xi32>], vector<16xf32>,
      %and3A_1850 = arith.constant 255 : i32
      %and3A_1851 = arith.andi %sub3A_1824, %and3A_1850 : i32
      %swap3A_1852 = arith.index_cast %and3A_1851 : i32 to index
      %swap3A_1853 = arith.constant 32 : index
      %swap3A_1854 = tpu.vector_load %arg11[%swap3A_1852, %swap3A_1853] {strides = array<i32>} : memref<256x64xf32, #tpu.memory_space<vmem>>, vector<16xf32>,
      tpu.vector_store %arg11[%swap3A_1852, %swap3A_1853], %gather3A_1849 {strides = array<i32>} : memref<256x64xf32, #tpu.memory_space<vmem>>, vector<16xf32>,
      %add3A_1855 = arith.constant 48 : i32
      %add3A_1856 = vector.broadcast %add3A_1855 : i32 to vector<16xi32>
      %add3A_1857 = arith.addi %iota3A, %add3A_1856 : vector<16xi32>
      %gather3A_1858 = tpu.vector_load_idx %arg10[%broadcast_in_dim3A_1827, %add3A_1857, %broadcast_in_dim3A_1825] : memref<8x64x128xf32, #tpu.memory_space<vmem>>[vector<16xi32>, vector<16xi32>, vector<16xi32>], vector<16xf32>,
      %and3A_1859 = arith.constant 255 : i32
      %and3A_1860 = arith.andi %sub3A_1824, %and3A_1859 : i32
      %swap3A_1861 = arith.index_cast %and3A_1860 : i32 to index
      %swap3A_1862 = arith.constant 48 : index
      %swap3A_1863 = tpu.vector_load %arg11[%swap3A_1861, %swap3A_1862] {strides = array<i32>} : memref<256x64xf32, #tpu.memory_space<vmem>>, vector<16xf32>,
      tpu.vector_store %arg11[%swap3A_1861, %swap3A_1862], %gather3A_1858 {strides = array<i32>} : memref<256x64xf32, #tpu.memory_space<vmem>>, vector<16xf32>,
      %slice3A_1864 = vector.extract_strided_slice %get3A_1206 {offsets = [8], sizes = [1], strides = [1]} : vector<16xi32> to vector<1xi32>
      %squeeze3A_1865 = vector.extract %slice3A_1864[0] : i32 from vector<1xi32>
      %shift_right_arithmetic3A_1866 = arith.constant 7 : i32
      %shift_right_arithmetic3A_1867 = arith.shrsi %squeeze3A_1865, %shift_right_arithmetic3A_1866 : i32
      %mul3A_1868 = arith.constant 128 : i32
      %mul3A_1869 = arith.muli %shift_right_arithmetic3A_1867, %mul3A_1868 : i32
      %multiple_of3A_1870 = tpu.assume_multiple %mul3A_1869, 128 : i32
      %dma_start3A_1871 = arith.constant 0 : i32
      %dma_start3A_1872 = arith.constant 0 : i32
      %dma_start3A_1873 = arith.constant 0 : i32
      %dma_start3A_1874 = tpu.memref_slice %arg10[%dma_start3A_1871, %dma_start3A_1872, %dma_start3A_1873] : memref<8x64x128xf32, #tpu.memory_space<vmem>> -> memref<1x64x128xf32, #tpu.memory_space<vmem>>
      %dma_start3A_1875 = tpu.memref_squeeze %dma_start3A_1874 : memref<1x64x128xf32, #tpu.memory_space<vmem>> -> memref<64x128xf32, #tpu.memory_space<vmem>>
      %dma_start3A_1876 = arith.constant 0 : i32
      %dma_start3A_1877 = tpu.memref_slice %arg2[%dma_start3A_1876, %multiple_of3A_1870] : memref<64x1000000xf32, #tpu.memory_space<hbm>> -> memref<64x128xf32, #tpu.memory_space<hbm>>
      %dma_start3A_1878 = arith.constant 0 : i32
      %dma_start3A_1879 = arith.constant 0 : i32
      %dma_start3A_1880 = tpu.memref_slice %arg10[%dma_start3A_1871, %dma_start3A_1878, %dma_start3A_1879] : memref<8x64x128xf32, #tpu.memory_space<vmem>> -> memref<1x64x128xf32, #tpu.memory_space<vmem>>
      %dma_start3A_1881 = tpu.memref_squeeze %dma_start3A_1880 : memref<1x64x128xf32, #tpu.memory_space<vmem>> -> memref<64x128xf32, #tpu.memory_space<vmem>>
      %dma_start3A_1882 = arith.constant 0 : i32
      %dma_start3A_1883 = tpu.memref_slice %arg2[%dma_start3A_1882, %multiple_of3A_1870] : memref<64x1000000xf32, #tpu.memory_space<hbm>> -> memref<64x128xf32, #tpu.memory_space<hbm>>
      tpu.enqueue_dma source(%dma_start3A_1883 : memref<64x128xf32, #tpu.memory_space<hbm>>) target(%dma_start3A_1881 : memref<64x128xf32, #tpu.memory_space<vmem>>) target_semaphore(%arg12 : memref<!tpu.dma_semaphore, #tpu.memory_space<semaphore_mem>>)
      %and3A_1884 = arith.constant 127 : i32
      %and3A_1885 = arith.andi %squeeze3A_1865, %and3A_1884 : i32
      %dma_wait3A_1886 = arith.constant 1 : i32
      %dma_wait3A_1887 = arith.constant 0 : i32
      %dma_wait3A_1888 = arith.constant 0 : i32
      %dma_wait3A_1889 = tpu.memref_slice %arg10[%dma_wait3A_1886, %dma_wait3A_1887, %dma_wait3A_1888] : memref<8x64x128xf32, #tpu.memory_space<vmem>> -> memref<1x64x128xf32, #tpu.memory_space<vmem>>
      %dma_wait3A_1890 = tpu.memref_squeeze %dma_wait3A_1889 : memref<1x64x128xf32, #tpu.memory_space<vmem>> -> memref<64x128xf32, #tpu.memory_space<vmem>>
      %dma_wait3A_1891 = arith.constant 0 : i32
      %dma_wait3A_1892 = arith.constant 0 : i32
      %dma_wait3A_1893 = tpu.memref_slice %arg2[%dma_wait3A_1891, %dma_wait3A_1892] : memref<64x1000000xf32, #tpu.memory_space<hbm>> -> memref<64x128xf32, #tpu.memory_space<hbm>>
      %dma_wait3A_1894 = arith.constant 0 : i32
      %dma_wait3A_1895 = arith.constant 0 : i32
      %dma_wait3A_1896 = tpu.memref_slice %arg10[%dma_wait3A_1886, %dma_wait3A_1894, %dma_wait3A_1895] : memref<8x64x128xf32, #tpu.memory_space<vmem>> -> memref<1x64x128xf32, #tpu.memory_space<vmem>>
      %dma_wait3A_1897 = tpu.memref_squeeze %dma_wait3A_1896 : memref<1x64x128xf32, #tpu.memory_space<vmem>> -> memref<64x128xf32, #tpu.memory_space<vmem>>
      %dma_wait3A_1898 = arith.constant 0 : i32
      %dma_wait3A_1899 = arith.constant 0 : i32
      %dma_wait3A_1900 = tpu.memref_slice %arg2[%dma_wait3A_1898, %dma_wait3A_1899] : memref<64x1000000xf32, #tpu.memory_space<hbm>> -> memref<64x128xf32, #tpu.memory_space<hbm>>
      tpu.wait_dma2 semaphore(%arg13 : memref<!tpu.dma_semaphore, #tpu.memory_space<semaphore_mem>>) src(%dma_wait3A_1900 : memref<64x128xf32, #tpu.memory_space<hbm>>) dst(%dma_wait3A_1897 : memref<64x128xf32, #tpu.memory_space<vmem>>)
      %mul3A_1901 = arith.constant 16 : i32
      %mul3A_1902 = arith.muli %scan3A_1195, %mul3A_1901 : i32
      %add3A_1903 = arith.constant 8 : i32
      %add3A_1904 = arith.addi %mul3A_1902, %add3A_1903 : i32
      %sub3A_1905 = arith.constant 7 : i32
      %sub3A_1906 = arith.subi %add3A_1904, %sub3A_1905 : i32
      %broadcast_in_dim3A_1907 = vector.broadcast %and3A_1309 : i32 to vector<16xi32>
      %broadcast_in_dim3A_1908 = arith.constant 1 : i32
      %broadcast_in_dim3A_1909 = vector.broadcast %broadcast_in_dim3A_1908 : i32 to vector<16xi32>
      %add3A_1910 = arith.constant 0 : i32
      %add3A_1911 = vector.broadcast %add3A_1910 : i32 to vector<16xi32>
      %add3A_1912 = arith.addi %iota3A, %add3A_1911 : vector<16xi32>
      %gather3A_1913 = tpu.vector_load_idx %arg10[%broadcast_in_dim3A_1909, %add3A_1912, %broadcast_in_dim3A_1907] : memref<8x64x128xf32, #tpu.memory_space<vmem>>[vector<16xi32>, vector<16xi32>, vector<16xi32>], vector<16xf32>,
      %and3A_1914 = arith.constant 255 : i32
      %and3A_1915 = arith.andi %sub3A_1906, %and3A_1914 : i32
      %swap3A_1916 = arith.index_cast %and3A_1915 : i32 to index
      %swap3A_1917 = arith.constant 0 : index
      %swap3A_1918 = tpu.vector_load %arg11[%swap3A_1916, %swap3A_1917] {strides = array<i32>} : memref<256x64xf32, #tpu.memory_space<vmem>>, vector<16xf32>,
      tpu.vector_store %arg11[%swap3A_1916, %swap3A_1917], %gather3A_1913 {strides = array<i32>} : memref<256x64xf32, #tpu.memory_space<vmem>>, vector<16xf32>,
      %add3A_1919 = arith.constant 16 : i32
      %add3A_1920 = vector.broadcast %add3A_1919 : i32 to vector<16xi32>
      %add3A_1921 = arith.addi %iota3A, %add3A_1920 : vector<16xi32>
      %gather3A_1922 = tpu.vector_load_idx %arg10[%broadcast_in_dim3A_1909, %add3A_1921, %broadcast_in_dim3A_1907] : memref<8x64x128xf32, #tpu.memory_space<vmem>>[vector<16xi32>, vector<16xi32>, vector<16xi32>], vector<16xf32>,
      %and3A_1923 = arith.constant 255 : i32
      %and3A_1924 = arith.andi %sub3A_1906, %and3A_1923 : i32
      %swap3A_1925 = arith.index_cast %and3A_1924 : i32 to index
      %swap3A_1926 = arith.constant 16 : index
      %swap3A_1927 = tpu.vector_load %arg11[%swap3A_1925, %swap3A_1926] {strides = array<i32>} : memref<256x64xf32, #tpu.memory_space<vmem>>, vector<16xf32>,
      tpu.vector_store %arg11[%swap3A_1925, %swap3A_1926], %gather3A_1922 {strides = array<i32>} : memref<256x64xf32, #tpu.memory_space<vmem>>, vector<16xf32>,
      %add3A_1928 = arith.constant 32 : i32
      %add3A_1929 = vector.broadcast %add3A_1928 : i32 to vector<16xi32>
      %add3A_1930 = arith.addi %iota3A, %add3A_1929 : vector<16xi32>
      %gather3A_1931 = tpu.vector_load_idx %arg10[%broadcast_in_dim3A_1909, %add3A_1930, %broadcast_in_dim3A_1907] : memref<8x64x128xf32, #tpu.memory_space<vmem>>[vector<16xi32>, vector<16xi32>, vector<16xi32>], vector<16xf32>,
      %and3A_1932 = arith.constant 255 : i32
      %and3A_1933 = arith.andi %sub3A_1906, %and3A_1932 : i32
      %swap3A_1934 = arith.index_cast %and3A_1933 : i32 to index
      %swap3A_1935 = arith.constant 32 : index
      %swap3A_1936 = tpu.vector_load %arg11[%swap3A_1934, %swap3A_1935] {strides = array<i32>} : memref<256x64xf32, #tpu.memory_space<vmem>>, vector<16xf32>,
      tpu.vector_store %arg11[%swap3A_1934, %swap3A_1935], %gather3A_1931 {strides = array<i32>} : memref<256x64xf32, #tpu.memory_space<vmem>>, vector<16xf32>,
      %add3A_1937 = arith.constant 48 : i32
      %add3A_1938 = vector.broadcast %add3A_1937 : i32 to vector<16xi32>
      %add3A_1939 = arith.addi %iota3A, %add3A_1938 : vector<16xi32>
      %gather3A_1940 = tpu.vector_load_idx %arg10[%broadcast_in_dim3A_1909, %add3A_1939, %broadcast_in_dim3A_1907] : memref<8x64x128xf32, #tpu.memory_space<vmem>>[vector<16xi32>, vector<16xi32>, vector<16xi32>], vector<16xf32>,
      %and3A_1941 = arith.constant 255 : i32
      %and3A_1942 = arith.andi %sub3A_1906, %and3A_1941 : i32
      %swap3A_1943 = arith.index_cast %and3A_1942 : i32 to index
      %swap3A_1944 = arith.constant 48 : index
      %swap3A_1945 = tpu.vector_load %arg11[%swap3A_1943, %swap3A_1944] {strides = array<i32>} : memref<256x64xf32, #tpu.memory_space<vmem>>, vector<16xf32>,
      tpu.vector_store %arg11[%swap3A_1943, %swap3A_1944], %gather3A_1940 {strides = array<i32>} : memref<256x64xf32, #tpu.memory_space<vmem>>, vector<16xf32>,
      %slice3A_1946 = vector.extract_strided_slice %get3A_1206 {offsets = [9], sizes = [1], strides = [1]} : vector<16xi32> to vector<1xi32>
      %squeeze3A_1947 = vector.extract %slice3A_1946[0] : i32 from vector<1xi32>
      %shift_right_arithmetic3A_1948 = arith.constant 7 : i32
      %shift_right_arithmetic3A_1949 = arith.shrsi %squeeze3A_1947, %shift_right_arithmetic3A_1948 : i32
      %mul3A_1950 = arith.constant 128 : i32
      %mul3A_1951 = arith.muli %shift_right_arithmetic3A_1949, %mul3A_1950 : i32
      %multiple_of3A_1952 = tpu.assume_multiple %mul3A_1951, 128 : i32
      %dma_start3A_1953 = arith.constant 1 : i32
      %dma_start3A_1954 = arith.constant 0 : i32
      %dma_start3A_1955 = arith.constant 0 : i32
      %dma_start3A_1956 = tpu.memref_slice %arg10[%dma_start3A_1953, %dma_start3A_1954, %dma_start3A_1955] : memref<8x64x128xf32, #tpu.memory_space<vmem>> -> memref<1x64x128xf32, #tpu.memory_space<vmem>>
      %dma_start3A_1957 = tpu.memref_squeeze %dma_start3A_1956 : memref<1x64x128xf32, #tpu.memory_space<vmem>> -> memref<64x128xf32, #tpu.memory_space<vmem>>
      %dma_start3A_1958 = arith.constant 0 : i32
      %dma_start3A_1959 = tpu.memref_slice %arg2[%dma_start3A_1958, %multiple_of3A_1952] : memref<64x1000000xf32, #tpu.memory_space<hbm>> -> memref<64x128xf32, #tpu.memory_space<hbm>>
      %dma_start3A_1960 = arith.constant 0 : i32
      %dma_start3A_1961 = arith.constant 0 : i32
      %dma_start3A_1962 = tpu.memref_slice %arg10[%dma_start3A_1953, %dma_start3A_1960, %dma_start3A_1961] : memref<8x64x128xf32, #tpu.memory_space<vmem>> -> memref<1x64x128xf32, #tpu.memory_space<vmem>>
      %dma_start3A_1963 = tpu.memref_squeeze %dma_start3A_1962 : memref<1x64x128xf32, #tpu.memory_space<vmem>> -> memref<64x128xf32, #tpu.memory_space<vmem>>
      %dma_start3A_1964 = arith.constant 0 : i32
      %dma_start3A_1965 = tpu.memref_slice %arg2[%dma_start3A_1964, %multiple_of3A_1952] : memref<64x1000000xf32, #tpu.memory_space<hbm>> -> memref<64x128xf32, #tpu.memory_space<hbm>>
      tpu.enqueue_dma source(%dma_start3A_1965 : memref<64x128xf32, #tpu.memory_space<hbm>>) target(%dma_start3A_1963 : memref<64x128xf32, #tpu.memory_space<vmem>>) target_semaphore(%arg13 : memref<!tpu.dma_semaphore, #tpu.memory_space<semaphore_mem>>)
      %and3A_1966 = arith.constant 127 : i32
      %and3A_1967 = arith.andi %squeeze3A_1947, %and3A_1966 : i32
      %dma_wait3A_1968 = arith.constant 2 : i32
      %dma_wait3A_1969 = arith.constant 0 : i32
      %dma_wait3A_1970 = arith.constant 0 : i32
      %dma_wait3A_1971 = tpu.memref_slice %arg10[%dma_wait3A_1968, %dma_wait3A_1969, %dma_wait3A_1970] : memref<8x64x128xf32, #tpu.memory_space<vmem>> -> memref<1x64x128xf32, #tpu.memory_space<vmem>>
      %dma_wait3A_1972 = tpu.memref_squeeze %dma_wait3A_1971 : memref<1x64x128xf32, #tpu.memory_space<vmem>> -> memref<64x128xf32, #tpu.memory_space<vmem>>
      %dma_wait3A_1973 = arith.constant 0 : i32
      %dma_wait3A_1974 = arith.constant 0 : i32
      %dma_wait3A_1975 = tpu.memref_slice %arg2[%dma_wait3A_1973, %dma_wait3A_1974] : memref<64x1000000xf32, #tpu.memory_space<hbm>> -> memref<64x128xf32, #tpu.memory_space<hbm>>
      %dma_wait3A_1976 = arith.constant 0 : i32
      %dma_wait3A_1977 = arith.constant 0 : i32
      %dma_wait3A_1978 = tpu.memref_slice %arg10[%dma_wait3A_1968, %dma_wait3A_1976, %dma_wait3A_1977] : memref<8x64x128xf32, #tpu.memory_space<vmem>> -> memref<1x64x128xf32, #tpu.memory_space<vmem>>
      %dma_wait3A_1979 = tpu.memref_squeeze %dma_wait3A_1978 : memref<1x64x128xf32, #tpu.memory_space<vmem>> -> memref<64x128xf32, #tpu.memory_space<vmem>>
      %dma_wait3A_1980 = arith.constant 0 : i32
      %dma_wait3A_1981 = arith.constant 0 : i32
      %dma_wait3A_1982 = tpu.memref_slice %arg2[%dma_wait3A_1980, %dma_wait3A_1981] : memref<64x1000000xf32, #tpu.memory_space<hbm>> -> memref<64x128xf32, #tpu.memory_space<hbm>>
      tpu.wait_dma2 semaphore(%arg14 : memref<!tpu.dma_semaphore, #tpu.memory_space<semaphore_mem>>) src(%dma_wait3A_1982 : memref<64x128xf32, #tpu.memory_space<hbm>>) dst(%dma_wait3A_1979 : memref<64x128xf32, #tpu.memory_space<vmem>>)
      %mul3A_1983 = arith.constant 16 : i32
      %mul3A_1984 = arith.muli %scan3A_1195, %mul3A_1983 : i32
      %add3A_1985 = arith.constant 9 : i32
      %add3A_1986 = arith.addi %mul3A_1984, %add3A_1985 : i32
      %sub3A_1987 = arith.constant 7 : i32
      %sub3A_1988 = arith.subi %add3A_1986, %sub3A_1987 : i32
      %broadcast_in_dim3A_1989 = vector.broadcast %and3A_1391 : i32 to vector<16xi32>
      %broadcast_in_dim3A_1990 = arith.constant 2 : i32
      %broadcast_in_dim3A_1991 = vector.broadcast %broadcast_in_dim3A_1990 : i32 to vector<16xi32>
      %add3A_1992 = arith.constant 0 : i32
      %add3A_1993 = vector.broadcast %add3A_1992 : i32 to vector<16xi32>
      %add3A_1994 = arith.addi %iota3A, %add3A_1993 : vector<16xi32>
      %gather3A_1995 = tpu.vector_load_idx %arg10[%broadcast_in_dim3A_1991, %add3A_1994, %broadcast_in_dim3A_1989] : memref<8x64x128xf32, #tpu.memory_space<vmem>>[vector<16xi32>, vector<16xi32>, vector<16xi32>], vector<16xf32>,
      %and3A_1996 = arith.constant 255 : i32
      %and3A_1997 = arith.andi %sub3A_1988, %and3A_1996 : i32
      %swap3A_1998 = arith.index_cast %and3A_1997 : i32 to index
      %swap3A_1999 = arith.constant 0 : index
      %swap3A_2000 = tpu.vector_load %arg11[%swap3A_1998, %swap3A_1999] {strides = array<i32>} : memref<256x64xf32, #tpu.memory_space<vmem>>, vector<16xf32>,
      tpu.vector_store %arg11[%swap3A_1998, %swap3A_1999], %gather3A_1995 {strides = array<i32>} : memref<256x64xf32, #tpu.memory_space<vmem>>, vector<16xf32>,
      %add3A_2001 = arith.constant 16 : i32
      %add3A_2002 = vector.broadcast %add3A_2001 : i32 to vector<16xi32>
      %add3A_2003 = arith.addi %iota3A, %add3A_2002 : vector<16xi32>
      %gather3A_2004 = tpu.vector_load_idx %arg10[%broadcast_in_dim3A_1991, %add3A_2003, %broadcast_in_dim3A_1989] : memref<8x64x128xf32, #tpu.memory_space<vmem>>[vector<16xi32>, vector<16xi32>, vector<16xi32>], vector<16xf32>,
      %and3A_2005 = arith.constant 255 : i32
      %and3A_2006 = arith.andi %sub3A_1988, %and3A_2005 : i32
      %swap3A_2007 = arith.index_cast %and3A_2006 : i32 to index
      %swap3A_2008 = arith.constant 16 : index
      %swap3A_2009 = tpu.vector_load %arg11[%swap3A_2007, %swap3A_2008] {strides = array<i32>} : memref<256x64xf32, #tpu.memory_space<vmem>>, vector<16xf32>,
      tpu.vector_store %arg11[%swap3A_2007, %swap3A_2008], %gather3A_2004 {strides = array<i32>} : memref<256x64xf32, #tpu.memory_space<vmem>>, vector<16xf32>,
      %add3A_2010 = arith.constant 32 : i32
      %add3A_2011 = vector.broadcast %add3A_2010 : i32 to vector<16xi32>
      %add3A_2012 = arith.addi %iota3A, %add3A_2011 : vector<16xi32>
      %gather3A_2013 = tpu.vector_load_idx %arg10[%broadcast_in_dim3A_1991, %add3A_2012, %broadcast_in_dim3A_1989] : memref<8x64x128xf32, #tpu.memory_space<vmem>>[vector<16xi32>, vector<16xi32>, vector<16xi32>], vector<16xf32>,
      %and3A_2014 = arith.constant 255 : i32
      %and3A_2015 = arith.andi %sub3A_1988, %and3A_2014 : i32
      %swap3A_2016 = arith.index_cast %and3A_2015 : i32 to index
      %swap3A_2017 = arith.constant 32 : index
      %swap3A_2018 = tpu.vector_load %arg11[%swap3A_2016, %swap3A_2017] {strides = array<i32>} : memref<256x64xf32, #tpu.memory_space<vmem>>, vector<16xf32>,
      tpu.vector_store %arg11[%swap3A_2016, %swap3A_2017], %gather3A_2013 {strides = array<i32>} : memref<256x64xf32, #tpu.memory_space<vmem>>, vector<16xf32>,
      %add3A_2019 = arith.constant 48 : i32
      %add3A_2020 = vector.broadcast %add3A_2019 : i32 to vector<16xi32>
      %add3A_2021 = arith.addi %iota3A, %add3A_2020 : vector<16xi32>
      %gather3A_2022 = tpu.vector_load_idx %arg10[%broadcast_in_dim3A_1991, %add3A_2021, %broadcast_in_dim3A_1989] : memref<8x64x128xf32, #tpu.memory_space<vmem>>[vector<16xi32>, vector<16xi32>, vector<16xi32>], vector<16xf32>,
      %and3A_2023 = arith.constant 255 : i32
      %and3A_2024 = arith.andi %sub3A_1988, %and3A_2023 : i32
      %swap3A_2025 = arith.index_cast %and3A_2024 : i32 to index
      %swap3A_2026 = arith.constant 48 : index
      %swap3A_2027 = tpu.vector_load %arg11[%swap3A_2025, %swap3A_2026] {strides = array<i32>} : memref<256x64xf32, #tpu.memory_space<vmem>>, vector<16xf32>,
      tpu.vector_store %arg11[%swap3A_2025, %swap3A_2026], %gather3A_2022 {strides = array<i32>} : memref<256x64xf32, #tpu.memory_space<vmem>>, vector<16xf32>,
      %slice3A_2028 = vector.extract_strided_slice %get3A_1206 {offsets = [10], sizes = [1], strides = [1]} : vector<16xi32> to vector<1xi32>
      %squeeze3A_2029 = vector.extract %slice3A_2028[0] : i32 from vector<1xi32>
      %shift_right_arithmetic3A_2030 = arith.constant 7 : i32
      %shift_right_arithmetic3A_2031 = arith.shrsi %squeeze3A_2029, %shift_right_arithmetic3A_2030 : i32
      %mul3A_2032 = arith.constant 128 : i32
      %mul3A_2033 = arith.muli %shift_right_arithmetic3A_2031, %mul3A_2032 : i32
      %multiple_of3A_2034 = tpu.assume_multiple %mul3A_2033, 128 : i32
      %dma_start3A_2035 = arith.constant 2 : i32
      %dma_start3A_2036 = arith.constant 0 : i32
      %dma_start3A_2037 = arith.constant 0 : i32
      %dma_start3A_2038 = tpu.memref_slice %arg10[%dma_start3A_2035, %dma_start3A_2036, %dma_start3A_2037] : memref<8x64x128xf32, #tpu.memory_space<vmem>> -> memref<1x64x128xf32, #tpu.memory_space<vmem>>
      %dma_start3A_2039 = tpu.memref_squeeze %dma_start3A_2038 : memref<1x64x128xf32, #tpu.memory_space<vmem>> -> memref<64x128xf32, #tpu.memory_space<vmem>>
      %dma_start3A_2040 = arith.constant 0 : i32
      %dma_start3A_2041 = tpu.memref_slice %arg2[%dma_start3A_2040, %multiple_of3A_2034] : memref<64x1000000xf32, #tpu.memory_space<hbm>> -> memref<64x128xf32, #tpu.memory_space<hbm>>
      %dma_start3A_2042 = arith.constant 0 : i32
      %dma_start3A_2043 = arith.constant 0 : i32
      %dma_start3A_2044 = tpu.memref_slice %arg10[%dma_start3A_2035, %dma_start3A_2042, %dma_start3A_2043] : memref<8x64x128xf32, #tpu.memory_space<vmem>> -> memref<1x64x128xf32, #tpu.memory_space<vmem>>
      %dma_start3A_2045 = tpu.memref_squeeze %dma_start3A_2044 : memref<1x64x128xf32, #tpu.memory_space<vmem>> -> memref<64x128xf32, #tpu.memory_space<vmem>>
      %dma_start3A_2046 = arith.constant 0 : i32
      %dma_start3A_2047 = tpu.memref_slice %arg2[%dma_start3A_2046, %multiple_of3A_2034] : memref<64x1000000xf32, #tpu.memory_space<hbm>> -> memref<64x128xf32, #tpu.memory_space<hbm>>
      tpu.enqueue_dma source(%dma_start3A_2047 : memref<64x128xf32, #tpu.memory_space<hbm>>) target(%dma_start3A_2045 : memref<64x128xf32, #tpu.memory_space<vmem>>) target_semaphore(%arg14 : memref<!tpu.dma_semaphore, #tpu.memory_space<semaphore_mem>>)
      %and3A_2048 = arith.constant 127 : i32
      %and3A_2049 = arith.andi %squeeze3A_2029, %and3A_2048 : i32
      %dma_wait3A_2050 = arith.constant 3 : i32
      %dma_wait3A_2051 = arith.constant 0 : i32
      %dma_wait3A_2052 = arith.constant 0 : i32
      %dma_wait3A_2053 = tpu.memref_slice %arg10[%dma_wait3A_2050, %dma_wait3A_2051, %dma_wait3A_2052] : memref<8x64x128xf32, #tpu.memory_space<vmem>> -> memref<1x64x128xf32, #tpu.memory_space<vmem>>
      %dma_wait3A_2054 = tpu.memref_squeeze %dma_wait3A_2053 : memref<1x64x128xf32, #tpu.memory_space<vmem>> -> memref<64x128xf32, #tpu.memory_space<vmem>>
      %dma_wait3A_2055 = arith.constant 0 : i32
      %dma_wait3A_2056 = arith.constant 0 : i32
      %dma_wait3A_2057 = tpu.memref_slice %arg2[%dma_wait3A_2055, %dma_wait3A_2056] : memref<64x1000000xf32, #tpu.memory_space<hbm>> -> memref<64x128xf32, #tpu.memory_space<hbm>>
      %dma_wait3A_2058 = arith.constant 0 : i32
      %dma_wait3A_2059 = arith.constant 0 : i32
      %dma_wait3A_2060 = tpu.memref_slice %arg10[%dma_wait3A_2050, %dma_wait3A_2058, %dma_wait3A_2059] : memref<8x64x128xf32, #tpu.memory_space<vmem>> -> memref<1x64x128xf32, #tpu.memory_space<vmem>>
      %dma_wait3A_2061 = tpu.memref_squeeze %dma_wait3A_2060 : memref<1x64x128xf32, #tpu.memory_space<vmem>> -> memref<64x128xf32, #tpu.memory_space<vmem>>
      %dma_wait3A_2062 = arith.constant 0 : i32
      %dma_wait3A_2063 = arith.constant 0 : i32
      %dma_wait3A_2064 = tpu.memref_slice %arg2[%dma_wait3A_2062, %dma_wait3A_2063] : memref<64x1000000xf32, #tpu.memory_space<hbm>> -> memref<64x128xf32, #tpu.memory_space<hbm>>
      tpu.wait_dma2 semaphore(%arg15 : memref<!tpu.dma_semaphore, #tpu.memory_space<semaphore_mem>>) src(%dma_wait3A_2064 : memref<64x128xf32, #tpu.memory_space<hbm>>) dst(%dma_wait3A_2061 : memref<64x128xf32, #tpu.memory_space<vmem>>)
      %mul3A_2065 = arith.constant 16 : i32
      %mul3A_2066 = arith.muli %scan3A_1195, %mul3A_2065 : i32
      %add3A_2067 = arith.constant 10 : i32
      %add3A_2068 = arith.addi %mul3A_2066, %add3A_2067 : i32
      %sub3A_2069 = arith.constant 7 : i32
      %sub3A_2070 = arith.subi %add3A_2068, %sub3A_2069 : i32
      %broadcast_in_dim3A_2071 = vector.broadcast %and3A_1473 : i32 to vector<16xi32>
      %broadcast_in_dim3A_2072 = arith.constant 3 : i32
      %broadcast_in_dim3A_2073 = vector.broadcast %broadcast_in_dim3A_2072 : i32 to vector<16xi32>
      %add3A_2074 = arith.constant 0 : i32
      %add3A_2075 = vector.broadcast %add3A_2074 : i32 to vector<16xi32>
      %add3A_2076 = arith.addi %iota3A, %add3A_2075 : vector<16xi32>
      %gather3A_2077 = tpu.vector_load_idx %arg10[%broadcast_in_dim3A_2073, %add3A_2076, %broadcast_in_dim3A_2071] : memref<8x64x128xf32, #tpu.memory_space<vmem>>[vector<16xi32>, vector<16xi32>, vector<16xi32>], vector<16xf32>,
      %and3A_2078 = arith.constant 255 : i32
      %and3A_2079 = arith.andi %sub3A_2070, %and3A_2078 : i32
      %swap3A_2080 = arith.index_cast %and3A_2079 : i32 to index
      %swap3A_2081 = arith.constant 0 : index
      %swap3A_2082 = tpu.vector_load %arg11[%swap3A_2080, %swap3A_2081] {strides = array<i32>} : memref<256x64xf32, #tpu.memory_space<vmem>>, vector<16xf32>,
      tpu.vector_store %arg11[%swap3A_2080, %swap3A_2081], %gather3A_2077 {strides = array<i32>} : memref<256x64xf32, #tpu.memory_space<vmem>>, vector<16xf32>,
      %add3A_2083 = arith.constant 16 : i32
      %add3A_2084 = vector.broadcast %add3A_2083 : i32 to vector<16xi32>
      %add3A_2085 = arith.addi %iota3A, %add3A_2084 : vector<16xi32>
      %gather3A_2086 = tpu.vector_load_idx %arg10[%broadcast_in_dim3A_2073, %add3A_2085, %broadcast_in_dim3A_2071] : memref<8x64x128xf32, #tpu.memory_space<vmem>>[vector<16xi32>, vector<16xi32>, vector<16xi32>], vector<16xf32>,
      %and3A_2087 = arith.constant 255 : i32
      %and3A_2088 = arith.andi %sub3A_2070, %and3A_2087 : i32
      %swap3A_2089 = arith.index_cast %and3A_2088 : i32 to index
      %swap3A_2090 = arith.constant 16 : index
      %swap3A_2091 = tpu.vector_load %arg11[%swap3A_2089, %swap3A_2090] {strides = array<i32>} : memref<256x64xf32, #tpu.memory_space<vmem>>, vector<16xf32>,
      tpu.vector_store %arg11[%swap3A_2089, %swap3A_2090], %gather3A_2086 {strides = array<i32>} : memref<256x64xf32, #tpu.memory_space<vmem>>, vector<16xf32>,
      %add3A_2092 = arith.constant 32 : i32
      %add3A_2093 = vector.broadcast %add3A_2092 : i32 to vector<16xi32>
      %add3A_2094 = arith.addi %iota3A, %add3A_2093 : vector<16xi32>
      %gather3A_2095 = tpu.vector_load_idx %arg10[%broadcast_in_dim3A_2073, %add3A_2094, %broadcast_in_dim3A_2071] : memref<8x64x128xf32, #tpu.memory_space<vmem>>[vector<16xi32>, vector<16xi32>, vector<16xi32>], vector<16xf32>,
      %and3A_2096 = arith.constant 255 : i32
      %and3A_2097 = arith.andi %sub3A_2070, %and3A_2096 : i32
      %swap3A_2098 = arith.index_cast %and3A_2097 : i32 to index
      %swap3A_2099 = arith.constant 32 : index
      %swap3A_2100 = tpu.vector_load %arg11[%swap3A_2098, %swap3A_2099] {strides = array<i32>} : memref<256x64xf32, #tpu.memory_space<vmem>>, vector<16xf32>,
      tpu.vector_store %arg11[%swap3A_2098, %swap3A_2099], %gather3A_2095 {strides = array<i32>} : memref<256x64xf32, #tpu.memory_space<vmem>>, vector<16xf32>,
      %add3A_2101 = arith.constant 48 : i32
      %add3A_2102 = vector.broadcast %add3A_2101 : i32 to vector<16xi32>
      %add3A_2103 = arith.addi %iota3A, %add3A_2102 : vector<16xi32>
      %gather3A_2104 = tpu.vector_load_idx %arg10[%broadcast_in_dim3A_2073, %add3A_2103, %broadcast_in_dim3A_2071] : memref<8x64x128xf32, #tpu.memory_space<vmem>>[vector<16xi32>, vector<16xi32>, vector<16xi32>], vector<16xf32>,
      %and3A_2105 = arith.constant 255 : i32
      %and3A_2106 = arith.andi %sub3A_2070, %and3A_2105 : i32
      %swap3A_2107 = arith.index_cast %and3A_2106 : i32 to index
      %swap3A_2108 = arith.constant 48 : index
      %swap3A_2109 = tpu.vector_load %arg11[%swap3A_2107, %swap3A_2108] {strides = array<i32>} : memref<256x64xf32, #tpu.memory_space<vmem>>, vector<16xf32>,
      tpu.vector_store %arg11[%swap3A_2107, %swap3A_2108], %gather3A_2104 {strides = array<i32>} : memref<256x64xf32, #tpu.memory_space<vmem>>, vector<16xf32>,
      %slice3A_2110 = vector.extract_strided_slice %get3A_1206 {offsets = [11], sizes = [1], strides = [1]} : vector<16xi32> to vector<1xi32>
      %squeeze3A_2111 = vector.extract %slice3A_2110[0] : i32 from vector<1xi32>
      %shift_right_arithmetic3A_2112 = arith.constant 7 : i32
      %shift_right_arithmetic3A_2113 = arith.shrsi %squeeze3A_2111, %shift_right_arithmetic3A_2112 : i32
      %mul3A_2114 = arith.constant 128 : i32
      %mul3A_2115 = arith.muli %shift_right_arithmetic3A_2113, %mul3A_2114 : i32
      %multiple_of3A_2116 = tpu.assume_multiple %mul3A_2115, 128 : i32
      %dma_start3A_2117 = arith.constant 3 : i32
      %dma_start3A_2118 = arith.constant 0 : i32
      %dma_start3A_2119 = arith.constant 0 : i32
      %dma_start3A_2120 = tpu.memref_slice %arg10[%dma_start3A_2117, %dma_start3A_2118, %dma_start3A_2119] : memref<8x64x128xf32, #tpu.memory_space<vmem>> -> memref<1x64x128xf32, #tpu.memory_space<vmem>>
      %dma_start3A_2121 = tpu.memref_squeeze %dma_start3A_2120 : memref<1x64x128xf32, #tpu.memory_space<vmem>> -> memref<64x128xf32, #tpu.memory_space<vmem>>
      %dma_start3A_2122 = arith.constant 0 : i32
      %dma_start3A_2123 = tpu.memref_slice %arg2[%dma_start3A_2122, %multiple_of3A_2116] : memref<64x1000000xf32, #tpu.memory_space<hbm>> -> memref<64x128xf32, #tpu.memory_space<hbm>>
      %dma_start3A_2124 = arith.constant 0 : i32
      %dma_start3A_2125 = arith.constant 0 : i32
      %dma_start3A_2126 = tpu.memref_slice %arg10[%dma_start3A_2117, %dma_start3A_2124, %dma_start3A_2125] : memref<8x64x128xf32, #tpu.memory_space<vmem>> -> memref<1x64x128xf32, #tpu.memory_space<vmem>>
      %dma_start3A_2127 = tpu.memref_squeeze %dma_start3A_2126 : memref<1x64x128xf32, #tpu.memory_space<vmem>> -> memref<64x128xf32, #tpu.memory_space<vmem>>
      %dma_start3A_2128 = arith.constant 0 : i32
      %dma_start3A_2129 = tpu.memref_slice %arg2[%dma_start3A_2128, %multiple_of3A_2116] : memref<64x1000000xf32, #tpu.memory_space<hbm>> -> memref<64x128xf32, #tpu.memory_space<hbm>>
      tpu.enqueue_dma source(%dma_start3A_2129 : memref<64x128xf32, #tpu.memory_space<hbm>>) target(%dma_start3A_2127 : memref<64x128xf32, #tpu.memory_space<vmem>>) target_semaphore(%arg15 : memref<!tpu.dma_semaphore, #tpu.memory_space<semaphore_mem>>)
      %and3A_2130 = arith.constant 127 : i32
      %and3A_2131 = arith.andi %squeeze3A_2111, %and3A_2130 : i32
      %dma_wait3A_2132 = arith.constant 4 : i32
      %dma_wait3A_2133 = arith.constant 0 : i32
      %dma_wait3A_2134 = arith.constant 0 : i32
      %dma_wait3A_2135 = tpu.memref_slice %arg10[%dma_wait3A_2132, %dma_wait3A_2133, %dma_wait3A_2134] : memref<8x64x128xf32, #tpu.memory_space<vmem>> -> memref<1x64x128xf32, #tpu.memory_space<vmem>>
      %dma_wait3A_2136 = tpu.memref_squeeze %dma_wait3A_2135 : memref<1x64x128xf32, #tpu.memory_space<vmem>> -> memref<64x128xf32, #tpu.memory_space<vmem>>
      %dma_wait3A_2137 = arith.constant 0 : i32
      %dma_wait3A_2138 = arith.constant 0 : i32
      %dma_wait3A_2139 = tpu.memref_slice %arg2[%dma_wait3A_2137, %dma_wait3A_2138] : memref<64x1000000xf32, #tpu.memory_space<hbm>> -> memref<64x128xf32, #tpu.memory_space<hbm>>
      %dma_wait3A_2140 = arith.constant 0 : i32
      %dma_wait3A_2141 = arith.constant 0 : i32
      %dma_wait3A_2142 = tpu.memref_slice %arg10[%dma_wait3A_2132, %dma_wait3A_2140, %dma_wait3A_2141] : memref<8x64x128xf32, #tpu.memory_space<vmem>> -> memref<1x64x128xf32, #tpu.memory_space<vmem>>
      %dma_wait3A_2143 = tpu.memref_squeeze %dma_wait3A_2142 : memref<1x64x128xf32, #tpu.memory_space<vmem>> -> memref<64x128xf32, #tpu.memory_space<vmem>>
      %dma_wait3A_2144 = arith.constant 0 : i32
      %dma_wait3A_2145 = arith.constant 0 : i32
      %dma_wait3A_2146 = tpu.memref_slice %arg2[%dma_wait3A_2144, %dma_wait3A_2145] : memref<64x1000000xf32, #tpu.memory_space<hbm>> -> memref<64x128xf32, #tpu.memory_space<hbm>>
      tpu.wait_dma2 semaphore(%arg16 : memref<!tpu.dma_semaphore, #tpu.memory_space<semaphore_mem>>) src(%dma_wait3A_2146 : memref<64x128xf32, #tpu.memory_space<hbm>>) dst(%dma_wait3A_2143 : memref<64x128xf32, #tpu.memory_space<vmem>>)
      %mul3A_2147 = arith.constant 16 : i32
      %mul3A_2148 = arith.muli %scan3A_1195, %mul3A_2147 : i32
      %add3A_2149 = arith.constant 11 : i32
      %add3A_2150 = arith.addi %mul3A_2148, %add3A_2149 : i32
      %sub3A_2151 = arith.constant 7 : i32
      %sub3A_2152 = arith.subi %add3A_2150, %sub3A_2151 : i32
      %broadcast_in_dim3A_2153 = vector.broadcast %and3A_1555 : i32 to vector<16xi32>
      %broadcast_in_dim3A_2154 = arith.constant 4 : i32
      %broadcast_in_dim3A_2155 = vector.broadcast %broadcast_in_dim3A_2154 : i32 to vector<16xi32>
      %add3A_2156 = arith.constant 0 : i32
      %add3A_2157 = vector.broadcast %add3A_2156 : i32 to vector<16xi32>
      %add3A_2158 = arith.addi %iota3A, %add3A_2157 : vector<16xi32>
      %gather3A_2159 = tpu.vector_load_idx %arg10[%broadcast_in_dim3A_2155, %add3A_2158, %broadcast_in_dim3A_2153] : memref<8x64x128xf32, #tpu.memory_space<vmem>>[vector<16xi32>, vector<16xi32>, vector<16xi32>], vector<16xf32>,
      %and3A_2160 = arith.constant 255 : i32
      %and3A_2161 = arith.andi %sub3A_2152, %and3A_2160 : i32
      %swap3A_2162 = arith.index_cast %and3A_2161 : i32 to index
      %swap3A_2163 = arith.constant 0 : index
      %swap3A_2164 = tpu.vector_load %arg11[%swap3A_2162, %swap3A_2163] {strides = array<i32>} : memref<256x64xf32, #tpu.memory_space<vmem>>, vector<16xf32>,
      tpu.vector_store %arg11[%swap3A_2162, %swap3A_2163], %gather3A_2159 {strides = array<i32>} : memref<256x64xf32, #tpu.memory_space<vmem>>, vector<16xf32>,
      %add3A_2165 = arith.constant 16 : i32
      %add3A_2166 = vector.broadcast %add3A_2165 : i32 to vector<16xi32>
      %add3A_2167 = arith.addi %iota3A, %add3A_2166 : vector<16xi32>
      %gather3A_2168 = tpu.vector_load_idx %arg10[%broadcast_in_dim3A_2155, %add3A_2167, %broadcast_in_dim3A_2153] : memref<8x64x128xf32, #tpu.memory_space<vmem>>[vector<16xi32>, vector<16xi32>, vector<16xi32>], vector<16xf32>,
      %and3A_2169 = arith.constant 255 : i32
      %and3A_2170 = arith.andi %sub3A_2152, %and3A_2169 : i32
      %swap3A_2171 = arith.index_cast %and3A_2170 : i32 to index
      %swap3A_2172 = arith.constant 16 : index
      %swap3A_2173 = tpu.vector_load %arg11[%swap3A_2171, %swap3A_2172] {strides = array<i32>} : memref<256x64xf32, #tpu.memory_space<vmem>>, vector<16xf32>,
      tpu.vector_store %arg11[%swap3A_2171, %swap3A_2172], %gather3A_2168 {strides = array<i32>} : memref<256x64xf32, #tpu.memory_space<vmem>>, vector<16xf32>,
      %add3A_2174 = arith.constant 32 : i32
      %add3A_2175 = vector.broadcast %add3A_2174 : i32 to vector<16xi32>
      %add3A_2176 = arith.addi %iota3A, %add3A_2175 : vector<16xi32>
      %gather3A_2177 = tpu.vector_load_idx %arg10[%broadcast_in_dim3A_2155, %add3A_2176, %broadcast_in_dim3A_2153] : memref<8x64x128xf32, #tpu.memory_space<vmem>>[vector<16xi32>, vector<16xi32>, vector<16xi32>], vector<16xf32>,
      %and3A_2178 = arith.constant 255 : i32
      %and3A_2179 = arith.andi %sub3A_2152, %and3A_2178 : i32
      %swap3A_2180 = arith.index_cast %and3A_2179 : i32 to index
      %swap3A_2181 = arith.constant 32 : index
      %swap3A_2182 = tpu.vector_load %arg11[%swap3A_2180, %swap3A_2181] {strides = array<i32>} : memref<256x64xf32, #tpu.memory_space<vmem>>, vector<16xf32>,
      tpu.vector_store %arg11[%swap3A_2180, %swap3A_2181], %gather3A_2177 {strides = array<i32>} : memref<256x64xf32, #tpu.memory_space<vmem>>, vector<16xf32>,
      %add3A_2183 = arith.constant 48 : i32
      %add3A_2184 = vector.broadcast %add3A_2183 : i32 to vector<16xi32>
      %add3A_2185 = arith.addi %iota3A, %add3A_2184 : vector<16xi32>
      %gather3A_2186 = tpu.vector_load_idx %arg10[%broadcast_in_dim3A_2155, %add3A_2185, %broadcast_in_dim3A_2153] : memref<8x64x128xf32, #tpu.memory_space<vmem>>[vector<16xi32>, vector<16xi32>, vector<16xi32>], vector<16xf32>,
      %and3A_2187 = arith.constant 255 : i32
      %and3A_2188 = arith.andi %sub3A_2152, %and3A_2187 : i32
      %swap3A_2189 = arith.index_cast %and3A_2188 : i32 to index
      %swap3A_2190 = arith.constant 48 : index
      %swap3A_2191 = tpu.vector_load %arg11[%swap3A_2189, %swap3A_2190] {strides = array<i32>} : memref<256x64xf32, #tpu.memory_space<vmem>>, vector<16xf32>,
      tpu.vector_store %arg11[%swap3A_2189, %swap3A_2190], %gather3A_2186 {strides = array<i32>} : memref<256x64xf32, #tpu.memory_space<vmem>>, vector<16xf32>,
      %slice3A_2192 = vector.extract_strided_slice %get3A_1206 {offsets = [12], sizes = [1], strides = [1]} : vector<16xi32> to vector<1xi32>
      %squeeze3A_2193 = vector.extract %slice3A_2192[0] : i32 from vector<1xi32>
      %shift_right_arithmetic3A_2194 = arith.constant 7 : i32
      %shift_right_arithmetic3A_2195 = arith.shrsi %squeeze3A_2193, %shift_right_arithmetic3A_2194 : i32
      %mul3A_2196 = arith.constant 128 : i32
      %mul3A_2197 = arith.muli %shift_right_arithmetic3A_2195, %mul3A_2196 : i32
      %multiple_of3A_2198 = tpu.assume_multiple %mul3A_2197, 128 : i32
      %dma_start3A_2199 = arith.constant 4 : i32
      %dma_start3A_2200 = arith.constant 0 : i32
      %dma_start3A_2201 = arith.constant 0 : i32
      %dma_start3A_2202 = tpu.memref_slice %arg10[%dma_start3A_2199, %dma_start3A_2200, %dma_start3A_2201] : memref<8x64x128xf32, #tpu.memory_space<vmem>> -> memref<1x64x128xf32, #tpu.memory_space<vmem>>
      %dma_start3A_2203 = tpu.memref_squeeze %dma_start3A_2202 : memref<1x64x128xf32, #tpu.memory_space<vmem>> -> memref<64x128xf32, #tpu.memory_space<vmem>>
      %dma_start3A_2204 = arith.constant 0 : i32
      %dma_start3A_2205 = tpu.memref_slice %arg2[%dma_start3A_2204, %multiple_of3A_2198] : memref<64x1000000xf32, #tpu.memory_space<hbm>> -> memref<64x128xf32, #tpu.memory_space<hbm>>
      %dma_start3A_2206 = arith.constant 0 : i32
      %dma_start3A_2207 = arith.constant 0 : i32
      %dma_start3A_2208 = tpu.memref_slice %arg10[%dma_start3A_2199, %dma_start3A_2206, %dma_start3A_2207] : memref<8x64x128xf32, #tpu.memory_space<vmem>> -> memref<1x64x128xf32, #tpu.memory_space<vmem>>
      %dma_start3A_2209 = tpu.memref_squeeze %dma_start3A_2208 : memref<1x64x128xf32, #tpu.memory_space<vmem>> -> memref<64x128xf32, #tpu.memory_space<vmem>>
      %dma_start3A_2210 = arith.constant 0 : i32
      %dma_start3A_2211 = tpu.memref_slice %arg2[%dma_start3A_2210, %multiple_of3A_2198] : memref<64x1000000xf32, #tpu.memory_space<hbm>> -> memref<64x128xf32, #tpu.memory_space<hbm>>
      tpu.enqueue_dma source(%dma_start3A_2211 : memref<64x128xf32, #tpu.memory_space<hbm>>) target(%dma_start3A_2209 : memref<64x128xf32, #tpu.memory_space<vmem>>) target_semaphore(%arg16 : memref<!tpu.dma_semaphore, #tpu.memory_space<semaphore_mem>>)
      %and3A_2212 = arith.constant 127 : i32
      %and3A_2213 = arith.andi %squeeze3A_2193, %and3A_2212 : i32
      %dma_wait3A_2214 = arith.constant 5 : i32
      %dma_wait3A_2215 = arith.constant 0 : i32
      %dma_wait3A_2216 = arith.constant 0 : i32
      %dma_wait3A_2217 = tpu.memref_slice %arg10[%dma_wait3A_2214, %dma_wait3A_2215, %dma_wait3A_2216] : memref<8x64x128xf32, #tpu.memory_space<vmem>> -> memref<1x64x128xf32, #tpu.memory_space<vmem>>
      %dma_wait3A_2218 = tpu.memref_squeeze %dma_wait3A_2217 : memref<1x64x128xf32, #tpu.memory_space<vmem>> -> memref<64x128xf32, #tpu.memory_space<vmem>>
      %dma_wait3A_2219 = arith.constant 0 : i32
      %dma_wait3A_2220 = arith.constant 0 : i32
      %dma_wait3A_2221 = tpu.memref_slice %arg2[%dma_wait3A_2219, %dma_wait3A_2220] : memref<64x1000000xf32, #tpu.memory_space<hbm>> -> memref<64x128xf32, #tpu.memory_space<hbm>>
      %dma_wait3A_2222 = arith.constant 0 : i32
      %dma_wait3A_2223 = arith.constant 0 : i32
      %dma_wait3A_2224 = tpu.memref_slice %arg10[%dma_wait3A_2214, %dma_wait3A_2222, %dma_wait3A_2223] : memref<8x64x128xf32, #tpu.memory_space<vmem>> -> memref<1x64x128xf32, #tpu.memory_space<vmem>>
      %dma_wait3A_2225 = tpu.memref_squeeze %dma_wait3A_2224 : memref<1x64x128xf32, #tpu.memory_space<vmem>> -> memref<64x128xf32, #tpu.memory_space<vmem>>
      %dma_wait3A_2226 = arith.constant 0 : i32
      %dma_wait3A_2227 = arith.constant 0 : i32
      %dma_wait3A_2228 = tpu.memref_slice %arg2[%dma_wait3A_2226, %dma_wait3A_2227] : memref<64x1000000xf32, #tpu.memory_space<hbm>> -> memref<64x128xf32, #tpu.memory_space<hbm>>
      tpu.wait_dma2 semaphore(%arg17 : memref<!tpu.dma_semaphore, #tpu.memory_space<semaphore_mem>>) src(%dma_wait3A_2228 : memref<64x128xf32, #tpu.memory_space<hbm>>) dst(%dma_wait3A_2225 : memref<64x128xf32, #tpu.memory_space<vmem>>)
      %mul3A_2229 = arith.constant 16 : i32
      %mul3A_2230 = arith.muli %scan3A_1195, %mul3A_2229 : i32
      %add3A_2231 = arith.constant 12 : i32
      %add3A_2232 = arith.addi %mul3A_2230, %add3A_2231 : i32
      %sub3A_2233 = arith.constant 7 : i32
      %sub3A_2234 = arith.subi %add3A_2232, %sub3A_2233 : i32
      %broadcast_in_dim3A_2235 = vector.broadcast %and3A_1637 : i32 to vector<16xi32>
      %broadcast_in_dim3A_2236 = arith.constant 5 : i32
      %broadcast_in_dim3A_2237 = vector.broadcast %broadcast_in_dim3A_2236 : i32 to vector<16xi32>
      %add3A_2238 = arith.constant 0 : i32
      %add3A_2239 = vector.broadcast %add3A_2238 : i32 to vector<16xi32>
      %add3A_2240 = arith.addi %iota3A, %add3A_2239 : vector<16xi32>
      %gather3A_2241 = tpu.vector_load_idx %arg10[%broadcast_in_dim3A_2237, %add3A_2240, %broadcast_in_dim3A_2235] : memref<8x64x128xf32, #tpu.memory_space<vmem>>[vector<16xi32>, vector<16xi32>, vector<16xi32>], vector<16xf32>,
      %and3A_2242 = arith.constant 255 : i32
      %and3A_2243 = arith.andi %sub3A_2234, %and3A_2242 : i32
      %swap3A_2244 = arith.index_cast %and3A_2243 : i32 to index
      %swap3A_2245 = arith.constant 0 : index
      %swap3A_2246 = tpu.vector_load %arg11[%swap3A_2244, %swap3A_2245] {strides = array<i32>} : memref<256x64xf32, #tpu.memory_space<vmem>>, vector<16xf32>,
      tpu.vector_store %arg11[%swap3A_2244, %swap3A_2245], %gather3A_2241 {strides = array<i32>} : memref<256x64xf32, #tpu.memory_space<vmem>>, vector<16xf32>,
      %add3A_2247 = arith.constant 16 : i32
      %add3A_2248 = vector.broadcast %add3A_2247 : i32 to vector<16xi32>
      %add3A_2249 = arith.addi %iota3A, %add3A_2248 : vector<16xi32>
      %gather3A_2250 = tpu.vector_load_idx %arg10[%broadcast_in_dim3A_2237, %add3A_2249, %broadcast_in_dim3A_2235] : memref<8x64x128xf32, #tpu.memory_space<vmem>>[vector<16xi32>, vector<16xi32>, vector<16xi32>], vector<16xf32>,
      %and3A_2251 = arith.constant 255 : i32
      %and3A_2252 = arith.andi %sub3A_2234, %and3A_2251 : i32
      %swap3A_2253 = arith.index_cast %and3A_2252 : i32 to index
      %swap3A_2254 = arith.constant 16 : index
      %swap3A_2255 = tpu.vector_load %arg11[%swap3A_2253, %swap3A_2254] {strides = array<i32>} : memref<256x64xf32, #tpu.memory_space<vmem>>, vector<16xf32>,
      tpu.vector_store %arg11[%swap3A_2253, %swap3A_2254], %gather3A_2250 {strides = array<i32>} : memref<256x64xf32, #tpu.memory_space<vmem>>, vector<16xf32>,
      %add3A_2256 = arith.constant 32 : i32
      %add3A_2257 = vector.broadcast %add3A_2256 : i32 to vector<16xi32>
      %add3A_2258 = arith.addi %iota3A, %add3A_2257 : vector<16xi32>
      %gather3A_2259 = tpu.vector_load_idx %arg10[%broadcast_in_dim3A_2237, %add3A_2258, %broadcast_in_dim3A_2235] : memref<8x64x128xf32, #tpu.memory_space<vmem>>[vector<16xi32>, vector<16xi32>, vector<16xi32>], vector<16xf32>,
      %and3A_2260 = arith.constant 255 : i32
      %and3A_2261 = arith.andi %sub3A_2234, %and3A_2260 : i32
      %swap3A_2262 = arith.index_cast %and3A_2261 : i32 to index
      %swap3A_2263 = arith.constant 32 : index
      %swap3A_2264 = tpu.vector_load %arg11[%swap3A_2262, %swap3A_2263] {strides = array<i32>} : memref<256x64xf32, #tpu.memory_space<vmem>>, vector<16xf32>,
      tpu.vector_store %arg11[%swap3A_2262, %swap3A_2263], %gather3A_2259 {strides = array<i32>} : memref<256x64xf32, #tpu.memory_space<vmem>>, vector<16xf32>,
      %add3A_2265 = arith.constant 48 : i32
      %add3A_2266 = vector.broadcast %add3A_2265 : i32 to vector<16xi32>
      %add3A_2267 = arith.addi %iota3A, %add3A_2266 : vector<16xi32>
      %gather3A_2268 = tpu.vector_load_idx %arg10[%broadcast_in_dim3A_2237, %add3A_2267, %broadcast_in_dim3A_2235] : memref<8x64x128xf32, #tpu.memory_space<vmem>>[vector<16xi32>, vector<16xi32>, vector<16xi32>], vector<16xf32>,
      %and3A_2269 = arith.constant 255 : i32
      %and3A_2270 = arith.andi %sub3A_2234, %and3A_2269 : i32
      %swap3A_2271 = arith.index_cast %and3A_2270 : i32 to index
      %swap3A_2272 = arith.constant 48 : index
      %swap3A_2273 = tpu.vector_load %arg11[%swap3A_2271, %swap3A_2272] {strides = array<i32>} : memref<256x64xf32, #tpu.memory_space<vmem>>, vector<16xf32>,
      tpu.vector_store %arg11[%swap3A_2271, %swap3A_2272], %gather3A_2268 {strides = array<i32>} : memref<256x64xf32, #tpu.memory_space<vmem>>, vector<16xf32>,
      %slice3A_2274 = vector.extract_strided_slice %get3A_1206 {offsets = [13], sizes = [1], strides = [1]} : vector<16xi32> to vector<1xi32>
      %squeeze3A_2275 = vector.extract %slice3A_2274[0] : i32 from vector<1xi32>
      %shift_right_arithmetic3A_2276 = arith.constant 7 : i32
      %shift_right_arithmetic3A_2277 = arith.shrsi %squeeze3A_2275, %shift_right_arithmetic3A_2276 : i32
      %mul3A_2278 = arith.constant 128 : i32
      %mul3A_2279 = arith.muli %shift_right_arithmetic3A_2277, %mul3A_2278 : i32
      %multiple_of3A_2280 = tpu.assume_multiple %mul3A_2279, 128 : i32
      %dma_start3A_2281 = arith.constant 5 : i32
      %dma_start3A_2282 = arith.constant 0 : i32
      %dma_start3A_2283 = arith.constant 0 : i32
      %dma_start3A_2284 = tpu.memref_slice %arg10[%dma_start3A_2281, %dma_start3A_2282, %dma_start3A_2283] : memref<8x64x128xf32, #tpu.memory_space<vmem>> -> memref<1x64x128xf32, #tpu.memory_space<vmem>>
      %dma_start3A_2285 = tpu.memref_squeeze %dma_start3A_2284 : memref<1x64x128xf32, #tpu.memory_space<vmem>> -> memref<64x128xf32, #tpu.memory_space<vmem>>
      %dma_start3A_2286 = arith.constant 0 : i32
      %dma_start3A_2287 = tpu.memref_slice %arg2[%dma_start3A_2286, %multiple_of3A_2280] : memref<64x1000000xf32, #tpu.memory_space<hbm>> -> memref<64x128xf32, #tpu.memory_space<hbm>>
      %dma_start3A_2288 = arith.constant 0 : i32
      %dma_start3A_2289 = arith.constant 0 : i32
      %dma_start3A_2290 = tpu.memref_slice %arg10[%dma_start3A_2281, %dma_start3A_2288, %dma_start3A_2289] : memref<8x64x128xf32, #tpu.memory_space<vmem>> -> memref<1x64x128xf32, #tpu.memory_space<vmem>>
      %dma_start3A_2291 = tpu.memref_squeeze %dma_start3A_2290 : memref<1x64x128xf32, #tpu.memory_space<vmem>> -> memref<64x128xf32, #tpu.memory_space<vmem>>
      %dma_start3A_2292 = arith.constant 0 : i32
      %dma_start3A_2293 = tpu.memref_slice %arg2[%dma_start3A_2292, %multiple_of3A_2280] : memref<64x1000000xf32, #tpu.memory_space<hbm>> -> memref<64x128xf32, #tpu.memory_space<hbm>>
      tpu.enqueue_dma source(%dma_start3A_2293 : memref<64x128xf32, #tpu.memory_space<hbm>>) target(%dma_start3A_2291 : memref<64x128xf32, #tpu.memory_space<vmem>>) target_semaphore(%arg17 : memref<!tpu.dma_semaphore, #tpu.memory_space<semaphore_mem>>)
      %and3A_2294 = arith.constant 127 : i32
      %and3A_2295 = arith.andi %squeeze3A_2275, %and3A_2294 : i32
      %dma_wait3A_2296 = arith.constant 6 : i32
      %dma_wait3A_2297 = arith.constant 0 : i32
      %dma_wait3A_2298 = arith.constant 0 : i32
      %dma_wait3A_2299 = tpu.memref_slice %arg10[%dma_wait3A_2296, %dma_wait3A_2297, %dma_wait3A_2298] : memref<8x64x128xf32, #tpu.memory_space<vmem>> -> memref<1x64x128xf32, #tpu.memory_space<vmem>>
      %dma_wait3A_2300 = tpu.memref_squeeze %dma_wait3A_2299 : memref<1x64x128xf32, #tpu.memory_space<vmem>> -> memref<64x128xf32, #tpu.memory_space<vmem>>
      %dma_wait3A_2301 = arith.constant 0 : i32
      %dma_wait3A_2302 = arith.constant 0 : i32
      %dma_wait3A_2303 = tpu.memref_slice %arg2[%dma_wait3A_2301, %dma_wait3A_2302] : memref<64x1000000xf32, #tpu.memory_space<hbm>> -> memref<64x128xf32, #tpu.memory_space<hbm>>
      %dma_wait3A_2304 = arith.constant 0 : i32
      %dma_wait3A_2305 = arith.constant 0 : i32
      %dma_wait3A_2306 = tpu.memref_slice %arg10[%dma_wait3A_2296, %dma_wait3A_2304, %dma_wait3A_2305] : memref<8x64x128xf32, #tpu.memory_space<vmem>> -> memref<1x64x128xf32, #tpu.memory_space<vmem>>
      %dma_wait3A_2307 = tpu.memref_squeeze %dma_wait3A_2306 : memref<1x64x128xf32, #tpu.memory_space<vmem>> -> memref<64x128xf32, #tpu.memory_space<vmem>>
      %dma_wait3A_2308 = arith.constant 0 : i32
      %dma_wait3A_2309 = arith.constant 0 : i32
      %dma_wait3A_2310 = tpu.memref_slice %arg2[%dma_wait3A_2308, %dma_wait3A_2309] : memref<64x1000000xf32, #tpu.memory_space<hbm>> -> memref<64x128xf32, #tpu.memory_space<hbm>>
      tpu.wait_dma2 semaphore(%arg18 : memref<!tpu.dma_semaphore, #tpu.memory_space<semaphore_mem>>) src(%dma_wait3A_2310 : memref<64x128xf32, #tpu.memory_space<hbm>>) dst(%dma_wait3A_2307 : memref<64x128xf32, #tpu.memory_space<vmem>>)
      %mul3A_2311 = arith.constant 16 : i32
      %mul3A_2312 = arith.muli %scan3A_1195, %mul3A_2311 : i32
      %add3A_2313 = arith.constant 13 : i32
      %add3A_2314 = arith.addi %mul3A_2312, %add3A_2313 : i32
      %sub3A_2315 = arith.constant 7 : i32
      %sub3A_2316 = arith.subi %add3A_2314, %sub3A_2315 : i32
      %broadcast_in_dim3A_2317 = vector.broadcast %and3A_1719 : i32 to vector<16xi32>
      %broadcast_in_dim3A_2318 = arith.constant 6 : i32
      %broadcast_in_dim3A_2319 = vector.broadcast %broadcast_in_dim3A_2318 : i32 to vector<16xi32>
      %add3A_2320 = arith.constant 0 : i32
      %add3A_2321 = vector.broadcast %add3A_2320 : i32 to vector<16xi32>
      %add3A_2322 = arith.addi %iota3A, %add3A_2321 : vector<16xi32>
      %gather3A_2323 = tpu.vector_load_idx %arg10[%broadcast_in_dim3A_2319, %add3A_2322, %broadcast_in_dim3A_2317] : memref<8x64x128xf32, #tpu.memory_space<vmem>>[vector<16xi32>, vector<16xi32>, vector<16xi32>], vector<16xf32>,
      %and3A_2324 = arith.constant 255 : i32
      %and3A_2325 = arith.andi %sub3A_2316, %and3A_2324 : i32
      %swap3A_2326 = arith.index_cast %and3A_2325 : i32 to index
      %swap3A_2327 = arith.constant 0 : index
      %swap3A_2328 = tpu.vector_load %arg11[%swap3A_2326, %swap3A_2327] {strides = array<i32>} : memref<256x64xf32, #tpu.memory_space<vmem>>, vector<16xf32>,
      tpu.vector_store %arg11[%swap3A_2326, %swap3A_2327], %gather3A_2323 {strides = array<i32>} : memref<256x64xf32, #tpu.memory_space<vmem>>, vector<16xf32>,
      %add3A_2329 = arith.constant 16 : i32
      %add3A_2330 = vector.broadcast %add3A_2329 : i32 to vector<16xi32>
      %add3A_2331 = arith.addi %iota3A, %add3A_2330 : vector<16xi32>
      %gather3A_2332 = tpu.vector_load_idx %arg10[%broadcast_in_dim3A_2319, %add3A_2331, %broadcast_in_dim3A_2317] : memref<8x64x128xf32, #tpu.memory_space<vmem>>[vector<16xi32>, vector<16xi32>, vector<16xi32>], vector<16xf32>,
      %and3A_2333 = arith.constant 255 : i32
      %and3A_2334 = arith.andi %sub3A_2316, %and3A_2333 : i32
      %swap3A_2335 = arith.index_cast %and3A_2334 : i32 to index
      %swap3A_2336 = arith.constant 16 : index
      %swap3A_2337 = tpu.vector_load %arg11[%swap3A_2335, %swap3A_2336] {strides = array<i32>} : memref<256x64xf32, #tpu.memory_space<vmem>>, vector<16xf32>,
      tpu.vector_store %arg11[%swap3A_2335, %swap3A_2336], %gather3A_2332 {strides = array<i32>} : memref<256x64xf32, #tpu.memory_space<vmem>>, vector<16xf32>,
      %add3A_2338 = arith.constant 32 : i32
      %add3A_2339 = vector.broadcast %add3A_2338 : i32 to vector<16xi32>
      %add3A_2340 = arith.addi %iota3A, %add3A_2339 : vector<16xi32>
      %gather3A_2341 = tpu.vector_load_idx %arg10[%broadcast_in_dim3A_2319, %add3A_2340, %broadcast_in_dim3A_2317] : memref<8x64x128xf32, #tpu.memory_space<vmem>>[vector<16xi32>, vector<16xi32>, vector<16xi32>], vector<16xf32>,
      %and3A_2342 = arith.constant 255 : i32
      %and3A_2343 = arith.andi %sub3A_2316, %and3A_2342 : i32
      %swap3A_2344 = arith.index_cast %and3A_2343 : i32 to index
      %swap3A_2345 = arith.constant 32 : index
      %swap3A_2346 = tpu.vector_load %arg11[%swap3A_2344, %swap3A_2345] {strides = array<i32>} : memref<256x64xf32, #tpu.memory_space<vmem>>, vector<16xf32>,
      tpu.vector_store %arg11[%swap3A_2344, %swap3A_2345], %gather3A_2341 {strides = array<i32>} : memref<256x64xf32, #tpu.memory_space<vmem>>, vector<16xf32>,
      %add3A_2347 = arith.constant 48 : i32
      %add3A_2348 = vector.broadcast %add3A_2347 : i32 to vector<16xi32>
      %add3A_2349 = arith.addi %iota3A, %add3A_2348 : vector<16xi32>
      %gather3A_2350 = tpu.vector_load_idx %arg10[%broadcast_in_dim3A_2319, %add3A_2349, %broadcast_in_dim3A_2317] : memref<8x64x128xf32, #tpu.memory_space<vmem>>[vector<16xi32>, vector<16xi32>, vector<16xi32>], vector<16xf32>,
      %and3A_2351 = arith.constant 255 : i32
      %and3A_2352 = arith.andi %sub3A_2316, %and3A_2351 : i32
      %swap3A_2353 = arith.index_cast %and3A_2352 : i32 to index
      %swap3A_2354 = arith.constant 48 : index
      %swap3A_2355 = tpu.vector_load %arg11[%swap3A_2353, %swap3A_2354] {strides = array<i32>} : memref<256x64xf32, #tpu.memory_space<vmem>>, vector<16xf32>,
      tpu.vector_store %arg11[%swap3A_2353, %swap3A_2354], %gather3A_2350 {strides = array<i32>} : memref<256x64xf32, #tpu.memory_space<vmem>>, vector<16xf32>,
      %slice3A_2356 = vector.extract_strided_slice %get3A_1206 {offsets = [14], sizes = [1], strides = [1]} : vector<16xi32> to vector<1xi32>
      %squeeze3A_2357 = vector.extract %slice3A_2356[0] : i32 from vector<1xi32>
      %shift_right_arithmetic3A_2358 = arith.constant 7 : i32
      %shift_right_arithmetic3A_2359 = arith.shrsi %squeeze3A_2357, %shift_right_arithmetic3A_2358 : i32
      %mul3A_2360 = arith.constant 128 : i32
      %mul3A_2361 = arith.muli %shift_right_arithmetic3A_2359, %mul3A_2360 : i32
      %multiple_of3A_2362 = tpu.assume_multiple %mul3A_2361, 128 : i32
      %dma_start3A_2363 = arith.constant 6 : i32
      %dma_start3A_2364 = arith.constant 0 : i32
      %dma_start3A_2365 = arith.constant 0 : i32
      %dma_start3A_2366 = tpu.memref_slice %arg10[%dma_start3A_2363, %dma_start3A_2364, %dma_start3A_2365] : memref<8x64x128xf32, #tpu.memory_space<vmem>> -> memref<1x64x128xf32, #tpu.memory_space<vmem>>
      %dma_start3A_2367 = tpu.memref_squeeze %dma_start3A_2366 : memref<1x64x128xf32, #tpu.memory_space<vmem>> -> memref<64x128xf32, #tpu.memory_space<vmem>>
      %dma_start3A_2368 = arith.constant 0 : i32
      %dma_start3A_2369 = tpu.memref_slice %arg2[%dma_start3A_2368, %multiple_of3A_2362] : memref<64x1000000xf32, #tpu.memory_space<hbm>> -> memref<64x128xf32, #tpu.memory_space<hbm>>
      %dma_start3A_2370 = arith.constant 0 : i32
      %dma_start3A_2371 = arith.constant 0 : i32
      %dma_start3A_2372 = tpu.memref_slice %arg10[%dma_start3A_2363, %dma_start3A_2370, %dma_start3A_2371] : memref<8x64x128xf32, #tpu.memory_space<vmem>> -> memref<1x64x128xf32, #tpu.memory_space<vmem>>
      %dma_start3A_2373 = tpu.memref_squeeze %dma_start3A_2372 : memref<1x64x128xf32, #tpu.memory_space<vmem>> -> memref<64x128xf32, #tpu.memory_space<vmem>>
      %dma_start3A_2374 = arith.constant 0 : i32
      %dma_start3A_2375 = tpu.memref_slice %arg2[%dma_start3A_2374, %multiple_of3A_2362] : memref<64x1000000xf32, #tpu.memory_space<hbm>> -> memref<64x128xf32, #tpu.memory_space<hbm>>
      tpu.enqueue_dma source(%dma_start3A_2375 : memref<64x128xf32, #tpu.memory_space<hbm>>) target(%dma_start3A_2373 : memref<64x128xf32, #tpu.memory_space<vmem>>) target_semaphore(%arg18 : memref<!tpu.dma_semaphore, #tpu.memory_space<semaphore_mem>>)
      %and3A_2376 = arith.constant 127 : i32
      %and3A_2377 = arith.andi %squeeze3A_2357, %and3A_2376 : i32
      %dma_wait3A_2378 = arith.constant 7 : i32
      %dma_wait3A_2379 = arith.constant 0 : i32
      %dma_wait3A_2380 = arith.constant 0 : i32
      %dma_wait3A_2381 = tpu.memref_slice %arg10[%dma_wait3A_2378, %dma_wait3A_2379, %dma_wait3A_2380] : memref<8x64x128xf32, #tpu.memory_space<vmem>> -> memref<1x64x128xf32, #tpu.memory_space<vmem>>
      %dma_wait3A_2382 = tpu.memref_squeeze %dma_wait3A_2381 : memref<1x64x128xf32, #tpu.memory_space<vmem>> -> memref<64x128xf32, #tpu.memory_space<vmem>>
      %dma_wait3A_2383 = arith.constant 0 : i32
      %dma_wait3A_2384 = arith.constant 0 : i32
      %dma_wait3A_2385 = tpu.memref_slice %arg2[%dma_wait3A_2383, %dma_wait3A_2384] : memref<64x1000000xf32, #tpu.memory_space<hbm>> -> memref<64x128xf32, #tpu.memory_space<hbm>>
      %dma_wait3A_2386 = arith.constant 0 : i32
      %dma_wait3A_2387 = arith.constant 0 : i32
      %dma_wait3A_2388 = tpu.memref_slice %arg10[%dma_wait3A_2378, %dma_wait3A_2386, %dma_wait3A_2387] : memref<8x64x128xf32, #tpu.memory_space<vmem>> -> memref<1x64x128xf32, #tpu.memory_space<vmem>>
      %dma_wait3A_2389 = tpu.memref_squeeze %dma_wait3A_2388 : memref<1x64x128xf32, #tpu.memory_space<vmem>> -> memref<64x128xf32, #tpu.memory_space<vmem>>
      %dma_wait3A_2390 = arith.constant 0 : i32
      %dma_wait3A_2391 = arith.constant 0 : i32
      %dma_wait3A_2392 = tpu.memref_slice %arg2[%dma_wait3A_2390, %dma_wait3A_2391] : memref<64x1000000xf32, #tpu.memory_space<hbm>> -> memref<64x128xf32, #tpu.memory_space<hbm>>
      tpu.wait_dma2 semaphore(%arg19 : memref<!tpu.dma_semaphore, #tpu.memory_space<semaphore_mem>>) src(%dma_wait3A_2392 : memref<64x128xf32, #tpu.memory_space<hbm>>) dst(%dma_wait3A_2389 : memref<64x128xf32, #tpu.memory_space<vmem>>)
      %mul3A_2393 = arith.constant 16 : i32
      %mul3A_2394 = arith.muli %scan3A_1195, %mul3A_2393 : i32
      %add3A_2395 = arith.constant 14 : i32
      %add3A_2396 = arith.addi %mul3A_2394, %add3A_2395 : i32
      %sub3A_2397 = arith.constant 7 : i32
      %sub3A_2398 = arith.subi %add3A_2396, %sub3A_2397 : i32
      %broadcast_in_dim3A_2399 = vector.broadcast %and3A_1803 : i32 to vector<16xi32>
      %broadcast_in_dim3A_2400 = arith.constant 7 : i32
      %broadcast_in_dim3A_2401 = vector.broadcast %broadcast_in_dim3A_2400 : i32 to vector<16xi32>
      %add3A_2402 = arith.constant 0 : i32
      %add3A_2403 = vector.broadcast %add3A_2402 : i32 to vector<16xi32>
      %add3A_2404 = arith.addi %iota3A, %add3A_2403 : vector<16xi32>
      %gather3A_2405 = tpu.vector_load_idx %arg10[%broadcast_in_dim3A_2401, %add3A_2404, %broadcast_in_dim3A_2399] : memref<8x64x128xf32, #tpu.memory_space<vmem>>[vector<16xi32>, vector<16xi32>, vector<16xi32>], vector<16xf32>,
      %and3A_2406 = arith.constant 255 : i32
      %and3A_2407 = arith.andi %sub3A_2398, %and3A_2406 : i32
      %swap3A_2408 = arith.index_cast %and3A_2407 : i32 to index
      %swap3A_2409 = arith.constant 0 : index
      %swap3A_2410 = tpu.vector_load %arg11[%swap3A_2408, %swap3A_2409] {strides = array<i32>} : memref<256x64xf32, #tpu.memory_space<vmem>>, vector<16xf32>,
      tpu.vector_store %arg11[%swap3A_2408, %swap3A_2409], %gather3A_2405 {strides = array<i32>} : memref<256x64xf32, #tpu.memory_space<vmem>>, vector<16xf32>,
      %add3A_2411 = arith.constant 16 : i32
      %add3A_2412 = vector.broadcast %add3A_2411 : i32 to vector<16xi32>
      %add3A_2413 = arith.addi %iota3A, %add3A_2412 : vector<16xi32>
      %gather3A_2414 = tpu.vector_load_idx %arg10[%broadcast_in_dim3A_2401, %add3A_2413, %broadcast_in_dim3A_2399] : memref<8x64x128xf32, #tpu.memory_space<vmem>>[vector<16xi32>, vector<16xi32>, vector<16xi32>], vector<16xf32>,
      %and3A_2415 = arith.constant 255 : i32
      %and3A_2416 = arith.andi %sub3A_2398, %and3A_2415 : i32
      %swap3A_2417 = arith.index_cast %and3A_2416 : i32 to index
      %swap3A_2418 = arith.constant 16 : index
      %swap3A_2419 = tpu.vector_load %arg11[%swap3A_2417, %swap3A_2418] {strides = array<i32>} : memref<256x64xf32, #tpu.memory_space<vmem>>, vector<16xf32>,
      tpu.vector_store %arg11[%swap3A_2417, %swap3A_2418], %gather3A_2414 {strides = array<i32>} : memref<256x64xf32, #tpu.memory_space<vmem>>, vector<16xf32>,
      %add3A_2420 = arith.constant 32 : i32
      %add3A_2421 = vector.broadcast %add3A_2420 : i32 to vector<16xi32>
      %add3A_2422 = arith.addi %iota3A, %add3A_2421 : vector<16xi32>
      %gather3A_2423 = tpu.vector_load_idx %arg10[%broadcast_in_dim3A_2401, %add3A_2422, %broadcast_in_dim3A_2399] : memref<8x64x128xf32, #tpu.memory_space<vmem>>[vector<16xi32>, vector<16xi32>, vector<16xi32>], vector<16xf32>,
      %and3A_2424 = arith.constant 255 : i32
      %and3A_2425 = arith.andi %sub3A_2398, %and3A_2424 : i32
      %swap3A_2426 = arith.index_cast %and3A_2425 : i32 to index
      %swap3A_2427 = arith.constant 32 : index
      %swap3A_2428 = tpu.vector_load %arg11[%swap3A_2426, %swap3A_2427] {strides = array<i32>} : memref<256x64xf32, #tpu.memory_space<vmem>>, vector<16xf32>,
      tpu.vector_store %arg11[%swap3A_2426, %swap3A_2427], %gather3A_2423 {strides = array<i32>} : memref<256x64xf32, #tpu.memory_space<vmem>>, vector<16xf32>,
      %add3A_2429 = arith.constant 48 : i32
      %add3A_2430 = vector.broadcast %add3A_2429 : i32 to vector<16xi32>
      %add3A_2431 = arith.addi %iota3A, %add3A_2430 : vector<16xi32>
      %gather3A_2432 = tpu.vector_load_idx %arg10[%broadcast_in_dim3A_2401, %add3A_2431, %broadcast_in_dim3A_2399] : memref<8x64x128xf32, #tpu.memory_space<vmem>>[vector<16xi32>, vector<16xi32>, vector<16xi32>], vector<16xf32>,
      %and3A_2433 = arith.constant 255 : i32
      %and3A_2434 = arith.andi %sub3A_2398, %and3A_2433 : i32
      %swap3A_2435 = arith.index_cast %and3A_2434 : i32 to index
      %swap3A_2436 = arith.constant 48 : index
      %swap3A_2437 = tpu.vector_load %arg11[%swap3A_2435, %swap3A_2436] {strides = array<i32>} : memref<256x64xf32, #tpu.memory_space<vmem>>, vector<16xf32>,
      tpu.vector_store %arg11[%swap3A_2435, %swap3A_2436], %gather3A_2432 {strides = array<i32>} : memref<256x64xf32, #tpu.memory_space<vmem>>, vector<16xf32>,
      %slice3A_2438 = vector.extract_strided_slice %get3A_1206 {offsets = [15], sizes = [1], strides = [1]} : vector<16xi32> to vector<1xi32>
      %squeeze3A_2439 = vector.extract %slice3A_2438[0] : i32 from vector<1xi32>
      %shift_right_arithmetic3A_2440 = arith.constant 7 : i32
      %shift_right_arithmetic3A_2441 = arith.shrsi %squeeze3A_2439, %shift_right_arithmetic3A_2440 : i32
      %mul3A_2442 = arith.constant 128 : i32
      %mul3A_2443 = arith.muli %shift_right_arithmetic3A_2441, %mul3A_2442 : i32
      %multiple_of3A_2444 = tpu.assume_multiple %mul3A_2443, 128 : i32
      %dma_start3A_2445 = arith.constant 7 : i32
      %dma_start3A_2446 = arith.constant 0 : i32
      %dma_start3A_2447 = arith.constant 0 : i32
      %dma_start3A_2448 = tpu.memref_slice %arg10[%dma_start3A_2445, %dma_start3A_2446, %dma_start3A_2447] : memref<8x64x128xf32, #tpu.memory_space<vmem>> -> memref<1x64x128xf32, #tpu.memory_space<vmem>>
      %dma_start3A_2449 = tpu.memref_squeeze %dma_start3A_2448 : memref<1x64x128xf32, #tpu.memory_space<vmem>> -> memref<64x128xf32, #tpu.memory_space<vmem>>
      %dma_start3A_2450 = arith.constant 0 : i32
      %dma_start3A_2451 = tpu.memref_slice %arg2[%dma_start3A_2450, %multiple_of3A_2444] : memref<64x1000000xf32, #tpu.memory_space<hbm>> -> memref<64x128xf32, #tpu.memory_space<hbm>>
      %dma_start3A_2452 = arith.constant 0 : i32
      %dma_start3A_2453 = arith.constant 0 : i32
      %dma_start3A_2454 = tpu.memref_slice %arg10[%dma_start3A_2445, %dma_start3A_2452, %dma_start3A_2453] : memref<8x64x128xf32, #tpu.memory_space<vmem>> -> memref<1x64x128xf32, #tpu.memory_space<vmem>>
      %dma_start3A_2455 = tpu.memref_squeeze %dma_start3A_2454 : memref<1x64x128xf32, #tpu.memory_space<vmem>> -> memref<64x128xf32, #tpu.memory_space<vmem>>
      %dma_start3A_2456 = arith.constant 0 : i32
      %dma_start3A_2457 = tpu.memref_slice %arg2[%dma_start3A_2456, %multiple_of3A_2444] : memref<64x1000000xf32, #tpu.memory_space<hbm>> -> memref<64x128xf32, #tpu.memory_space<hbm>>
      tpu.enqueue_dma source(%dma_start3A_2457 : memref<64x128xf32, #tpu.memory_space<hbm>>) target(%dma_start3A_2455 : memref<64x128xf32, #tpu.memory_space<vmem>>) target_semaphore(%arg19 : memref<!tpu.dma_semaphore, #tpu.memory_space<semaphore_mem>>)
      %and3A_2458 = arith.constant 127 : i32
      %and3A_2459 = arith.andi %squeeze3A_2439, %and3A_2458 : i32
      %dma_wait3A_2460 = arith.constant 0 : i32
      %dma_wait3A_2461 = arith.constant 0 : i32
      %dma_wait3A_2462 = arith.constant 0 : i32
      %dma_wait3A_2463 = tpu.memref_slice %arg10[%dma_wait3A_2460, %dma_wait3A_2461, %dma_wait3A_2462] : memref<8x64x128xf32, #tpu.memory_space<vmem>> -> memref<1x64x128xf32, #tpu.memory_space<vmem>>
      %dma_wait3A_2464 = tpu.memref_squeeze %dma_wait3A_2463 : memref<1x64x128xf32, #tpu.memory_space<vmem>> -> memref<64x128xf32, #tpu.memory_space<vmem>>
      %dma_wait3A_2465 = arith.constant 0 : i32
      %dma_wait3A_2466 = arith.constant 0 : i32
      %dma_wait3A_2467 = tpu.memref_slice %arg2[%dma_wait3A_2465, %dma_wait3A_2466] : memref<64x1000000xf32, #tpu.memory_space<hbm>> -> memref<64x128xf32, #tpu.memory_space<hbm>>
      %dma_wait3A_2468 = arith.constant 0 : i32
      %dma_wait3A_2469 = arith.constant 0 : i32
      %dma_wait3A_2470 = tpu.memref_slice %arg10[%dma_wait3A_2460, %dma_wait3A_2468, %dma_wait3A_2469] : memref<8x64x128xf32, #tpu.memory_space<vmem>> -> memref<1x64x128xf32, #tpu.memory_space<vmem>>
      %dma_wait3A_2471 = tpu.memref_squeeze %dma_wait3A_2470 : memref<1x64x128xf32, #tpu.memory_space<vmem>> -> memref<64x128xf32, #tpu.memory_space<vmem>>
      %dma_wait3A_2472 = arith.constant 0 : i32
      %dma_wait3A_2473 = arith.constant 0 : i32
      %dma_wait3A_2474 = tpu.memref_slice %arg2[%dma_wait3A_2472, %dma_wait3A_2473] : memref<64x1000000xf32, #tpu.memory_space<hbm>> -> memref<64x128xf32, #tpu.memory_space<hbm>>
      tpu.wait_dma2 semaphore(%arg12 : memref<!tpu.dma_semaphore, #tpu.memory_space<semaphore_mem>>) src(%dma_wait3A_2474 : memref<64x128xf32, #tpu.memory_space<hbm>>) dst(%dma_wait3A_2471 : memref<64x128xf32, #tpu.memory_space<vmem>>)
      %mul3A_2475 = arith.constant 16 : i32
      %mul3A_2476 = arith.muli %scan3A_1195, %mul3A_2475 : i32
      %add3A_2477 = arith.constant 15 : i32
      %add3A_2478 = arith.addi %mul3A_2476, %add3A_2477 : i32
      %sub3A_2479 = arith.constant 7 : i32
      %sub3A_2480 = arith.subi %add3A_2478, %sub3A_2479 : i32
      %broadcast_in_dim3A_2481 = vector.broadcast %and3A_1885 : i32 to vector<16xi32>
      %broadcast_in_dim3A_2482 = arith.constant 0 : i32
      %broadcast_in_dim3A_2483 = vector.broadcast %broadcast_in_dim3A_2482 : i32 to vector<16xi32>
      %add3A_2484 = arith.constant 0 : i32
      %add3A_2485 = vector.broadcast %add3A_2484 : i32 to vector<16xi32>
      %add3A_2486 = arith.addi %iota3A, %add3A_2485 : vector<16xi32>
      %gather3A_2487 = tpu.vector_load_idx %arg10[%broadcast_in_dim3A_2483, %add3A_2486, %broadcast_in_dim3A_2481] : memref<8x64x128xf32, #tpu.memory_space<vmem>>[vector<16xi32>, vector<16xi32>, vector<16xi32>], vector<16xf32>,
      %and3A_2488 = arith.constant 255 : i32
      %and3A_2489 = arith.andi %sub3A_2480, %and3A_2488 : i32
      %swap3A_2490 = arith.index_cast %and3A_2489 : i32 to index
      %swap3A_2491 = arith.constant 0 : index
      %swap3A_2492 = tpu.vector_load %arg11[%swap3A_2490, %swap3A_2491] {strides = array<i32>} : memref<256x64xf32, #tpu.memory_space<vmem>>, vector<16xf32>,
      tpu.vector_store %arg11[%swap3A_2490, %swap3A_2491], %gather3A_2487 {strides = array<i32>} : memref<256x64xf32, #tpu.memory_space<vmem>>, vector<16xf32>,
      %add3A_2493 = arith.constant 16 : i32
      %add3A_2494 = vector.broadcast %add3A_2493 : i32 to vector<16xi32>
      %add3A_2495 = arith.addi %iota3A, %add3A_2494 : vector<16xi32>
      %gather3A_2496 = tpu.vector_load_idx %arg10[%broadcast_in_dim3A_2483, %add3A_2495, %broadcast_in_dim3A_2481] : memref<8x64x128xf32, #tpu.memory_space<vmem>>[vector<16xi32>, vector<16xi32>, vector<16xi32>], vector<16xf32>,
      %and3A_2497 = arith.constant 255 : i32
      %and3A_2498 = arith.andi %sub3A_2480, %and3A_2497 : i32
      %swap3A_2499 = arith.index_cast %and3A_2498 : i32 to index
      %swap3A_2500 = arith.constant 16 : index
      %swap3A_2501 = tpu.vector_load %arg11[%swap3A_2499, %swap3A_2500] {strides = array<i32>} : memref<256x64xf32, #tpu.memory_space<vmem>>, vector<16xf32>,
      tpu.vector_store %arg11[%swap3A_2499, %swap3A_2500], %gather3A_2496 {strides = array<i32>} : memref<256x64xf32, #tpu.memory_space<vmem>>, vector<16xf32>,
      %add3A_2502 = arith.constant 32 : i32
      %add3A_2503 = vector.broadcast %add3A_2502 : i32 to vector<16xi32>
      %add3A_2504 = arith.addi %iota3A, %add3A_2503 : vector<16xi32>
      %gather3A_2505 = tpu.vector_load_idx %arg10[%broadcast_in_dim3A_2483, %add3A_2504, %broadcast_in_dim3A_2481] : memref<8x64x128xf32, #tpu.memory_space<vmem>>[vector<16xi32>, vector<16xi32>, vector<16xi32>], vector<16xf32>,
      %and3A_2506 = arith.constant 255 : i32
      %and3A_2507 = arith.andi %sub3A_2480, %and3A_2506 : i32
      %swap3A_2508 = arith.index_cast %and3A_2507 : i32 to index
      %swap3A_2509 = arith.constant 32 : index
      %swap3A_2510 = tpu.vector_load %arg11[%swap3A_2508, %swap3A_2509] {strides = array<i32>} : memref<256x64xf32, #tpu.memory_space<vmem>>, vector<16xf32>,
      tpu.vector_store %arg11[%swap3A_2508, %swap3A_2509], %gather3A_2505 {strides = array<i32>} : memref<256x64xf32, #tpu.memory_space<vmem>>, vector<16xf32>,
      %add3A_2511 = arith.constant 48 : i32
      %add3A_2512 = vector.broadcast %add3A_2511 : i32 to vector<16xi32>
      %add3A_2513 = arith.addi %iota3A, %add3A_2512 : vector<16xi32>
      %gather3A_2514 = tpu.vector_load_idx %arg10[%broadcast_in_dim3A_2483, %add3A_2513, %broadcast_in_dim3A_2481] : memref<8x64x128xf32, #tpu.memory_space<vmem>>[vector<16xi32>, vector<16xi32>, vector<16xi32>], vector<16xf32>,
      %and3A_2515 = arith.constant 255 : i32
      %and3A_2516 = arith.andi %sub3A_2480, %and3A_2515 : i32
      %swap3A_2517 = arith.index_cast %and3A_2516 : i32 to index
      %swap3A_2518 = arith.constant 48 : index
      %swap3A_2519 = tpu.vector_load %arg11[%swap3A_2517, %swap3A_2518] {strides = array<i32>} : memref<256x64xf32, #tpu.memory_space<vmem>>, vector<16xf32>,
      tpu.vector_store %arg11[%swap3A_2517, %swap3A_2518], %gather3A_2514 {strides = array<i32>} : memref<256x64xf32, #tpu.memory_space<vmem>>, vector<16xf32>,
      scf.yield %and3A_1967, %and3A_2049, %and3A_2131, %and3A_2213, %and3A_2295, %and3A_2377, %and3A_2459 : i32, i32, i32, i32, i32, i32, i32
    }
    %scan3A_814 = arith.constant 31 : i32
    %dma_wait3A_815 = arith.constant 1 : i32
    %dma_wait3A_816 = arith.constant 0 : i32
    %dma_wait3A_817 = arith.constant 0 : i32
    %dma_wait3A_818 = tpu.memref_slice %arg10[%dma_wait3A_815, %dma_wait3A_816, %dma_wait3A_817] : memref<8x64x128xf32, #tpu.memory_space<vmem>> -> memref<1x64x128xf32, #tpu.memory_space<vmem>>
    %dma_wait3A_819 = tpu.memref_squeeze %dma_wait3A_818 : memref<1x64x128xf32, #tpu.memory_space<vmem>> -> memref<64x128xf32, #tpu.memory_space<vmem>>
    %dma_wait3A_820 = arith.constant 0 : i32
    %dma_wait3A_821 = arith.constant 0 : i32
    %dma_wait3A_822 = tpu.memref_slice %arg2[%dma_wait3A_820, %dma_wait3A_821] : memref<64x1000000xf32, #tpu.memory_space<hbm>> -> memref<64x128xf32, #tpu.memory_space<hbm>>
    %dma_wait3A_823 = arith.constant 0 : i32
    %dma_wait3A_824 = arith.constant 0 : i32
    %dma_wait3A_825 = tpu.memref_slice %arg10[%dma_wait3A_815, %dma_wait3A_823, %dma_wait3A_824] : memref<8x64x128xf32, #tpu.memory_space<vmem>> -> memref<1x64x128xf32, #tpu.memory_space<vmem>>
    %dma_wait3A_826 = tpu.memref_squeeze %dma_wait3A_825 : memref<1x64x128xf32, #tpu.memory_space<vmem>> -> memref<64x128xf32, #tpu.memory_space<vmem>>
    %dma_wait3A_827 = arith.constant 0 : i32
    %dma_wait3A_828 = arith.constant 0 : i32
    %dma_wait3A_829 = tpu.memref_slice %arg2[%dma_wait3A_827, %dma_wait3A_828] : memref<64x1000000xf32, #tpu.memory_space<hbm>> -> memref<64x128xf32, #tpu.memory_space<hbm>>
    tpu.wait_dma2 semaphore(%arg13 : memref<!tpu.dma_semaphore, #tpu.memory_space<semaphore_mem>>) src(%dma_wait3A_829 : memref<64x128xf32, #tpu.memory_space<hbm>>) dst(%dma_wait3A_826 : memref<64x128xf32, #tpu.memory_space<vmem>>)
    %broadcast_in_dim3A_830 = vector.broadcast %scan3A_813#0 : i32 to vector<16xi32>
    %broadcast_in_dim3A_831 = arith.constant 1 : i32
    %broadcast_in_dim3A_832 = vector.broadcast %broadcast_in_dim3A_831 : i32 to vector<16xi32>
    %add3A_833 = arith.constant 0 : i32
    %add3A_834 = vector.broadcast %add3A_833 : i32 to vector<16xi32>
    %add3A_835 = arith.addi %iota3A, %add3A_834 : vector<16xi32>
    %gather3A_836 = tpu.vector_load_idx %arg10[%broadcast_in_dim3A_832, %add3A_835, %broadcast_in_dim3A_830] : memref<8x64x128xf32, #tpu.memory_space<vmem>>[vector<16xi32>, vector<16xi32>, vector<16xi32>], vector<16xf32>,
    %swap3A_837 = arith.constant 249 : i32
    %swap3A_838 = arith.index_cast %swap3A_837 : i32 to index
    %swap3A_839 = arith.constant 0 : index
    %swap3A_840 = tpu.vector_load %arg11[%swap3A_838, %swap3A_839] {strides = array<i32>} : memref<256x64xf32, #tpu.memory_space<vmem>>, vector<16xf32>,
    tpu.vector_store %arg11[%swap3A_838, %swap3A_839], %gather3A_836 {strides = array<i32>} : memref<256x64xf32, #tpu.memory_space<vmem>>, vector<16xf32>,
    %add3A_841 = arith.constant 16 : i32
    %add3A_842 = vector.broadcast %add3A_841 : i32 to vector<16xi32>
    %add3A_843 = arith.addi %iota3A, %add3A_842 : vector<16xi32>
    %gather3A_844 = tpu.vector_load_idx %arg10[%broadcast_in_dim3A_832, %add3A_843, %broadcast_in_dim3A_830] : memref<8x64x128xf32, #tpu.memory_space<vmem>>[vector<16xi32>, vector<16xi32>, vector<16xi32>], vector<16xf32>,
    %swap3A_845 = arith.constant 249 : i32
    %swap3A_846 = arith.index_cast %swap3A_845 : i32 to index
    %swap3A_847 = arith.constant 16 : index
    %swap3A_848 = tpu.vector_load %arg11[%swap3A_846, %swap3A_847] {strides = array<i32>} : memref<256x64xf32, #tpu.memory_space<vmem>>, vector<16xf32>,
    tpu.vector_store %arg11[%swap3A_846, %swap3A_847], %gather3A_844 {strides = array<i32>} : memref<256x64xf32, #tpu.memory_space<vmem>>, vector<16xf32>,
    %add3A_849 = arith.constant 32 : i32
    %add3A_850 = vector.broadcast %add3A_849 : i32 to vector<16xi32>
    %add3A_851 = arith.addi %iota3A, %add3A_850 : vector<16xi32>
    %gather3A_852 = tpu.vector_load_idx %arg10[%broadcast_in_dim3A_832, %add3A_851, %broadcast_in_dim3A_830] : memref<8x64x128xf32, #tpu.memory_space<vmem>>[vector<16xi32>, vector<16xi32>, vector<16xi32>], vector<16xf32>,
    %swap3A_853 = arith.constant 249 : i32
    %swap3A_854 = arith.index_cast %swap3A_853 : i32 to index
    %swap3A_855 = arith.constant 32 : index
    %swap3A_856 = tpu.vector_load %arg11[%swap3A_854, %swap3A_855] {strides = array<i32>} : memref<256x64xf32, #tpu.memory_space<vmem>>, vector<16xf32>,
    tpu.vector_store %arg11[%swap3A_854, %swap3A_855], %gather3A_852 {strides = array<i32>} : memref<256x64xf32, #tpu.memory_space<vmem>>, vector<16xf32>,
    %add3A_857 = arith.constant 48 : i32
    %add3A_858 = vector.broadcast %add3A_857 : i32 to vector<16xi32>
    %add3A_859 = arith.addi %iota3A, %add3A_858 : vector<16xi32>
    %gather3A_860 = tpu.vector_load_idx %arg10[%broadcast_in_dim3A_832, %add3A_859, %broadcast_in_dim3A_830] : memref<8x64x128xf32, #tpu.memory_space<vmem>>[vector<16xi32>, vector<16xi32>, vector<16xi32>], vector<16xf32>,
    %swap3A_861 = arith.constant 249 : i32
    %swap3A_862 = arith.index_cast %swap3A_861 : i32 to index
    %swap3A_863 = arith.constant 48 : index
    %swap3A_864 = tpu.vector_load %arg11[%swap3A_862, %swap3A_863] {strides = array<i32>} : memref<256x64xf32, #tpu.memory_space<vmem>>, vector<16xf32>,
    tpu.vector_store %arg11[%swap3A_862, %swap3A_863], %gather3A_860 {strides = array<i32>} : memref<256x64xf32, #tpu.memory_space<vmem>>, vector<16xf32>,
    %dma_wait3A_865 = arith.constant 2 : i32
    %dma_wait3A_866 = arith.constant 0 : i32
    %dma_wait3A_867 = arith.constant 0 : i32
    %dma_wait3A_868 = tpu.memref_slice %arg10[%dma_wait3A_865, %dma_wait3A_866, %dma_wait3A_867] : memref<8x64x128xf32, #tpu.memory_space<vmem>> -> memref<1x64x128xf32, #tpu.memory_space<vmem>>
    %dma_wait3A_869 = tpu.memref_squeeze %dma_wait3A_868 : memref<1x64x128xf32, #tpu.memory_space<vmem>> -> memref<64x128xf32, #tpu.memory_space<vmem>>
    %dma_wait3A_870 = arith.constant 0 : i32
    %dma_wait3A_871 = arith.constant 0 : i32
    %dma_wait3A_872 = tpu.memref_slice %arg2[%dma_wait3A_870, %dma_wait3A_871] : memref<64x1000000xf32, #tpu.memory_space<hbm>> -> memref<64x128xf32, #tpu.memory_space<hbm>>
    %dma_wait3A_873 = arith.constant 0 : i32
    %dma_wait3A_874 = arith.constant 0 : i32
    %dma_wait3A_875 = tpu.memref_slice %arg10[%dma_wait3A_865, %dma_wait3A_873, %dma_wait3A_874] : memref<8x64x128xf32, #tpu.memory_space<vmem>> -> memref<1x64x128xf32, #tpu.memory_space<vmem>>
    %dma_wait3A_876 = tpu.memref_squeeze %dma_wait3A_875 : memref<1x64x128xf32, #tpu.memory_space<vmem>> -> memref<64x128xf32, #tpu.memory_space<vmem>>
    %dma_wait3A_877 = arith.constant 0 : i32
    %dma_wait3A_878 = arith.constant 0 : i32
    %dma_wait3A_879 = tpu.memref_slice %arg2[%dma_wait3A_877, %dma_wait3A_878] : memref<64x1000000xf32, #tpu.memory_space<hbm>> -> memref<64x128xf32, #tpu.memory_space<hbm>>
    tpu.wait_dma2 semaphore(%arg14 : memref<!tpu.dma_semaphore, #tpu.memory_space<semaphore_mem>>) src(%dma_wait3A_879 : memref<64x128xf32, #tpu.memory_space<hbm>>) dst(%dma_wait3A_876 : memref<64x128xf32, #tpu.memory_space<vmem>>)
    %broadcast_in_dim3A_880 = vector.broadcast %scan3A_813#1 : i32 to vector<16xi32>
    %broadcast_in_dim3A_881 = arith.constant 2 : i32
    %broadcast_in_dim3A_882 = vector.broadcast %broadcast_in_dim3A_881 : i32 to vector<16xi32>
    %add3A_883 = arith.constant 0 : i32
    %add3A_884 = vector.broadcast %add3A_883 : i32 to vector<16xi32>
    %add3A_885 = arith.addi %iota3A, %add3A_884 : vector<16xi32>
    %gather3A_886 = tpu.vector_load_idx %arg10[%broadcast_in_dim3A_882, %add3A_885, %broadcast_in_dim3A_880] : memref<8x64x128xf32, #tpu.memory_space<vmem>>[vector<16xi32>, vector<16xi32>, vector<16xi32>], vector<16xf32>,
    %swap3A_887 = arith.constant 250 : i32
    %swap3A_888 = arith.index_cast %swap3A_887 : i32 to index
    %swap3A_889 = arith.constant 0 : index
    %swap3A_890 = tpu.vector_load %arg11[%swap3A_888, %swap3A_889] {strides = array<i32>} : memref<256x64xf32, #tpu.memory_space<vmem>>, vector<16xf32>,
    tpu.vector_store %arg11[%swap3A_888, %swap3A_889], %gather3A_886 {strides = array<i32>} : memref<256x64xf32, #tpu.memory_space<vmem>>, vector<16xf32>,
    %add3A_891 = arith.constant 16 : i32
    %add3A_892 = vector.broadcast %add3A_891 : i32 to vector<16xi32>
    %add3A_893 = arith.addi %iota3A, %add3A_892 : vector<16xi32>
    %gather3A_894 = tpu.vector_load_idx %arg10[%broadcast_in_dim3A_882, %add3A_893, %broadcast_in_dim3A_880] : memref<8x64x128xf32, #tpu.memory_space<vmem>>[vector<16xi32>, vector<16xi32>, vector<16xi32>], vector<16xf32>,
    %swap3A_895 = arith.constant 250 : i32
    %swap3A_896 = arith.index_cast %swap3A_895 : i32 to index
    %swap3A_897 = arith.constant 16 : index
    %swap3A_898 = tpu.vector_load %arg11[%swap3A_896, %swap3A_897] {strides = array<i32>} : memref<256x64xf32, #tpu.memory_space<vmem>>, vector<16xf32>,
    tpu.vector_store %arg11[%swap3A_896, %swap3A_897], %gather3A_894 {strides = array<i32>} : memref<256x64xf32, #tpu.memory_space<vmem>>, vector<16xf32>,
    %add3A_899 = arith.constant 32 : i32
    %add3A_900 = vector.broadcast %add3A_899 : i32 to vector<16xi32>
    %add3A_901 = arith.addi %iota3A, %add3A_900 : vector<16xi32>
    %gather3A_902 = tpu.vector_load_idx %arg10[%broadcast_in_dim3A_882, %add3A_901, %broadcast_in_dim3A_880] : memref<8x64x128xf32, #tpu.memory_space<vmem>>[vector<16xi32>, vector<16xi32>, vector<16xi32>], vector<16xf32>,
    %swap3A_903 = arith.constant 250 : i32
    %swap3A_904 = arith.index_cast %swap3A_903 : i32 to index
    %swap3A_905 = arith.constant 32 : index
    %swap3A_906 = tpu.vector_load %arg11[%swap3A_904, %swap3A_905] {strides = array<i32>} : memref<256x64xf32, #tpu.memory_space<vmem>>, vector<16xf32>,
    tpu.vector_store %arg11[%swap3A_904, %swap3A_905], %gather3A_902 {strides = array<i32>} : memref<256x64xf32, #tpu.memory_space<vmem>>, vector<16xf32>,
    %add3A_907 = arith.constant 48 : i32
    %add3A_908 = vector.broadcast %add3A_907 : i32 to vector<16xi32>
    %add3A_909 = arith.addi %iota3A, %add3A_908 : vector<16xi32>
    %gather3A_910 = tpu.vector_load_idx %arg10[%broadcast_in_dim3A_882, %add3A_909, %broadcast_in_dim3A_880] : memref<8x64x128xf32, #tpu.memory_space<vmem>>[vector<16xi32>, vector<16xi32>, vector<16xi32>], vector<16xf32>,
    %swap3A_911 = arith.constant 250 : i32
    %swap3A_912 = arith.index_cast %swap3A_911 : i32 to index
    %swap3A_913 = arith.constant 48 : index
    %swap3A_914 = tpu.vector_load %arg11[%swap3A_912, %swap3A_913] {strides = array<i32>} : memref<256x64xf32, #tpu.memory_space<vmem>>, vector<16xf32>,
    tpu.vector_store %arg11[%swap3A_912, %swap3A_913], %gather3A_910 {strides = array<i32>} : memref<256x64xf32, #tpu.memory_space<vmem>>, vector<16xf32>,
    %dma_wait3A_915 = arith.constant 3 : i32
    %dma_wait3A_916 = arith.constant 0 : i32
    %dma_wait3A_917 = arith.constant 0 : i32
    %dma_wait3A_918 = tpu.memref_slice %arg10[%dma_wait3A_915, %dma_wait3A_916, %dma_wait3A_917] : memref<8x64x128xf32, #tpu.memory_space<vmem>> -> memref<1x64x128xf32, #tpu.memory_space<vmem>>
    %dma_wait3A_919 = tpu.memref_squeeze %dma_wait3A_918 : memref<1x64x128xf32, #tpu.memory_space<vmem>> -> memref<64x128xf32, #tpu.memory_space<vmem>>
    %dma_wait3A_920 = arith.constant 0 : i32
    %dma_wait3A_921 = arith.constant 0 : i32
    %dma_wait3A_922 = tpu.memref_slice %arg2[%dma_wait3A_920, %dma_wait3A_921] : memref<64x1000000xf32, #tpu.memory_space<hbm>> -> memref<64x128xf32, #tpu.memory_space<hbm>>
    %dma_wait3A_923 = arith.constant 0 : i32
    %dma_wait3A_924 = arith.constant 0 : i32
    %dma_wait3A_925 = tpu.memref_slice %arg10[%dma_wait3A_915, %dma_wait3A_923, %dma_wait3A_924] : memref<8x64x128xf32, #tpu.memory_space<vmem>> -> memref<1x64x128xf32, #tpu.memory_space<vmem>>
    %dma_wait3A_926 = tpu.memref_squeeze %dma_wait3A_925 : memref<1x64x128xf32, #tpu.memory_space<vmem>> -> memref<64x128xf32, #tpu.memory_space<vmem>>
    %dma_wait3A_927 = arith.constant 0 : i32
    %dma_wait3A_928 = arith.constant 0 : i32
    %dma_wait3A_929 = tpu.memref_slice %arg2[%dma_wait3A_927, %dma_wait3A_928] : memref<64x1000000xf32, #tpu.memory_space<hbm>> -> memref<64x128xf32, #tpu.memory_space<hbm>>
    tpu.wait_dma2 semaphore(%arg15 : memref<!tpu.dma_semaphore, #tpu.memory_space<semaphore_mem>>) src(%dma_wait3A_929 : memref<64x128xf32, #tpu.memory_space<hbm>>) dst(%dma_wait3A_926 : memref<64x128xf32, #tpu.memory_space<vmem>>)
    %broadcast_in_dim3A_930 = vector.broadcast %scan3A_813#2 : i32 to vector<16xi32>
    %broadcast_in_dim3A_931 = arith.constant 3 : i32
    %broadcast_in_dim3A_932 = vector.broadcast %broadcast_in_dim3A_931 : i32 to vector<16xi32>
    %add3A_933 = arith.constant 0 : i32
    %add3A_934 = vector.broadcast %add3A_933 : i32 to vector<16xi32>
    %add3A_935 = arith.addi %iota3A, %add3A_934 : vector<16xi32>
    %gather3A_936 = tpu.vector_load_idx %arg10[%broadcast_in_dim3A_932, %add3A_935, %broadcast_in_dim3A_930] : memref<8x64x128xf32, #tpu.memory_space<vmem>>[vector<16xi32>, vector<16xi32>, vector<16xi32>], vector<16xf32>,
    %swap3A_937 = arith.constant 251 : i32
    %swap3A_938 = arith.index_cast %swap3A_937 : i32 to index
    %swap3A_939 = arith.constant 0 : index
    %swap3A_940 = tpu.vector_load %arg11[%swap3A_938, %swap3A_939] {strides = array<i32>} : memref<256x64xf32, #tpu.memory_space<vmem>>, vector<16xf32>,
    tpu.vector_store %arg11[%swap3A_938, %swap3A_939], %gather3A_936 {strides = array<i32>} : memref<256x64xf32, #tpu.memory_space<vmem>>, vector<16xf32>,
    %add3A_941 = arith.constant 16 : i32
    %add3A_942 = vector.broadcast %add3A_941 : i32 to vector<16xi32>
    %add3A_943 = arith.addi %iota3A, %add3A_942 : vector<16xi32>
    %gather3A_944 = tpu.vector_load_idx %arg10[%broadcast_in_dim3A_932, %add3A_943, %broadcast_in_dim3A_930] : memref<8x64x128xf32, #tpu.memory_space<vmem>>[vector<16xi32>, vector<16xi32>, vector<16xi32>], vector<16xf32>,
    %swap3A_945 = arith.constant 251 : i32
    %swap3A_946 = arith.index_cast %swap3A_945 : i32 to index
    %swap3A_947 = arith.constant 16 : index
    %swap3A_948 = tpu.vector_load %arg11[%swap3A_946, %swap3A_947] {strides = array<i32>} : memref<256x64xf32, #tpu.memory_space<vmem>>, vector<16xf32>,
    tpu.vector_store %arg11[%swap3A_946, %swap3A_947], %gather3A_944 {strides = array<i32>} : memref<256x64xf32, #tpu.memory_space<vmem>>, vector<16xf32>,
    %add3A_949 = arith.constant 32 : i32
    %add3A_950 = vector.broadcast %add3A_949 : i32 to vector<16xi32>
    %add3A_951 = arith.addi %iota3A, %add3A_950 : vector<16xi32>
    %gather3A_952 = tpu.vector_load_idx %arg10[%broadcast_in_dim3A_932, %add3A_951, %broadcast_in_dim3A_930] : memref<8x64x128xf32, #tpu.memory_space<vmem>>[vector<16xi32>, vector<16xi32>, vector<16xi32>], vector<16xf32>,
    %swap3A_953 = arith.constant 251 : i32
    %swap3A_954 = arith.index_cast %swap3A_953 : i32 to index
    %swap3A_955 = arith.constant 32 : index
    %swap3A_956 = tpu.vector_load %arg11[%swap3A_954, %swap3A_955] {strides = array<i32>} : memref<256x64xf32, #tpu.memory_space<vmem>>, vector<16xf32>,
    tpu.vector_store %arg11[%swap3A_954, %swap3A_955], %gather3A_952 {strides = array<i32>} : memref<256x64xf32, #tpu.memory_space<vmem>>, vector<16xf32>,
    %add3A_957 = arith.constant 48 : i32
    %add3A_958 = vector.broadcast %add3A_957 : i32 to vector<16xi32>
    %add3A_959 = arith.addi %iota3A, %add3A_958 : vector<16xi32>
    %gather3A_960 = tpu.vector_load_idx %arg10[%broadcast_in_dim3A_932, %add3A_959, %broadcast_in_dim3A_930] : memref<8x64x128xf32, #tpu.memory_space<vmem>>[vector<16xi32>, vector<16xi32>, vector<16xi32>], vector<16xf32>,
    %swap3A_961 = arith.constant 251 : i32
    %swap3A_962 = arith.index_cast %swap3A_961 : i32 to index
    %swap3A_963 = arith.constant 48 : index
    %swap3A_964 = tpu.vector_load %arg11[%swap3A_962, %swap3A_963] {strides = array<i32>} : memref<256x64xf32, #tpu.memory_space<vmem>>, vector<16xf32>,
    tpu.vector_store %arg11[%swap3A_962, %swap3A_963], %gather3A_960 {strides = array<i32>} : memref<256x64xf32, #tpu.memory_space<vmem>>, vector<16xf32>,
    %dma_wait3A_965 = arith.constant 4 : i32
    %dma_wait3A_966 = arith.constant 0 : i32
    %dma_wait3A_967 = arith.constant 0 : i32
    %dma_wait3A_968 = tpu.memref_slice %arg10[%dma_wait3A_965, %dma_wait3A_966, %dma_wait3A_967] : memref<8x64x128xf32, #tpu.memory_space<vmem>> -> memref<1x64x128xf32, #tpu.memory_space<vmem>>
    %dma_wait3A_969 = tpu.memref_squeeze %dma_wait3A_968 : memref<1x64x128xf32, #tpu.memory_space<vmem>> -> memref<64x128xf32, #tpu.memory_space<vmem>>
    %dma_wait3A_970 = arith.constant 0 : i32
    %dma_wait3A_971 = arith.constant 0 : i32
    %dma_wait3A_972 = tpu.memref_slice %arg2[%dma_wait3A_970, %dma_wait3A_971] : memref<64x1000000xf32, #tpu.memory_space<hbm>> -> memref<64x128xf32, #tpu.memory_space<hbm>>
    %dma_wait3A_973 = arith.constant 0 : i32
    %dma_wait3A_974 = arith.constant 0 : i32
    %dma_wait3A_975 = tpu.memref_slice %arg10[%dma_wait3A_965, %dma_wait3A_973, %dma_wait3A_974] : memref<8x64x128xf32, #tpu.memory_space<vmem>> -> memref<1x64x128xf32, #tpu.memory_space<vmem>>
    %dma_wait3A_976 = tpu.memref_squeeze %dma_wait3A_975 : memref<1x64x128xf32, #tpu.memory_space<vmem>> -> memref<64x128xf32, #tpu.memory_space<vmem>>
    %dma_wait3A_977 = arith.constant 0 : i32
    %dma_wait3A_978 = arith.constant 0 : i32
    %dma_wait3A_979 = tpu.memref_slice %arg2[%dma_wait3A_977, %dma_wait3A_978] : memref<64x1000000xf32, #tpu.memory_space<hbm>> -> memref<64x128xf32, #tpu.memory_space<hbm>>
    tpu.wait_dma2 semaphore(%arg16 : memref<!tpu.dma_semaphore, #tpu.memory_space<semaphore_mem>>) src(%dma_wait3A_979 : memref<64x128xf32, #tpu.memory_space<hbm>>) dst(%dma_wait3A_976 : memref<64x128xf32, #tpu.memory_space<vmem>>)
    %broadcast_in_dim3A_980 = vector.broadcast %scan3A_813#3 : i32 to vector<16xi32>
    %broadcast_in_dim3A_981 = arith.constant 4 : i32
    %broadcast_in_dim3A_982 = vector.broadcast %broadcast_in_dim3A_981 : i32 to vector<16xi32>
    %add3A_983 = arith.constant 0 : i32
    %add3A_984 = vector.broadcast %add3A_983 : i32 to vector<16xi32>
    %add3A_985 = arith.addi %iota3A, %add3A_984 : vector<16xi32>
    %gather3A_986 = tpu.vector_load_idx %arg10[%broadcast_in_dim3A_982, %add3A_985, %broadcast_in_dim3A_980] : memref<8x64x128xf32, #tpu.memory_space<vmem>>[vector<16xi32>, vector<16xi32>, vector<16xi32>], vector<16xf32>,
    %swap3A_987 = arith.constant 252 : i32
    %swap3A_988 = arith.index_cast %swap3A_987 : i32 to index
    %swap3A_989 = arith.constant 0 : index
    %swap3A_990 = tpu.vector_load %arg11[%swap3A_988, %swap3A_989] {strides = array<i32>} : memref<256x64xf32, #tpu.memory_space<vmem>>, vector<16xf32>,
    tpu.vector_store %arg11[%swap3A_988, %swap3A_989], %gather3A_986 {strides = array<i32>} : memref<256x64xf32, #tpu.memory_space<vmem>>, vector<16xf32>,
    %add3A_991 = arith.constant 16 : i32
    %add3A_992 = vector.broadcast %add3A_991 : i32 to vector<16xi32>
    %add3A_993 = arith.addi %iota3A, %add3A_992 : vector<16xi32>
    %gather3A_994 = tpu.vector_load_idx %arg10[%broadcast_in_dim3A_982, %add3A_993, %broadcast_in_dim3A_980] : memref<8x64x128xf32, #tpu.memory_space<vmem>>[vector<16xi32>, vector<16xi32>, vector<16xi32>], vector<16xf32>,
    %swap3A_995 = arith.constant 252 : i32
    %swap3A_996 = arith.index_cast %swap3A_995 : i32 to index
    %swap3A_997 = arith.constant 16 : index
    %swap3A_998 = tpu.vector_load %arg11[%swap3A_996, %swap3A_997] {strides = array<i32>} : memref<256x64xf32, #tpu.memory_space<vmem>>, vector<16xf32>,
    tpu.vector_store %arg11[%swap3A_996, %swap3A_997], %gather3A_994 {strides = array<i32>} : memref<256x64xf32, #tpu.memory_space<vmem>>, vector<16xf32>,
    %add3A_999 = arith.constant 32 : i32
    %add3A_1000 = vector.broadcast %add3A_999 : i32 to vector<16xi32>
    %add3A_1001 = arith.addi %iota3A, %add3A_1000 : vector<16xi32>
    %gather3A_1002 = tpu.vector_load_idx %arg10[%broadcast_in_dim3A_982, %add3A_1001, %broadcast_in_dim3A_980] : memref<8x64x128xf32, #tpu.memory_space<vmem>>[vector<16xi32>, vector<16xi32>, vector<16xi32>], vector<16xf32>,
    %swap3A_1003 = arith.constant 252 : i32
    %swap3A_1004 = arith.index_cast %swap3A_1003 : i32 to index
    %swap3A_1005 = arith.constant 32 : index
    %swap3A_1006 = tpu.vector_load %arg11[%swap3A_1004, %swap3A_1005] {strides = array<i32>} : memref<256x64xf32, #tpu.memory_space<vmem>>, vector<16xf32>,
    tpu.vector_store %arg11[%swap3A_1004, %swap3A_1005], %gather3A_1002 {strides = array<i32>} : memref<256x64xf32, #tpu.memory_space<vmem>>, vector<16xf32>,
    %add3A_1007 = arith.constant 48 : i32
    %add3A_1008 = vector.broadcast %add3A_1007 : i32 to vector<16xi32>
    %add3A_1009 = arith.addi %iota3A, %add3A_1008 : vector<16xi32>
    %gather3A_1010 = tpu.vector_load_idx %arg10[%broadcast_in_dim3A_982, %add3A_1009, %broadcast_in_dim3A_980] : memref<8x64x128xf32, #tpu.memory_space<vmem>>[vector<16xi32>, vector<16xi32>, vector<16xi32>], vector<16xf32>,
    %swap3A_1011 = arith.constant 252 : i32
    %swap3A_1012 = arith.index_cast %swap3A_1011 : i32 to index
    %swap3A_1013 = arith.constant 48 : index
    %swap3A_1014 = tpu.vector_load %arg11[%swap3A_1012, %swap3A_1013] {strides = array<i32>} : memref<256x64xf32, #tpu.memory_space<vmem>>, vector<16xf32>,
    tpu.vector_store %arg11[%swap3A_1012, %swap3A_1013], %gather3A_1010 {strides = array<i32>} : memref<256x64xf32, #tpu.memory_space<vmem>>, vector<16xf32>,
    %dma_wait3A_1015 = arith.constant 5 : i32
    %dma_wait3A_1016 = arith.constant 0 : i32
    %dma_wait3A_1017 = arith.constant 0 : i32
    %dma_wait3A_1018 = tpu.memref_slice %arg10[%dma_wait3A_1015, %dma_wait3A_1016, %dma_wait3A_1017] : memref<8x64x128xf32, #tpu.memory_space<vmem>> -> memref<1x64x128xf32, #tpu.memory_space<vmem>>
    %dma_wait3A_1019 = tpu.memref_squeeze %dma_wait3A_1018 : memref<1x64x128xf32, #tpu.memory_space<vmem>> -> memref<64x128xf32, #tpu.memory_space<vmem>>
    %dma_wait3A_1020 = arith.constant 0 : i32
    %dma_wait3A_1021 = arith.constant 0 : i32
    %dma_wait3A_1022 = tpu.memref_slice %arg2[%dma_wait3A_1020, %dma_wait3A_1021] : memref<64x1000000xf32, #tpu.memory_space<hbm>> -> memref<64x128xf32, #tpu.memory_space<hbm>>
    %dma_wait3A_1023 = arith.constant 0 : i32
    %dma_wait3A_1024 = arith.constant 0 : i32
    %dma_wait3A_1025 = tpu.memref_slice %arg10[%dma_wait3A_1015, %dma_wait3A_1023, %dma_wait3A_1024] : memref<8x64x128xf32, #tpu.memory_space<vmem>> -> memref<1x64x128xf32, #tpu.memory_space<vmem>>
    %dma_wait3A_1026 = tpu.memref_squeeze %dma_wait3A_1025 : memref<1x64x128xf32, #tpu.memory_space<vmem>> -> memref<64x128xf32, #tpu.memory_space<vmem>>
    %dma_wait3A_1027 = arith.constant 0 : i32
    %dma_wait3A_1028 = arith.constant 0 : i32
    %dma_wait3A_1029 = tpu.memref_slice %arg2[%dma_wait3A_1027, %dma_wait3A_1028] : memref<64x1000000xf32, #tpu.memory_space<hbm>> -> memref<64x128xf32, #tpu.memory_space<hbm>>
    tpu.wait_dma2 semaphore(%arg17 : memref<!tpu.dma_semaphore, #tpu.memory_space<semaphore_mem>>) src(%dma_wait3A_1029 : memref<64x128xf32, #tpu.memory_space<hbm>>) dst(%dma_wait3A_1026 : memref<64x128xf32, #tpu.memory_space<vmem>>)
    %broadcast_in_dim3A_1030 = vector.broadcast %scan3A_813#4 : i32 to vector<16xi32>
    %broadcast_in_dim3A_1031 = arith.constant 5 : i32
    %broadcast_in_dim3A_1032 = vector.broadcast %broadcast_in_dim3A_1031 : i32 to vector<16xi32>
    %add3A_1033 = arith.constant 0 : i32
    %add3A_1034 = vector.broadcast %add3A_1033 : i32 to vector<16xi32>
    %add3A_1035 = arith.addi %iota3A, %add3A_1034 : vector<16xi32>
    %gather3A_1036 = tpu.vector_load_idx %arg10[%broadcast_in_dim3A_1032, %add3A_1035, %broadcast_in_dim3A_1030] : memref<8x64x128xf32, #tpu.memory_space<vmem>>[vector<16xi32>, vector<16xi32>, vector<16xi32>], vector<16xf32>,
    %swap3A_1037 = arith.constant 253 : i32
    %swap3A_1038 = arith.index_cast %swap3A_1037 : i32 to index
    %swap3A_1039 = arith.constant 0 : index
    %swap3A_1040 = tpu.vector_load %arg11[%swap3A_1038, %swap3A_1039] {strides = array<i32>} : memref<256x64xf32, #tpu.memory_space<vmem>>, vector<16xf32>,
    tpu.vector_store %arg11[%swap3A_1038, %swap3A_1039], %gather3A_1036 {strides = array<i32>} : memref<256x64xf32, #tpu.memory_space<vmem>>, vector<16xf32>,
    %add3A_1041 = arith.constant 16 : i32
    %add3A_1042 = vector.broadcast %add3A_1041 : i32 to vector<16xi32>
    %add3A_1043 = arith.addi %iota3A, %add3A_1042 : vector<16xi32>
    %gather3A_1044 = tpu.vector_load_idx %arg10[%broadcast_in_dim3A_1032, %add3A_1043, %broadcast_in_dim3A_1030] : memref<8x64x128xf32, #tpu.memory_space<vmem>>[vector<16xi32>, vector<16xi32>, vector<16xi32>], vector<16xf32>,
    %swap3A_1045 = arith.constant 253 : i32
    %swap3A_1046 = arith.index_cast %swap3A_1045 : i32 to index
    %swap3A_1047 = arith.constant 16 : index
    %swap3A_1048 = tpu.vector_load %arg11[%swap3A_1046, %swap3A_1047] {strides = array<i32>} : memref<256x64xf32, #tpu.memory_space<vmem>>, vector<16xf32>,
    tpu.vector_store %arg11[%swap3A_1046, %swap3A_1047], %gather3A_1044 {strides = array<i32>} : memref<256x64xf32, #tpu.memory_space<vmem>>, vector<16xf32>,
    %add3A_1049 = arith.constant 32 : i32
    %add3A_1050 = vector.broadcast %add3A_1049 : i32 to vector<16xi32>
    %add3A_1051 = arith.addi %iota3A, %add3A_1050 : vector<16xi32>
    %gather3A_1052 = tpu.vector_load_idx %arg10[%broadcast_in_dim3A_1032, %add3A_1051, %broadcast_in_dim3A_1030] : memref<8x64x128xf32, #tpu.memory_space<vmem>>[vector<16xi32>, vector<16xi32>, vector<16xi32>], vector<16xf32>,
    %swap3A_1053 = arith.constant 253 : i32
    %swap3A_1054 = arith.index_cast %swap3A_1053 : i32 to index
    %swap3A_1055 = arith.constant 32 : index
    %swap3A_1056 = tpu.vector_load %arg11[%swap3A_1054, %swap3A_1055] {strides = array<i32>} : memref<256x64xf32, #tpu.memory_space<vmem>>, vector<16xf32>,
    tpu.vector_store %arg11[%swap3A_1054, %swap3A_1055], %gather3A_1052 {strides = array<i32>} : memref<256x64xf32, #tpu.memory_space<vmem>>, vector<16xf32>,
    %add3A_1057 = arith.constant 48 : i32
    %add3A_1058 = vector.broadcast %add3A_1057 : i32 to vector<16xi32>
    %add3A_1059 = arith.addi %iota3A, %add3A_1058 : vector<16xi32>
    %gather3A_1060 = tpu.vector_load_idx %arg10[%broadcast_in_dim3A_1032, %add3A_1059, %broadcast_in_dim3A_1030] : memref<8x64x128xf32, #tpu.memory_space<vmem>>[vector<16xi32>, vector<16xi32>, vector<16xi32>], vector<16xf32>,
    %swap3A_1061 = arith.constant 253 : i32
    %swap3A_1062 = arith.index_cast %swap3A_1061 : i32 to index
    %swap3A_1063 = arith.constant 48 : index
    %swap3A_1064 = tpu.vector_load %arg11[%swap3A_1062, %swap3A_1063] {strides = array<i32>} : memref<256x64xf32, #tpu.memory_space<vmem>>, vector<16xf32>,
    tpu.vector_store %arg11[%swap3A_1062, %swap3A_1063], %gather3A_1060 {strides = array<i32>} : memref<256x64xf32, #tpu.memory_space<vmem>>, vector<16xf32>,
    %dma_wait3A_1065 = arith.constant 6 : i32
    %dma_wait3A_1066 = arith.constant 0 : i32
    %dma_wait3A_1067 = arith.constant 0 : i32
    %dma_wait3A_1068 = tpu.memref_slice %arg10[%dma_wait3A_1065, %dma_wait3A_1066, %dma_wait3A_1067] : memref<8x64x128xf32, #tpu.memory_space<vmem>> -> memref<1x64x128xf32, #tpu.memory_space<vmem>>
    %dma_wait3A_1069 = tpu.memref_squeeze %dma_wait3A_1068 : memref<1x64x128xf32, #tpu.memory_space<vmem>> -> memref<64x128xf32, #tpu.memory_space<vmem>>
    %dma_wait3A_1070 = arith.constant 0 : i32
    %dma_wait3A_1071 = arith.constant 0 : i32
    %dma_wait3A_1072 = tpu.memref_slice %arg2[%dma_wait3A_1070, %dma_wait3A_1071] : memref<64x1000000xf32, #tpu.memory_space<hbm>> -> memref<64x128xf32, #tpu.memory_space<hbm>>
    %dma_wait3A_1073 = arith.constant 0 : i32
    %dma_wait3A_1074 = arith.constant 0 : i32
    %dma_wait3A_1075 = tpu.memref_slice %arg10[%dma_wait3A_1065, %dma_wait3A_1073, %dma_wait3A_1074] : memref<8x64x128xf32, #tpu.memory_space<vmem>> -> memref<1x64x128xf32, #tpu.memory_space<vmem>>
    %dma_wait3A_1076 = tpu.memref_squeeze %dma_wait3A_1075 : memref<1x64x128xf32, #tpu.memory_space<vmem>> -> memref<64x128xf32, #tpu.memory_space<vmem>>
    %dma_wait3A_1077 = arith.constant 0 : i32
    %dma_wait3A_1078 = arith.constant 0 : i32
    %dma_wait3A_1079 = tpu.memref_slice %arg2[%dma_wait3A_1077, %dma_wait3A_1078] : memref<64x1000000xf32, #tpu.memory_space<hbm>> -> memref<64x128xf32, #tpu.memory_space<hbm>>
    tpu.wait_dma2 semaphore(%arg18 : memref<!tpu.dma_semaphore, #tpu.memory_space<semaphore_mem>>) src(%dma_wait3A_1079 : memref<64x128xf32, #tpu.memory_space<hbm>>) dst(%dma_wait3A_1076 : memref<64x128xf32, #tpu.memory_space<vmem>>)
    %broadcast_in_dim3A_1080 = vector.broadcast %scan3A_813#5 : i32 to vector<16xi32>
    %broadcast_in_dim3A_1081 = arith.constant 6 : i32
    %broadcast_in_dim3A_1082 = vector.broadcast %broadcast_in_dim3A_1081 : i32 to vector<16xi32>
    %add3A_1083 = arith.constant 0 : i32
    %add3A_1084 = vector.broadcast %add3A_1083 : i32 to vector<16xi32>
    %add3A_1085 = arith.addi %iota3A, %add3A_1084 : vector<16xi32>
    %gather3A_1086 = tpu.vector_load_idx %arg10[%broadcast_in_dim3A_1082, %add3A_1085, %broadcast_in_dim3A_1080] : memref<8x64x128xf32, #tpu.memory_space<vmem>>[vector<16xi32>, vector<16xi32>, vector<16xi32>], vector<16xf32>,
    %swap3A_1087 = arith.constant 254 : i32
    %swap3A_1088 = arith.index_cast %swap3A_1087 : i32 to index
    %swap3A_1089 = arith.constant 0 : index
    %swap3A_1090 = tpu.vector_load %arg11[%swap3A_1088, %swap3A_1089] {strides = array<i32>} : memref<256x64xf32, #tpu.memory_space<vmem>>, vector<16xf32>,
    tpu.vector_store %arg11[%swap3A_1088, %swap3A_1089], %gather3A_1086 {strides = array<i32>} : memref<256x64xf32, #tpu.memory_space<vmem>>, vector<16xf32>,
    %add3A_1091 = arith.constant 16 : i32
    %add3A_1092 = vector.broadcast %add3A_1091 : i32 to vector<16xi32>
    %add3A_1093 = arith.addi %iota3A, %add3A_1092 : vector<16xi32>
    %gather3A_1094 = tpu.vector_load_idx %arg10[%broadcast_in_dim3A_1082, %add3A_1093, %broadcast_in_dim3A_1080] : memref<8x64x128xf32, #tpu.memory_space<vmem>>[vector<16xi32>, vector<16xi32>, vector<16xi32>], vector<16xf32>,
    %swap3A_1095 = arith.constant 254 : i32
    %swap3A_1096 = arith.index_cast %swap3A_1095 : i32 to index
    %swap3A_1097 = arith.constant 16 : index
    %swap3A_1098 = tpu.vector_load %arg11[%swap3A_1096, %swap3A_1097] {strides = array<i32>} : memref<256x64xf32, #tpu.memory_space<vmem>>, vector<16xf32>,
    tpu.vector_store %arg11[%swap3A_1096, %swap3A_1097], %gather3A_1094 {strides = array<i32>} : memref<256x64xf32, #tpu.memory_space<vmem>>, vector<16xf32>,
    %add3A_1099 = arith.constant 32 : i32
    %add3A_1100 = vector.broadcast %add3A_1099 : i32 to vector<16xi32>
    %add3A_1101 = arith.addi %iota3A, %add3A_1100 : vector<16xi32>
    %gather3A_1102 = tpu.vector_load_idx %arg10[%broadcast_in_dim3A_1082, %add3A_1101, %broadcast_in_dim3A_1080] : memref<8x64x128xf32, #tpu.memory_space<vmem>>[vector<16xi32>, vector<16xi32>, vector<16xi32>], vector<16xf32>,
    %swap3A_1103 = arith.constant 254 : i32
    %swap3A_1104 = arith.index_cast %swap3A_1103 : i32 to index
    %swap3A_1105 = arith.constant 32 : index
    %swap3A_1106 = tpu.vector_load %arg11[%swap3A_1104, %swap3A_1105] {strides = array<i32>} : memref<256x64xf32, #tpu.memory_space<vmem>>, vector<16xf32>,
    tpu.vector_store %arg11[%swap3A_1104, %swap3A_1105], %gather3A_1102 {strides = array<i32>} : memref<256x64xf32, #tpu.memory_space<vmem>>, vector<16xf32>,
    %add3A_1107 = arith.constant 48 : i32
    %add3A_1108 = vector.broadcast %add3A_1107 : i32 to vector<16xi32>
    %add3A_1109 = arith.addi %iota3A, %add3A_1108 : vector<16xi32>
    %gather3A_1110 = tpu.vector_load_idx %arg10[%broadcast_in_dim3A_1082, %add3A_1109, %broadcast_in_dim3A_1080] : memref<8x64x128xf32, #tpu.memory_space<vmem>>[vector<16xi32>, vector<16xi32>, vector<16xi32>], vector<16xf32>,
    %swap3A_1111 = arith.constant 254 : i32
    %swap3A_1112 = arith.index_cast %swap3A_1111 : i32 to index
    %swap3A_1113 = arith.constant 48 : index
    %swap3A_1114 = tpu.vector_load %arg11[%swap3A_1112, %swap3A_1113] {strides = array<i32>} : memref<256x64xf32, #tpu.memory_space<vmem>>, vector<16xf32>,
    tpu.vector_store %arg11[%swap3A_1112, %swap3A_1113], %gather3A_1110 {strides = array<i32>} : memref<256x64xf32, #tpu.memory_space<vmem>>, vector<16xf32>,
    %dma_wait3A_1115 = arith.constant 7 : i32
    %dma_wait3A_1116 = arith.constant 0 : i32
    %dma_wait3A_1117 = arith.constant 0 : i32
    %dma_wait3A_1118 = tpu.memref_slice %arg10[%dma_wait3A_1115, %dma_wait3A_1116, %dma_wait3A_1117] : memref<8x64x128xf32, #tpu.memory_space<vmem>> -> memref<1x64x128xf32, #tpu.memory_space<vmem>>
    %dma_wait3A_1119 = tpu.memref_squeeze %dma_wait3A_1118 : memref<1x64x128xf32, #tpu.memory_space<vmem>> -> memref<64x128xf32, #tpu.memory_space<vmem>>
    %dma_wait3A_1120 = arith.constant 0 : i32
    %dma_wait3A_1121 = arith.constant 0 : i32
    %dma_wait3A_1122 = tpu.memref_slice %arg2[%dma_wait3A_1120, %dma_wait3A_1121] : memref<64x1000000xf32, #tpu.memory_space<hbm>> -> memref<64x128xf32, #tpu.memory_space<hbm>>
    %dma_wait3A_1123 = arith.constant 0 : i32
    %dma_wait3A_1124 = arith.constant 0 : i32
    %dma_wait3A_1125 = tpu.memref_slice %arg10[%dma_wait3A_1115, %dma_wait3A_1123, %dma_wait3A_1124] : memref<8x64x128xf32, #tpu.memory_space<vmem>> -> memref<1x64x128xf32, #tpu.memory_space<vmem>>
    %dma_wait3A_1126 = tpu.memref_squeeze %dma_wait3A_1125 : memref<1x64x128xf32, #tpu.memory_space<vmem>> -> memref<64x128xf32, #tpu.memory_space<vmem>>
    %dma_wait3A_1127 = arith.constant 0 : i32
    %dma_wait3A_1128 = arith.constant 0 : i32
    %dma_wait3A_1129 = tpu.memref_slice %arg2[%dma_wait3A_1127, %dma_wait3A_1128] : memref<64x1000000xf32, #tpu.memory_space<hbm>> -> memref<64x128xf32, #tpu.memory_space<hbm>>
    tpu.wait_dma2 semaphore(%arg19 : memref<!tpu.dma_semaphore, #tpu.memory_space<semaphore_mem>>) src(%dma_wait3A_1129 : memref<64x128xf32, #tpu.memory_space<hbm>>) dst(%dma_wait3A_1126 : memref<64x128xf32, #tpu.memory_space<vmem>>)
    %broadcast_in_dim3A_1130 = vector.broadcast %scan3A_813#6 : i32 to vector<16xi32>
    %broadcast_in_dim3A_1131 = arith.constant 7 : i32
    %broadcast_in_dim3A_1132 = vector.broadcast %broadcast_in_dim3A_1131 : i32 to vector<16xi32>
    %add3A_1133 = arith.constant 0 : i32
    %add3A_1134 = vector.broadcast %add3A_1133 : i32 to vector<16xi32>
    %add3A_1135 = arith.addi %iota3A, %add3A_1134 : vector<16xi32>
    %gather3A_1136 = tpu.vector_load_idx %arg10[%broadcast_in_dim3A_1132, %add3A_1135, %broadcast_in_dim3A_1130] : memref<8x64x128xf32, #tpu.memory_space<vmem>>[vector<16xi32>, vector<16xi32>, vector<16xi32>], vector<16xf32>,
    %swap3A_1137 = arith.constant 255 : i32
    %swap3A_1138 = arith.index_cast %swap3A_1137 : i32 to index
    %swap3A_1139 = arith.constant 0 : index
    %swap3A_1140 = tpu.vector_load %arg11[%swap3A_1138, %swap3A_1139] {strides = array<i32>} : memref<256x64xf32, #tpu.memory_space<vmem>>, vector<16xf32>,
    tpu.vector_store %arg11[%swap3A_1138, %swap3A_1139], %gather3A_1136 {strides = array<i32>} : memref<256x64xf32, #tpu.memory_space<vmem>>, vector<16xf32>,
    %add3A_1141 = arith.constant 16 : i32
    %add3A_1142 = vector.broadcast %add3A_1141 : i32 to vector<16xi32>
    %add3A_1143 = arith.addi %iota3A, %add3A_1142 : vector<16xi32>
    %gather3A_1144 = tpu.vector_load_idx %arg10[%broadcast_in_dim3A_1132, %add3A_1143, %broadcast_in_dim3A_1130] : memref<8x64x128xf32, #tpu.memory_space<vmem>>[vector<16xi32>, vector<16xi32>, vector<16xi32>], vector<16xf32>,
    %swap3A_1145 = arith.constant 255 : i32
    %swap3A_1146 = arith.index_cast %swap3A_1145 : i32 to index
    %swap3A_1147 = arith.constant 16 : index
    %swap3A_1148 = tpu.vector_load %arg11[%swap3A_1146, %swap3A_1147] {strides = array<i32>} : memref<256x64xf32, #tpu.memory_space<vmem>>, vector<16xf32>,
    tpu.vector_store %arg11[%swap3A_1146, %swap3A_1147], %gather3A_1144 {strides = array<i32>} : memref<256x64xf32, #tpu.memory_space<vmem>>, vector<16xf32>,
    %add3A_1149 = arith.constant 32 : i32
    %add3A_1150 = vector.broadcast %add3A_1149 : i32 to vector<16xi32>
    %add3A_1151 = arith.addi %iota3A, %add3A_1150 : vector<16xi32>
    %gather3A_1152 = tpu.vector_load_idx %arg10[%broadcast_in_dim3A_1132, %add3A_1151, %broadcast_in_dim3A_1130] : memref<8x64x128xf32, #tpu.memory_space<vmem>>[vector<16xi32>, vector<16xi32>, vector<16xi32>], vector<16xf32>,
    %swap3A_1153 = arith.constant 255 : i32
    %swap3A_1154 = arith.index_cast %swap3A_1153 : i32 to index
    %swap3A_1155 = arith.constant 32 : index
    %swap3A_1156 = tpu.vector_load %arg11[%swap3A_1154, %swap3A_1155] {strides = array<i32>} : memref<256x64xf32, #tpu.memory_space<vmem>>, vector<16xf32>,
    tpu.vector_store %arg11[%swap3A_1154, %swap3A_1155], %gather3A_1152 {strides = array<i32>} : memref<256x64xf32, #tpu.memory_space<vmem>>, vector<16xf32>,
    %add3A_1157 = arith.constant 48 : i32
    %add3A_1158 = vector.broadcast %add3A_1157 : i32 to vector<16xi32>
    %add3A_1159 = arith.addi %iota3A, %add3A_1158 : vector<16xi32>
    %gather3A_1160 = tpu.vector_load_idx %arg10[%broadcast_in_dim3A_1132, %add3A_1159, %broadcast_in_dim3A_1130] : memref<8x64x128xf32, #tpu.memory_space<vmem>>[vector<16xi32>, vector<16xi32>, vector<16xi32>], vector<16xf32>,
    %swap3A_1161 = arith.constant 255 : i32
    %swap3A_1162 = arith.index_cast %swap3A_1161 : i32 to index
    %swap3A_1163 = arith.constant 48 : index
    %swap3A_1164 = tpu.vector_load %arg11[%swap3A_1162, %swap3A_1163] {strides = array<i32>} : memref<256x64xf32, #tpu.memory_space<vmem>>, vector<16xf32>,
    tpu.vector_store %arg11[%swap3A_1162, %swap3A_1163], %gather3A_1160 {strides = array<i32>} : memref<256x64xf32, #tpu.memory_space<vmem>>, vector<16xf32>,
    %add3A_1165 = arith.constant 256 : i32
    %add3A_1166 = arith.addi %mul3A_2, %add3A_1165 : i32
    "tpu.region"() ({
      %run_scoped3A = tpu.sem_alloc : memref<!tpu.dma_semaphore, #tpu.memory_space<semaphore_mem>>
      %dma_start3A_1195 = arith.constant 0 : i32
      %dma_start3A_1196 = tpu.memref_slice %arg6[%add3A_1166, %dma_start3A_1195] : memref<16384x64xf32, #tpu.memory_space<hbm>> -> memref<256x64xf32, #tpu.memory_space<hbm>>
      %dma_start3A_1197 = arith.constant 0 : i32
      %dma_start3A_1198 = tpu.memref_slice %arg6[%add3A_1166, %dma_start3A_1197] : memref<16384x64xf32, #tpu.memory_space<hbm>> -> memref<256x64xf32, #tpu.memory_space<hbm>>
      tpu.enqueue_dma source(%arg11 : memref<256x64xf32, #tpu.memory_space<vmem>>) target(%dma_start3A_1198 : memref<256x64xf32, #tpu.memory_space<hbm>>) target_semaphore(%run_scoped3A : memref<!tpu.dma_semaphore, #tpu.memory_space<semaphore_mem>>)
      %dma_wait3A_1199 = arith.constant 0 : i32
      %dma_wait3A_1200 = tpu.memref_slice %arg6[%add3A_1166, %dma_wait3A_1199] : memref<16384x64xf32, #tpu.memory_space<hbm>> -> memref<256x64xf32, #tpu.memory_space<hbm>>
      %dma_wait3A_1201 = arith.constant 0 : i32
      %dma_wait3A_1202 = tpu.memref_slice %arg6[%add3A_1166, %dma_wait3A_1201] : memref<16384x64xf32, #tpu.memory_space<hbm>> -> memref<256x64xf32, #tpu.memory_space<hbm>>
      tpu.wait_dma2 semaphore(%run_scoped3A : memref<!tpu.dma_semaphore, #tpu.memory_space<semaphore_mem>>) src(%arg11 : memref<256x64xf32, #tpu.memory_space<vmem>>) dst(%dma_wait3A_1202 : memref<256x64xf32, #tpu.memory_space<hbm>>)
      tpu.yield
    }) : () -> ()
    %scan3A_1167 = arith.constant 0 : i32
    %scan3A_1168 = arith.constant 0 : i32
    %scan3A_1169 = arith.constant 16 : i32
    %scan3A_1170 = arith.addi %scan3A_1168, %scan3A_1169 : i32
    %scan3A_1171 = arith.constant 1 : i32
    scf.for %scan3A_1195 = %scan3A_1168 to %scan3A_1170 step %scan3A_1171  : i32 {
      %mul3A_1196 = arith.constant 16 : i32
      %mul3A_1197 = arith.muli %scan3A_1195, %mul3A_1196 : i32
      %get3A_1198 = arith.index_cast %mul3A_1197 : i32 to index
      %get3A_1199 = tpu.vector_load %arg9[%get3A_1198] {strides = array<i32>} : memref<512xi32, #tpu.memory_space<vmem>>, vector<16xi32>,
      %slice3A_1200 = vector.extract_strided_slice %get3A_1199 {offsets = [0], sizes = [1], strides = [1]} : vector<16xi32> to vector<1xi32>
      %squeeze3A_1201 = vector.extract %slice3A_1200[0] : i32 from vector<1xi32>
      %mul3A_1202 = arith.constant 16 : i32
      %mul3A_1203 = arith.muli %scan3A_1195, %mul3A_1202 : i32
      %add3A_1204 = arith.constant 0 : i32
      %add3A_1205 = arith.addi %mul3A_1203, %add3A_1204 : i32
      %and3A_1206 = arith.constant 255 : i32
      %and3A_1207 = arith.andi %add3A_1205, %and3A_1206 : i32
      %dma_start3A_1208 = arith.constant 0 : i32
      %dma_start3A_1209 = tpu.memref_slice %arg11[%and3A_1207, %dma_start3A_1208] : memref<256x64xf32, #tpu.memory_space<vmem>> -> memref<1x64xf32, #tpu.memory_space<vmem>>
      %dma_start3A_1210 = tpu.memref_squeeze %dma_start3A_1209 : memref<1x64xf32, #tpu.memory_space<vmem>> -> memref<64xf32, #tpu.memory_space<vmem>>
      %dma_start3A_1211 = arith.constant 0 : i32
      %dma_start3A_1212 = tpu.memref_slice %arg3[%squeeze3A_1201, %dma_start3A_1211] : memref<100000x64xf32, #tpu.memory_space<hbm>> -> memref<1x64xf32, #tpu.memory_space<hbm>>
      %dma_start3A_1213 = tpu.memref_squeeze %dma_start3A_1212 : memref<1x64xf32, #tpu.memory_space<hbm>> -> memref<64xf32, #tpu.memory_space<hbm>>
      %dma_start3A_1214 = arith.constant 0 : i32
      %dma_start3A_1215 = tpu.memref_slice %arg11[%and3A_1207, %dma_start3A_1214] : memref<256x64xf32, #tpu.memory_space<vmem>> -> memref<1x64xf32, #tpu.memory_space<vmem>>
      %dma_start3A_1216 = tpu.memref_squeeze %dma_start3A_1215 : memref<1x64xf32, #tpu.memory_space<vmem>> -> memref<64xf32, #tpu.memory_space<vmem>>
      %dma_start3A_1217 = arith.constant 0 : i32
      %dma_start3A_1218 = tpu.memref_slice %arg3[%squeeze3A_1201, %dma_start3A_1217] : memref<100000x64xf32, #tpu.memory_space<hbm>> -> memref<1x64xf32, #tpu.memory_space<hbm>>
      %dma_start3A_1219 = tpu.memref_squeeze %dma_start3A_1218 : memref<1x64xf32, #tpu.memory_space<hbm>> -> memref<64xf32, #tpu.memory_space<hbm>>
      tpu.enqueue_dma source(%dma_start3A_1219 : memref<64xf32, #tpu.memory_space<hbm>>) target(%dma_start3A_1216 : memref<64xf32, #tpu.memory_space<vmem>>) target_semaphore(%arg20 : memref<!tpu.dma_semaphore, #tpu.memory_space<semaphore_mem>>)
      %slice3A_1220 = vector.extract_strided_slice %get3A_1199 {offsets = [1], sizes = [1], strides = [1]} : vector<16xi32> to vector<1xi32>
      %squeeze3A_1221 = vector.extract %slice3A_1220[0] : i32 from vector<1xi32>
      %mul3A_1222 = arith.constant 16 : i32
      %mul3A_1223 = arith.muli %scan3A_1195, %mul3A_1222 : i32
      %add3A_1224 = arith.constant 1 : i32
      %add3A_1225 = arith.addi %mul3A_1223, %add3A_1224 : i32
      %and3A_1226 = arith.constant 255 : i32
      %and3A_1227 = arith.andi %add3A_1225, %and3A_1226 : i32
      %dma_start3A_1228 = arith.constant 0 : i32
      %dma_start3A_1229 = tpu.memref_slice %arg11[%and3A_1227, %dma_start3A_1228] : memref<256x64xf32, #tpu.memory_space<vmem>> -> memref<1x64xf32, #tpu.memory_space<vmem>>
      %dma_start3A_1230 = tpu.memref_squeeze %dma_start3A_1229 : memref<1x64xf32, #tpu.memory_space<vmem>> -> memref<64xf32, #tpu.memory_space<vmem>>
      %dma_start3A_1231 = arith.constant 0 : i32
      %dma_start3A_1232 = tpu.memref_slice %arg3[%squeeze3A_1221, %dma_start3A_1231] : memref<100000x64xf32, #tpu.memory_space<hbm>> -> memref<1x64xf32, #tpu.memory_space<hbm>>
      %dma_start3A_1233 = tpu.memref_squeeze %dma_start3A_1232 : memref<1x64xf32, #tpu.memory_space<hbm>> -> memref<64xf32, #tpu.memory_space<hbm>>
      %dma_start3A_1234 = arith.constant 0 : i32
      %dma_start3A_1235 = tpu.memref_slice %arg11[%and3A_1227, %dma_start3A_1234] : memref<256x64xf32, #tpu.memory_space<vmem>> -> memref<1x64xf32, #tpu.memory_space<vmem>>
      %dma_start3A_1236 = tpu.memref_squeeze %dma_start3A_1235 : memref<1x64xf32, #tpu.memory_space<vmem>> -> memref<64xf32, #tpu.memory_space<vmem>>
      %dma_start3A_1237 = arith.constant 0 : i32
      %dma_start3A_1238 = tpu.memref_slice %arg3[%squeeze3A_1221, %dma_start3A_1237] : memref<100000x64xf32, #tpu.memory_space<hbm>> -> memref<1x64xf32, #tpu.memory_space<hbm>>
      %dma_start3A_1239 = tpu.memref_squeeze %dma_start3A_1238 : memref<1x64xf32, #tpu.memory_space<hbm>> -> memref<64xf32, #tpu.memory_space<hbm>>
      tpu.enqueue_dma source(%dma_start3A_1239 : memref<64xf32, #tpu.memory_space<hbm>>) target(%dma_start3A_1236 : memref<64xf32, #tpu.memory_space<vmem>>) target_semaphore(%arg20 : memref<!tpu.dma_semaphore, #tpu.memory_space<semaphore_mem>>)
      %slice3A_1240 = vector.extract_strided_slice %get3A_1199 {offsets = [2], sizes = [1], strides = [1]} : vector<16xi32> to vector<1xi32>
      %squeeze3A_1241 = vector.extract %slice3A_1240[0] : i32 from vector<1xi32>
      %mul3A_1242 = arith.constant 16 : i32
      %mul3A_1243 = arith.muli %scan3A_1195, %mul3A_1242 : i32
      %add3A_1244 = arith.constant 2 : i32
      %add3A_1245 = arith.addi %mul3A_1243, %add3A_1244 : i32
      %and3A_1246 = arith.constant 255 : i32
      %and3A_1247 = arith.andi %add3A_1245, %and3A_1246 : i32
      %dma_start3A_1248 = arith.constant 0 : i32
      %dma_start3A_1249 = tpu.memref_slice %arg11[%and3A_1247, %dma_start3A_1248] : memref<256x64xf32, #tpu.memory_space<vmem>> -> memref<1x64xf32, #tpu.memory_space<vmem>>
      %dma_start3A_1250 = tpu.memref_squeeze %dma_start3A_1249 : memref<1x64xf32, #tpu.memory_space<vmem>> -> memref<64xf32, #tpu.memory_space<vmem>>
      %dma_start3A_1251 = arith.constant 0 : i32
      %dma_start3A_1252 = tpu.memref_slice %arg3[%squeeze3A_1241, %dma_start3A_1251] : memref<100000x64xf32, #tpu.memory_space<hbm>> -> memref<1x64xf32, #tpu.memory_space<hbm>>
      %dma_start3A_1253 = tpu.memref_squeeze %dma_start3A_1252 : memref<1x64xf32, #tpu.memory_space<hbm>> -> memref<64xf32, #tpu.memory_space<hbm>>
      %dma_start3A_1254 = arith.constant 0 : i32
      %dma_start3A_1255 = tpu.memref_slice %arg11[%and3A_1247, %dma_start3A_1254] : memref<256x64xf32, #tpu.memory_space<vmem>> -> memref<1x64xf32, #tpu.memory_space<vmem>>
      %dma_start3A_1256 = tpu.memref_squeeze %dma_start3A_1255 : memref<1x64xf32, #tpu.memory_space<vmem>> -> memref<64xf32, #tpu.memory_space<vmem>>
      %dma_start3A_1257 = arith.constant 0 : i32
      %dma_start3A_1258 = tpu.memref_slice %arg3[%squeeze3A_1241, %dma_start3A_1257] : memref<100000x64xf32, #tpu.memory_space<hbm>> -> memref<1x64xf32, #tpu.memory_space<hbm>>
      %dma_start3A_1259 = tpu.memref_squeeze %dma_start3A_1258 : memref<1x64xf32, #tpu.memory_space<hbm>> -> memref<64xf32, #tpu.memory_space<hbm>>
      tpu.enqueue_dma source(%dma_start3A_1259 : memref<64xf32, #tpu.memory_space<hbm>>) target(%dma_start3A_1256 : memref<64xf32, #tpu.memory_space<vmem>>) target_semaphore(%arg20 : memref<!tpu.dma_semaphore, #tpu.memory_space<semaphore_mem>>)
      %slice3A_1260 = vector.extract_strided_slice %get3A_1199 {offsets = [3], sizes = [1], strides = [1]} : vector<16xi32> to vector<1xi32>
      %squeeze3A_1261 = vector.extract %slice3A_1260[0] : i32 from vector<1xi32>
      %mul3A_1262 = arith.constant 16 : i32
      %mul3A_1263 = arith.muli %scan3A_1195, %mul3A_1262 : i32
      %add3A_1264 = arith.constant 3 : i32
      %add3A_1265 = arith.addi %mul3A_1263, %add3A_1264 : i32
      %and3A_1266 = arith.constant 255 : i32
      %and3A_1267 = arith.andi %add3A_1265, %and3A_1266 : i32
      %dma_start3A_1268 = arith.constant 0 : i32
      %dma_start3A_1269 = tpu.memref_slice %arg11[%and3A_1267, %dma_start3A_1268] : memref<256x64xf32, #tpu.memory_space<vmem>> -> memref<1x64xf32, #tpu.memory_space<vmem>>
      %dma_start3A_1270 = tpu.memref_squeeze %dma_start3A_1269 : memref<1x64xf32, #tpu.memory_space<vmem>> -> memref<64xf32, #tpu.memory_space<vmem>>
      %dma_start3A_1271 = arith.constant 0 : i32
      %dma_start3A_1272 = tpu.memref_slice %arg3[%squeeze3A_1261, %dma_start3A_1271] : memref<100000x64xf32, #tpu.memory_space<hbm>> -> memref<1x64xf32, #tpu.memory_space<hbm>>
      %dma_start3A_1273 = tpu.memref_squeeze %dma_start3A_1272 : memref<1x64xf32, #tpu.memory_space<hbm>> -> memref<64xf32, #tpu.memory_space<hbm>>
      %dma_start3A_1274 = arith.constant 0 : i32
      %dma_start3A_1275 = tpu.memref_slice %arg11[%and3A_1267, %dma_start3A_1274] : memref<256x64xf32, #tpu.memory_space<vmem>> -> memref<1x64xf32, #tpu.memory_space<vmem>>
      %dma_start3A_1276 = tpu.memref_squeeze %dma_start3A_1275 : memref<1x64xf32, #tpu.memory_space<vmem>> -> memref<64xf32, #tpu.memory_space<vmem>>
      %dma_start3A_1277 = arith.constant 0 : i32
      %dma_start3A_1278 = tpu.memref_slice %arg3[%squeeze3A_1261, %dma_start3A_1277] : memref<100000x64xf32, #tpu.memory_space<hbm>> -> memref<1x64xf32, #tpu.memory_space<hbm>>
      %dma_start3A_1279 = tpu.memref_squeeze %dma_start3A_1278 : memref<1x64xf32, #tpu.memory_space<hbm>> -> memref<64xf32, #tpu.memory_space<hbm>>
      tpu.enqueue_dma source(%dma_start3A_1279 : memref<64xf32, #tpu.memory_space<hbm>>) target(%dma_start3A_1276 : memref<64xf32, #tpu.memory_space<vmem>>) target_semaphore(%arg20 : memref<!tpu.dma_semaphore, #tpu.memory_space<semaphore_mem>>)
      %slice3A_1280 = vector.extract_strided_slice %get3A_1199 {offsets = [4], sizes = [1], strides = [1]} : vector<16xi32> to vector<1xi32>
      %squeeze3A_1281 = vector.extract %slice3A_1280[0] : i32 from vector<1xi32>
      %mul3A_1282 = arith.constant 16 : i32
      %mul3A_1283 = arith.muli %scan3A_1195, %mul3A_1282 : i32
      %add3A_1284 = arith.constant 4 : i32
      %add3A_1285 = arith.addi %mul3A_1283, %add3A_1284 : i32
      %and3A_1286 = arith.constant 255 : i32
      %and3A_1287 = arith.andi %add3A_1285, %and3A_1286 : i32
      %dma_start3A_1288 = arith.constant 0 : i32
      %dma_start3A_1289 = tpu.memref_slice %arg11[%and3A_1287, %dma_start3A_1288] : memref<256x64xf32, #tpu.memory_space<vmem>> -> memref<1x64xf32, #tpu.memory_space<vmem>>
      %dma_start3A_1290 = tpu.memref_squeeze %dma_start3A_1289 : memref<1x64xf32, #tpu.memory_space<vmem>> -> memref<64xf32, #tpu.memory_space<vmem>>
      %dma_start3A_1291 = arith.constant 0 : i32
      %dma_start3A_1292 = tpu.memref_slice %arg3[%squeeze3A_1281, %dma_start3A_1291] : memref<100000x64xf32, #tpu.memory_space<hbm>> -> memref<1x64xf32, #tpu.memory_space<hbm>>
      %dma_start3A_1293 = tpu.memref_squeeze %dma_start3A_1292 : memref<1x64xf32, #tpu.memory_space<hbm>> -> memref<64xf32, #tpu.memory_space<hbm>>
      %dma_start3A_1294 = arith.constant 0 : i32
      %dma_start3A_1295 = tpu.memref_slice %arg11[%and3A_1287, %dma_start3A_1294] : memref<256x64xf32, #tpu.memory_space<vmem>> -> memref<1x64xf32, #tpu.memory_space<vmem>>
      %dma_start3A_1296 = tpu.memref_squeeze %dma_start3A_1295 : memref<1x64xf32, #tpu.memory_space<vmem>> -> memref<64xf32, #tpu.memory_space<vmem>>
      %dma_start3A_1297 = arith.constant 0 : i32
      %dma_start3A_1298 = tpu.memref_slice %arg3[%squeeze3A_1281, %dma_start3A_1297] : memref<100000x64xf32, #tpu.memory_space<hbm>> -> memref<1x64xf32, #tpu.memory_space<hbm>>
      %dma_start3A_1299 = tpu.memref_squeeze %dma_start3A_1298 : memref<1x64xf32, #tpu.memory_space<hbm>> -> memref<64xf32, #tpu.memory_space<hbm>>
      tpu.enqueue_dma source(%dma_start3A_1299 : memref<64xf32, #tpu.memory_space<hbm>>) target(%dma_start3A_1296 : memref<64xf32, #tpu.memory_space<vmem>>) target_semaphore(%arg20 : memref<!tpu.dma_semaphore, #tpu.memory_space<semaphore_mem>>)
      %slice3A_1300 = vector.extract_strided_slice %get3A_1199 {offsets = [5], sizes = [1], strides = [1]} : vector<16xi32> to vector<1xi32>
      %squeeze3A_1301 = vector.extract %slice3A_1300[0] : i32 from vector<1xi32>
      %mul3A_1302 = arith.constant 16 : i32
      %mul3A_1303 = arith.muli %scan3A_1195, %mul3A_1302 : i32
      %add3A_1304 = arith.constant 5 : i32
      %add3A_1305 = arith.addi %mul3A_1303, %add3A_1304 : i32
      %and3A_1306 = arith.constant 255 : i32
      %and3A_1307 = arith.andi %add3A_1305, %and3A_1306 : i32
      %dma_start3A_1308 = arith.constant 0 : i32
      %dma_start3A_1309 = tpu.memref_slice %arg11[%and3A_1307, %dma_start3A_1308] : memref<256x64xf32, #tpu.memory_space<vmem>> -> memref<1x64xf32, #tpu.memory_space<vmem>>
      %dma_start3A_1310 = tpu.memref_squeeze %dma_start3A_1309 : memref<1x64xf32, #tpu.memory_space<vmem>> -> memref<64xf32, #tpu.memory_space<vmem>>
      %dma_start3A_1311 = arith.constant 0 : i32
      %dma_start3A_1312 = tpu.memref_slice %arg3[%squeeze3A_1301, %dma_start3A_1311] : memref<100000x64xf32, #tpu.memory_space<hbm>> -> memref<1x64xf32, #tpu.memory_space<hbm>>
      %dma_start3A_1313 = tpu.memref_squeeze %dma_start3A_1312 : memref<1x64xf32, #tpu.memory_space<hbm>> -> memref<64xf32, #tpu.memory_space<hbm>>
      %dma_start3A_1314 = arith.constant 0 : i32
      %dma_start3A_1315 = tpu.memref_slice %arg11[%and3A_1307, %dma_start3A_1314] : memref<256x64xf32, #tpu.memory_space<vmem>> -> memref<1x64xf32, #tpu.memory_space<vmem>>
      %dma_start3A_1316 = tpu.memref_squeeze %dma_start3A_1315 : memref<1x64xf32, #tpu.memory_space<vmem>> -> memref<64xf32, #tpu.memory_space<vmem>>
      %dma_start3A_1317 = arith.constant 0 : i32
      %dma_start3A_1318 = tpu.memref_slice %arg3[%squeeze3A_1301, %dma_start3A_1317] : memref<100000x64xf32, #tpu.memory_space<hbm>> -> memref<1x64xf32, #tpu.memory_space<hbm>>
      %dma_start3A_1319 = tpu.memref_squeeze %dma_start3A_1318 : memref<1x64xf32, #tpu.memory_space<hbm>> -> memref<64xf32, #tpu.memory_space<hbm>>
      tpu.enqueue_dma source(%dma_start3A_1319 : memref<64xf32, #tpu.memory_space<hbm>>) target(%dma_start3A_1316 : memref<64xf32, #tpu.memory_space<vmem>>) target_semaphore(%arg20 : memref<!tpu.dma_semaphore, #tpu.memory_space<semaphore_mem>>)
      %slice3A_1320 = vector.extract_strided_slice %get3A_1199 {offsets = [6], sizes = [1], strides = [1]} : vector<16xi32> to vector<1xi32>
      %squeeze3A_1321 = vector.extract %slice3A_1320[0] : i32 from vector<1xi32>
      %mul3A_1322 = arith.constant 16 : i32
      %mul3A_1323 = arith.muli %scan3A_1195, %mul3A_1322 : i32
      %add3A_1324 = arith.constant 6 : i32
      %add3A_1325 = arith.addi %mul3A_1323, %add3A_1324 : i32
      %and3A_1326 = arith.constant 255 : i32
      %and3A_1327 = arith.andi %add3A_1325, %and3A_1326 : i32
      %dma_start3A_1328 = arith.constant 0 : i32
      %dma_start3A_1329 = tpu.memref_slice %arg11[%and3A_1327, %dma_start3A_1328] : memref<256x64xf32, #tpu.memory_space<vmem>> -> memref<1x64xf32, #tpu.memory_space<vmem>>
      %dma_start3A_1330 = tpu.memref_squeeze %dma_start3A_1329 : memref<1x64xf32, #tpu.memory_space<vmem>> -> memref<64xf32, #tpu.memory_space<vmem>>
      %dma_start3A_1331 = arith.constant 0 : i32
      %dma_start3A_1332 = tpu.memref_slice %arg3[%squeeze3A_1321, %dma_start3A_1331] : memref<100000x64xf32, #tpu.memory_space<hbm>> -> memref<1x64xf32, #tpu.memory_space<hbm>>
      %dma_start3A_1333 = tpu.memref_squeeze %dma_start3A_1332 : memref<1x64xf32, #tpu.memory_space<hbm>> -> memref<64xf32, #tpu.memory_space<hbm>>
      %dma_start3A_1334 = arith.constant 0 : i32
      %dma_start3A_1335 = tpu.memref_slice %arg11[%and3A_1327, %dma_start3A_1334] : memref<256x64xf32, #tpu.memory_space<vmem>> -> memref<1x64xf32, #tpu.memory_space<vmem>>
      %dma_start3A_1336 = tpu.memref_squeeze %dma_start3A_1335 : memref<1x64xf32, #tpu.memory_space<vmem>> -> memref<64xf32, #tpu.memory_space<vmem>>
      %dma_start3A_1337 = arith.constant 0 : i32
      %dma_start3A_1338 = tpu.memref_slice %arg3[%squeeze3A_1321, %dma_start3A_1337] : memref<100000x64xf32, #tpu.memory_space<hbm>> -> memref<1x64xf32, #tpu.memory_space<hbm>>
      %dma_start3A_1339 = tpu.memref_squeeze %dma_start3A_1338 : memref<1x64xf32, #tpu.memory_space<hbm>> -> memref<64xf32, #tpu.memory_space<hbm>>
      tpu.enqueue_dma source(%dma_start3A_1339 : memref<64xf32, #tpu.memory_space<hbm>>) target(%dma_start3A_1336 : memref<64xf32, #tpu.memory_space<vmem>>) target_semaphore(%arg20 : memref<!tpu.dma_semaphore, #tpu.memory_space<semaphore_mem>>)
      %slice3A_1340 = vector.extract_strided_slice %get3A_1199 {offsets = [7], sizes = [1], strides = [1]} : vector<16xi32> to vector<1xi32>
      %squeeze3A_1341 = vector.extract %slice3A_1340[0] : i32 from vector<1xi32>
      %mul3A_1342 = arith.constant 16 : i32
      %mul3A_1343 = arith.muli %scan3A_1195, %mul3A_1342 : i32
      %add3A_1344 = arith.constant 7 : i32
      %add3A_1345 = arith.addi %mul3A_1343, %add3A_1344 : i32
      %and3A_1346 = arith.constant 255 : i32
      %and3A_1347 = arith.andi %add3A_1345, %and3A_1346 : i32
      %dma_start3A_1348 = arith.constant 0 : i32
      %dma_start3A_1349 = tpu.memref_slice %arg11[%and3A_1347, %dma_start3A_1348] : memref<256x64xf32, #tpu.memory_space<vmem>> -> memref<1x64xf32, #tpu.memory_space<vmem>>
      %dma_start3A_1350 = tpu.memref_squeeze %dma_start3A_1349 : memref<1x64xf32, #tpu.memory_space<vmem>> -> memref<64xf32, #tpu.memory_space<vmem>>
      %dma_start3A_1351 = arith.constant 0 : i32
      %dma_start3A_1352 = tpu.memref_slice %arg3[%squeeze3A_1341, %dma_start3A_1351] : memref<100000x64xf32, #tpu.memory_space<hbm>> -> memref<1x64xf32, #tpu.memory_space<hbm>>
      %dma_start3A_1353 = tpu.memref_squeeze %dma_start3A_1352 : memref<1x64xf32, #tpu.memory_space<hbm>> -> memref<64xf32, #tpu.memory_space<hbm>>
      %dma_start3A_1354 = arith.constant 0 : i32
      %dma_start3A_1355 = tpu.memref_slice %arg11[%and3A_1347, %dma_start3A_1354] : memref<256x64xf32, #tpu.memory_space<vmem>> -> memref<1x64xf32, #tpu.memory_space<vmem>>
      %dma_start3A_1356 = tpu.memref_squeeze %dma_start3A_1355 : memref<1x64xf32, #tpu.memory_space<vmem>> -> memref<64xf32, #tpu.memory_space<vmem>>
      %dma_start3A_1357 = arith.constant 0 : i32
      %dma_start3A_1358 = tpu.memref_slice %arg3[%squeeze3A_1341, %dma_start3A_1357] : memref<100000x64xf32, #tpu.memory_space<hbm>> -> memref<1x64xf32, #tpu.memory_space<hbm>>
      %dma_start3A_1359 = tpu.memref_squeeze %dma_start3A_1358 : memref<1x64xf32, #tpu.memory_space<hbm>> -> memref<64xf32, #tpu.memory_space<hbm>>
      tpu.enqueue_dma source(%dma_start3A_1359 : memref<64xf32, #tpu.memory_space<hbm>>) target(%dma_start3A_1356 : memref<64xf32, #tpu.memory_space<vmem>>) target_semaphore(%arg20 : memref<!tpu.dma_semaphore, #tpu.memory_space<semaphore_mem>>)
      %slice3A_1360 = vector.extract_strided_slice %get3A_1199 {offsets = [8], sizes = [1], strides = [1]} : vector<16xi32> to vector<1xi32>
      %squeeze3A_1361 = vector.extract %slice3A_1360[0] : i32 from vector<1xi32>
      %mul3A_1362 = arith.constant 16 : i32
      %mul3A_1363 = arith.muli %scan3A_1195, %mul3A_1362 : i32
      %add3A_1364 = arith.constant 8 : i32
      %add3A_1365 = arith.addi %mul3A_1363, %add3A_1364 : i32
      %and3A_1366 = arith.constant 255 : i32
      %and3A_1367 = arith.andi %add3A_1365, %and3A_1366 : i32
      %dma_start3A_1368 = arith.constant 0 : i32
      %dma_start3A_1369 = tpu.memref_slice %arg11[%and3A_1367, %dma_start3A_1368] : memref<256x64xf32, #tpu.memory_space<vmem>> -> memref<1x64xf32, #tpu.memory_space<vmem>>
      %dma_start3A_1370 = tpu.memref_squeeze %dma_start3A_1369 : memref<1x64xf32, #tpu.memory_space<vmem>> -> memref<64xf32, #tpu.memory_space<vmem>>
      %dma_start3A_1371 = arith.constant 0 : i32
      %dma_start3A_1372 = tpu.memref_slice %arg3[%squeeze3A_1361, %dma_start3A_1371] : memref<100000x64xf32, #tpu.memory_space<hbm>> -> memref<1x64xf32, #tpu.memory_space<hbm>>
      %dma_start3A_1373 = tpu.memref_squeeze %dma_start3A_1372 : memref<1x64xf32, #tpu.memory_space<hbm>> -> memref<64xf32, #tpu.memory_space<hbm>>
      %dma_start3A_1374 = arith.constant 0 : i32
      %dma_start3A_1375 = tpu.memref_slice %arg11[%and3A_1367, %dma_start3A_1374] : memref<256x64xf32, #tpu.memory_space<vmem>> -> memref<1x64xf32, #tpu.memory_space<vmem>>
      %dma_start3A_1376 = tpu.memref_squeeze %dma_start3A_1375 : memref<1x64xf32, #tpu.memory_space<vmem>> -> memref<64xf32, #tpu.memory_space<vmem>>
      %dma_start3A_1377 = arith.constant 0 : i32
      %dma_start3A_1378 = tpu.memref_slice %arg3[%squeeze3A_1361, %dma_start3A_1377] : memref<100000x64xf32, #tpu.memory_space<hbm>> -> memref<1x64xf32, #tpu.memory_space<hbm>>
      %dma_start3A_1379 = tpu.memref_squeeze %dma_start3A_1378 : memref<1x64xf32, #tpu.memory_space<hbm>> -> memref<64xf32, #tpu.memory_space<hbm>>
      tpu.enqueue_dma source(%dma_start3A_1379 : memref<64xf32, #tpu.memory_space<hbm>>) target(%dma_start3A_1376 : memref<64xf32, #tpu.memory_space<vmem>>) target_semaphore(%arg20 : memref<!tpu.dma_semaphore, #tpu.memory_space<semaphore_mem>>)
      %slice3A_1380 = vector.extract_strided_slice %get3A_1199 {offsets = [9], sizes = [1], strides = [1]} : vector<16xi32> to vector<1xi32>
      %squeeze3A_1381 = vector.extract %slice3A_1380[0] : i32 from vector<1xi32>
      %mul3A_1382 = arith.constant 16 : i32
      %mul3A_1383 = arith.muli %scan3A_1195, %mul3A_1382 : i32
      %add3A_1384 = arith.constant 9 : i32
      %add3A_1385 = arith.addi %mul3A_1383, %add3A_1384 : i32
      %and3A_1386 = arith.constant 255 : i32
      %and3A_1387 = arith.andi %add3A_1385, %and3A_1386 : i32
      %dma_start3A_1388 = arith.constant 0 : i32
      %dma_start3A_1389 = tpu.memref_slice %arg11[%and3A_1387, %dma_start3A_1388] : memref<256x64xf32, #tpu.memory_space<vmem>> -> memref<1x64xf32, #tpu.memory_space<vmem>>
      %dma_start3A_1390 = tpu.memref_squeeze %dma_start3A_1389 : memref<1x64xf32, #tpu.memory_space<vmem>> -> memref<64xf32, #tpu.memory_space<vmem>>
      %dma_start3A_1391 = arith.constant 0 : i32
      %dma_start3A_1392 = tpu.memref_slice %arg3[%squeeze3A_1381, %dma_start3A_1391] : memref<100000x64xf32, #tpu.memory_space<hbm>> -> memref<1x64xf32, #tpu.memory_space<hbm>>
      %dma_start3A_1393 = tpu.memref_squeeze %dma_start3A_1392 : memref<1x64xf32, #tpu.memory_space<hbm>> -> memref<64xf32, #tpu.memory_space<hbm>>
      %dma_start3A_1394 = arith.constant 0 : i32
      %dma_start3A_1395 = tpu.memref_slice %arg11[%and3A_1387, %dma_start3A_1394] : memref<256x64xf32, #tpu.memory_space<vmem>> -> memref<1x64xf32, #tpu.memory_space<vmem>>
      %dma_start3A_1396 = tpu.memref_squeeze %dma_start3A_1395 : memref<1x64xf32, #tpu.memory_space<vmem>> -> memref<64xf32, #tpu.memory_space<vmem>>
      %dma_start3A_1397 = arith.constant 0 : i32
      %dma_start3A_1398 = tpu.memref_slice %arg3[%squeeze3A_1381, %dma_start3A_1397] : memref<100000x64xf32, #tpu.memory_space<hbm>> -> memref<1x64xf32, #tpu.memory_space<hbm>>
      %dma_start3A_1399 = tpu.memref_squeeze %dma_start3A_1398 : memref<1x64xf32, #tpu.memory_space<hbm>> -> memref<64xf32, #tpu.memory_space<hbm>>
      tpu.enqueue_dma source(%dma_start3A_1399 : memref<64xf32, #tpu.memory_space<hbm>>) target(%dma_start3A_1396 : memref<64xf32, #tpu.memory_space<vmem>>) target_semaphore(%arg20 : memref<!tpu.dma_semaphore, #tpu.memory_space<semaphore_mem>>)
      %slice3A_1400 = vector.extract_strided_slice %get3A_1199 {offsets = [10], sizes = [1], strides = [1]} : vector<16xi32> to vector<1xi32>
      %squeeze3A_1401 = vector.extract %slice3A_1400[0] : i32 from vector<1xi32>
      %mul3A_1402 = arith.constant 16 : i32
      %mul3A_1403 = arith.muli %scan3A_1195, %mul3A_1402 : i32
      %add3A_1404 = arith.constant 10 : i32
      %add3A_1405 = arith.addi %mul3A_1403, %add3A_1404 : i32
      %and3A_1406 = arith.constant 255 : i32
      %and3A_1407 = arith.andi %add3A_1405, %and3A_1406 : i32
      %dma_start3A_1408 = arith.constant 0 : i32
      %dma_start3A_1409 = tpu.memref_slice %arg11[%and3A_1407, %dma_start3A_1408] : memref<256x64xf32, #tpu.memory_space<vmem>> -> memref<1x64xf32, #tpu.memory_space<vmem>>
      %dma_start3A_1410 = tpu.memref_squeeze %dma_start3A_1409 : memref<1x64xf32, #tpu.memory_space<vmem>> -> memref<64xf32, #tpu.memory_space<vmem>>
      %dma_start3A_1411 = arith.constant 0 : i32
      %dma_start3A_1412 = tpu.memref_slice %arg3[%squeeze3A_1401, %dma_start3A_1411] : memref<100000x64xf32, #tpu.memory_space<hbm>> -> memref<1x64xf32, #tpu.memory_space<hbm>>
      %dma_start3A_1413 = tpu.memref_squeeze %dma_start3A_1412 : memref<1x64xf32, #tpu.memory_space<hbm>> -> memref<64xf32, #tpu.memory_space<hbm>>
      %dma_start3A_1414 = arith.constant 0 : i32
      %dma_start3A_1415 = tpu.memref_slice %arg11[%and3A_1407, %dma_start3A_1414] : memref<256x64xf32, #tpu.memory_space<vmem>> -> memref<1x64xf32, #tpu.memory_space<vmem>>
      %dma_start3A_1416 = tpu.memref_squeeze %dma_start3A_1415 : memref<1x64xf32, #tpu.memory_space<vmem>> -> memref<64xf32, #tpu.memory_space<vmem>>
      %dma_start3A_1417 = arith.constant 0 : i32
      %dma_start3A_1418 = tpu.memref_slice %arg3[%squeeze3A_1401, %dma_start3A_1417] : memref<100000x64xf32, #tpu.memory_space<hbm>> -> memref<1x64xf32, #tpu.memory_space<hbm>>
      %dma_start3A_1419 = tpu.memref_squeeze %dma_start3A_1418 : memref<1x64xf32, #tpu.memory_space<hbm>> -> memref<64xf32, #tpu.memory_space<hbm>>
      tpu.enqueue_dma source(%dma_start3A_1419 : memref<64xf32, #tpu.memory_space<hbm>>) target(%dma_start3A_1416 : memref<64xf32, #tpu.memory_space<vmem>>) target_semaphore(%arg20 : memref<!tpu.dma_semaphore, #tpu.memory_space<semaphore_mem>>)
      %slice3A_1420 = vector.extract_strided_slice %get3A_1199 {offsets = [11], sizes = [1], strides = [1]} : vector<16xi32> to vector<1xi32>
      %squeeze3A_1421 = vector.extract %slice3A_1420[0] : i32 from vector<1xi32>
      %mul3A_1422 = arith.constant 16 : i32
      %mul3A_1423 = arith.muli %scan3A_1195, %mul3A_1422 : i32
      %add3A_1424 = arith.constant 11 : i32
      %add3A_1425 = arith.addi %mul3A_1423, %add3A_1424 : i32
      %and3A_1426 = arith.constant 255 : i32
      %and3A_1427 = arith.andi %add3A_1425, %and3A_1426 : i32
      %dma_start3A_1428 = arith.constant 0 : i32
      %dma_start3A_1429 = tpu.memref_slice %arg11[%and3A_1427, %dma_start3A_1428] : memref<256x64xf32, #tpu.memory_space<vmem>> -> memref<1x64xf32, #tpu.memory_space<vmem>>
      %dma_start3A_1430 = tpu.memref_squeeze %dma_start3A_1429 : memref<1x64xf32, #tpu.memory_space<vmem>> -> memref<64xf32, #tpu.memory_space<vmem>>
      %dma_start3A_1431 = arith.constant 0 : i32
      %dma_start3A_1432 = tpu.memref_slice %arg3[%squeeze3A_1421, %dma_start3A_1431] : memref<100000x64xf32, #tpu.memory_space<hbm>> -> memref<1x64xf32, #tpu.memory_space<hbm>>
      %dma_start3A_1433 = tpu.memref_squeeze %dma_start3A_1432 : memref<1x64xf32, #tpu.memory_space<hbm>> -> memref<64xf32, #tpu.memory_space<hbm>>
      %dma_start3A_1434 = arith.constant 0 : i32
      %dma_start3A_1435 = tpu.memref_slice %arg11[%and3A_1427, %dma_start3A_1434] : memref<256x64xf32, #tpu.memory_space<vmem>> -> memref<1x64xf32, #tpu.memory_space<vmem>>
      %dma_start3A_1436 = tpu.memref_squeeze %dma_start3A_1435 : memref<1x64xf32, #tpu.memory_space<vmem>> -> memref<64xf32, #tpu.memory_space<vmem>>
      %dma_start3A_1437 = arith.constant 0 : i32
      %dma_start3A_1438 = tpu.memref_slice %arg3[%squeeze3A_1421, %dma_start3A_1437] : memref<100000x64xf32, #tpu.memory_space<hbm>> -> memref<1x64xf32, #tpu.memory_space<hbm>>
      %dma_start3A_1439 = tpu.memref_squeeze %dma_start3A_1438 : memref<1x64xf32, #tpu.memory_space<hbm>> -> memref<64xf32, #tpu.memory_space<hbm>>
      tpu.enqueue_dma source(%dma_start3A_1439 : memref<64xf32, #tpu.memory_space<hbm>>) target(%dma_start3A_1436 : memref<64xf32, #tpu.memory_space<vmem>>) target_semaphore(%arg20 : memref<!tpu.dma_semaphore, #tpu.memory_space<semaphore_mem>>)
      %slice3A_1440 = vector.extract_strided_slice %get3A_1199 {offsets = [12], sizes = [1], strides = [1]} : vector<16xi32> to vector<1xi32>
      %squeeze3A_1441 = vector.extract %slice3A_1440[0] : i32 from vector<1xi32>
      %mul3A_1442 = arith.constant 16 : i32
      %mul3A_1443 = arith.muli %scan3A_1195, %mul3A_1442 : i32
      %add3A_1444 = arith.constant 12 : i32
      %add3A_1445 = arith.addi %mul3A_1443, %add3A_1444 : i32
      %and3A_1446 = arith.constant 255 : i32
      %and3A_1447 = arith.andi %add3A_1445, %and3A_1446 : i32
      %dma_start3A_1448 = arith.constant 0 : i32
      %dma_start3A_1449 = tpu.memref_slice %arg11[%and3A_1447, %dma_start3A_1448] : memref<256x64xf32, #tpu.memory_space<vmem>> -> memref<1x64xf32, #tpu.memory_space<vmem>>
      %dma_start3A_1450 = tpu.memref_squeeze %dma_start3A_1449 : memref<1x64xf32, #tpu.memory_space<vmem>> -> memref<64xf32, #tpu.memory_space<vmem>>
      %dma_start3A_1451 = arith.constant 0 : i32
      %dma_start3A_1452 = tpu.memref_slice %arg3[%squeeze3A_1441, %dma_start3A_1451] : memref<100000x64xf32, #tpu.memory_space<hbm>> -> memref<1x64xf32, #tpu.memory_space<hbm>>
      %dma_start3A_1453 = tpu.memref_squeeze %dma_start3A_1452 : memref<1x64xf32, #tpu.memory_space<hbm>> -> memref<64xf32, #tpu.memory_space<hbm>>
      %dma_start3A_1454 = arith.constant 0 : i32
      %dma_start3A_1455 = tpu.memref_slice %arg11[%and3A_1447, %dma_start3A_1454] : memref<256x64xf32, #tpu.memory_space<vmem>> -> memref<1x64xf32, #tpu.memory_space<vmem>>
      %dma_start3A_1456 = tpu.memref_squeeze %dma_start3A_1455 : memref<1x64xf32, #tpu.memory_space<vmem>> -> memref<64xf32, #tpu.memory_space<vmem>>
      %dma_start3A_1457 = arith.constant 0 : i32
      %dma_start3A_1458 = tpu.memref_slice %arg3[%squeeze3A_1441, %dma_start3A_1457] : memref<100000x64xf32, #tpu.memory_space<hbm>> -> memref<1x64xf32, #tpu.memory_space<hbm>>
      %dma_start3A_1459 = tpu.memref_squeeze %dma_start3A_1458 : memref<1x64xf32, #tpu.memory_space<hbm>> -> memref<64xf32, #tpu.memory_space<hbm>>
      tpu.enqueue_dma source(%dma_start3A_1459 : memref<64xf32, #tpu.memory_space<hbm>>) target(%dma_start3A_1456 : memref<64xf32, #tpu.memory_space<vmem>>) target_semaphore(%arg20 : memref<!tpu.dma_semaphore, #tpu.memory_space<semaphore_mem>>)
      %slice3A_1460 = vector.extract_strided_slice %get3A_1199 {offsets = [13], sizes = [1], strides = [1]} : vector<16xi32> to vector<1xi32>
      %squeeze3A_1461 = vector.extract %slice3A_1460[0] : i32 from vector<1xi32>
      %mul3A_1462 = arith.constant 16 : i32
      %mul3A_1463 = arith.muli %scan3A_1195, %mul3A_1462 : i32
      %add3A_1464 = arith.constant 13 : i32
      %add3A_1465 = arith.addi %mul3A_1463, %add3A_1464 : i32
      %and3A_1466 = arith.constant 255 : i32
      %and3A_1467 = arith.andi %add3A_1465, %and3A_1466 : i32
      %dma_start3A_1468 = arith.constant 0 : i32
      %dma_start3A_1469 = tpu.memref_slice %arg11[%and3A_1467, %dma_start3A_1468] : memref<256x64xf32, #tpu.memory_space<vmem>> -> memref<1x64xf32, #tpu.memory_space<vmem>>
      %dma_start3A_1470 = tpu.memref_squeeze %dma_start3A_1469 : memref<1x64xf32, #tpu.memory_space<vmem>> -> memref<64xf32, #tpu.memory_space<vmem>>
      %dma_start3A_1471 = arith.constant 0 : i32
      %dma_start3A_1472 = tpu.memref_slice %arg3[%squeeze3A_1461, %dma_start3A_1471] : memref<100000x64xf32, #tpu.memory_space<hbm>> -> memref<1x64xf32, #tpu.memory_space<hbm>>
      %dma_start3A_1473 = tpu.memref_squeeze %dma_start3A_1472 : memref<1x64xf32, #tpu.memory_space<hbm>> -> memref<64xf32, #tpu.memory_space<hbm>>
      %dma_start3A_1474 = arith.constant 0 : i32
      %dma_start3A_1475 = tpu.memref_slice %arg11[%and3A_1467, %dma_start3A_1474] : memref<256x64xf32, #tpu.memory_space<vmem>> -> memref<1x64xf32, #tpu.memory_space<vmem>>
      %dma_start3A_1476 = tpu.memref_squeeze %dma_start3A_1475 : memref<1x64xf32, #tpu.memory_space<vmem>> -> memref<64xf32, #tpu.memory_space<vmem>>
      %dma_start3A_1477 = arith.constant 0 : i32
      %dma_start3A_1478 = tpu.memref_slice %arg3[%squeeze3A_1461, %dma_start3A_1477] : memref<100000x64xf32, #tpu.memory_space<hbm>> -> memref<1x64xf32, #tpu.memory_space<hbm>>
      %dma_start3A_1479 = tpu.memref_squeeze %dma_start3A_1478 : memref<1x64xf32, #tpu.memory_space<hbm>> -> memref<64xf32, #tpu.memory_space<hbm>>
      tpu.enqueue_dma source(%dma_start3A_1479 : memref<64xf32, #tpu.memory_space<hbm>>) target(%dma_start3A_1476 : memref<64xf32, #tpu.memory_space<vmem>>) target_semaphore(%arg20 : memref<!tpu.dma_semaphore, #tpu.memory_space<semaphore_mem>>)
      %slice3A_1480 = vector.extract_strided_slice %get3A_1199 {offsets = [14], sizes = [1], strides = [1]} : vector<16xi32> to vector<1xi32>
      %squeeze3A_1481 = vector.extract %slice3A_1480[0] : i32 from vector<1xi32>
      %mul3A_1482 = arith.constant 16 : i32
      %mul3A_1483 = arith.muli %scan3A_1195, %mul3A_1482 : i32
      %add3A_1484 = arith.constant 14 : i32
      %add3A_1485 = arith.addi %mul3A_1483, %add3A_1484 : i32
      %and3A_1486 = arith.constant 255 : i32
      %and3A_1487 = arith.andi %add3A_1485, %and3A_1486 : i32
      %dma_start3A_1488 = arith.constant 0 : i32
      %dma_start3A_1489 = tpu.memref_slice %arg11[%and3A_1487, %dma_start3A_1488] : memref<256x64xf32, #tpu.memory_space<vmem>> -> memref<1x64xf32, #tpu.memory_space<vmem>>
      %dma_start3A_1490 = tpu.memref_squeeze %dma_start3A_1489 : memref<1x64xf32, #tpu.memory_space<vmem>> -> memref<64xf32, #tpu.memory_space<vmem>>
      %dma_start3A_1491 = arith.constant 0 : i32
      %dma_start3A_1492 = tpu.memref_slice %arg3[%squeeze3A_1481, %dma_start3A_1491] : memref<100000x64xf32, #tpu.memory_space<hbm>> -> memref<1x64xf32, #tpu.memory_space<hbm>>
      %dma_start3A_1493 = tpu.memref_squeeze %dma_start3A_1492 : memref<1x64xf32, #tpu.memory_space<hbm>> -> memref<64xf32, #tpu.memory_space<hbm>>
      %dma_start3A_1494 = arith.constant 0 : i32
      %dma_start3A_1495 = tpu.memref_slice %arg11[%and3A_1487, %dma_start3A_1494] : memref<256x64xf32, #tpu.memory_space<vmem>> -> memref<1x64xf32, #tpu.memory_space<vmem>>
      %dma_start3A_1496 = tpu.memref_squeeze %dma_start3A_1495 : memref<1x64xf32, #tpu.memory_space<vmem>> -> memref<64xf32, #tpu.memory_space<vmem>>
      %dma_start3A_1497 = arith.constant 0 : i32
      %dma_start3A_1498 = tpu.memref_slice %arg3[%squeeze3A_1481, %dma_start3A_1497] : memref<100000x64xf32, #tpu.memory_space<hbm>> -> memref<1x64xf32, #tpu.memory_space<hbm>>
      %dma_start3A_1499 = tpu.memref_squeeze %dma_start3A_1498 : memref<1x64xf32, #tpu.memory_space<hbm>> -> memref<64xf32, #tpu.memory_space<hbm>>
      tpu.enqueue_dma source(%dma_start3A_1499 : memref<64xf32, #tpu.memory_space<hbm>>) target(%dma_start3A_1496 : memref<64xf32, #tpu.memory_space<vmem>>) target_semaphore(%arg20 : memref<!tpu.dma_semaphore, #tpu.memory_space<semaphore_mem>>)
      %slice3A_1500 = vector.extract_strided_slice %get3A_1199 {offsets = [15], sizes = [1], strides = [1]} : vector<16xi32> to vector<1xi32>
      %squeeze3A_1501 = vector.extract %slice3A_1500[0] : i32 from vector<1xi32>
      %mul3A_1502 = arith.constant 16 : i32
      %mul3A_1503 = arith.muli %scan3A_1195, %mul3A_1502 : i32
      %add3A_1504 = arith.constant 15 : i32
      %add3A_1505 = arith.addi %mul3A_1503, %add3A_1504 : i32
      %and3A_1506 = arith.constant 255 : i32
      %and3A_1507 = arith.andi %add3A_1505, %and3A_1506 : i32
      %dma_start3A_1508 = arith.constant 0 : i32
      %dma_start3A_1509 = tpu.memref_slice %arg11[%and3A_1507, %dma_start3A_1508] : memref<256x64xf32, #tpu.memory_space<vmem>> -> memref<1x64xf32, #tpu.memory_space<vmem>>
      %dma_start3A_1510 = tpu.memref_squeeze %dma_start3A_1509 : memref<1x64xf32, #tpu.memory_space<vmem>> -> memref<64xf32, #tpu.memory_space<vmem>>
      %dma_start3A_1511 = arith.constant 0 : i32
      %dma_start3A_1512 = tpu.memref_slice %arg3[%squeeze3A_1501, %dma_start3A_1511] : memref<100000x64xf32, #tpu.memory_space<hbm>> -> memref<1x64xf32, #tpu.memory_space<hbm>>
      %dma_start3A_1513 = tpu.memref_squeeze %dma_start3A_1512 : memref<1x64xf32, #tpu.memory_space<hbm>> -> memref<64xf32, #tpu.memory_space<hbm>>
      %dma_start3A_1514 = arith.constant 0 : i32
      %dma_start3A_1515 = tpu.memref_slice %arg11[%and3A_1507, %dma_start3A_1514] : memref<256x64xf32, #tpu.memory_space<vmem>> -> memref<1x64xf32, #tpu.memory_space<vmem>>
      %dma_start3A_1516 = tpu.memref_squeeze %dma_start3A_1515 : memref<1x64xf32, #tpu.memory_space<vmem>> -> memref<64xf32, #tpu.memory_space<vmem>>
      %dma_start3A_1517 = arith.constant 0 : i32
      %dma_start3A_1518 = tpu.memref_slice %arg3[%squeeze3A_1501, %dma_start3A_1517] : memref<100000x64xf32, #tpu.memory_space<hbm>> -> memref<1x64xf32, #tpu.memory_space<hbm>>
      %dma_start3A_1519 = tpu.memref_squeeze %dma_start3A_1518 : memref<1x64xf32, #tpu.memory_space<hbm>> -> memref<64xf32, #tpu.memory_space<hbm>>
      tpu.enqueue_dma source(%dma_start3A_1519 : memref<64xf32, #tpu.memory_space<hbm>>) target(%dma_start3A_1516 : memref<64xf32, #tpu.memory_space<vmem>>) target_semaphore(%arg20 : memref<!tpu.dma_semaphore, #tpu.memory_space<semaphore_mem>>)
    }
    %scan3A_1172 = arith.constant 16 : i32
    %scan3A_1173 = arith.constant 0 : i32
    %scan3A_1174 = arith.constant 0 : i32
    %scan3A_1175 = arith.constant 256 : i32
    %scan3A_1176 = arith.addi %scan3A_1174, %scan3A_1175 : i32
    %scan3A_1177 = arith.constant 1 : i32
    scf.for %scan3A_1195 = %scan3A_1174 to %scan3A_1176 step %scan3A_1177  : i32 {
      %and3A_1196 = arith.constant 255 : i32
      %and3A_1197 = arith.andi %scan3A_1195, %and3A_1196 : i32
      %dma_wait3A_1198 = arith.constant 0 : i32
      %dma_wait3A_1199 = arith.constant 0 : i32
      %dma_wait3A_1200 = tpu.memref_slice %arg11[%and3A_1197, %dma_wait3A_1199] : memref<256x64xf32, #tpu.memory_space<vmem>> -> memref<1x64xf32, #tpu.memory_space<vmem>>
      %dma_wait3A_1201 = tpu.memref_squeeze %dma_wait3A_1200 : memref<1x64xf32, #tpu.memory_space<vmem>> -> memref<64xf32, #tpu.memory_space<vmem>>
      %dma_wait3A_1202 = arith.constant 0 : i32
      %dma_wait3A_1203 = tpu.memref_slice %arg3[%dma_wait3A_1198, %dma_wait3A_1202] : memref<100000x64xf32, #tpu.memory_space<hbm>> -> memref<1x64xf32, #tpu.memory_space<hbm>>
      %dma_wait3A_1204 = tpu.memref_squeeze %dma_wait3A_1203 : memref<1x64xf32, #tpu.memory_space<hbm>> -> memref<64xf32, #tpu.memory_space<hbm>>
      %dma_wait3A_1205 = arith.constant 0 : i32
      %dma_wait3A_1206 = tpu.memref_slice %arg11[%and3A_1197, %dma_wait3A_1205] : memref<256x64xf32, #tpu.memory_space<vmem>> -> memref<1x64xf32, #tpu.memory_space<vmem>>
      %dma_wait3A_1207 = tpu.memref_squeeze %dma_wait3A_1206 : memref<1x64xf32, #tpu.memory_space<vmem>> -> memref<64xf32, #tpu.memory_space<vmem>>
      %dma_wait3A_1208 = arith.constant 0 : i32
      %dma_wait3A_1209 = tpu.memref_slice %arg3[%dma_wait3A_1198, %dma_wait3A_1208] : memref<100000x64xf32, #tpu.memory_space<hbm>> -> memref<1x64xf32, #tpu.memory_space<hbm>>
      %dma_wait3A_1210 = tpu.memref_squeeze %dma_wait3A_1209 : memref<1x64xf32, #tpu.memory_space<hbm>> -> memref<64xf32, #tpu.memory_space<hbm>>
      tpu.wait_dma2 semaphore(%arg20 : memref<!tpu.dma_semaphore, #tpu.memory_space<semaphore_mem>>) src(%dma_wait3A_1210 : memref<64xf32, #tpu.memory_space<hbm>>) dst(%dma_wait3A_1207 : memref<64xf32, #tpu.memory_space<vmem>>)
    }
    %scan3A_1178 = arith.constant 256 : i32
    %add3A_1179 = arith.constant 0 : i32
    %add3A_1180 = arith.addi %mul3A_2, %add3A_1179 : i32
    "tpu.region"() ({
      %run_scoped3A = tpu.sem_alloc : memref<!tpu.dma_semaphore, #tpu.memory_space<semaphore_mem>>
      %dma_start3A_1195 = arith.constant 0 : i32
      %dma_start3A_1196 = tpu.memref_slice %arg7[%add3A_1180, %dma_start3A_1195] : memref<16384x64xf32, #tpu.memory_space<hbm>> -> memref<256x64xf32, #tpu.memory_space<hbm>>
      %dma_start3A_1197 = arith.constant 0 : i32
      %dma_start3A_1198 = tpu.memref_slice %arg7[%add3A_1180, %dma_start3A_1197] : memref<16384x64xf32, #tpu.memory_space<hbm>> -> memref<256x64xf32, #tpu.memory_space<hbm>>
      tpu.enqueue_dma source(%arg11 : memref<256x64xf32, #tpu.memory_space<vmem>>) target(%dma_start3A_1198 : memref<256x64xf32, #tpu.memory_space<hbm>>) target_semaphore(%run_scoped3A : memref<!tpu.dma_semaphore, #tpu.memory_space<semaphore_mem>>)
      %dma_wait3A_1199 = arith.constant 0 : i32
      %dma_wait3A_1200 = tpu.memref_slice %arg7[%add3A_1180, %dma_wait3A_1199] : memref<16384x64xf32, #tpu.memory_space<hbm>> -> memref<256x64xf32, #tpu.memory_space<hbm>>
      %dma_wait3A_1201 = arith.constant 0 : i32
      %dma_wait3A_1202 = tpu.memref_slice %arg7[%add3A_1180, %dma_wait3A_1201] : memref<16384x64xf32, #tpu.memory_space<hbm>> -> memref<256x64xf32, #tpu.memory_space<hbm>>
      tpu.wait_dma2 semaphore(%run_scoped3A : memref<!tpu.dma_semaphore, #tpu.memory_space<semaphore_mem>>) src(%arg11 : memref<256x64xf32, #tpu.memory_space<vmem>>) dst(%dma_wait3A_1202 : memref<256x64xf32, #tpu.memory_space<hbm>>)
      tpu.yield
    }) : () -> ()
    %scan3A_1181 = arith.constant 0 : i32
    %scan3A_1182 = arith.constant 16 : i32
    %scan3A_1183 = arith.constant 16 : i32
    %scan3A_1184 = arith.addi %scan3A_1182, %scan3A_1183 : i32
    %scan3A_1185 = arith.constant 1 : i32
    scf.for %scan3A_1195 = %scan3A_1182 to %scan3A_1184 step %scan3A_1185  : i32 {
      %mul3A_1196 = arith.constant 16 : i32
      %mul3A_1197 = arith.muli %scan3A_1195, %mul3A_1196 : i32
      %get3A_1198 = arith.index_cast %mul3A_1197 : i32 to index
      %get3A_1199 = tpu.vector_load %arg9[%get3A_1198] {strides = array<i32>} : memref<512xi32, #tpu.memory_space<vmem>>, vector<16xi32>,
      %slice3A_1200 = vector.extract_strided_slice %get3A_1199 {offsets = [0], sizes = [1], strides = [1]} : vector<16xi32> to vector<1xi32>
      %squeeze3A_1201 = vector.extract %slice3A_1200[0] : i32 from vector<1xi32>
      %mul3A_1202 = arith.constant 16 : i32
      %mul3A_1203 = arith.muli %scan3A_1195, %mul3A_1202 : i32
      %add3A_1204 = arith.constant 0 : i32
      %add3A_1205 = arith.addi %mul3A_1203, %add3A_1204 : i32
      %and3A_1206 = arith.constant 255 : i32
      %and3A_1207 = arith.andi %add3A_1205, %and3A_1206 : i32
      %dma_start3A_1208 = arith.constant 0 : i32
      %dma_start3A_1209 = tpu.memref_slice %arg11[%and3A_1207, %dma_start3A_1208] : memref<256x64xf32, #tpu.memory_space<vmem>> -> memref<1x64xf32, #tpu.memory_space<vmem>>
      %dma_start3A_1210 = tpu.memref_squeeze %dma_start3A_1209 : memref<1x64xf32, #tpu.memory_space<vmem>> -> memref<64xf32, #tpu.memory_space<vmem>>
      %dma_start3A_1211 = arith.constant 0 : i32
      %dma_start3A_1212 = tpu.memref_slice %arg3[%squeeze3A_1201, %dma_start3A_1211] : memref<100000x64xf32, #tpu.memory_space<hbm>> -> memref<1x64xf32, #tpu.memory_space<hbm>>
      %dma_start3A_1213 = tpu.memref_squeeze %dma_start3A_1212 : memref<1x64xf32, #tpu.memory_space<hbm>> -> memref<64xf32, #tpu.memory_space<hbm>>
      %dma_start3A_1214 = arith.constant 0 : i32
      %dma_start3A_1215 = tpu.memref_slice %arg11[%and3A_1207, %dma_start3A_1214] : memref<256x64xf32, #tpu.memory_space<vmem>> -> memref<1x64xf32, #tpu.memory_space<vmem>>
      %dma_start3A_1216 = tpu.memref_squeeze %dma_start3A_1215 : memref<1x64xf32, #tpu.memory_space<vmem>> -> memref<64xf32, #tpu.memory_space<vmem>>
      %dma_start3A_1217 = arith.constant 0 : i32
      %dma_start3A_1218 = tpu.memref_slice %arg3[%squeeze3A_1201, %dma_start3A_1217] : memref<100000x64xf32, #tpu.memory_space<hbm>> -> memref<1x64xf32, #tpu.memory_space<hbm>>
      %dma_start3A_1219 = tpu.memref_squeeze %dma_start3A_1218 : memref<1x64xf32, #tpu.memory_space<hbm>> -> memref<64xf32, #tpu.memory_space<hbm>>
      tpu.enqueue_dma source(%dma_start3A_1219 : memref<64xf32, #tpu.memory_space<hbm>>) target(%dma_start3A_1216 : memref<64xf32, #tpu.memory_space<vmem>>) target_semaphore(%arg20 : memref<!tpu.dma_semaphore, #tpu.memory_space<semaphore_mem>>)
      %slice3A_1220 = vector.extract_strided_slice %get3A_1199 {offsets = [1], sizes = [1], strides = [1]} : vector<16xi32> to vector<1xi32>
      %squeeze3A_1221 = vector.extract %slice3A_1220[0] : i32 from vector<1xi32>
      %mul3A_1222 = arith.constant 16 : i32
      %mul3A_1223 = arith.muli %scan3A_1195, %mul3A_1222 : i32
      %add3A_1224 = arith.constant 1 : i32
      %add3A_1225 = arith.addi %mul3A_1223, %add3A_1224 : i32
      %and3A_1226 = arith.constant 255 : i32
      %and3A_1227 = arith.andi %add3A_1225, %and3A_1226 : i32
      %dma_start3A_1228 = arith.constant 0 : i32
      %dma_start3A_1229 = tpu.memref_slice %arg11[%and3A_1227, %dma_start3A_1228] : memref<256x64xf32, #tpu.memory_space<vmem>> -> memref<1x64xf32, #tpu.memory_space<vmem>>
      %dma_start3A_1230 = tpu.memref_squeeze %dma_start3A_1229 : memref<1x64xf32, #tpu.memory_space<vmem>> -> memref<64xf32, #tpu.memory_space<vmem>>
      %dma_start3A_1231 = arith.constant 0 : i32
      %dma_start3A_1232 = tpu.memref_slice %arg3[%squeeze3A_1221, %dma_start3A_1231] : memref<100000x64xf32, #tpu.memory_space<hbm>> -> memref<1x64xf32, #tpu.memory_space<hbm>>
      %dma_start3A_1233 = tpu.memref_squeeze %dma_start3A_1232 : memref<1x64xf32, #tpu.memory_space<hbm>> -> memref<64xf32, #tpu.memory_space<hbm>>
      %dma_start3A_1234 = arith.constant 0 : i32
      %dma_start3A_1235 = tpu.memref_slice %arg11[%and3A_1227, %dma_start3A_1234] : memref<256x64xf32, #tpu.memory_space<vmem>> -> memref<1x64xf32, #tpu.memory_space<vmem>>
      %dma_start3A_1236 = tpu.memref_squeeze %dma_start3A_1235 : memref<1x64xf32, #tpu.memory_space<vmem>> -> memref<64xf32, #tpu.memory_space<vmem>>
      %dma_start3A_1237 = arith.constant 0 : i32
      %dma_start3A_1238 = tpu.memref_slice %arg3[%squeeze3A_1221, %dma_start3A_1237] : memref<100000x64xf32, #tpu.memory_space<hbm>> -> memref<1x64xf32, #tpu.memory_space<hbm>>
      %dma_start3A_1239 = tpu.memref_squeeze %dma_start3A_1238 : memref<1x64xf32, #tpu.memory_space<hbm>> -> memref<64xf32, #tpu.memory_space<hbm>>
      tpu.enqueue_dma source(%dma_start3A_1239 : memref<64xf32, #tpu.memory_space<hbm>>) target(%dma_start3A_1236 : memref<64xf32, #tpu.memory_space<vmem>>) target_semaphore(%arg20 : memref<!tpu.dma_semaphore, #tpu.memory_space<semaphore_mem>>)
      %slice3A_1240 = vector.extract_strided_slice %get3A_1199 {offsets = [2], sizes = [1], strides = [1]} : vector<16xi32> to vector<1xi32>
      %squeeze3A_1241 = vector.extract %slice3A_1240[0] : i32 from vector<1xi32>
      %mul3A_1242 = arith.constant 16 : i32
      %mul3A_1243 = arith.muli %scan3A_1195, %mul3A_1242 : i32
      %add3A_1244 = arith.constant 2 : i32
      %add3A_1245 = arith.addi %mul3A_1243, %add3A_1244 : i32
      %and3A_1246 = arith.constant 255 : i32
      %and3A_1247 = arith.andi %add3A_1245, %and3A_1246 : i32
      %dma_start3A_1248 = arith.constant 0 : i32
      %dma_start3A_1249 = tpu.memref_slice %arg11[%and3A_1247, %dma_start3A_1248] : memref<256x64xf32, #tpu.memory_space<vmem>> -> memref<1x64xf32, #tpu.memory_space<vmem>>
      %dma_start3A_1250 = tpu.memref_squeeze %dma_start3A_1249 : memref<1x64xf32, #tpu.memory_space<vmem>> -> memref<64xf32, #tpu.memory_space<vmem>>
      %dma_start3A_1251 = arith.constant 0 : i32
      %dma_start3A_1252 = tpu.memref_slice %arg3[%squeeze3A_1241, %dma_start3A_1251] : memref<100000x64xf32, #tpu.memory_space<hbm>> -> memref<1x64xf32, #tpu.memory_space<hbm>>
      %dma_start3A_1253 = tpu.memref_squeeze %dma_start3A_1252 : memref<1x64xf32, #tpu.memory_space<hbm>> -> memref<64xf32, #tpu.memory_space<hbm>>
      %dma_start3A_1254 = arith.constant 0 : i32
      %dma_start3A_1255 = tpu.memref_slice %arg11[%and3A_1247, %dma_start3A_1254] : memref<256x64xf32, #tpu.memory_space<vmem>> -> memref<1x64xf32, #tpu.memory_space<vmem>>
      %dma_start3A_1256 = tpu.memref_squeeze %dma_start3A_1255 : memref<1x64xf32, #tpu.memory_space<vmem>> -> memref<64xf32, #tpu.memory_space<vmem>>
      %dma_start3A_1257 = arith.constant 0 : i32
      %dma_start3A_1258 = tpu.memref_slice %arg3[%squeeze3A_1241, %dma_start3A_1257] : memref<100000x64xf32, #tpu.memory_space<hbm>> -> memref<1x64xf32, #tpu.memory_space<hbm>>
      %dma_start3A_1259 = tpu.memref_squeeze %dma_start3A_1258 : memref<1x64xf32, #tpu.memory_space<hbm>> -> memref<64xf32, #tpu.memory_space<hbm>>
      tpu.enqueue_dma source(%dma_start3A_1259 : memref<64xf32, #tpu.memory_space<hbm>>) target(%dma_start3A_1256 : memref<64xf32, #tpu.memory_space<vmem>>) target_semaphore(%arg20 : memref<!tpu.dma_semaphore, #tpu.memory_space<semaphore_mem>>)
      %slice3A_1260 = vector.extract_strided_slice %get3A_1199 {offsets = [3], sizes = [1], strides = [1]} : vector<16xi32> to vector<1xi32>
      %squeeze3A_1261 = vector.extract %slice3A_1260[0] : i32 from vector<1xi32>
      %mul3A_1262 = arith.constant 16 : i32
      %mul3A_1263 = arith.muli %scan3A_1195, %mul3A_1262 : i32
      %add3A_1264 = arith.constant 3 : i32
      %add3A_1265 = arith.addi %mul3A_1263, %add3A_1264 : i32
      %and3A_1266 = arith.constant 255 : i32
      %and3A_1267 = arith.andi %add3A_1265, %and3A_1266 : i32
      %dma_start3A_1268 = arith.constant 0 : i32
      %dma_start3A_1269 = tpu.memref_slice %arg11[%and3A_1267, %dma_start3A_1268] : memref<256x64xf32, #tpu.memory_space<vmem>> -> memref<1x64xf32, #tpu.memory_space<vmem>>
      %dma_start3A_1270 = tpu.memref_squeeze %dma_start3A_1269 : memref<1x64xf32, #tpu.memory_space<vmem>> -> memref<64xf32, #tpu.memory_space<vmem>>
      %dma_start3A_1271 = arith.constant 0 : i32
      %dma_start3A_1272 = tpu.memref_slice %arg3[%squeeze3A_1261, %dma_start3A_1271] : memref<100000x64xf32, #tpu.memory_space<hbm>> -> memref<1x64xf32, #tpu.memory_space<hbm>>
      %dma_start3A_1273 = tpu.memref_squeeze %dma_start3A_1272 : memref<1x64xf32, #tpu.memory_space<hbm>> -> memref<64xf32, #tpu.memory_space<hbm>>
      %dma_start3A_1274 = arith.constant 0 : i32
      %dma_start3A_1275 = tpu.memref_slice %arg11[%and3A_1267, %dma_start3A_1274] : memref<256x64xf32, #tpu.memory_space<vmem>> -> memref<1x64xf32, #tpu.memory_space<vmem>>
      %dma_start3A_1276 = tpu.memref_squeeze %dma_start3A_1275 : memref<1x64xf32, #tpu.memory_space<vmem>> -> memref<64xf32, #tpu.memory_space<vmem>>
      %dma_start3A_1277 = arith.constant 0 : i32
      %dma_start3A_1278 = tpu.memref_slice %arg3[%squeeze3A_1261, %dma_start3A_1277] : memref<100000x64xf32, #tpu.memory_space<hbm>> -> memref<1x64xf32, #tpu.memory_space<hbm>>
      %dma_start3A_1279 = tpu.memref_squeeze %dma_start3A_1278 : memref<1x64xf32, #tpu.memory_space<hbm>> -> memref<64xf32, #tpu.memory_space<hbm>>
      tpu.enqueue_dma source(%dma_start3A_1279 : memref<64xf32, #tpu.memory_space<hbm>>) target(%dma_start3A_1276 : memref<64xf32, #tpu.memory_space<vmem>>) target_semaphore(%arg20 : memref<!tpu.dma_semaphore, #tpu.memory_space<semaphore_mem>>)
      %slice3A_1280 = vector.extract_strided_slice %get3A_1199 {offsets = [4], sizes = [1], strides = [1]} : vector<16xi32> to vector<1xi32>
      %squeeze3A_1281 = vector.extract %slice3A_1280[0] : i32 from vector<1xi32>
      %mul3A_1282 = arith.constant 16 : i32
      %mul3A_1283 = arith.muli %scan3A_1195, %mul3A_1282 : i32
      %add3A_1284 = arith.constant 4 : i32
      %add3A_1285 = arith.addi %mul3A_1283, %add3A_1284 : i32
      %and3A_1286 = arith.constant 255 : i32
      %and3A_1287 = arith.andi %add3A_1285, %and3A_1286 : i32
      %dma_start3A_1288 = arith.constant 0 : i32
      %dma_start3A_1289 = tpu.memref_slice %arg11[%and3A_1287, %dma_start3A_1288] : memref<256x64xf32, #tpu.memory_space<vmem>> -> memref<1x64xf32, #tpu.memory_space<vmem>>
      %dma_start3A_1290 = tpu.memref_squeeze %dma_start3A_1289 : memref<1x64xf32, #tpu.memory_space<vmem>> -> memref<64xf32, #tpu.memory_space<vmem>>
      %dma_start3A_1291 = arith.constant 0 : i32
      %dma_start3A_1292 = tpu.memref_slice %arg3[%squeeze3A_1281, %dma_start3A_1291] : memref<100000x64xf32, #tpu.memory_space<hbm>> -> memref<1x64xf32, #tpu.memory_space<hbm>>
      %dma_start3A_1293 = tpu.memref_squeeze %dma_start3A_1292 : memref<1x64xf32, #tpu.memory_space<hbm>> -> memref<64xf32, #tpu.memory_space<hbm>>
      %dma_start3A_1294 = arith.constant 0 : i32
      %dma_start3A_1295 = tpu.memref_slice %arg11[%and3A_1287, %dma_start3A_1294] : memref<256x64xf32, #tpu.memory_space<vmem>> -> memref<1x64xf32, #tpu.memory_space<vmem>>
      %dma_start3A_1296 = tpu.memref_squeeze %dma_start3A_1295 : memref<1x64xf32, #tpu.memory_space<vmem>> -> memref<64xf32, #tpu.memory_space<vmem>>
      %dma_start3A_1297 = arith.constant 0 : i32
      %dma_start3A_1298 = tpu.memref_slice %arg3[%squeeze3A_1281, %dma_start3A_1297] : memref<100000x64xf32, #tpu.memory_space<hbm>> -> memref<1x64xf32, #tpu.memory_space<hbm>>
      %dma_start3A_1299 = tpu.memref_squeeze %dma_start3A_1298 : memref<1x64xf32, #tpu.memory_space<hbm>> -> memref<64xf32, #tpu.memory_space<hbm>>
      tpu.enqueue_dma source(%dma_start3A_1299 : memref<64xf32, #tpu.memory_space<hbm>>) target(%dma_start3A_1296 : memref<64xf32, #tpu.memory_space<vmem>>) target_semaphore(%arg20 : memref<!tpu.dma_semaphore, #tpu.memory_space<semaphore_mem>>)
      %slice3A_1300 = vector.extract_strided_slice %get3A_1199 {offsets = [5], sizes = [1], strides = [1]} : vector<16xi32> to vector<1xi32>
      %squeeze3A_1301 = vector.extract %slice3A_1300[0] : i32 from vector<1xi32>
      %mul3A_1302 = arith.constant 16 : i32
      %mul3A_1303 = arith.muli %scan3A_1195, %mul3A_1302 : i32
      %add3A_1304 = arith.constant 5 : i32
      %add3A_1305 = arith.addi %mul3A_1303, %add3A_1304 : i32
      %and3A_1306 = arith.constant 255 : i32
      %and3A_1307 = arith.andi %add3A_1305, %and3A_1306 : i32
      %dma_start3A_1308 = arith.constant 0 : i32
      %dma_start3A_1309 = tpu.memref_slice %arg11[%and3A_1307, %dma_start3A_1308] : memref<256x64xf32, #tpu.memory_space<vmem>> -> memref<1x64xf32, #tpu.memory_space<vmem>>
      %dma_start3A_1310 = tpu.memref_squeeze %dma_start3A_1309 : memref<1x64xf32, #tpu.memory_space<vmem>> -> memref<64xf32, #tpu.memory_space<vmem>>
      %dma_start3A_1311 = arith.constant 0 : i32
      %dma_start3A_1312 = tpu.memref_slice %arg3[%squeeze3A_1301, %dma_start3A_1311] : memref<100000x64xf32, #tpu.memory_space<hbm>> -> memref<1x64xf32, #tpu.memory_space<hbm>>
      %dma_start3A_1313 = tpu.memref_squeeze %dma_start3A_1312 : memref<1x64xf32, #tpu.memory_space<hbm>> -> memref<64xf32, #tpu.memory_space<hbm>>
      %dma_start3A_1314 = arith.constant 0 : i32
      %dma_start3A_1315 = tpu.memref_slice %arg11[%and3A_1307, %dma_start3A_1314] : memref<256x64xf32, #tpu.memory_space<vmem>> -> memref<1x64xf32, #tpu.memory_space<vmem>>
      %dma_start3A_1316 = tpu.memref_squeeze %dma_start3A_1315 : memref<1x64xf32, #tpu.memory_space<vmem>> -> memref<64xf32, #tpu.memory_space<vmem>>
      %dma_start3A_1317 = arith.constant 0 : i32
      %dma_start3A_1318 = tpu.memref_slice %arg3[%squeeze3A_1301, %dma_start3A_1317] : memref<100000x64xf32, #tpu.memory_space<hbm>> -> memref<1x64xf32, #tpu.memory_space<hbm>>
      %dma_start3A_1319 = tpu.memref_squeeze %dma_start3A_1318 : memref<1x64xf32, #tpu.memory_space<hbm>> -> memref<64xf32, #tpu.memory_space<hbm>>
      tpu.enqueue_dma source(%dma_start3A_1319 : memref<64xf32, #tpu.memory_space<hbm>>) target(%dma_start3A_1316 : memref<64xf32, #tpu.memory_space<vmem>>) target_semaphore(%arg20 : memref<!tpu.dma_semaphore, #tpu.memory_space<semaphore_mem>>)
      %slice3A_1320 = vector.extract_strided_slice %get3A_1199 {offsets = [6], sizes = [1], strides = [1]} : vector<16xi32> to vector<1xi32>
      %squeeze3A_1321 = vector.extract %slice3A_1320[0] : i32 from vector<1xi32>
      %mul3A_1322 = arith.constant 16 : i32
      %mul3A_1323 = arith.muli %scan3A_1195, %mul3A_1322 : i32
      %add3A_1324 = arith.constant 6 : i32
      %add3A_1325 = arith.addi %mul3A_1323, %add3A_1324 : i32
      %and3A_1326 = arith.constant 255 : i32
      %and3A_1327 = arith.andi %add3A_1325, %and3A_1326 : i32
      %dma_start3A_1328 = arith.constant 0 : i32
      %dma_start3A_1329 = tpu.memref_slice %arg11[%and3A_1327, %dma_start3A_1328] : memref<256x64xf32, #tpu.memory_space<vmem>> -> memref<1x64xf32, #tpu.memory_space<vmem>>
      %dma_start3A_1330 = tpu.memref_squeeze %dma_start3A_1329 : memref<1x64xf32, #tpu.memory_space<vmem>> -> memref<64xf32, #tpu.memory_space<vmem>>
      %dma_start3A_1331 = arith.constant 0 : i32
      %dma_start3A_1332 = tpu.memref_slice %arg3[%squeeze3A_1321, %dma_start3A_1331] : memref<100000x64xf32, #tpu.memory_space<hbm>> -> memref<1x64xf32, #tpu.memory_space<hbm>>
      %dma_start3A_1333 = tpu.memref_squeeze %dma_start3A_1332 : memref<1x64xf32, #tpu.memory_space<hbm>> -> memref<64xf32, #tpu.memory_space<hbm>>
      %dma_start3A_1334 = arith.constant 0 : i32
      %dma_start3A_1335 = tpu.memref_slice %arg11[%and3A_1327, %dma_start3A_1334] : memref<256x64xf32, #tpu.memory_space<vmem>> -> memref<1x64xf32, #tpu.memory_space<vmem>>
      %dma_start3A_1336 = tpu.memref_squeeze %dma_start3A_1335 : memref<1x64xf32, #tpu.memory_space<vmem>> -> memref<64xf32, #tpu.memory_space<vmem>>
      %dma_start3A_1337 = arith.constant 0 : i32
      %dma_start3A_1338 = tpu.memref_slice %arg3[%squeeze3A_1321, %dma_start3A_1337] : memref<100000x64xf32, #tpu.memory_space<hbm>> -> memref<1x64xf32, #tpu.memory_space<hbm>>
      %dma_start3A_1339 = tpu.memref_squeeze %dma_start3A_1338 : memref<1x64xf32, #tpu.memory_space<hbm>> -> memref<64xf32, #tpu.memory_space<hbm>>
      tpu.enqueue_dma source(%dma_start3A_1339 : memref<64xf32, #tpu.memory_space<hbm>>) target(%dma_start3A_1336 : memref<64xf32, #tpu.memory_space<vmem>>) target_semaphore(%arg20 : memref<!tpu.dma_semaphore, #tpu.memory_space<semaphore_mem>>)
      %slice3A_1340 = vector.extract_strided_slice %get3A_1199 {offsets = [7], sizes = [1], strides = [1]} : vector<16xi32> to vector<1xi32>
      %squeeze3A_1341 = vector.extract %slice3A_1340[0] : i32 from vector<1xi32>
      %mul3A_1342 = arith.constant 16 : i32
      %mul3A_1343 = arith.muli %scan3A_1195, %mul3A_1342 : i32
      %add3A_1344 = arith.constant 7 : i32
      %add3A_1345 = arith.addi %mul3A_1343, %add3A_1344 : i32
      %and3A_1346 = arith.constant 255 : i32
      %and3A_1347 = arith.andi %add3A_1345, %and3A_1346 : i32
      %dma_start3A_1348 = arith.constant 0 : i32
      %dma_start3A_1349 = tpu.memref_slice %arg11[%and3A_1347, %dma_start3A_1348] : memref<256x64xf32, #tpu.memory_space<vmem>> -> memref<1x64xf32, #tpu.memory_space<vmem>>
      %dma_start3A_1350 = tpu.memref_squeeze %dma_start3A_1349 : memref<1x64xf32, #tpu.memory_space<vmem>> -> memref<64xf32, #tpu.memory_space<vmem>>
      %dma_start3A_1351 = arith.constant 0 : i32
      %dma_start3A_1352 = tpu.memref_slice %arg3[%squeeze3A_1341, %dma_start3A_1351] : memref<100000x64xf32, #tpu.memory_space<hbm>> -> memref<1x64xf32, #tpu.memory_space<hbm>>
      %dma_start3A_1353 = tpu.memref_squeeze %dma_start3A_1352 : memref<1x64xf32, #tpu.memory_space<hbm>> -> memref<64xf32, #tpu.memory_space<hbm>>
      %dma_start3A_1354 = arith.constant 0 : i32
      %dma_start3A_1355 = tpu.memref_slice %arg11[%and3A_1347, %dma_start3A_1354] : memref<256x64xf32, #tpu.memory_space<vmem>> -> memref<1x64xf32, #tpu.memory_space<vmem>>
      %dma_start3A_1356 = tpu.memref_squeeze %dma_start3A_1355 : memref<1x64xf32, #tpu.memory_space<vmem>> -> memref<64xf32, #tpu.memory_space<vmem>>
      %dma_start3A_1357 = arith.constant 0 : i32
      %dma_start3A_1358 = tpu.memref_slice %arg3[%squeeze3A_1341, %dma_start3A_1357] : memref<100000x64xf32, #tpu.memory_space<hbm>> -> memref<1x64xf32, #tpu.memory_space<hbm>>
      %dma_start3A_1359 = tpu.memref_squeeze %dma_start3A_1358 : memref<1x64xf32, #tpu.memory_space<hbm>> -> memref<64xf32, #tpu.memory_space<hbm>>
      tpu.enqueue_dma source(%dma_start3A_1359 : memref<64xf32, #tpu.memory_space<hbm>>) target(%dma_start3A_1356 : memref<64xf32, #tpu.memory_space<vmem>>) target_semaphore(%arg20 : memref<!tpu.dma_semaphore, #tpu.memory_space<semaphore_mem>>)
      %slice3A_1360 = vector.extract_strided_slice %get3A_1199 {offsets = [8], sizes = [1], strides = [1]} : vector<16xi32> to vector<1xi32>
      %squeeze3A_1361 = vector.extract %slice3A_1360[0] : i32 from vector<1xi32>
      %mul3A_1362 = arith.constant 16 : i32
      %mul3A_1363 = arith.muli %scan3A_1195, %mul3A_1362 : i32
      %add3A_1364 = arith.constant 8 : i32
      %add3A_1365 = arith.addi %mul3A_1363, %add3A_1364 : i32
      %and3A_1366 = arith.constant 255 : i32
      %and3A_1367 = arith.andi %add3A_1365, %and3A_1366 : i32
      %dma_start3A_1368 = arith.constant 0 : i32
      %dma_start3A_1369 = tpu.memref_slice %arg11[%and3A_1367, %dma_start3A_1368] : memref<256x64xf32, #tpu.memory_space<vmem>> -> memref<1x64xf32, #tpu.memory_space<vmem>>
      %dma_start3A_1370 = tpu.memref_squeeze %dma_start3A_1369 : memref<1x64xf32, #tpu.memory_space<vmem>> -> memref<64xf32, #tpu.memory_space<vmem>>
      %dma_start3A_1371 = arith.constant 0 : i32
      %dma_start3A_1372 = tpu.memref_slice %arg3[%squeeze3A_1361, %dma_start3A_1371] : memref<100000x64xf32, #tpu.memory_space<hbm>> -> memref<1x64xf32, #tpu.memory_space<hbm>>
      %dma_start3A_1373 = tpu.memref_squeeze %dma_start3A_1372 : memref<1x64xf32, #tpu.memory_space<hbm>> -> memref<64xf32, #tpu.memory_space<hbm>>
      %dma_start3A_1374 = arith.constant 0 : i32
      %dma_start3A_1375 = tpu.memref_slice %arg11[%and3A_1367, %dma_start3A_1374] : memref<256x64xf32, #tpu.memory_space<vmem>> -> memref<1x64xf32, #tpu.memory_space<vmem>>
      %dma_start3A_1376 = tpu.memref_squeeze %dma_start3A_1375 : memref<1x64xf32, #tpu.memory_space<vmem>> -> memref<64xf32, #tpu.memory_space<vmem>>
      %dma_start3A_1377 = arith.constant 0 : i32
      %dma_start3A_1378 = tpu.memref_slice %arg3[%squeeze3A_1361, %dma_start3A_1377] : memref<100000x64xf32, #tpu.memory_space<hbm>> -> memref<1x64xf32, #tpu.memory_space<hbm>>
      %dma_start3A_1379 = tpu.memref_squeeze %dma_start3A_1378 : memref<1x64xf32, #tpu.memory_space<hbm>> -> memref<64xf32, #tpu.memory_space<hbm>>
      tpu.enqueue_dma source(%dma_start3A_1379 : memref<64xf32, #tpu.memory_space<hbm>>) target(%dma_start3A_1376 : memref<64xf32, #tpu.memory_space<vmem>>) target_semaphore(%arg20 : memref<!tpu.dma_semaphore, #tpu.memory_space<semaphore_mem>>)
      %slice3A_1380 = vector.extract_strided_slice %get3A_1199 {offsets = [9], sizes = [1], strides = [1]} : vector<16xi32> to vector<1xi32>
      %squeeze3A_1381 = vector.extract %slice3A_1380[0] : i32 from vector<1xi32>
      %mul3A_1382 = arith.constant 16 : i32
      %mul3A_1383 = arith.muli %scan3A_1195, %mul3A_1382 : i32
      %add3A_1384 = arith.constant 9 : i32
      %add3A_1385 = arith.addi %mul3A_1383, %add3A_1384 : i32
      %and3A_1386 = arith.constant 255 : i32
      %and3A_1387 = arith.andi %add3A_1385, %and3A_1386 : i32
      %dma_start3A_1388 = arith.constant 0 : i32
      %dma_start3A_1389 = tpu.memref_slice %arg11[%and3A_1387, %dma_start3A_1388] : memref<256x64xf32, #tpu.memory_space<vmem>> -> memref<1x64xf32, #tpu.memory_space<vmem>>
      %dma_start3A_1390 = tpu.memref_squeeze %dma_start3A_1389 : memref<1x64xf32, #tpu.memory_space<vmem>> -> memref<64xf32, #tpu.memory_space<vmem>>
      %dma_start3A_1391 = arith.constant 0 : i32
      %dma_start3A_1392 = tpu.memref_slice %arg3[%squeeze3A_1381, %dma_start3A_1391] : memref<100000x64xf32, #tpu.memory_space<hbm>> -> memref<1x64xf32, #tpu.memory_space<hbm>>
      %dma_start3A_1393 = tpu.memref_squeeze %dma_start3A_1392 : memref<1x64xf32, #tpu.memory_space<hbm>> -> memref<64xf32, #tpu.memory_space<hbm>>
      %dma_start3A_1394 = arith.constant 0 : i32
      %dma_start3A_1395 = tpu.memref_slice %arg11[%and3A_1387, %dma_start3A_1394] : memref<256x64xf32, #tpu.memory_space<vmem>> -> memref<1x64xf32, #tpu.memory_space<vmem>>
      %dma_start3A_1396 = tpu.memref_squeeze %dma_start3A_1395 : memref<1x64xf32, #tpu.memory_space<vmem>> -> memref<64xf32, #tpu.memory_space<vmem>>
      %dma_start3A_1397 = arith.constant 0 : i32
      %dma_start3A_1398 = tpu.memref_slice %arg3[%squeeze3A_1381, %dma_start3A_1397] : memref<100000x64xf32, #tpu.memory_space<hbm>> -> memref<1x64xf32, #tpu.memory_space<hbm>>
      %dma_start3A_1399 = tpu.memref_squeeze %dma_start3A_1398 : memref<1x64xf32, #tpu.memory_space<hbm>> -> memref<64xf32, #tpu.memory_space<hbm>>
      tpu.enqueue_dma source(%dma_start3A_1399 : memref<64xf32, #tpu.memory_space<hbm>>) target(%dma_start3A_1396 : memref<64xf32, #tpu.memory_space<vmem>>) target_semaphore(%arg20 : memref<!tpu.dma_semaphore, #tpu.memory_space<semaphore_mem>>)
      %slice3A_1400 = vector.extract_strided_slice %get3A_1199 {offsets = [10], sizes = [1], strides = [1]} : vector<16xi32> to vector<1xi32>
      %squeeze3A_1401 = vector.extract %slice3A_1400[0] : i32 from vector<1xi32>
      %mul3A_1402 = arith.constant 16 : i32
      %mul3A_1403 = arith.muli %scan3A_1195, %mul3A_1402 : i32
      %add3A_1404 = arith.constant 10 : i32
      %add3A_1405 = arith.addi %mul3A_1403, %add3A_1404 : i32
      %and3A_1406 = arith.constant 255 : i32
      %and3A_1407 = arith.andi %add3A_1405, %and3A_1406 : i32
      %dma_start3A_1408 = arith.constant 0 : i32
      %dma_start3A_1409 = tpu.memref_slice %arg11[%and3A_1407, %dma_start3A_1408] : memref<256x64xf32, #tpu.memory_space<vmem>> -> memref<1x64xf32, #tpu.memory_space<vmem>>
      %dma_start3A_1410 = tpu.memref_squeeze %dma_start3A_1409 : memref<1x64xf32, #tpu.memory_space<vmem>> -> memref<64xf32, #tpu.memory_space<vmem>>
      %dma_start3A_1411 = arith.constant 0 : i32
      %dma_start3A_1412 = tpu.memref_slice %arg3[%squeeze3A_1401, %dma_start3A_1411] : memref<100000x64xf32, #tpu.memory_space<hbm>> -> memref<1x64xf32, #tpu.memory_space<hbm>>
      %dma_start3A_1413 = tpu.memref_squeeze %dma_start3A_1412 : memref<1x64xf32, #tpu.memory_space<hbm>> -> memref<64xf32, #tpu.memory_space<hbm>>
      %dma_start3A_1414 = arith.constant 0 : i32
      %dma_start3A_1415 = tpu.memref_slice %arg11[%and3A_1407, %dma_start3A_1414] : memref<256x64xf32, #tpu.memory_space<vmem>> -> memref<1x64xf32, #tpu.memory_space<vmem>>
      %dma_start3A_1416 = tpu.memref_squeeze %dma_start3A_1415 : memref<1x64xf32, #tpu.memory_space<vmem>> -> memref<64xf32, #tpu.memory_space<vmem>>
      %dma_start3A_1417 = arith.constant 0 : i32
      %dma_start3A_1418 = tpu.memref_slice %arg3[%squeeze3A_1401, %dma_start3A_1417] : memref<100000x64xf32, #tpu.memory_space<hbm>> -> memref<1x64xf32, #tpu.memory_space<hbm>>
      %dma_start3A_1419 = tpu.memref_squeeze %dma_start3A_1418 : memref<1x64xf32, #tpu.memory_space<hbm>> -> memref<64xf32, #tpu.memory_space<hbm>>
      tpu.enqueue_dma source(%dma_start3A_1419 : memref<64xf32, #tpu.memory_space<hbm>>) target(%dma_start3A_1416 : memref<64xf32, #tpu.memory_space<vmem>>) target_semaphore(%arg20 : memref<!tpu.dma_semaphore, #tpu.memory_space<semaphore_mem>>)
      %slice3A_1420 = vector.extract_strided_slice %get3A_1199 {offsets = [11], sizes = [1], strides = [1]} : vector<16xi32> to vector<1xi32>
      %squeeze3A_1421 = vector.extract %slice3A_1420[0] : i32 from vector<1xi32>
      %mul3A_1422 = arith.constant 16 : i32
      %mul3A_1423 = arith.muli %scan3A_1195, %mul3A_1422 : i32
      %add3A_1424 = arith.constant 11 : i32
      %add3A_1425 = arith.addi %mul3A_1423, %add3A_1424 : i32
      %and3A_1426 = arith.constant 255 : i32
      %and3A_1427 = arith.andi %add3A_1425, %and3A_1426 : i32
      %dma_start3A_1428 = arith.constant 0 : i32
      %dma_start3A_1429 = tpu.memref_slice %arg11[%and3A_1427, %dma_start3A_1428] : memref<256x64xf32, #tpu.memory_space<vmem>> -> memref<1x64xf32, #tpu.memory_space<vmem>>
      %dma_start3A_1430 = tpu.memref_squeeze %dma_start3A_1429 : memref<1x64xf32, #tpu.memory_space<vmem>> -> memref<64xf32, #tpu.memory_space<vmem>>
      %dma_start3A_1431 = arith.constant 0 : i32
      %dma_start3A_1432 = tpu.memref_slice %arg3[%squeeze3A_1421, %dma_start3A_1431] : memref<100000x64xf32, #tpu.memory_space<hbm>> -> memref<1x64xf32, #tpu.memory_space<hbm>>
      %dma_start3A_1433 = tpu.memref_squeeze %dma_start3A_1432 : memref<1x64xf32, #tpu.memory_space<hbm>> -> memref<64xf32, #tpu.memory_space<hbm>>
      %dma_start3A_1434 = arith.constant 0 : i32
      %dma_start3A_1435 = tpu.memref_slice %arg11[%and3A_1427, %dma_start3A_1434] : memref<256x64xf32, #tpu.memory_space<vmem>> -> memref<1x64xf32, #tpu.memory_space<vmem>>
      %dma_start3A_1436 = tpu.memref_squeeze %dma_start3A_1435 : memref<1x64xf32, #tpu.memory_space<vmem>> -> memref<64xf32, #tpu.memory_space<vmem>>
      %dma_start3A_1437 = arith.constant 0 : i32
      %dma_start3A_1438 = tpu.memref_slice %arg3[%squeeze3A_1421, %dma_start3A_1437] : memref<100000x64xf32, #tpu.memory_space<hbm>> -> memref<1x64xf32, #tpu.memory_space<hbm>>
      %dma_start3A_1439 = tpu.memref_squeeze %dma_start3A_1438 : memref<1x64xf32, #tpu.memory_space<hbm>> -> memref<64xf32, #tpu.memory_space<hbm>>
      tpu.enqueue_dma source(%dma_start3A_1439 : memref<64xf32, #tpu.memory_space<hbm>>) target(%dma_start3A_1436 : memref<64xf32, #tpu.memory_space<vmem>>) target_semaphore(%arg20 : memref<!tpu.dma_semaphore, #tpu.memory_space<semaphore_mem>>)
      %slice3A_1440 = vector.extract_strided_slice %get3A_1199 {offsets = [12], sizes = [1], strides = [1]} : vector<16xi32> to vector<1xi32>
      %squeeze3A_1441 = vector.extract %slice3A_1440[0] : i32 from vector<1xi32>
      %mul3A_1442 = arith.constant 16 : i32
      %mul3A_1443 = arith.muli %scan3A_1195, %mul3A_1442 : i32
      %add3A_1444 = arith.constant 12 : i32
      %add3A_1445 = arith.addi %mul3A_1443, %add3A_1444 : i32
      %and3A_1446 = arith.constant 255 : i32
      %and3A_1447 = arith.andi %add3A_1445, %and3A_1446 : i32
      %dma_start3A_1448 = arith.constant 0 : i32
      %dma_start3A_1449 = tpu.memref_slice %arg11[%and3A_1447, %dma_start3A_1448] : memref<256x64xf32, #tpu.memory_space<vmem>> -> memref<1x64xf32, #tpu.memory_space<vmem>>
      %dma_start3A_1450 = tpu.memref_squeeze %dma_start3A_1449 : memref<1x64xf32, #tpu.memory_space<vmem>> -> memref<64xf32, #tpu.memory_space<vmem>>
      %dma_start3A_1451 = arith.constant 0 : i32
      %dma_start3A_1452 = tpu.memref_slice %arg3[%squeeze3A_1441, %dma_start3A_1451] : memref<100000x64xf32, #tpu.memory_space<hbm>> -> memref<1x64xf32, #tpu.memory_space<hbm>>
      %dma_start3A_1453 = tpu.memref_squeeze %dma_start3A_1452 : memref<1x64xf32, #tpu.memory_space<hbm>> -> memref<64xf32, #tpu.memory_space<hbm>>
      %dma_start3A_1454 = arith.constant 0 : i32
      %dma_start3A_1455 = tpu.memref_slice %arg11[%and3A_1447, %dma_start3A_1454] : memref<256x64xf32, #tpu.memory_space<vmem>> -> memref<1x64xf32, #tpu.memory_space<vmem>>
      %dma_start3A_1456 = tpu.memref_squeeze %dma_start3A_1455 : memref<1x64xf32, #tpu.memory_space<vmem>> -> memref<64xf32, #tpu.memory_space<vmem>>
      %dma_start3A_1457 = arith.constant 0 : i32
      %dma_start3A_1458 = tpu.memref_slice %arg3[%squeeze3A_1441, %dma_start3A_1457] : memref<100000x64xf32, #tpu.memory_space<hbm>> -> memref<1x64xf32, #tpu.memory_space<hbm>>
      %dma_start3A_1459 = tpu.memref_squeeze %dma_start3A_1458 : memref<1x64xf32, #tpu.memory_space<hbm>> -> memref<64xf32, #tpu.memory_space<hbm>>
      tpu.enqueue_dma source(%dma_start3A_1459 : memref<64xf32, #tpu.memory_space<hbm>>) target(%dma_start3A_1456 : memref<64xf32, #tpu.memory_space<vmem>>) target_semaphore(%arg20 : memref<!tpu.dma_semaphore, #tpu.memory_space<semaphore_mem>>)
      %slice3A_1460 = vector.extract_strided_slice %get3A_1199 {offsets = [13], sizes = [1], strides = [1]} : vector<16xi32> to vector<1xi32>
      %squeeze3A_1461 = vector.extract %slice3A_1460[0] : i32 from vector<1xi32>
      %mul3A_1462 = arith.constant 16 : i32
      %mul3A_1463 = arith.muli %scan3A_1195, %mul3A_1462 : i32
      %add3A_1464 = arith.constant 13 : i32
      %add3A_1465 = arith.addi %mul3A_1463, %add3A_1464 : i32
      %and3A_1466 = arith.constant 255 : i32
      %and3A_1467 = arith.andi %add3A_1465, %and3A_1466 : i32
      %dma_start3A_1468 = arith.constant 0 : i32
      %dma_start3A_1469 = tpu.memref_slice %arg11[%and3A_1467, %dma_start3A_1468] : memref<256x64xf32, #tpu.memory_space<vmem>> -> memref<1x64xf32, #tpu.memory_space<vmem>>
      %dma_start3A_1470 = tpu.memref_squeeze %dma_start3A_1469 : memref<1x64xf32, #tpu.memory_space<vmem>> -> memref<64xf32, #tpu.memory_space<vmem>>
      %dma_start3A_1471 = arith.constant 0 : i32
      %dma_start3A_1472 = tpu.memref_slice %arg3[%squeeze3A_1461, %dma_start3A_1471] : memref<100000x64xf32, #tpu.memory_space<hbm>> -> memref<1x64xf32, #tpu.memory_space<hbm>>
      %dma_start3A_1473 = tpu.memref_squeeze %dma_start3A_1472 : memref<1x64xf32, #tpu.memory_space<hbm>> -> memref<64xf32, #tpu.memory_space<hbm>>
      %dma_start3A_1474 = arith.constant 0 : i32
      %dma_start3A_1475 = tpu.memref_slice %arg11[%and3A_1467, %dma_start3A_1474] : memref<256x64xf32, #tpu.memory_space<vmem>> -> memref<1x64xf32, #tpu.memory_space<vmem>>
      %dma_start3A_1476 = tpu.memref_squeeze %dma_start3A_1475 : memref<1x64xf32, #tpu.memory_space<vmem>> -> memref<64xf32, #tpu.memory_space<vmem>>
      %dma_start3A_1477 = arith.constant 0 : i32
      %dma_start3A_1478 = tpu.memref_slice %arg3[%squeeze3A_1461, %dma_start3A_1477] : memref<100000x64xf32, #tpu.memory_space<hbm>> -> memref<1x64xf32, #tpu.memory_space<hbm>>
      %dma_start3A_1479 = tpu.memref_squeeze %dma_start3A_1478 : memref<1x64xf32, #tpu.memory_space<hbm>> -> memref<64xf32, #tpu.memory_space<hbm>>
      tpu.enqueue_dma source(%dma_start3A_1479 : memref<64xf32, #tpu.memory_space<hbm>>) target(%dma_start3A_1476 : memref<64xf32, #tpu.memory_space<vmem>>) target_semaphore(%arg20 : memref<!tpu.dma_semaphore, #tpu.memory_space<semaphore_mem>>)
      %slice3A_1480 = vector.extract_strided_slice %get3A_1199 {offsets = [14], sizes = [1], strides = [1]} : vector<16xi32> to vector<1xi32>
      %squeeze3A_1481 = vector.extract %slice3A_1480[0] : i32 from vector<1xi32>
      %mul3A_1482 = arith.constant 16 : i32
      %mul3A_1483 = arith.muli %scan3A_1195, %mul3A_1482 : i32
      %add3A_1484 = arith.constant 14 : i32
      %add3A_1485 = arith.addi %mul3A_1483, %add3A_1484 : i32
      %and3A_1486 = arith.constant 255 : i32
      %and3A_1487 = arith.andi %add3A_1485, %and3A_1486 : i32
      %dma_start3A_1488 = arith.constant 0 : i32
      %dma_start3A_1489 = tpu.memref_slice %arg11[%and3A_1487, %dma_start3A_1488] : memref<256x64xf32, #tpu.memory_space<vmem>> -> memref<1x64xf32, #tpu.memory_space<vmem>>
      %dma_start3A_1490 = tpu.memref_squeeze %dma_start3A_1489 : memref<1x64xf32, #tpu.memory_space<vmem>> -> memref<64xf32, #tpu.memory_space<vmem>>
      %dma_start3A_1491 = arith.constant 0 : i32
      %dma_start3A_1492 = tpu.memref_slice %arg3[%squeeze3A_1481, %dma_start3A_1491] : memref<100000x64xf32, #tpu.memory_space<hbm>> -> memref<1x64xf32, #tpu.memory_space<hbm>>
      %dma_start3A_1493 = tpu.memref_squeeze %dma_start3A_1492 : memref<1x64xf32, #tpu.memory_space<hbm>> -> memref<64xf32, #tpu.memory_space<hbm>>
      %dma_start3A_1494 = arith.constant 0 : i32
      %dma_start3A_1495 = tpu.memref_slice %arg11[%and3A_1487, %dma_start3A_1494] : memref<256x64xf32, #tpu.memory_space<vmem>> -> memref<1x64xf32, #tpu.memory_space<vmem>>
      %dma_start3A_1496 = tpu.memref_squeeze %dma_start3A_1495 : memref<1x64xf32, #tpu.memory_space<vmem>> -> memref<64xf32, #tpu.memory_space<vmem>>
      %dma_start3A_1497 = arith.constant 0 : i32
      %dma_start3A_1498 = tpu.memref_slice %arg3[%squeeze3A_1481, %dma_start3A_1497] : memref<100000x64xf32, #tpu.memory_space<hbm>> -> memref<1x64xf32, #tpu.memory_space<hbm>>
      %dma_start3A_1499 = tpu.memref_squeeze %dma_start3A_1498 : memref<1x64xf32, #tpu.memory_space<hbm>> -> memref<64xf32, #tpu.memory_space<hbm>>
      tpu.enqueue_dma source(%dma_start3A_1499 : memref<64xf32, #tpu.memory_space<hbm>>) target(%dma_start3A_1496 : memref<64xf32, #tpu.memory_space<vmem>>) target_semaphore(%arg20 : memref<!tpu.dma_semaphore, #tpu.memory_space<semaphore_mem>>)
      %slice3A_1500 = vector.extract_strided_slice %get3A_1199 {offsets = [15], sizes = [1], strides = [1]} : vector<16xi32> to vector<1xi32>
      %squeeze3A_1501 = vector.extract %slice3A_1500[0] : i32 from vector<1xi32>
      %mul3A_1502 = arith.constant 16 : i32
      %mul3A_1503 = arith.muli %scan3A_1195, %mul3A_1502 : i32
      %add3A_1504 = arith.constant 15 : i32
      %add3A_1505 = arith.addi %mul3A_1503, %add3A_1504 : i32
      %and3A_1506 = arith.constant 255 : i32
      %and3A_1507 = arith.andi %add3A_1505, %and3A_1506 : i32
      %dma_start3A_1508 = arith.constant 0 : i32
      %dma_start3A_1509 = tpu.memref_slice %arg11[%and3A_1507, %dma_start3A_1508] : memref<256x64xf32, #tpu.memory_space<vmem>> -> memref<1x64xf32, #tpu.memory_space<vmem>>
      %dma_start3A_1510 = tpu.memref_squeeze %dma_start3A_1509 : memref<1x64xf32, #tpu.memory_space<vmem>> -> memref<64xf32, #tpu.memory_space<vmem>>
      %dma_start3A_1511 = arith.constant 0 : i32
      %dma_start3A_1512 = tpu.memref_slice %arg3[%squeeze3A_1501, %dma_start3A_1511] : memref<100000x64xf32, #tpu.memory_space<hbm>> -> memref<1x64xf32, #tpu.memory_space<hbm>>
      %dma_start3A_1513 = tpu.memref_squeeze %dma_start3A_1512 : memref<1x64xf32, #tpu.memory_space<hbm>> -> memref<64xf32, #tpu.memory_space<hbm>>
      %dma_start3A_1514 = arith.constant 0 : i32
      %dma_start3A_1515 = tpu.memref_slice %arg11[%and3A_1507, %dma_start3A_1514] : memref<256x64xf32, #tpu.memory_space<vmem>> -> memref<1x64xf32, #tpu.memory_space<vmem>>
      %dma_start3A_1516 = tpu.memref_squeeze %dma_start3A_1515 : memref<1x64xf32, #tpu.memory_space<vmem>> -> memref<64xf32, #tpu.memory_space<vmem>>
      %dma_start3A_1517 = arith.constant 0 : i32
      %dma_start3A_1518 = tpu.memref_slice %arg3[%squeeze3A_1501, %dma_start3A_1517] : memref<100000x64xf32, #tpu.memory_space<hbm>> -> memref<1x64xf32, #tpu.memory_space<hbm>>
      %dma_start3A_1519 = tpu.memref_squeeze %dma_start3A_1518 : memref<1x64xf32, #tpu.memory_space<hbm>> -> memref<64xf32, #tpu.memory_space<hbm>>
      tpu.enqueue_dma source(%dma_start3A_1519 : memref<64xf32, #tpu.memory_space<hbm>>) target(%dma_start3A_1516 : memref<64xf32, #tpu.memory_space<vmem>>) target_semaphore(%arg20 : memref<!tpu.dma_semaphore, #tpu.memory_space<semaphore_mem>>)
    }
    %scan3A_1186 = arith.constant 16 : i32
    %scan3A_1187 = arith.constant 0 : i32
    %scan3A_1188 = arith.constant 256 : i32
    %scan3A_1189 = arith.constant 256 : i32
    %scan3A_1190 = arith.addi %scan3A_1188, %scan3A_1189 : i32
    %scan3A_1191 = arith.constant 1 : i32
    scf.for %scan3A_1195 = %scan3A_1188 to %scan3A_1190 step %scan3A_1191  : i32 {
      %and3A_1196 = arith.constant 255 : i32
      %and3A_1197 = arith.andi %scan3A_1195, %and3A_1196 : i32
      %dma_wait3A_1198 = arith.constant 0 : i32
      %dma_wait3A_1199 = arith.constant 0 : i32
      %dma_wait3A_1200 = tpu.memref_slice %arg11[%and3A_1197, %dma_wait3A_1199] : memref<256x64xf32, #tpu.memory_space<vmem>> -> memref<1x64xf32, #tpu.memory_space<vmem>>
      %dma_wait3A_1201 = tpu.memref_squeeze %dma_wait3A_1200 : memref<1x64xf32, #tpu.memory_space<vmem>> -> memref<64xf32, #tpu.memory_space<vmem>>
      %dma_wait3A_1202 = arith.constant 0 : i32
      %dma_wait3A_1203 = tpu.memref_slice %arg3[%dma_wait3A_1198, %dma_wait3A_1202] : memref<100000x64xf32, #tpu.memory_space<hbm>> -> memref<1x64xf32, #tpu.memory_space<hbm>>
      %dma_wait3A_1204 = tpu.memref_squeeze %dma_wait3A_1203 : memref<1x64xf32, #tpu.memory_space<hbm>> -> memref<64xf32, #tpu.memory_space<hbm>>
      %dma_wait3A_1205 = arith.constant 0 : i32
      %dma_wait3A_1206 = tpu.memref_slice %arg11[%and3A_1197, %dma_wait3A_1205] : memref<256x64xf32, #tpu.memory_space<vmem>> -> memref<1x64xf32, #tpu.memory_space<vmem>>
      %dma_wait3A_1207 = tpu.memref_squeeze %dma_wait3A_1206 : memref<1x64xf32, #tpu.memory_space<vmem>> -> memref<64xf32, #tpu.memory_space<vmem>>
      %dma_wait3A_1208 = arith.constant 0 : i32
      %dma_wait3A_1209 = tpu.memref_slice %arg3[%dma_wait3A_1198, %dma_wait3A_1208] : memref<100000x64xf32, #tpu.memory_space<hbm>> -> memref<1x64xf32, #tpu.memory_space<hbm>>
      %dma_wait3A_1210 = tpu.memref_squeeze %dma_wait3A_1209 : memref<1x64xf32, #tpu.memory_space<hbm>> -> memref<64xf32, #tpu.memory_space<hbm>>
      tpu.wait_dma2 semaphore(%arg20 : memref<!tpu.dma_semaphore, #tpu.memory_space<semaphore_mem>>) src(%dma_wait3A_1210 : memref<64xf32, #tpu.memory_space<hbm>>) dst(%dma_wait3A_1207 : memref<64xf32, #tpu.memory_space<vmem>>)
    }
    %scan3A_1192 = arith.constant 256 : i32
    %add3A_1193 = arith.constant 256 : i32
    %add3A_1194 = arith.addi %mul3A_2, %add3A_1193 : i32
    "tpu.region"() ({
      %run_scoped3A = tpu.sem_alloc : memref<!tpu.dma_semaphore, #tpu.memory_space<semaphore_mem>>
      %dma_start3A_1195 = arith.constant 0 : i32
      %dma_start3A_1196 = tpu.memref_slice %arg7[%add3A_1194, %dma_start3A_1195] : memref<16384x64xf32, #tpu.memory_space<hbm>> -> memref<256x64xf32, #tpu.memory_space<hbm>>
      %dma_start3A_1197 = arith.constant 0 : i32
      %dma_start3A_1198 = tpu.memref_slice %arg7[%add3A_1194, %dma_start3A_1197] : memref<16384x64xf32, #tpu.memory_space<hbm>> -> memref<256x64xf32, #tpu.memory_space<hbm>>
      tpu.enqueue_dma source(%arg11 : memref<256x64xf32, #tpu.memory_space<vmem>>) target(%dma_start3A_1198 : memref<256x64xf32, #tpu.memory_space<hbm>>) target_semaphore(%run_scoped3A : memref<!tpu.dma_semaphore, #tpu.memory_space<semaphore_mem>>)
      %dma_wait3A_1199 = arith.constant 0 : i32
      %dma_wait3A_1200 = tpu.memref_slice %arg7[%add3A_1194, %dma_wait3A_1199] : memref<16384x64xf32, #tpu.memory_space<hbm>> -> memref<256x64xf32, #tpu.memory_space<hbm>>
      %dma_wait3A_1201 = arith.constant 0 : i32
      %dma_wait3A_1202 = tpu.memref_slice %arg7[%add3A_1194, %dma_wait3A_1201] : memref<16384x64xf32, #tpu.memory_space<hbm>> -> memref<256x64xf32, #tpu.memory_space<hbm>>
      tpu.wait_dma2 semaphore(%run_scoped3A : memref<!tpu.dma_semaphore, #tpu.memory_space<semaphore_mem>>) src(%arg11 : memref<256x64xf32, #tpu.memory_space<vmem>>) dst(%dma_wait3A_1202 : memref<256x64xf32, #tpu.memory_space<hbm>>)
      tpu.yield
    }) : () -> ()
    return
  }
}

module attributes {stable_mosaic.version = 14 : i64} {
  func.func @_mlp_body(%arg0: i32, %arg1: memref<2048x64xf32, #tpu.memory_space<vmem>>, %arg2: memref<2048x64xf32, #tpu.memory_space<vmem>>, %arg3: memref<64x128xf32, #tpu.memory_space<vmem>>, %arg4: memref<64x128xf32, #tpu.memory_space<vmem>>, %arg5: memref<1x128xf32, #tpu.memory_space<vmem>>, %arg6: memref<128x64xf32, #tpu.memory_space<vmem>>, %arg7: memref<1x64xf32, #tpu.memory_space<vmem>>, %arg8: memref<64x32xf32, #tpu.memory_space<vmem>>, %arg9: memref<1x32xf32, #tpu.memory_space<vmem>>, %arg10: memref<1x32xf32, #tpu.memory_space<vmem>>, %arg11: memref<1xf32, #tpu.memory_space<vmem>>, %arg12: memref<2048xf32, #tpu.memory_space<vmem>>) attributes {dimension_semantics = [#tpu.dimension_semantics<arbitrary>], iteration_bounds = array<i64: 8>, scalar_prefetch = 0 : i64, scratch_operands = 0 : i64, tpu.core_type = #tpu.core_type<tc>, window_params = [{transform_indices = @transform_0, window_bounds = array<i64: 2048, 64>}, {transform_indices = @transform_1, window_bounds = array<i64: 2048, 64>}, {pipeline_mode = #tpu.pipeline_mode<synchronous>, transform_indices = @transform_2, window_bounds = array<i64: 64, 128>}, {pipeline_mode = #tpu.pipeline_mode<synchronous>, transform_indices = @transform_3, window_bounds = array<i64: 64, 128>}, {pipeline_mode = #tpu.pipeline_mode<synchronous>, transform_indices = @transform_4, window_bounds = array<i64: 1, 128>}, {pipeline_mode = #tpu.pipeline_mode<synchronous>, transform_indices = @transform_5, window_bounds = array<i64: 128, 64>}, {pipeline_mode = #tpu.pipeline_mode<synchronous>, transform_indices = @transform_6, window_bounds = array<i64: 1, 64>}, {pipeline_mode = #tpu.pipeline_mode<synchronous>, transform_indices = @transform_7, window_bounds = array<i64: 64, 32>}, {pipeline_mode = #tpu.pipeline_mode<synchronous>, transform_indices = @transform_8, window_bounds = array<i64: 1, 32>}, {pipeline_mode = #tpu.pipeline_mode<synchronous>, transform_indices = @transform_9, window_bounds = array<i64: 1, 32>}, {pipeline_mode = #tpu.pipeline_mode<synchronous>, transform_indices = @transform_10, window_bounds = array<i64: 1>}, {transform_indices = @transform_11, window_bounds = array<i64: 2048>}]} {
    %get3A = arith.constant 0 : index
    %get3A_0 = arith.constant 0 : index
    %get3A_1 = vector.load %arg1[%get3A, %get3A_0] : memref<2048x64xf32, #tpu.memory_space<vmem>>, vector<2048x64xf32>
    %get3A_2 = arith.constant 0 : index
    %get3A_3 = arith.constant 0 : index
    %get3A_4 = vector.load %arg2[%get3A_2, %get3A_3] : memref<2048x64xf32, #tpu.memory_space<vmem>>, vector<2048x64xf32>
    %get3A_5 = arith.constant 0 : index
    %get3A_6 = arith.constant 0 : index
    %get3A_7 = vector.load %arg3[%get3A_5, %get3A_6] : memref<64x128xf32, #tpu.memory_space<vmem>>, vector<64x128xf32>
    %dot_general3A = arith.constant dense<0.000000e+00> : vector<2048x128xf32>
    %dot_general3A_8 = tpu.matmul %get3A_1, %get3A_7, %dot_general3A {dimension_numbers = #tpu.dot_dimension_numbers<[1], [0], [0], [1], [0, 0, 1, 1], [], []>, transpose_lhs_hint = false} : vector<2048x64xf32>, vector<64x128xf32>, vector<2048x128xf32> -> vector<2048x128xf32>
    %get3A_9 = arith.constant 0 : index
    %get3A_10 = arith.constant 0 : index
    %get3A_11 = vector.load %arg4[%get3A_9, %get3A_10] : memref<64x128xf32, #tpu.memory_space<vmem>>, vector<64x128xf32>
    %dot_general3A_12 = arith.constant dense<0.000000e+00> : vector<2048x128xf32>
    %dot_general3A_13 = tpu.matmul %get3A_4, %get3A_11, %dot_general3A_12 {dimension_numbers = #tpu.dot_dimension_numbers<[1], [0], [0], [1], [0, 0, 1, 1], [], []>, transpose_lhs_hint = false} : vector<2048x64xf32>, vector<64x128xf32>, vector<2048x128xf32> -> vector<2048x128xf32>
    %add3A = arith.addf %dot_general3A_8, %dot_general3A_13 : vector<2048x128xf32>
    %get3A_14 = arith.constant 0 : index
    %get3A_15 = arith.constant 0 : index
    %get3A_16 = vector.load %arg5[%get3A_14, %get3A_15] : memref<1x128xf32, #tpu.memory_space<vmem>>, vector<1x128xf32>
    %add3A_17 = vector.broadcast %get3A_16 : vector<1x128xf32> to vector<2048x128xf32>
    %add3A_18 = arith.addf %add3A, %add3A_17 : vector<2048x128xf32>
    %max3A = arith.constant 0.000000e+00 : f32
    %max3A_19 = vector.broadcast %max3A : f32 to vector<2048x128xf32>
    %max3A_20 = arith.maximumf %add3A_18, %max3A_19 : vector<2048x128xf32>
    %get3A_21 = arith.constant 0 : index
    %get3A_22 = arith.constant 0 : index
    %get3A_23 = vector.load %arg6[%get3A_21, %get3A_22] : memref<128x64xf32, #tpu.memory_space<vmem>>, vector<128x64xf32>
    %dot_general3A_24 = arith.constant dense<0.000000e+00> : vector<2048x64xf32>
    %dot_general3A_25 = tpu.matmul %max3A_20, %get3A_23, %dot_general3A_24 {dimension_numbers = #tpu.dot_dimension_numbers<[1], [0], [0], [1], [0, 0, 1, 1], [], []>, transpose_lhs_hint = false} : vector<2048x128xf32>, vector<128x64xf32>, vector<2048x64xf32> -> vector<2048x64xf32>
    %get3A_26 = arith.constant 0 : index
    %get3A_27 = arith.constant 0 : index
    %get3A_28 = vector.load %arg7[%get3A_26, %get3A_27] : memref<1x64xf32, #tpu.memory_space<vmem>>, vector<1x64xf32>
    %add3A_29 = vector.broadcast %get3A_28 : vector<1x64xf32> to vector<2048x64xf32>
    %add3A_30 = arith.addf %dot_general3A_25, %add3A_29 : vector<2048x64xf32>
    %max3A_31 = arith.constant 0.000000e+00 : f32
    %max3A_32 = vector.broadcast %max3A_31 : f32 to vector<2048x64xf32>
    %max3A_33 = arith.maximumf %add3A_30, %max3A_32 : vector<2048x64xf32>
    %get3A_34 = arith.constant 0 : index
    %get3A_35 = arith.constant 0 : index
    %get3A_36 = vector.load %arg8[%get3A_34, %get3A_35] : memref<64x32xf32, #tpu.memory_space<vmem>>, vector<64x32xf32>
    %dot_general3A_37 = arith.constant dense<0.000000e+00> : vector<2048x32xf32>
    %dot_general3A_38 = tpu.matmul %max3A_33, %get3A_36, %dot_general3A_37 {dimension_numbers = #tpu.dot_dimension_numbers<[1], [0], [0], [1], [0, 0, 1, 1], [], []>, transpose_lhs_hint = false} : vector<2048x64xf32>, vector<64x32xf32>, vector<2048x32xf32> -> vector<2048x32xf32>
    %get3A_39 = arith.constant 0 : index
    %get3A_40 = arith.constant 0 : index
    %get3A_41 = vector.load %arg9[%get3A_39, %get3A_40] : memref<1x32xf32, #tpu.memory_space<vmem>>, vector<1x32xf32>
    %add3A_42 = vector.broadcast %get3A_41 : vector<1x32xf32> to vector<2048x32xf32>
    %add3A_43 = arith.addf %dot_general3A_38, %add3A_42 : vector<2048x32xf32>
    %max3A_44 = arith.constant 0.000000e+00 : f32
    %max3A_45 = vector.broadcast %max3A_44 : f32 to vector<2048x32xf32>
    %max3A_46 = arith.maximumf %add3A_43, %max3A_45 : vector<2048x32xf32>
    %get3A_47 = arith.constant 0 : index
    %get3A_48 = arith.constant 0 : index
    %get3A_49 = vector.load %arg10[%get3A_47, %get3A_48] : memref<1x32xf32, #tpu.memory_space<vmem>>, vector<1x32xf32>
    %mul3A = vector.broadcast %get3A_49 : vector<1x32xf32> to vector<2048x32xf32>
    %mul3A_50 = arith.mulf %max3A_46, %mul3A : vector<2048x32xf32>
    %reduce_sum3A = arith.constant dense<0.000000e+00> : vector<2048xf32>
    %reduce_sum3A_51 = vector.multi_reduction <add>, %mul3A_50, %reduce_sum3A [1] : vector<2048x32xf32> to vector<2048xf32>
    %get3A_52 = arith.constant 0 : index
    %get3A_53 = vector.load %arg11[%get3A_52] : memref<1xf32, #tpu.memory_space<vmem>>, vector<1xf32>
    %get3A_54 = vector.extract %get3A_53[0] : f32 from vector<1xf32>
    %add3A_55 = vector.broadcast %get3A_54 : f32 to vector<2048xf32>
    %add3A_56 = arith.addf %reduce_sum3A_51, %add3A_55 : vector<2048xf32>
    %neg3A = arith.constant 0.000000e+00 : f32
    %neg3A_57 = vector.broadcast %neg3A : f32 to vector<2048xf32>
    %neg3A_58 = arith.subf %neg3A_57, %add3A_56 : vector<2048xf32>
    %exp3A = math.exp %neg3A_58 : vector<2048xf32>
    %add3A_59 = arith.constant 1.000000e+00 : f32
    %add3A_60 = vector.broadcast %add3A_59 : f32 to vector<2048xf32>
    %add3A_61 = arith.addf %add3A_60, %exp3A : vector<2048xf32>
    %div3A = arith.constant 1.000000e+00 : f32
    %div3A_62 = vector.broadcast %div3A : f32 to vector<2048xf32>
    %div3A_63 = arith.divf %div3A_62, %add3A_61 : vector<2048xf32>
    %swap3A = arith.constant 0 : index
    %swap3A_64 = vector.load %arg12[%swap3A] : memref<2048xf32, #tpu.memory_space<vmem>>, vector<2048xf32>
    tpu.vector_store %arg12[%swap3A], %div3A_63 {strides = array<i32>} : memref<2048xf32, #tpu.memory_space<vmem>>, vector<2048xf32>,
    return
  }
  func.func @transform_0(%arg0: i32) -> (i32, i32) {
    %c0_i32 = arith.constant 0 : i32
    %c0_i32_0 = arith.constant 0 : i32
    return %arg0, %c0_i32 : i32, i32
  }
  func.func @transform_1(%arg0: i32) -> (i32, i32) {
    %c0_i32 = arith.constant 0 : i32
    %c0_i32_0 = arith.constant 0 : i32
    return %arg0, %c0_i32 : i32, i32
  }
  func.func @transform_2(%arg0: i32) -> (i32, i32) {
    %c0_i32 = arith.constant 0 : i32
    %c0_i32_0 = arith.constant 0 : i32
    %c0_i32_1 = arith.constant 0 : i32
    return %c0_i32, %c0_i32_0 : i32, i32
  }
  func.func @transform_3(%arg0: i32) -> (i32, i32) {
    %c0_i32 = arith.constant 0 : i32
    %c0_i32_0 = arith.constant 0 : i32
    %c0_i32_1 = arith.constant 0 : i32
    return %c0_i32, %c0_i32_0 : i32, i32
  }
  func.func @transform_4(%arg0: i32) -> (i32, i32) {
    %c0_i32 = arith.constant 0 : i32
    %c0_i32_0 = arith.constant 0 : i32
    %c0_i32_1 = arith.constant 0 : i32
    return %c0_i32, %c0_i32_0 : i32, i32
  }
  func.func @transform_5(%arg0: i32) -> (i32, i32) {
    %c0_i32 = arith.constant 0 : i32
    %c0_i32_0 = arith.constant 0 : i32
    %c0_i32_1 = arith.constant 0 : i32
    return %c0_i32, %c0_i32_0 : i32, i32
  }
  func.func @transform_6(%arg0: i32) -> (i32, i32) {
    %c0_i32 = arith.constant 0 : i32
    %c0_i32_0 = arith.constant 0 : i32
    %c0_i32_1 = arith.constant 0 : i32
    return %c0_i32, %c0_i32_0 : i32, i32
  }
  func.func @transform_7(%arg0: i32) -> (i32, i32) {
    %c0_i32 = arith.constant 0 : i32
    %c0_i32_0 = arith.constant 0 : i32
    %c0_i32_1 = arith.constant 0 : i32
    return %c0_i32, %c0_i32_0 : i32, i32
  }
  func.func @transform_8(%arg0: i32) -> (i32, i32) {
    %c0_i32 = arith.constant 0 : i32
    %c0_i32_0 = arith.constant 0 : i32
    %c0_i32_1 = arith.constant 0 : i32
    return %c0_i32, %c0_i32_0 : i32, i32
  }
  func.func @transform_9(%arg0: i32) -> (i32, i32) {
    %c0_i32 = arith.constant 0 : i32
    %c0_i32_0 = arith.constant 0 : i32
    %c0_i32_1 = arith.constant 0 : i32
    return %c0_i32, %c0_i32_0 : i32, i32
  }
  func.func @transform_10(%arg0: i32) -> i32 {
    %c0_i32 = arith.constant 0 : i32
    %c0_i32_0 = arith.constant 0 : i32
    return %c0_i32 : i32
  }
  func.func @transform_11(%arg0: i32) -> i32 {
    %c0_i32 = arith.constant 0 : i32
    return %arg0 : i32
  }
}

</mosaic_0001>

<sc_bundles>
// kernel: kernel.4.cloned.1.call-start
scs
__scs_entry_jumppad:
0x0: {  	(pc) =	sbr.rel $0x88, $3  }
0x1: {  	(tag) =	ssettag $0x0;
	lr =	simm.s32 $0x1  }
0x2: {  	[smem:$0x3F95] =	sst lr;
	_ =	strace $0xD0000000  }
0x3: {  	_ = 	snop  }
0x4: {  	_ = 	snop  }
0x5: {  	_ = 	snop  }
0x6: {  	_ = 	snop  }
0x7: {  	_ = 	snop  }
__scs_overlays_trampoline_lowered:
0x8: {  	[smem:$0x3FA4] =	sst s0  }
0x9: {  	[smem:$0x3FA5] =	sst s1  }
0xa: {  	[smem:$0x3FA6] =	sst s2  }
0xb: {  	[smem:$0x3FA7] =	sst s3  }
0xc: {  	[smem:$0x3FA8] =	sst s4  }
0xd: {  	[smem:$0x3FA9] =	sst s5  }
0xe: {  	[smem:$0x3FAA] =	sst s6  }
0xf: {  	[smem:$0x3FAB] =	sst s7  }
0x10: {  	[smem:$0x3FAC] =	sst s8  }
0x11: {  	[smem:$0x3FAD] =	sst s9;
	s0 =	simm.s32 @!p0 $0x0  }
0x12: {  	s1 =	sld [smem:$0x3F93];
	s0 =	simm.s32 @p0 $0x1  }
0x13: {  	[smem:$0x3FAE] =	sst s0;
	s0 =	simm.s32 @!p1 $0x0  }
0x14: {  	s2 =	sld [smem:$0x3F92];
	s0 =	simm.s32 @p1 $0x1  }
0x15: {  	[smem:$0x3FAF] =	sst s0;
	s0 =	simm.s32 @!p2 $0x0  }
0x16: {  	s3 =	sld [smem:$0x3FDB];
	s0 =	simm.s32 @p2 $0x1  }
0x17: {  	s4 =	simm.s32 $0x1BF5;
	[smem:$0x3FB1] =	sst s0  }
0x18: {  	s0 =	sld [smem:$0x3F94];
	_ =	swait.ge [sflag:s4], $0x0  }
0x19: {  	s7 =	sld [smem:$0x3F95]  }
0x1a: {  	s8 =	sadd.s32 $0xFFFFE003, lr  }
0x1b: {  	s9 =	sadd.s32 $0xFFFFFEF7, lr;
	s5 =	simm.s32 $0xFFFFFFFF;
	p2 =	slt.u32 s8, $0xFFFFF086  }
0x1c: {  	p1 =	slt.u32 s9, $0xF7A;
	s5 =	simm.s32 @!p2 $0x0  }
0x1d: {  	s5 =	simm.s32 @p1 $0x1;
	p0 =	seq.s32 s7, s2  }
0x1e: {  	s7 =	smul.u32 @!p0 $0xF7A, s2;
	p2 =	seq.s32 @!p0 s5, $0x0  }
0x1f: {  	s9 =	smul.u32 $0xF7A, s1;
	s8 =	simm.s32 @!p0 $0x1BF5;
	p2 =	por !p2, p0  }
0x20: {  	[sflag:s8] =	ssyncset.s32 @!p0 $0xFFFFF086;
	s6 =	sadd.s32 @!p0 s3, s7;
	s7 =	simm.s32 @!p0 $0x108  }
0x21: {  	s3 =	sadd.s32 s3, s9;
	s6 =	sadd.s32 @!p0 $0x88, s6;
	s7 =	simm.s32 @p2 $0x1082  }
0x22: {  	[simem:s7], [sflag:s8] =	dma.local @!p0 [hbm:s6], $0xF7A  }
0x23: {  	s9 =	sor.u32 $0xD0000000, s2;
	s6 =	simm.s32 $0x108;
	_ =	swait.ge @!p0 [sflag:s8], $0x0  }
0x24: {  	s3 =	sadd.s32 $0x88, s3;
	s6 =	simm.s32 @!p1 $0x1082;
	[sflag:s4] =	ssyncset.s32 $0xFFFFF086  }
0x25: {  	[simem:s6], [sflag:s4] =	dma.local [hbm:s3], $0xF7A  }
0x26: {  	[smem:$0x3F95] =	sst s1;
	(tag) =	ssettag s2;
	_ =	strace s9  }
0x27: {  	s1 =	sld [smem:$0x3FA5]  }
0x28: {  	s2 =	sld [smem:$0x3FA6]  }
0x29: {  	s4 =	sld [smem:$0x3FA8]  }
0x2a: {  	p0 =	seq.s32 s5, $0x0;
	s5 =	sld [smem:$0x3FA9]  }
0x2b: {  	s6 =	sld [smem:$0x3FAA]  }
0x2c: {  	s7 =	sld [smem:$0x3FAB]  }
0x2d: {  	s3 =	simm.s32 $0x108;
	s8 =	sld [smem:$0x3FAC]  }
0x2e: {  	s3 =	simm.s32 @!p0 $0x1082;
	s9 =	sld [smem:$0x3FAD]  }
0x2f: {  	lr =	sadd.s32 s0, s3;
	s0 =	sld [smem:$0x3FA4]  }
0x30: {  	s3 =	sld [smem:$0x3FA7]  }
0x31: {  	[smem:$0x3FB0] =	sst s10  }
0x32: {  	s10 =	sld [smem:$0x3FAE];
	_ =	sdelay $0x3  }
0x33: {  	p0 =	seq.s32 s10, $0x1;
	s10 =	sld [smem:$0x3FB0];
	_ =	sdelay $0x3  }
0x34: {  	[smem:$0x3FB0] =	sst s10  }
0x35: {  	s10 =	sld [smem:$0x3FAF];
	_ =	sdelay $0x3  }
0x36: {  	p1 =	seq.s32 s10, $0x1;
	s10 =	sld [smem:$0x3FB0];
	_ =	sdelay $0x3  }
0x37: {  	[smem:$0x3FB0] =	sst s10  }
0x38: {  	s10 =	sld [smem:$0x3FB1]  }
0x39: {  	_ = 	snop;
	(pc) =	sbr.ind lr, $3  }
0x3a: {  	_ = 	snop  }
0x3b: {  	_ = 	snop  }
0x3c: {  	p2 =	seq.s32 s10, $0x1;
	s10 =	sld [smem:$0x3FB0]  }
0x3d: {  	_ =	shalt  }
0x3e: {  	_ =	shalt  }
0x3f: {  	_ =	shalt  }
0x40: {  	_ =	shalt  }
0x41: {  	_ =	shalt  }
0x42: {  	_ =	shalt  }
0x43: {  	_ =	shalt  }
0x44: {  	_ =	shalt  }
0x45: {  	_ =	shalt  }
0x46: {  	_ =	shalt  }
0x47: {  	_ =	shalt  }
0x48: {  	_ =	shalt  }
0x49: {  	_ =	shalt  }
0x4a: {  	_ =	shalt  }
0x4b: {  	_ =	shalt  }
0x4c: {  	_ =	shalt  }
0x4d: {  	_ =	shalt  }
0x4e: {  	_ =	shalt  }
0x4f: {  	_ =	shalt  }
0x50: {  	_ =	shalt  }
0x51: {  	_ =	shalt  }
0x52: {  	_ =	shalt  }
0x53: {  	_ =	shalt  }
0x54: {  	_ =	shalt  }
0x55: {  	_ =	shalt  }
0x56: {  	_ =	shalt  }
0x57: {  	_ =	shalt  }
0x58: {  	_ =	shalt  }
0x59: {  	_ =	shalt  }
0x5a: {  	_ =	shalt  }
0x5b: {  	_ =	shalt  }
0x5c: {  	_ =	shalt  }
0x5d: {  	_ =	shalt  }
0x5e: {  	_ =	shalt  }
0x5f: {  	_ =	shalt  }
0x60: {  	_ =	shalt  }
0x61: {  	_ =	shalt  }
0x62: {  	_ =	shalt  }
0x63: {  	_ =	shalt  }
0x64: {  	_ =	shalt  }
0x65: {  	_ =	shalt  }
0x66: {  	_ =	shalt  }
0x67: {  	_ =	shalt  }
0x68: {  	_ =	shalt  }
0x69: {  	_ =	shalt  }
0x6a: {  	_ =	shalt  }
0x6b: {  	_ =	shalt  }
0x6c: {  	_ =	shalt  }
0x6d: {  	_ =	shalt  }
0x6e: {  	_ =	shalt  }
0x6f: {  	_ =	shalt  }
0x70: {  	_ =	shalt  }
0x71: {  	_ =	shalt  }
0x72: {  	_ =	shalt  }
0x73: {  	_ =	shalt  }
0x74: {  	_ =	shalt  }
0x75: {  	_ =	shalt  }
0x76: {  	_ =	shalt  }
0x77: {  	_ =	shalt  }
0x78: {  	_ =	shalt  }
0x79: {  	_ =	shalt  }
0x7a: {  	_ =	shalt  }
0x7b: {  	_ =	shalt  }
0x7c: {  	_ =	shalt  }
0x7d: {  	_ =	shalt  }
0x7e: {  	_ =	shalt  }
0x7f: {  	_ =	shalt  }
0x80: {  	_ =	shalt  }
0x81: {  	_ =	shalt  }
0x82: {  	_ =	shalt  }
0x83: {  	_ =	shalt  }
0x84: {  	_ =	shalt  }
0x85: {  	_ =	shalt  }
0x86: {  	_ =	shalt  }
0x87: {  	_ =	shalt  }
.Lfunc_end0:
.L_simem_size_0:
called_computation_lowered:
.L_overlay_start_0:
0x88: {  	s2 =	sld [smem:$0x3FD9]  }
0x89: {  	s3 =	sld [smem:$0x3FFE];
	_ =	sdelay $0x1  }
0x8a: {  	s1 =	srdreg.scid  }
0x8b: {  	s0 =	sand.u32 $0x1, s1  }
0x8c: {  	s17 =	sshll.u32 s0, $0xA;
	s2 =	sadd.s32 s3, s2  }
0x8d: {  	s2 =	sadd.s32 s2, s17  }
0x8e: {  	[smem:$0x3FBC] =	sst s2  }
0x8f: {  	_ = 	snop  }
0x90: {  	s2 =	sld [smem:$0x3FC9]  }
0x91: {  	s18 =	sld [smem:$0x3FC8]  }
0x92: {  	s4 =	sld [smem:$0x3FC7];
	(tm) =	ssettm $0x1  }
0x93: {  	s5 =	sld [smem:$0x3FFB];
	_ =	sdelay $0x3  }
0x94: {  	_ =	strace s5  }
0x95: {  	s5 =	sld [smem:$0x3FFC];
	_ =	sdelay $0x3  }
0x96: {  	_ =	strace s5  }
0x97: {  	s5 =	sld [smem:$0x3FFD];
	_ =	sdelay $0x3  }
0x98: {  	_ =	strace s5  }
0x99: {  	_ =	strace $0x8FFFFFFF  }
0x9a: {  	s19 =	sld [smem:$0x3FDB];
	_ =	sdelay $0x1  }
0x9b: {  	s6 =	simm.s32 $_scs_section_size  }
0x9c: {  	s7 =	simm.s32 $_size__tile_overlayer_lowered;
	s8 =	simm.s32 $_tile_overlayer_lowered  }
0x9d: {  	s22 =	simm.s32 $0x1BFF;
	s21 =	sshll.u32 s8, $0x1;
	s5 =	sadd.s32 s6, s19  }
0x9e: {  	s9 =	simm.s32 $0x0;
	s20 =	sshll.u32 s7, $0x1;
	s7 =	sadd.s32 s21, s5  }
0x9f: {  	[timem:s9], [sflag:s22] =	dma.local [hbm:s7], s20  }
0xa0: {  	_ =	swait.ge [sflag:s22], s20  }
0xa1: {  	s6 =	ssub.s32 $0x0, s20;
	[sflag:s22] =	ssyncset.done $0x0  }
0xa2: {  	[sflag:s22] =	ssyncadd.s32 s6;
	_ =	sdelay $0x1  }
0xa3: {  	s23 =	simm.s32 $0x1B8B  }
0xa4: {  	_ =	swait.ge [sflag:s23], $0x1  }
0xa5: {  	[sflag:s23] =	ssyncset.done $0x0  }
0xa6: {  	s25 =	simm.s32 $0x1B8E;
	s24 =	sld [smem:$0x3FFE];
	[sflag:s23] =	ssyncadd.s32 $0xFFFFFFFF  }
0xa7: {  	s26 =	simm.s32 $execute0_lowered;
	[smem:$0x3FD2] =	sst s25  }
0xa8: {  	s7 =	sshll.u32 s26, $0x1;
	_ =	strace $0x80000046;
	[dreg:$0x1] =	wrdreg $0xFFFFFFFF  }
0xa9: {  	s28 =	simm.s32 $_size_execute0_lowered;
	s5 =	sadd.s32 s5, s7;
	[dreg:$0x0] =	wrdreg $0x0  }
0xaa: {  	s7 =	sshll.u32 s28, $0x1;
	[dreg:$0x2] =	wrdreg s5  }
0xab: {  	[dreg:$0x3] =	wrdreg s7  }
0xac: {  	[dreg:$0x4] =	wrdreg $0xC0  }
0xad: {  	_ =	task [dreg:s9], $0x5FFFF  }
0xae: {  	[dreg:$0x1] =	wrdreg $0xFFFFFFFF  }
0xaf: {  	[dreg:$0x0] =	wrdreg $0x60  }
0xb0: {  	[dreg:$0x2] =	wrdreg s4  }
0xb1: {  	[dreg:$0x3] =	wrdreg s24  }
0xb2: {  	[dreg:$0x4] =	wrdreg s2  }
0xb3: {  	[dreg:$0x5] =	wrdreg s18  }
0xb4: {  	[dreg:$0x6] =	wrdreg $0x9  }
0xb5: {  	_ =	task.clear_ibuf [dreg:s9], $0x7FFFF;
	_ =	strace $0x90000046  }
0xb6: {  	s29 =	simm.s32 $0x9;
	_ =	strace $0x80000048  }
0xb7: {  	_ =	swait.ge [sflag:s29], $0x1  }
0xb8: {  	[sflag:s29] =	ssyncadd.s32 $0xFFFFFFFF  }
0xb9: {  	_ =	strace $0x90000048  }
0xba: {  	_ =	sfence  }
0xbb: {  	s30 =	sld [smem:$0x0];
	_ =	sdelay $0x2  }
0xbc: {  	s31 =	sshll.u32 s1, $0xD;
	s1 =	sshrl.u32 s1, $0x2  }
0xbd: {  	s3 =	sand.u32 $0x4000, s31;
	s1 =	sadd.s32 s1, s30  }
0xbe: {  	s0 =	sor.u32 s3, s0;
	s1 =	sshll.u32 s1, $0x11  }
0xbf: {  	s0 =	sor.u32 s1, s0  }
0xc0: {  	s0 =	sadd.s32 $0x8F2B, s0  }
0xc1: {  	[sflag:s0] =	ssyncadd.remote.s32 $0x1  }
0xc2: {  	_ =	sfence.sel $0xFFFF  }
0xc3: {  	[dreg:$0x0] =	wrdreg $0xFFFFFFFF;
	(pc) =	sbr.abs _section_cstart, $3  }
0xc4: {  	[dreg:$0x1] =	wrdreg $0xFFFFFFFF  }
0xc5: {  	_ =	task.clear_ibuf [dreg:s9], $0x2FFFF;
	_ =	strace $0x9FFFFFFF  }
0xc6: {  	(tm) =	ssettm $0x7FFFFFFF  }
0xc7: {  	_ =	shalt  }
tec
execute0_lowered:
.L_overlay_start_1:
0x0: {  	(tag) =	ssettag $0x1  }
0x1: {  	s13 =	rddreg [dreg:$0x0]  }
0x2: {  	s0 =	rddreg [dreg:$0x1]  }
0x3: {  	s2 =	rddreg [dreg:$0x2]  }
0x4: {  	s5 =	rddreg [dreg:$0x3]  }
0x5: {  	s3 =	simm.s32 $0x0;
	s4 =	srdreg.scid;
	s7 =	stileid.u32  }
0x6: {  	v0 =	vlaneseq.u32;
	s14 =	simm.s32 $0x400;
	s15 =	simm.s32 $0x1;
	s16 =	simm.s32 $0x2  }
0x7: {  	s17 =	simm.s32 $0x3;
	s28 =	simm.s32 $0x6;
	s29 =	simm.s32 $0x7;
	v0 =	vmul.u32 $0x80, v0  }
0x8: {  	s30 =	simm.s32 $0x8;
	[smem:$0x7FF] =	sst s3;
	s6 =	sand.u32 $0x1, s4  }
0x9: {  	s4 =	sadd.s32 $0x1C00, s0;
	s7 =	sshll.u32 s7, $0xA;
	s8 =	sshll.u32 s6, $0x9;
	v1 =	vor.u32 $0x800, v0  }
0xa: {  	s9 =	sadd.s32 $0x188600, s0;
	s6 =	ssub.s32 $0x2, s6;
	s7 =	sor.u32 s8, s7;
	v2 =	vor.u32 $0x1000, v0;
	v3 =	vor.u32 $0x1800, v0;
	v4 =	vor.u32 $0x2000, v0  }
0xb: {  	s0 =	sadd.s32 $0x1C8600, s0;
	s23 =	sshrl.u32 s6, $0x1;
	v5 =	vor.u32 $0x2800, v0;
	v6 =	vor.u32 $0x3000, v0;
	v7 =	vor.u32 $0x3800, v0;
	s10 =	sshrl.u32 s7, $0x3  }
0xc: {  	_ =	strace $0x80000047;
	v8 =	vor.u32 $0x4000, v0;
	v9 =	vor.u32 $0x4800, v0;
	v10 =	vor.u32 $0x5000, v0;
	s6 =	ssub.s32 s6, s23;
	s2 =	sadd.s32 s2, s10  }
0xd: {  	v11 =	vor.u32 $0x5800, v0;
	v12 =	vor.u32 $0x6000, v0;
	v13 =	vor.u32 $0x6800, v0;
	s24 =	sshll.u32 s7, $0x4;
	s5 =	sadd.s32 s5, s10;
	[dreg:$0x6] =	wrdreg s2  }
0xe: {  	v14 =	vor.u32 $0x7000, v0;
	v15 =	vor.u32 $0x7800, v0;
	v16 =	vor.u32 $0x8000, v0;
	s23 =	simm.s32 $0x7A1400;
	s25 =	sadd.s32 s9, s24;
	[dreg:$0x7] =	wrdreg s5  }
0xf: {  	v17 =	vor.u32 $0x8800, v0;
	v18 =	vor.u32 $0x9000, v0;
	v19 =	vor.u32 $0x9800, v0;
	s7 =	sor.u32 $0x1000, s24;
	s31 =	smax.u32 s6, $0x1;
	[dreg:$0x5] =	wrdreg s25  }
0x10: {  	v20 =	vor.u32 $0xA000, v0;
	v21 =	vor.u32 $0xA800, v0;
	v22 =	vor.u32 $0xB000, v0;
	s26 =	sadd.s32 s9, s7;
	s2 =	sadd.s32 s0, s24;
	[dreg:$0xb] =	wrdreg s31  }
0x11: {  	v23 =	vor.u32 $0xB800, v0;
	v24 =	vor.u32 $0xC000, v0;
	v25 =	vor.u32 $0xC800, v0;
	s0 =	sadd.s32 s0, s7;
	s7 =	simm.s32 $0xA;
	[dreg:$0x8] =	wrdreg s26  }
0x12: {  	v26 =	vor.u32 $0xD000, v0;
	v27 =	vor.u32 $0xD800, v0;
	v28 =	vor.u32 $0xE000, v0;
	s25 =	simm.s32 $0x4;
	s5 =	simm.s32 $0x0;
	[dreg:$0x9] =	wrdreg s2  }
0x13: {  	v29 =	vor.u32 $0xE800, v0;
	v30 =	vor.u32 $0xF000, v0;
	v31 =	vor.u32 $0xF800, v0;
	[dreg:$0xa] =	wrdreg s0;
	s26 =	simm.s32 $0x5;
	s0 =	simm.s32 $0x9  }
.LBB2_1:
0x14: {  	[dreg:$0xc] =	wrdreg s5  }
0x15: {  	s2 =	rddreg [dreg:$0x6]  }
0x16: {  	[tilespmem:s3], [sflag:$0xA] =	stream.linear.gather [hbm4b:s2+s3], $0x200, $0x38;
	[tilespmem:$0x18400] =	vst v63  }
0x17: {  	_ =	swait.ge [sflag:s7], $0x200  }
0x18: {  	[sflag:s7] =	ssyncset.done $0x0  }
0x19: {  	s18 =	simm.s32 $0x200;
	s12 =	rddreg [dreg:$0x7];
	[sflag:s7] =	ssyncadd.s32 $0xFFFFFE00  }
0x1a: {  	[tilespmem:s18], [sflag:$0xA] =	stream.linear.gather [hbm4b:s12+s3], $0x200, $0x38;
	[tilespmem:$0x18400] =	vst v63  }
0x1b: {  	_ =	swait.ge [sflag:s7], $0x200  }
0x1c: {  	[sflag:s7] =	ssyncset.done $0x0  }
0x1d: {  	[sflag:s7] =	ssyncadd.s32 $0xFFFFFE00  }
0x1e: {  	v32 =	vld [tilespmem:$0x0];
	_ =	sdelay $0x4  }
0x1f: {  	(v2sf) =	vpush v32, $0x0  }
0x20: {  	(v2sf) =	vpush v32, $0x1;
	_ =	sdelay $0x2  }
0x21: {  	(v2sf) =	vpush v32, $0x2;
	_ =	sdelay $0x2  }
0x22: {  	(v2sf) =	vpush v32, $0x3;
	_ =	sdelay $0x1  }
0x23: {  	(v2sf) =	vpush v32, $0x4;
	_ =	sdelay $0x5  }
0x24: {  	s2 =	spop (v2sf);
	(v2sf) =	vpush v32, $0x5  }
0x25: {  	s12 =	spop (v2sf);
	(v2sf) =	vpush v32, $0x6;
	_ =	sdelay $0x2  }
0x26: {  	s18 =	simm.s32 $0x2400;
	s19 =	sand.u32 $0xFFFFF80, s2;
	s9 =	spop (v2sf);
	(v2sf) =	vpush v32, $0x7  }
0x27: {  	s5 =	sadd.s32 s13, s19;
	s20 =	sand.u32 $0xFFFFF80, s12;
	s19 =	simm.s32 $0x4400  }
0x28: {  	[tilespmem:s14], [sflag:$0x1] =	stream.strided.gather [hbm4b:s5+s14], $0x2000, s23, s14, $0x38;
	[tilespmem:$0x18400] =	vst v63  }
0x29: {  	s5 =	sadd.s32 s13, s20;
	s21 =	sand.u32 $0xFFFFF80, s9;
	s11 =	spop (v2sf)  }
0x2a: {  	[tilespmem:s18], [sflag:$0x2] =	stream.strided.gather [hbm4b:s5+s14], $0x2000, s23, s14, $0x38;
	[tilespmem:$0x18400] =	vst v63  }
0x2b: {  	s22 =	sand.u32 $0xFFFFF80, s11;
	s10 =	spop (v2sf);
	s5 =	sadd.s32 s13, s21  }
0x2c: {  	[tilespmem:s19], [sflag:$0x3] =	stream.strided.gather [hbm4b:s5+s14], $0x2000, s23, s14, $0x38;
	[tilespmem:$0x18400] =	vst v63  }
0x2d: {  	s20 =	simm.s32 $0x6400;
	s24 =	sand.u32 $0xFFFFF80, s10;
	s5 =	sadd.s32 s13, s22  }
0x2e: {  	[tilespmem:s20], [sflag:$0x4] =	stream.strided.gather [hbm4b:s5+s14], $0x2000, s23, s14, $0x38;
	[tilespmem:$0x18400] =	vst v63  }
0x2f: {  	s21 =	simm.s32 $0x8400;
	s5 =	sadd.s32 s13, s24  }
0x30: {  	[tilespmem:s21], [sflag:$0x5] =	stream.strided.gather [hbm4b:s5+s14], $0x2000, s23, s14, $0x38;
	[tilespmem:$0x18400] =	vst v63  }
0x31: {  	s8 =	spop (v2sf)  }
0x32: {  	s1 =	sand.u32 $0xFFFFF80, s8;
	s7 =	spop (v2sf)  }
0x33: {  	s22 =	simm.s32 $0xA400;
	s5 =	sadd.s32 s13, s1;
	s6 =	sand.u32 $0xFFFFF80, s7  }
0x34: {  	[tilespmem:s22], [sflag:$0x6] =	stream.strided.gather [hbm4b:s5+s14], $0x2000, s23, s14, $0x38;
	[tilespmem:$0x18400] =	vst v63  }
0x35: {  	s2 =	sand.u32 $0x7F, s2;
	s5 =	sadd.s32 s13, s6;
	s6 =	spop (v2sf)  }
0x36: {  	s1 =	smov.u32 s13;
	s13 =	simm.s32 $0xC400;
	s24 =	sand.u32 $0xFFFFF80, s6  }
0x37: {  	[tilespmem:s13], [sflag:$0x7] =	stream.strided.gather [hbm4b:s5+s14], $0x2000, s23, s14, $0x38;
	[tilespmem:$0x18400] =	vst v63  }
0x38: {  	v33 =	vor.u32 s2, v0;
	s5 =	sadd.s32 s1, s24;
	s24 =	simm.s32 $0xE400  }
0x39: {  	[tilespmem:s24], [sflag:$0x8] =	stream.strided.gather [hbm4b:s5+s14], $0x2000, s23, s14, $0x38;
	[tilespmem:$0x18400] =	vst v63  }
0x3a: {  	_ =	swait.ge [sflag:s15], $0x2000  }
0x3b: {  	[sflag:s15] =	ssyncset.done $0x0  }
0x3c: {  	[sflag:s15] =	ssyncadd.s32 $0xFFFFE000  }
0x3d: {  	v33 =	vld.idx.msk [tilespmem:v33+s14+$0x0], $0xffff  }
0x3e: {  	v34 =	vor.u32 s2, v1;
	_ =	sdelay $0x3  }
0x3f: {  	[tilespmem:$0x10400] =	vst v33  }
0x40: {  	(v2sf) =	vpush v32, $0x8;
	v33 =	vld.idx.msk [tilespmem:v34+s14+$0x0], $0xffff  }
0x41: {  	v58 =	vor.u32 s2, v2;
	_ =	sdelay $0x3  }
0x42: {  	[tilespmem:$0x10410] =	vst v33  }
0x43: {  	v33 =	vld.idx.msk [tilespmem:v58+s14+$0x0], $0xffff  }
0x44: {  	v59 =	vor.u32 s2, v3;
	_ =	sdelay $0x3  }
0x45: {  	[tilespmem:$0x10420] =	vst v33  }
0x46: {  	v33 =	vld.idx.msk [tilespmem:v59+s14+$0x0], $0xffff;
	_ =	sdelay $0x2  }
0x47: {  	s5 =	spop (v2sf)  }
0x48: {  	s2 =	sand.u32 $0x7F, s12;
	s12 =	sand.u32 $0xFFFFF80, s5  }
0x49: {  	v60 =	vor.u32 s2, v4;
	s12 =	sadd.s32 s1, s12;
	[tilespmem:$0x10430] =	vst v33  }
0x4a: {  	[tilespmem:s14], [sflag:$0x1] =	stream.strided.gather [hbm4b:s12+s14], $0x2000, s23, s14, $0x38;
	[tilespmem:$0x18400] =	vst v63  }
0x4b: {  	_ =	swait.ge [sflag:s16], $0x2000  }
0x4c: {  	[sflag:s16] =	ssyncset.done $0x0  }
0x4d: {  	[sflag:s16] =	ssyncadd.s32 $0xFFFFE000  }
0x4e: {  	v33 =	vld.idx.msk [tilespmem:v60+s14+$0x0], $0xffff  }
0x4f: {  	v61 =	vor.u32 s2, v5;
	_ =	sdelay $0x3  }
0x50: {  	[tilespmem:$0x10480] =	vst v33  }
0x51: {  	(v2sf) =	vpush v32, $0x9;
	v33 =	vld.idx.msk [tilespmem:v61+s14+$0x0], $0xffff  }
0x52: {  	v62 =	vor.u32 s2, v6;
	_ =	sdelay $0x3  }
0x53: {  	[tilespmem:$0x10490] =	vst v33  }
0x54: {  	v33 =	vld.idx.msk [tilespmem:v62+s14+$0x0], $0xffff  }
0x55: {  	v63 =	vor.u32 s2, v7;
	_ =	sdelay $0x3  }
0x56: {  	[tilespmem:$0x104A0] =	vst v33  }
0x57: {  	v33 =	vld.idx.msk [tilespmem:v63+s14+$0x0], $0xffff;
	_ =	sdelay $0x2  }
0x58: {  	s2 =	spop (v2sf)  }
0x59: {  	s9 =	sand.u32 $0x7F, s9;
	s16 =	sand.u32 $0xFFFFF80, s2  }
0x5a: {  	v36 =	vor.u32 s9, v8;
	s12 =	sadd.s32 s1, s16;
	[tilespmem:$0x104B0] =	vst v33  }
0x5b: {  	[tilespmem:s18], [sflag:$0x2] =	stream.strided.gather [hbm4b:s12+s14], $0x2000, s23, s14, $0x38;
	[tilespmem:$0x18400] =	vst v63  }
0x5c: {  	_ =	swait.ge [sflag:s17], $0x2000  }
0x5d: {  	[sflag:s17] =	ssyncset.done $0x0  }
0x5e: {  	[sflag:s17] =	ssyncadd.s32 $0xFFFFE000  }
0x5f: {  	v33 =	vld.idx.msk [tilespmem:v36+s14+$0x0], $0xffff  }
0x60: {  	v37 =	vor.u32 s9, v9;
	_ =	sdelay $0x3  }
0x61: {  	[tilespmem:$0x10500] =	vst v33  }
0x62: {  	(v2sf) =	vpush v32, $0xA;
	v33 =	vld.idx.msk [tilespmem:v37+s14+$0x0], $0xffff  }
0x63: {  	v38 =	vor.u32 s9, v10;
	_ =	sdelay $0x3  }
0x64: {  	[tilespmem:$0x10510] =	vst v33  }
0x65: {  	v33 =	vld.idx.msk [tilespmem:v38+s14+$0x0], $0xffff  }
0x66: {  	v39 =	vor.u32 s9, v11;
	_ =	sdelay $0x3  }
0x67: {  	[tilespmem:$0x10520] =	vst v33  }
0x68: {  	v33 =	vld.idx.msk [tilespmem:v39+s14+$0x0], $0xffff;
	_ =	sdelay $0x2  }
0x69: {  	s9 =	spop (v2sf)  }
0x6a: {  	s11 =	sand.u32 $0x7F, s11;
	s18 =	sand.u32 $0xFFFFF80, s9  }
0x6b: {  	v40 =	vor.u32 s11, v12;
	s12 =	sadd.s32 s1, s18;
	[tilespmem:$0x10530] =	vst v33  }
0x6c: {  	[tilespmem:s19], [sflag:$0x3] =	stream.strided.gather [hbm4b:s12+s14], $0x2000, s23, s14, $0x38;
	[tilespmem:$0x18400] =	vst v63  }
0x6d: {  	_ =	swait.ge [sflag:s25], $0x2000  }
0x6e: {  	[sflag:s25] =	ssyncset.done $0x0  }
0x6f: {  	[sflag:s25] =	ssyncadd.s32 $0xFFFFE000  }
0x70: {  	v33 =	vld.idx.msk [tilespmem:v40+s14+$0x0], $0xffff  }
0x71: {  	v41 =	vor.u32 s11, v13;
	_ =	sdelay $0x3  }
0x72: {  	[tilespmem:$0x10580] =	vst v33  }
0x73: {  	(v2sf) =	vpush v32, $0xB;
	v33 =	vld.idx.msk [tilespmem:v41+s14+$0x0], $0xffff  }
0x74: {  	v42 =	vor.u32 s11, v14;
	_ =	sdelay $0x3  }
0x75: {  	[tilespmem:$0x10590] =	vst v33  }
0x76: {  	v33 =	vld.idx.msk [tilespmem:v42+s14+$0x0], $0xffff  }
0x77: {  	v43 =	vor.u32 s11, v15;
	_ =	sdelay $0x3  }
0x78: {  	[tilespmem:$0x105A0] =	vst v33  }
0x79: {  	v33 =	vld.idx.msk [tilespmem:v43+s14+$0x0], $0xffff;
	_ =	sdelay $0x2  }
0x7a: {  	s16 =	spop (v2sf)  }
0x7b: {  	s10 =	sand.u32 $0x7F, s10;
	s18 =	sand.u32 $0xFFFFF80, s16  }
0x7c: {  	v44 =	vor.u32 s10, v16;
	s12 =	sadd.s32 s1, s18;
	[tilespmem:$0x105B0] =	vst v33  }
0x7d: {  	[tilespmem:s20], [sflag:$0x4] =	stream.strided.gather [hbm4b:s12+s14], $0x2000, s23, s14, $0x38;
	[tilespmem:$0x18400] =	vst v63  }
0x7e: {  	_ =	swait.ge [sflag:s26], $0x2000  }
0x7f: {  	[sflag:s26] =	ssyncset.done $0x0  }
0x80: {  	[sflag:s26] =	ssyncadd.s32 $0xFFFFE000  }
0x81: {  	v33 =	vld.idx.msk [tilespmem:v44+s14+$0x0], $0xffff  }
0x82: {  	v45 =	vor.u32 s10, v17;
	_ =	sdelay $0x3  }
0x83: {  	[tilespmem:$0x10600] =	vst v33  }
0x84: {  	(v2sf) =	vpush v32, $0xC;
	v33 =	vld.idx.msk [tilespmem:v45+s14+$0x0], $0xffff  }
0x85: {  	v46 =	vor.u32 s10, v18;
	_ =	sdelay $0x3  }
0x86: {  	[tilespmem:$0x10610] =	vst v33  }
0x87: {  	v33 =	vld.idx.msk [tilespmem:v46+s14+$0x0], $0xffff  }
0x88: {  	v47 =	vor.u32 s10, v19;
	_ =	sdelay $0x3  }
0x89: {  	[tilespmem:$0x10620] =	vst v33  }
0x8a: {  	v33 =	vld.idx.msk [tilespmem:v47+s14+$0x0], $0xffff;
	_ =	sdelay $0x2  }
0x8b: {  	s19 =	spop (v2sf)  }
0x8c: {  	s8 =	sand.u32 $0x7F, s8;
	s20 =	sand.u32 $0xFFFFF80, s19  }
0x8d: {  	v48 =	vor.u32 s8, v20;
	s12 =	sadd.s32 s1, s20;
	[tilespmem:$0x10630] =	vst v33  }
0x8e: {  	[tilespmem:s21], [sflag:$0x5] =	stream.strided.gather [hbm4b:s12+s14], $0x2000, s23, s14, $0x38;
	[tilespmem:$0x18400] =	vst v63  }
0x8f: {  	_ =	swait.ge [sflag:s28], $0x2000  }
0x90: {  	[sflag:s28] =	ssyncset.done $0x0  }
0x91: {  	[sflag:s28] =	ssyncadd.s32 $0xFFFFE000  }
0x92: {  	v33 =	vld.idx.msk [tilespmem:v48+s14+$0x0], $0xffff  }
0x93: {  	v49 =	vor.u32 s8, v21;
	_ =	sdelay $0x3  }
0x94: {  	[tilespmem:$0x10680] =	vst v33  }
0x95: {  	(v2sf) =	vpush v32, $0xD;
	v33 =	vld.idx.msk [tilespmem:v49+s14+$0x0], $0xffff  }
0x96: {  	v50 =	vor.u32 s8, v22;
	_ =	sdelay $0x3  }
0x97: {  	[tilespmem:$0x10690] =	vst v33  }
0x98: {  	v33 =	vld.idx.msk [tilespmem:v50+s14+$0x0], $0xffff  }
0x99: {  	v51 =	vor.u32 s8, v23;
	_ =	sdelay $0x3  }
0x9a: {  	[tilespmem:$0x106A0] =	vst v33  }
0x9b: {  	v33 =	vld.idx.msk [tilespmem:v51+s14+$0x0], $0xffff;
	_ =	sdelay $0x2  }
0x9c: {  	s21 =	spop (v2sf)  }
0x9d: {  	s7 =	sand.u32 $0x7F, s7;
	s25 =	sand.u32 $0xFFFFF80, s21  }
0x9e: {  	v52 =	vor.u32 s7, v24;
	s12 =	sadd.s32 s1, s25;
	[tilespmem:$0x106B0] =	vst v33  }
0x9f: {  	[tilespmem:s22], [sflag:$0x6] =	stream.strided.gather [hbm4b:s12+s14], $0x2000, s23, s14, $0x38;
	[tilespmem:$0x18400] =	vst v63  }
0xa0: {  	_ =	swait.ge [sflag:s29], $0x2000  }
0xa1: {  	[sflag:s29] =	ssyncset.done $0x0  }
0xa2: {  	[sflag:s29] =	ssyncadd.s32 $0xFFFFE000  }
0xa3: {  	v33 =	vld.idx.msk [tilespmem:v52+s14+$0x0], $0xffff  }
0xa4: {  	v53 =	vor.u32 s7, v25;
	_ =	sdelay $0x3  }
0xa5: {  	[tilespmem:$0x10700] =	vst v33  }
0xa6: {  	(v2sf) =	vpush v32, $0xE;
	v33 =	vld.idx.msk [tilespmem:v53+s14+$0x0], $0xffff  }
0xa7: {  	v54 =	vor.u32 s7, v26;
	_ =	sdelay $0x3  }
0xa8: {  	[tilespmem:$0x10710] =	vst v33  }
0xa9: {  	v33 =	vld.idx.msk [tilespmem:v54+s14+$0x0], $0xffff  }
0xaa: {  	v55 =	vor.u32 s7, v27;
	_ =	sdelay $0x3  }
0xab: {  	[tilespmem:$0x10720] =	vst v33  }
0xac: {  	v33 =	vld.idx.msk [tilespmem:v55+s14+$0x0], $0xffff;
	_ =	sdelay $0x2  }
0xad: {  	s26 =	spop (v2sf)  }
0xae: {  	s6 =	sand.u32 $0x7F, s6;
	s28 =	sand.u32 $0xFFFFF80, s26  }
0xaf: {  	v56 =	vor.u32 s6, v28;
	s12 =	sadd.s32 s1, s28;
	[tilespmem:$0x10730] =	vst v33  }
0xb0: {  	[tilespmem:s13], [sflag:$0x7] =	stream.strided.gather [hbm4b:s12+s14], $0x2000, s23, s14, $0x38;
	[tilespmem:$0x18400] =	vst v63  }
0xb1: {  	_ =	swait.ge [sflag:s30], $0x2000  }
0xb2: {  	[sflag:s30] =	ssyncset.done $0x0  }
0xb3: {  	[sflag:s30] =	ssyncadd.s32 $0xFFFFE000  }
0xb4: {  	v33 =	vld.idx.msk [tilespmem:v56+s14+$0x0], $0xffff  }
0xb5: {  	v57 =	vor.u32 s6, v29;
	_ =	sdelay $0x3  }
0xb6: {  	[tilespmem:$0x10780] =	vst v33  }
0xb7: {  	(v2sf) =	vpush v32, $0xF;
	v33 =	vld.idx.msk [tilespmem:v57+s14+$0x0], $0xffff  }
0xb8: {  	v58 =	vor.u32 s6, v30;
	_ =	sdelay $0x3  }
0xb9: {  	[tilespmem:$0x10790] =	vst v33  }
0xba: {  	v32 =	vld.idx.msk [tilespmem:v58+s14+$0x0], $0xffff  }
0xbb: {  	v59 =	vor.u32 s6, v31;
	_ =	sdelay $0x3  }
0xbc: {  	[tilespmem:$0x107A0] =	vst v32  }
0xbd: {  	v32 =	vld.idx.msk [tilespmem:v59+s14+$0x0], $0xffff;
	_ =	sdelay $0x2  }
0xbe: {  	s29 =	spop (v2sf)  }
0xbf: {  	s5 =	sand.u32 $0x7F, s5;
	s30 =	sand.u32 $0xFFFFF80, s29  }
0xc0: {  	v60 =	vor.u32 s5, v0;
	s12 =	sadd.s32 s1, s30;
	[tilespmem:$0x107B0] =	vst v32  }
0xc1: {  	[tilespmem:s24], [sflag:$0x8] =	stream.strided.gather [hbm4b:s12+s14], $0x2000, s23, s14, $0x38;
	[tilespmem:$0x18400] =	vst v63  }
0xc2: {  	_ =	swait.ge [sflag:s15], $0x2000  }
0xc3: {  	[sflag:s15] =	ssyncset.done $0x0  }
0xc4: {  	[sflag:s15] =	ssyncadd.s32 $0xFFFFE000  }
0xc5: {  	v32 =	vld.idx.msk [tilespmem:v60+s14+$0x0], $0xffff  }
0xc6: {  	v61 =	vor.u32 s5, v1;
	_ =	sdelay $0x3  }
0xc7: {  	[tilespmem:$0x10800] =	vst v32  }
0xc8: {  	v32 =	vld.idx.msk [tilespmem:v61+s14+$0x0], $0xffff  }
0xc9: {  	v62 =	vor.u32 s5, v2;
	_ =	sdelay $0x3  }
0xca: {  	[tilespmem:$0x10810] =	vst v32  }
0xcb: {  	v32 =	vld.idx.msk [tilespmem:v62+s14+$0x0], $0xffff  }
0xcc: {  	v63 =	vor.u32 s5, v3;
	_ =	sdelay $0x3  }
0xcd: {  	[tilespmem:$0x10820] =	vst v32  }
0xce: {  	v32 =	vld.idx.msk [tilespmem:v63+s14+$0x0], $0xffff  }
0xcf: {  	s11 =	simm.s32 $0x8780  }
0xd0: {  	s2 =	sand.u32 $0x7F, s2;
	s5 =	simm.s32 $0x10;
	s17 =	simm.s32 $0x1  }
0xd1: {  	s31 =	sand.u32 $0x7F, s9;
	s10 =	sand.u32 $0x7F, s19;
	s8 =	sand.u32 $0x7F, s21  }
0xd2: {  	s21 =	simm.s32 $0x3;
	s25 =	simm.s32 $0x2;
	s7 =	sand.u32 $0x7F, s26  }
0xd3: {  	s13 =	smov.u32 s1;
	s6 =	sand.u32 $0x7F, s29;
	s15 =	sand.u32 $0x7F, s16;
	[tilespmem:$0x10830] =	vst v32  }
.LBB2_2:
0xd4: {  	v32 =	vld [tilespmem:s5+$0x0];
	_ =	sdelay $0x4  }
0xd5: {  	(v2sf) =	vpush v32, $0x0;
	_ =	sdelay $0xe  }
0xd6: {  	s9 =	spop (v2sf)  }
0xd7: {  	s12 =	sand.u32 $0xFFFFF80, s9  }
0xd8: {  	v33 =	vor.u32 s2, v4;
	s12 =	sadd.s32 s13, s12  }
0xd9: {  	[tilespmem:s14], [sflag:$0x1] =	stream.strided.gather [hbm4b:s12+s14], $0x2000, s23, s14, $0x38;
	[tilespmem:$0x18400] =	vst v63  }
0xda: {  	_ =	swait.ge [sflag:s25], $0x2000  }
0xdb: {  	[sflag:s25] =	ssyncset.done $0x0  }
0xdc: {  	[sflag:s25] =	ssyncadd.s32 $0xFFFFE000  }
0xdd: {  	v33 =	vld.idx.msk [tilespmem:v33+s14+$0x0], $0xffff  }
0xde: {  	v34 =	vor.u32 s2, v5;
	_ =	sdelay $0x1  }
0xdf: {  	s20 =	sadd.s32 $0xFFFFFD00, s11  }
0xe0: {  	s16 =	sand.u32 $0x7C80, s20  }
0xe1: {  	[tilespmem:s16+$0x10400] =	vst v33  }
0xe2: {  	(v2sf) =	vpush v32, $0x1;
	v33 =	vld.idx.msk [tilespmem:v34+s14+$0x0], $0xffff  }
0xe3: {  	v58 =	vor.u32 s2, v6;
	_ =	sdelay $0x3  }
0xe4: {  	[tilespmem:s16+$0x10410] =	vst v33  }
0xe5: {  	v33 =	vld.idx.msk [tilespmem:v58+s14+$0x0], $0xffff  }
0xe6: {  	v59 =	vor.u32 s2, v7;
	_ =	sdelay $0x3  }
0xe7: {  	[tilespmem:s16+$0x10420] =	vst v33  }
0xe8: {  	v33 =	vld.idx.msk [tilespmem:v59+s14+$0x0], $0xffff;
	_ =	sdelay $0x2  }
0xe9: {  	s12 =	spop (v2sf)  }
0xea: {  	s22 =	sand.u32 $0xFFFFF80, s12  }
0xeb: {  	v60 =	vor.u32 s31, v8;
	s24 =	simm.s32 $0x2400;
	s2 =	sadd.s32 s13, s22;
	[tilespmem:s16+$0x10430] =	vst v33  }
0xec: {  	[tilespmem:s24], [sflag:$0x2] =	stream.strided.gather [hbm4b:s2+s14], $0x2000, s23, s14, $0x38;
	[tilespmem:$0x18400] =	vst v63  }
0xed: {  	_ =	swait.ge [sflag:s21], $0x2000  }
0xee: {  	[sflag:s21] =	ssyncset.done $0x0  }
0xef: {  	[sflag:s21] =	ssyncadd.s32 $0xFFFFE000  }
0xf0: {  	v33 =	vld.idx.msk [tilespmem:v60+s14+$0x0], $0xffff  }
0xf1: {  	v61 =	vor.u32 s31, v9;
	_ =	sdelay $0x1  }
0xf2: {  	s26 =	sadd.s32 $0xFFFFFD80, s11  }
0xf3: {  	s2 =	sand.u32 $0x7D00, s26  }
0xf4: {  	[tilespmem:s2+$0x10400] =	vst v33  }
0xf5: {  	(v2sf) =	vpush v32, $0x2;
	v33 =	vld.idx.msk [tilespmem:v61+s14+$0x0], $0xffff  }
0xf6: {  	v62 =	vor.u32 s31, v10;
	_ =	sdelay $0x3  }
0xf7: {  	[tilespmem:s2+$0x10410] =	vst v33  }
0xf8: {  	v33 =	vld.idx.msk [tilespmem:v62+s14+$0x0], $0xffff  }
0xf9: {  	v63 =	vor.u32 s31, v11;
	_ =	sdelay $0x3  }
0xfa: {  	[tilespmem:s2+$0x10420] =	vst v33  }
0xfb: {  	v33 =	vld.idx.msk [tilespmem:v63+s14+$0x0], $0xffff;
	_ =	sdelay $0x2  }
0xfc: {  	s31 =	spop (v2sf)  }
0xfd: {  	s28 =	sand.u32 $0xFFFFF80, s31  }
0xfe: {  	v36 =	vor.u32 s15, v12;
	s30 =	simm.s32 $0x4400;
	s20 =	simm.s32 $0x4;
	s29 =	sadd.s32 s13, s28;
	[tilespmem:s2+$0x10430] =	vst v33  }
0xff: {  	[tilespmem:s30], [sflag:$0x3] =	stream.strided.gather [hbm4b:s29+s14], $0x2000, s23, s14, $0x38;
	[tilespmem:$0x18400] =	vst v63  }
0x100: {  	_ =	swait.ge [sflag:s20], $0x2000  }
0x101: {  	[sflag:s20] =	ssyncset.done $0x0  }
0x102: {  	[sflag:s20] =	ssyncadd.s32 $0xFFFFE000  }
0x103: {  	v33 =	vld.idx.msk [tilespmem:v36+s14+$0x0], $0xffff  }
0x104: {  	v37 =	vor.u32 s15, v13;
	_ =	sdelay $0x1  }
0x105: {  	s16 =	sadd.s32 $0xFFFFFE00, s11  }
0x106: {  	s18 =	sand.u32 $0x7D80, s16  }
0x107: {  	[tilespmem:s18+$0x10400] =	vst v33  }
0x108: {  	(v2sf) =	vpush v32, $0x3;
	v33 =	vld.idx.msk [tilespmem:v37+s14+$0x0], $0xffff  }
0x109: {  	v38 =	vor.u32 s15, v14;
	_ =	sdelay $0x3  }
0x10a: {  	[tilespmem:s18+$0x10410] =	vst v33  }
0x10b: {  	v33 =	vld.idx.msk [tilespmem:v38+s14+$0x0], $0xffff  }
0x10c: {  	v39 =	vor.u32 s15, v15;
	_ =	sdelay $0x3  }
0x10d: {  	[tilespmem:s18+$0x10420] =	vst v33  }
0x10e: {  	v33 =	vld.idx.msk [tilespmem:v39+s14+$0x0], $0xffff;
	_ =	sdelay $0x2  }
0x10f: {  	s2 =	spop (v2sf)  }
0x110: {  	s19 =	sand.u32 $0xFFFFF80, s2  }
0x111: {  	v40 =	vor.u32 s10, v16;
	s22 =	simm.s32 $0x6400;
	s28 =	simm.s32 $0x5;
	s15 =	sadd.s32 s13, s19;
	[tilespmem:s18+$0x10430] =	vst v33  }
0x112: {  	[tilespmem:s22], [sflag:$0x4] =	stream.strided.gather [hbm4b:s15+s14], $0x2000, s23, s14, $0x38;
	[tilespmem:$0x18400] =	vst v63  }
0x113: {  	_ =	swait.ge [sflag:s28], $0x2000  }
0x114: {  	[sflag:s28] =	ssyncset.done $0x0  }
0x115: {  	[sflag:s28] =	ssyncadd.s32 $0xFFFFE000  }
0x116: {  	v33 =	vld.idx.msk [tilespmem:v40+s14+$0x0], $0xffff  }
0x117: {  	v41 =	vor.u32 s10, v17;
	_ =	sdelay $0x1  }
0x118: {  	s23 =	sadd.s32 $0xFFFFFE80, s11  }
0x119: {  	s15 =	sand.u32 $0x7E00, s23  }
0x11a: {  	[tilespmem:s15+$0x10400] =	vst v33  }
0x11b: {  	(v2sf) =	vpush v32, $0x4;
	v33 =	vld.idx.msk [tilespmem:v41+s14+$0x0], $0xffff  }
0x11c: {  	v42 =	vor.u32 s10, v18;
	_ =	sdelay $0x3  }
0x11d: {  	[tilespmem:s15+$0x10410] =	vst v33  }
0x11e: {  	v33 =	vld.idx.msk [tilespmem:v42+s14+$0x0], $0xffff  }
0x11f: {  	v43 =	vor.u32 s10, v19;
	_ =	sdelay $0x3  }
0x120: {  	[tilespmem:s15+$0x10420] =	vst v33  }
0x121: {  	v33 =	vld.idx.msk [tilespmem:v43+s14+$0x0], $0xffff;
	_ =	sdelay $0x2  }
0x122: {  	s10 =	spop (v2sf)  }
0x123: {  	s24 =	sand.u32 $0xFFFFF80, s10  }
0x124: {  	s19 =	simm.s32 $0x7A1400;
	s23 =	simm.s32 $0x8400;
	s26 =	sadd.s32 s13, s24;
	[tilespmem:s15+$0x10430] =	vst v33  }
0x125: {  	v44 =	vor.u32 s8, v20;
	[tilespmem:s23], [sflag:$0x5] =	stream.strided.gather [hbm4b:s26+s14], $0x2000, s19, s14, $0x38;
	[tilespmem:$0x18400] =	vst v63  }
0x126: {  	s26 =	simm.s32 $0x6  }
0x127: {  	_ =	swait.ge [sflag:s26], $0x2000  }
0x128: {  	[sflag:s26] =	ssyncset.done $0x0  }
0x129: {  	[sflag:s26] =	ssyncadd.s32 $0xFFFFE000  }
0x12a: {  	v33 =	vld.idx.msk [tilespmem:v44+s14+$0x0], $0xffff  }
0x12b: {  	v45 =	vor.u32 s8, v21;
	_ =	sdelay $0x1  }
0x12c: {  	s29 =	sadd.s32 $0xFFFFFF00, s11  }
0x12d: {  	s15 =	sand.u32 $0x7E80, s29  }
0x12e: {  	[tilespmem:s15+$0x10400] =	vst v33  }
0x12f: {  	(v2sf) =	vpush v32, $0x5;
	v33 =	vld.idx.msk [tilespmem:v45+s14+$0x0], $0xffff  }
0x130: {  	v46 =	vor.u32 s8, v22;
	_ =	sdelay $0x3  }
0x131: {  	[tilespmem:s15+$0x10410] =	vst v33  }
0x132: {  	v33 =	vld.idx.msk [tilespmem:v46+s14+$0x0], $0xffff  }
0x133: {  	v47 =	vor.u32 s8, v23;
	_ =	sdelay $0x3  }
0x134: {  	[tilespmem:s15+$0x10420] =	vst v33  }
0x135: {  	v33 =	vld.idx.msk [tilespmem:v47+s14+$0x0], $0xffff;
	_ =	sdelay $0x2  }
0x136: {  	s8 =	spop (v2sf)  }
0x137: {  	s30 =	sand.u32 $0xFFFFF80, s8  }
0x138: {  	v48 =	vor.u32 s7, v24;
	s24 =	simm.s32 $0xA400;
	s29 =	simm.s32 $0x7;
	s18 =	sadd.s32 s13, s30;
	[tilespmem:s15+$0x10430] =	vst v33  }
0x139: {  	[tilespmem:s24], [sflag:$0x6] =	stream.strided.gather [hbm4b:s18+s14], $0x2000, s19, s14, $0x38;
	[tilespmem:$0x18400] =	vst v63  }
0x13a: {  	_ =	swait.ge [sflag:s29], $0x2000  }
0x13b: {  	[sflag:s29] =	ssyncset.done $0x0  }
0x13c: {  	[sflag:s29] =	ssyncadd.s32 $0xFFFFE000  }
0x13d: {  	v33 =	vld.idx.msk [tilespmem:v48+s14+$0x0], $0xffff  }
0x13e: {  	v49 =	vor.u32 s7, v25;
	_ =	sdelay $0x1  }
0x13f: {  	s22 =	sadd.s32 $0xFFFFFF80, s11  }
0x140: {  	s15 =	sand.u32 $0x7F00, s22  }
0x141: {  	[tilespmem:s15+$0x10400] =	vst v33  }
0x142: {  	(v2sf) =	vpush v32, $0x6;
	v33 =	vld.idx.msk [tilespmem:v49+s14+$0x0], $0xffff  }
0x143: {  	v50 =	vor.u32 s7, v26;
	_ =	sdelay $0x3  }
0x144: {  	[tilespmem:s15+$0x10410] =	vst v33  }
0x145: {  	v33 =	vld.idx.msk [tilespmem:v50+s14+$0x0], $0xffff  }
0x146: {  	v51 =	vor.u32 s7, v27;
	_ =	sdelay $0x3  }
0x147: {  	[tilespmem:s15+$0x10420] =	vst v33  }
0x148: {  	v33 =	vld.idx.msk [tilespmem:v51+s14+$0x0], $0xffff;
	_ =	sdelay $0x2  }
0x149: {  	s7 =	spop (v2sf)  }
0x14a: {  	s30 =	sand.u32 $0xFFFFF80, s7  }
0x14b: {  	v52 =	vor.u32 s6, v28;
	s16 =	sadd.s32 s13, s30;
	s13 =	simm.s32 $0xC400;
	s30 =	simm.s32 $0x8;
	[tilespmem:s15+$0x10430] =	vst v33  }
0x14c: {  	[tilespmem:s13], [sflag:$0x7] =	stream.strided.gather [hbm4b:s16+s14], $0x2000, s19, s14, $0x38;
	[tilespmem:$0x18400] =	vst v63  }
0x14d: {  	_ =	swait.ge [sflag:s30], $0x2000  }
0x14e: {  	[sflag:s30] =	ssyncset.done $0x0  }
0x14f: {  	[sflag:s30] =	ssyncadd.s32 $0xFFFFE000  }
0x150: {  	v33 =	vld.idx.msk [tilespmem:v52+s14+$0x0], $0xffff  }
0x151: {  	v53 =	vor.u32 s6, v29;
	_ =	sdelay $0x2  }
0x152: {  	s18 =	sand.u32 $0x7F80, s11  }
0x153: {  	[tilespmem:s18+$0x10400] =	vst v33  }
0x154: {  	v33 =	vld.idx.msk [tilespmem:v53+s14+$0x0], $0xffff  }
0x155: {  	v54 =	vor.u32 s6, v30;
	_ =	sdelay $0x3  }
0x156: {  	[tilespmem:s18+$0x10410] =	vst v33  }
0x157: {  	v33 =	vld.idx.msk [tilespmem:v54+s14+$0x0], $0xffff  }
0x158: {  	v55 =	vor.u32 s6, v31;
	_ =	sdelay $0x3  }
0x159: {  	[tilespmem:s18+$0x10420] =	vst v33  }
0x15a: {  	v33 =	vld.idx.msk [tilespmem:v55+s14+$0x0], $0xffff;
	_ =	sdelay $0x3  }
0x15b: {  	p0 =	sne.s32 s11, $0xFF80  }
0x15c: {  	s15 =	simm.s32 @!p0 $0x0;
	s16 =	simm.s32 @!p0 $0x10400;
	s6 =	rddreg [dreg:$0x5];
	[tilespmem:s18+$0x10430] =	vst v33  }
0x15d: {  	[hbm4b:s6+s15] =	stream.linear.scatter @!p0 [tilespmem:s16], [sflag:$0xA], $0x8000, $0x38;
	[tilespmem:$0x18400] =	vst v63  }
0x15e: {  	s15 =	simm.s32 @!p0 $0xA  }
0x15f: {  	_ =	swait.ge @!p0 [sflag:s15], $0x8000  }
0x160: {  	(v2sf) =	vpush v32, $0x7;
	_ =	sdelay $0xe  }
0x161: {  	s6 =	spop (v2sf)  }
0x162: {  	s16 =	sand.u32 $0x7F, s9;
	[sflag:s15] =	ssyncset.done @!p0 $0x0;
	s22 =	sand.u32 $0xFFFFF80, s6  }
0x163: {  	s18 =	simm.s32 $0xE400;
	v56 =	vor.u32 s16, v0;
	[sflag:s15] =	ssyncadd.s32 @!p0 $0xFFFF8000;
	s9 =	sadd.s32 s1, s22  }
0x164: {  	[tilespmem:s18], [sflag:$0x8] =	stream.strided.gather [hbm4b:s9+s14], $0x2000, s19, s14, $0x38;
	[tilespmem:$0x18400] =	vst v63  }
0x165: {  	_ =	swait.ge [sflag:s17], $0x2000  }
0x166: {  	[sflag:s17] =	ssyncset.done $0x0  }
0x167: {  	[sflag:s17] =	ssyncadd.s32 $0xFFFFE000  }
0x168: {  	v33 =	vld.idx.msk [tilespmem:v56+s14+$0x0], $0xffff  }
0x169: {  	v57 =	vor.u32 s16, v1;
	_ =	sdelay $0x1  }
0x16a: {  	s15 =	sadd.s32 $0xFFFF8080, s11  }
0x16b: {  	s9 =	sand.u32 $0x7800, s15  }
0x16c: {  	[tilespmem:s9+$0x10400] =	vst v33  }
0x16d: {  	(v2sf) =	vpush v32, $0x8;
	v33 =	vld.idx.msk [tilespmem:v57+s14+$0x0], $0xffff  }
0x16e: {  	v58 =	vor.u32 s16, v2;
	_ =	sdelay $0x3  }
0x16f: {  	[tilespmem:s9+$0x10410] =	vst v33  }
0x170: {  	v33 =	vld.idx.msk [tilespmem:v58+s14+$0x0], $0xffff  }
0x171: {  	v59 =	vor.u32 s16, v3;
	_ =	sdelay $0x3  }
0x172: {  	[tilespmem:s9+$0x10420] =	vst v33  }
0x173: {  	v33 =	vld.idx.msk [tilespmem:v59+s14+$0x0], $0xffff;
	_ =	sdelay $0x2  }
0x174: {  	s15 =	spop (v2sf)  }
0x175: {  	s12 =	sand.u32 $0x7F, s12;
	s22 =	sand.u32 $0xFFFFF80, s15  }
0x176: {  	v60 =	vor.u32 s12, v4;
	s16 =	sadd.s32 s1, s22;
	[tilespmem:s9+$0x10430] =	vst v33  }
0x177: {  	[tilespmem:s14], [sflag:$0x1] =	stream.strided.gather [hbm4b:s16+s14], $0x2000, s19, s14, $0x38;
	[tilespmem:$0x18400] =	vst v63  }
0x178: {  	_ =	swait.ge [sflag:s25], $0x2000  }
0x179: {  	[sflag:s25] =	ssyncset.done $0x0  }
0x17a: {  	[sflag:s25] =	ssyncadd.s32 $0xFFFFE000  }
0x17b: {  	v33 =	vld.idx.msk [tilespmem:v60+s14+$0x0], $0xffff  }
0x17c: {  	v61 =	vor.u32 s12, v5;
	_ =	sdelay $0x3  }
0x17d: {  	[tilespmem:s9+$0x10480] =	vst v33  }
0x17e: {  	(v2sf) =	vpush v32, $0x9;
	v33 =	vld.idx.msk [tilespmem:v61+s14+$0x0], $0xffff  }
0x17f: {  	v62 =	vor.u32 s12, v6;
	_ =	sdelay $0x3  }
0x180: {  	[tilespmem:s9+$0x10490] =	vst v33  }
0x181: {  	v33 =	vld.idx.msk [tilespmem:v62+s14+$0x0], $0xffff  }
0x182: {  	v63 =	vor.u32 s12, v7;
	_ =	sdelay $0x3  }
0x183: {  	[tilespmem:s9+$0x104A0] =	vst v33  }
0x184: {  	v33 =	vld.idx.msk [tilespmem:v63+s14+$0x0], $0xffff;
	_ =	sdelay $0x2  }
0x185: {  	s12 =	spop (v2sf)  }
0x186: {  	s16 =	sand.u32 $0x7F, s31;
	s31 =	sand.u32 $0xFFFFF80, s12  }
0x187: {  	s22 =	simm.s32 $0x2400;
	v36 =	vor.u32 s16, v8;
	s31 =	sadd.s32 s1, s31;
	[tilespmem:s9+$0x104B0] =	vst v33  }
0x188: {  	[tilespmem:s22], [sflag:$0x2] =	stream.strided.gather [hbm4b:s31+s14], $0x2000, s19, s14, $0x38;
	[tilespmem:$0x18400] =	vst v63  }
0x189: {  	_ =	swait.ge [sflag:s21], $0x2000  }
0x18a: {  	[sflag:s21] =	ssyncset.done $0x0  }
0x18b: {  	[sflag:s21] =	ssyncadd.s32 $0xFFFFE000  }
0x18c: {  	v33 =	vld.idx.msk [tilespmem:v36+s14+$0x0], $0xffff  }
0x18d: {  	v37 =	vor.u32 s16, v9;
	_ =	sdelay $0x3  }
0x18e: {  	[tilespmem:s9+$0x10500] =	vst v33  }
0x18f: {  	(v2sf) =	vpush v32, $0xA;
	v33 =	vld.idx.msk [tilespmem:v37+s14+$0x0], $0xffff  }
0x190: {  	v38 =	vor.u32 s16, v10;
	_ =	sdelay $0x3  }
0x191: {  	[tilespmem:s9+$0x10510] =	vst v33  }
0x192: {  	v33 =	vld.idx.msk [tilespmem:v38+s14+$0x0], $0xffff  }
0x193: {  	v39 =	vor.u32 s16, v11;
	_ =	sdelay $0x3  }
0x194: {  	[tilespmem:s9+$0x10520] =	vst v33  }
0x195: {  	v33 =	vld.idx.msk [tilespmem:v39+s14+$0x0], $0xffff;
	_ =	sdelay $0x2  }
0x196: {  	s31 =	spop (v2sf)  }
0x197: {  	s2 =	sand.u32 $0x7F, s2;
	s22 =	sand.u32 $0xFFFFF80, s31  }
0x198: {  	v40 =	vor.u32 s2, v12;
	s16 =	sadd.s32 s1, s22;
	s22 =	simm.s32 $0x4400;
	[tilespmem:s9+$0x10530] =	vst v33  }
0x199: {  	[tilespmem:s22], [sflag:$0x3] =	stream.strided.gather [hbm4b:s16+s14], $0x2000, s19, s14, $0x38;
	[tilespmem:$0x18400] =	vst v63  }
0x19a: {  	_ =	swait.ge [sflag:s20], $0x2000  }
0x19b: {  	[sflag:s20] =	ssyncset.done $0x0  }
0x19c: {  	[sflag:s20] =	ssyncadd.s32 $0xFFFFE000  }
0x19d: {  	v33 =	vld.idx.msk [tilespmem:v40+s14+$0x0], $0xffff  }
0x19e: {  	v41 =	vor.u32 s2, v13;
	_ =	sdelay $0x3  }
0x19f: {  	[tilespmem:s9+$0x10580] =	vst v33  }
0x1a0: {  	(v2sf) =	vpush v32, $0xB;
	v33 =	vld.idx.msk [tilespmem:v41+s14+$0x0], $0xffff  }
0x1a1: {  	v42 =	vor.u32 s2, v14;
	_ =	sdelay $0x3  }
0x1a2: {  	[tilespmem:s9+$0x10590] =	vst v33  }
0x1a3: {  	v33 =	vld.idx.msk [tilespmem:v42+s14+$0x0], $0xffff  }
0x1a4: {  	v43 =	vor.u32 s2, v15;
	_ =	sdelay $0x3  }
0x1a5: {  	[tilespmem:s9+$0x105A0] =	vst v33  }
0x1a6: {  	v33 =	vld.idx.msk [tilespmem:v43+s14+$0x0], $0xffff;
	_ =	sdelay $0x2  }
0x1a7: {  	s2 =	spop (v2sf)  }
0x1a8: {  	s10 =	sand.u32 $0x7F, s10;
	s20 =	sand.u32 $0xFFFFF80, s2  }
0x1a9: {  	v44 =	vor.u32 s10, v16;
	s22 =	simm.s32 $0x6400;
	s16 =	sadd.s32 s1, s20;
	[tilespmem:s9+$0x105B0] =	vst v33  }
0x1aa: {  	[tilespmem:s22], [sflag:$0x4] =	stream.strided.gather [hbm4b:s16+s14], $0x2000, s19, s14, $0x38;
	[tilespmem:$0x18400] =	vst v63  }
0x1ab: {  	_ =	swait.ge [sflag:s28], $0x2000  }
0x1ac: {  	[sflag:s28] =	ssyncset.done $0x0  }
0x1ad: {  	[sflag:s28] =	ssyncadd.s32 $0xFFFFE000  }
0x1ae: {  	v33 =	vld.idx.msk [tilespmem:v44+s14+$0x0], $0xffff  }
0x1af: {  	v45 =	vor.u32 s10, v17;
	_ =	sdelay $0x3  }
0x1b0: {  	[tilespmem:s9+$0x10600] =	vst v33  }
0x1b1: {  	(v2sf) =	vpush v32, $0xC;
	v33 =	vld.idx.msk [tilespmem:v45+s14+$0x0], $0xffff  }
0x1b2: {  	v46 =	vor.u32 s10, v18;
	_ =	sdelay $0x3  }
0x1b3: {  	[tilespmem:s9+$0x10610] =	vst v33  }
0x1b4: {  	v33 =	vld.idx.msk [tilespmem:v46+s14+$0x0], $0xffff  }
0x1b5: {  	v47 =	vor.u32 s10, v19;
	_ =	sdelay $0x3  }
0x1b6: {  	[tilespmem:s9+$0x10620] =	vst v33  }
0x1b7: {  	v33 =	vld.idx.msk [tilespmem:v47+s14+$0x0], $0xffff;
	_ =	sdelay $0x2  }
0x1b8: {  	s10 =	spop (v2sf)  }
0x1b9: {  	s8 =	sand.u32 $0x7F, s8;
	s28 =	sand.u32 $0xFFFFF80, s10  }
0x1ba: {  	v48 =	vor.u32 s8, v20;
	s16 =	sadd.s32 s1, s28;
	[tilespmem:s9+$0x10630] =	vst v33  }
0x1bb: {  	[tilespmem:s23], [sflag:$0x5] =	stream.strided.gather [hbm4b:s16+s14], $0x2000, s19, s14, $0x38;
	[tilespmem:$0x18400] =	vst v63  }
0x1bc: {  	_ =	swait.ge [sflag:s26], $0x2000  }
0x1bd: {  	[sflag:s26] =	ssyncset.done $0x0  }
0x1be: {  	[sflag:s26] =	ssyncadd.s32 $0xFFFFE000  }
0x1bf: {  	v33 =	vld.idx.msk [tilespmem:v48+s14+$0x0], $0xffff  }
0x1c0: {  	v49 =	vor.u32 s8, v21;
	_ =	sdelay $0x3  }
0x1c1: {  	[tilespmem:s9+$0x10680] =	vst v33  }
0x1c2: {  	(v2sf) =	vpush v32, $0xD;
	v33 =	vld.idx.msk [tilespmem:v49+s14+$0x0], $0xffff  }
0x1c3: {  	v50 =	vor.u32 s8, v22;
	_ =	sdelay $0x3  }
0x1c4: {  	[tilespmem:s9+$0x10690] =	vst v33  }
0x1c5: {  	v33 =	vld.idx.msk [tilespmem:v50+s14+$0x0], $0xffff  }
0x1c6: {  	v51 =	vor.u32 s8, v23;
	_ =	sdelay $0x3  }
0x1c7: {  	[tilespmem:s9+$0x106A0] =	vst v33  }
0x1c8: {  	v33 =	vld.idx.msk [tilespmem:v51+s14+$0x0], $0xffff;
	_ =	sdelay $0x2  }
0x1c9: {  	s20 =	spop (v2sf)  }
0x1ca: {  	s7 =	sand.u32 $0x7F, s7;
	s22 =	sand.u32 $0xFFFFF80, s20  }
0x1cb: {  	v52 =	vor.u32 s7, v24;
	s23 =	simm.s32 $0x7A1400;
	s16 =	sadd.s32 s1, s22;
	[tilespmem:s9+$0x106B0] =	vst v33  }
0x1cc: {  	[tilespmem:s24], [sflag:$0x6] =	stream.strided.gather [hbm4b:s16+s14], $0x2000, s23, s14, $0x38;
	[tilespmem:$0x18400] =	vst v63  }
0x1cd: {  	_ =	swait.ge [sflag:s29], $0x2000  }
0x1ce: {  	[sflag:s29] =	ssyncset.done $0x0  }
0x1cf: {  	[sflag:s29] =	ssyncadd.s32 $0xFFFFE000  }
0x1d0: {  	v33 =	vld.idx.msk [tilespmem:v52+s14+$0x0], $0xffff  }
0x1d1: {  	v53 =	vor.u32 s7, v25;
	_ =	sdelay $0x3  }
0x1d2: {  	[tilespmem:s9+$0x10700] =	vst v33  }
0x1d3: {  	(v2sf) =	vpush v32, $0xE;
	v33 =	vld.idx.msk [tilespmem:v53+s14+$0x0], $0xffff  }
0x1d4: {  	v54 =	vor.u32 s7, v26;
	_ =	sdelay $0x3  }
0x1d5: {  	[tilespmem:s9+$0x10710] =	vst v33  }
0x1d6: {  	v33 =	vld.idx.msk [tilespmem:v54+s14+$0x0], $0xffff  }
0x1d7: {  	v55 =	vor.u32 s7, v27;
	_ =	sdelay $0x3  }
0x1d8: {  	[tilespmem:s9+$0x10720] =	vst v33  }
0x1d9: {  	v33 =	vld.idx.msk [tilespmem:v55+s14+$0x0], $0xffff;
	_ =	sdelay $0x2  }
0x1da: {  	s26 =	spop (v2sf)  }
0x1db: {  	s6 =	sand.u32 $0x7F, s6;
	s28 =	sand.u32 $0xFFFFF80, s26  }
0x1dc: {  	v56 =	vor.u32 s6, v28;
	s16 =	sadd.s32 s1, s28;
	[tilespmem:s9+$0x10730] =	vst v33  }
0x1dd: {  	[tilespmem:s13], [sflag:$0x7] =	stream.strided.gather [hbm4b:s16+s14], $0x2000, s23, s14, $0x38;
	[tilespmem:$0x18400] =	vst v63  }
0x1de: {  	_ =	swait.ge [sflag:s30], $0x2000  }
0x1df: {  	[sflag:s30] =	ssyncset.done $0x0  }
0x1e0: {  	[sflag:s30] =	ssyncadd.s32 $0xFFFFE000  }
0x1e1: {  	v33 =	vld.idx.msk [tilespmem:v56+s14+$0x0], $0xffff  }
0x1e2: {  	v57 =	vor.u32 s6, v29;
	_ =	sdelay $0x3  }
0x1e3: {  	[tilespmem:s9+$0x10780] =	vst v33  }
0x1e4: {  	(v2sf) =	vpush v32, $0xF;
	v33 =	vld.idx.msk [tilespmem:v57+s14+$0x0], $0xffff  }
0x1e5: {  	v58 =	vor.u32 s6, v30;
	_ =	sdelay $0x3  }
0x1e6: {  	[tilespmem:s9+$0x10790] =	vst v33  }
0x1e7: {  	v32 =	vld.idx.msk [tilespmem:v58+s14+$0x0], $0xffff  }
0x1e8: {  	v59 =	vor.u32 s6, v31;
	_ =	sdelay $0x3  }
0x1e9: {  	[tilespmem:s9+$0x107A0] =	vst v32  }
0x1ea: {  	v32 =	vld.idx.msk [tilespmem:v59+s14+$0x0], $0xffff;
	_ =	sdelay $0x2  }
0x1eb: {  	s29 =	spop (v2sf)  }
0x1ec: {  	s15 =	sand.u32 $0x7F, s15;
	s30 =	sand.u32 $0xFFFFF80, s29  }
0x1ed: {  	v60 =	vor.u32 s15, v0;
	s16 =	sadd.s32 s1, s30;
	[tilespmem:s9+$0x107B0] =	vst v32  }
0x1ee: {  	[tilespmem:s18], [sflag:$0x8] =	stream.strided.gather [hbm4b:s16+s14], $0x2000, s23, s14, $0x38;
	[tilespmem:$0x18400] =	vst v63  }
0x1ef: {  	_ =	swait.ge [sflag:s17], $0x2000  }
0x1f0: {  	[sflag:s17] =	ssyncset.done $0x0  }
0x1f1: {  	[sflag:s17] =	ssyncadd.s32 $0xFFFFE000  }
0x1f2: {  	v32 =	vld.idx.msk [tilespmem:v60+s14+$0x0], $0xffff  }
0x1f3: {  	v61 =	vor.u32 s15, v1;
	_ =	sdelay $0x3  }
0x1f4: {  	[tilespmem:s9+$0x10800] =	vst v32  }
0x1f5: {  	v32 =	vld.idx.msk [tilespmem:v61+s14+$0x0], $0xffff  }
0x1f6: {  	v62 =	vor.u32 s15, v2;
	_ =	sdelay $0x3  }
0x1f7: {  	[tilespmem:s9+$0x10810] =	vst v32  }
0x1f8: {  	v32 =	vld.idx.msk [tilespmem:v62+s14+$0x0], $0xffff  }
0x1f9: {  	v63 =	vor.u32 s15, v3;
	_ =	sdelay $0x3  }
0x1fa: {  	s11 =	sadd.s32 $0x800, s11;
	[tilespmem:s9+$0x10820] =	vst v32  }
0x1fb: {  	p0 =	sne.s32 s11, $0x17F80;
	v32 =	vld.idx.msk [tilespmem:v63+s14+$0x0], $0xffff  }
.Ltmp0:
0x1fc: {  	_ = 	snop;
	(pc) =	sbr.rel @p0 .LBB2_2-.Ltmp0, $4  }
0x1fd: {  	_ = 	snop  }
0x1fe: {  	s5 =	sadd.s32 $0x10, s5;
	s31 =	sand.u32 $0x7F, s31;
	s15 =	sand.u32 $0x7F, s2  }
0x1ff: {  	s2 =	sand.u32 $0x7F, s12;
	s10 =	sand.u32 $0x7F, s10;
	s8 =	sand.u32 $0x7F, s20  }
0x200: {  	s7 =	sand.u32 $0x7F, s26;
	s13 =	smov.u32 s1;
	s6 =	sand.u32 $0x7F, s29;
	[tilespmem:s9+$0x10830] =	vst v32  }
0x201: {  	v32 =	vor.u32 s2, v4;
	_ =	sdelay $0x1  }
0x202: {  	_ =	swait.ge [sflag:s25], $0x2000  }
0x203: {  	[sflag:s25] =	ssyncset.done $0x0  }
0x204: {  	[sflag:s25] =	ssyncadd.s32 $0xFFFFE000  }
0x205: {  	v32 =	vld.idx.msk [tilespmem:v32+s14+$0x0], $0xffff  }
0x206: {  	v33 =	vor.u32 s2, v5;
	_ =	sdelay $0x3  }
0x207: {  	[tilespmem:$0x18080] =	vst v32  }
0x208: {  	v32 =	vld.idx.msk [tilespmem:v33+s14+$0x0], $0xffff  }
0x209: {  	v59 =	vor.u32 s2, v6;
	_ =	sdelay $0x3  }
0x20a: {  	[tilespmem:$0x18090] =	vst v32  }
0x20b: {  	v32 =	vld.idx.msk [tilespmem:v59+s14+$0x0], $0xffff  }
0x20c: {  	v60 =	vor.u32 s2, v7;
	_ =	sdelay $0x3  }
0x20d: {  	[tilespmem:$0x180A0] =	vst v32  }
0x20e: {  	v32 =	vld.idx.msk [tilespmem:v60+s14+$0x0], $0xffff;
	_ =	sdelay $0x3  }
0x20f: {  	v61 =	vor.u32 s31, v8  }
0x210: {  	[tilespmem:$0x180B0] =	vst v32  }
0x211: {  	_ =	swait.ge [sflag:s21], $0x2000  }
0x212: {  	[sflag:s21] =	ssyncset.done $0x0  }
0x213: {  	[sflag:s21] =	ssyncadd.s32 $0xFFFFE000  }
0x214: {  	v62 =	vld.idx.msk [tilespmem:v61+s14+$0x0], $0xffff  }
0x215: {  	v63 =	vor.u32 s31, v9;
	_ =	sdelay $0x3  }
0x216: {  	[tilespmem:$0x18100] =	vst v62  }
0x217: {  	v32 =	vld.idx.msk [tilespmem:v63+s14+$0x0], $0xffff  }
0x218: {  	v36 =	vor.u32 s31, v10;
	_ =	sdelay $0x3  }
0x219: {  	[tilespmem:$0x18110] =	vst v32  }
0x21a: {  	v32 =	vld.idx.msk [tilespmem:v36+s14+$0x0], $0xffff  }
0x21b: {  	v37 =	vor.u32 s31, v11;
	_ =	sdelay $0x3  }
0x21c: {  	[tilespmem:$0x18120] =	vst v32  }
0x21d: {  	v32 =	vld.idx.msk [tilespmem:v37+s14+$0x0], $0xffff;
	_ =	sdelay $0x3  }
0x21e: {  	v38 =	vor.u32 s15, v12  }
0x21f: {  	s1 =	simm.s32 $0x4;
	[tilespmem:$0x18130] =	vst v32  }
0x220: {  	_ =	swait.ge [sflag:s1], $0x2000  }
0x221: {  	[sflag:s1] =	ssyncset.done $0x0  }
0x222: {  	[sflag:s1] =	ssyncadd.s32 $0xFFFFE000  }
0x223: {  	v39 =	vld.idx.msk [tilespmem:v38+s14+$0x0], $0xffff  }
0x224: {  	v40 =	vor.u32 s15, v13;
	_ =	sdelay $0x3  }
0x225: {  	[tilespmem:$0x18180] =	vst v39  }
0x226: {  	v32 =	vld.idx.msk [tilespmem:v40+s14+$0x0], $0xffff  }
0x227: {  	v41 =	vor.u32 s15, v14;
	_ =	sdelay $0x3  }
0x228: {  	[tilespmem:$0x18190] =	vst v32  }
0x229: {  	v32 =	vld.idx.msk [tilespmem:v41+s14+$0x0], $0xffff  }
0x22a: {  	v42 =	vor.u32 s15, v15;
	_ =	sdelay $0x3  }
0x22b: {  	[tilespmem:$0x181A0] =	vst v32  }
0x22c: {  	v32 =	vld.idx.msk [tilespmem:v42+s14+$0x0], $0xffff;
	_ =	sdelay $0x3  }
0x22d: {  	v43 =	vor.u32 s10, v16  }
0x22e: {  	s21 =	simm.s32 $0x5;
	[tilespmem:$0x181B0] =	vst v32  }
0x22f: {  	_ =	swait.ge [sflag:s21], $0x2000  }
0x230: {  	[sflag:s21] =	ssyncset.done $0x0  }
0x231: {  	[sflag:s21] =	ssyncadd.s32 $0xFFFFE000  }
0x232: {  	v44 =	vld.idx.msk [tilespmem:v43+s14+$0x0], $0xffff  }
0x233: {  	v45 =	vor.u32 s10, v17;
	_ =	sdelay $0x3  }
0x234: {  	[tilespmem:$0x18200] =	vst v44  }
0x235: {  	v32 =	vld.idx.msk [tilespmem:v45+s14+$0x0], $0xffff  }
0x236: {  	v46 =	vor.u32 s10, v18;
	_ =	sdelay $0x3  }
0x237: {  	[tilespmem:$0x18210] =	vst v32  }
0x238: {  	v32 =	vld.idx.msk [tilespmem:v46+s14+$0x0], $0xffff  }
0x239: {  	v47 =	vor.u32 s10, v19;
	_ =	sdelay $0x3  }
0x23a: {  	[tilespmem:$0x18220] =	vst v32  }
0x23b: {  	v32 =	vld.idx.msk [tilespmem:v47+s14+$0x0], $0xffff;
	_ =	sdelay $0x3  }
0x23c: {  	v48 =	vor.u32 s8, v20  }
0x23d: {  	s22 =	simm.s32 $0x6;
	[tilespmem:$0x18230] =	vst v32  }
0x23e: {  	_ =	swait.ge [sflag:s22], $0x2000  }
0x23f: {  	[sflag:s22] =	ssyncset.done $0x0  }
0x240: {  	[sflag:s22] =	ssyncadd.s32 $0xFFFFE000  }
0x241: {  	v49 =	vld.idx.msk [tilespmem:v48+s14+$0x0], $0xffff  }
0x242: {  	v50 =	vor.u32 s8, v21;
	_ =	sdelay $0x3  }
0x243: {  	[tilespmem:$0x18280] =	vst v49  }
0x244: {  	v32 =	vld.idx.msk [tilespmem:v50+s14+$0x0], $0xffff  }
0x245: {  	v51 =	vor.u32 s8, v22;
	_ =	sdelay $0x3  }
0x246: {  	[tilespmem:$0x18290] =	vst v32  }
0x247: {  	v32 =	vld.idx.msk [tilespmem:v51+s14+$0x0], $0xffff  }
0x248: {  	v52 =	vor.u32 s8, v23;
	_ =	sdelay $0x3  }
0x249: {  	[tilespmem:$0x182A0] =	vst v32  }
0x24a: {  	v32 =	vld.idx.msk [tilespmem:v52+s14+$0x0], $0xffff;
	_ =	sdelay $0x3  }
0x24b: {  	v53 =	vor.u32 s7, v24  }
0x24c: {  	s23 =	simm.s32 $0x7;
	[tilespmem:$0x182B0] =	vst v32  }
0x24d: {  	_ =	swait.ge [sflag:s23], $0x2000  }
0x24e: {  	[sflag:s23] =	ssyncset.done $0x0  }
0x24f: {  	[sflag:s23] =	ssyncadd.s32 $0xFFFFE000  }
0x250: {  	v54 =	vld.idx.msk [tilespmem:v53+s14+$0x0], $0xffff  }
0x251: {  	v55 =	vor.u32 s7, v25;
	_ =	sdelay $0x3  }
0x252: {  	[tilespmem:$0x18300] =	vst v54  }
0x253: {  	v32 =	vld.idx.msk [tilespmem:v55+s14+$0x0], $0xffff  }
0x254: {  	v56 =	vor.u32 s7, v26;
	_ =	sdelay $0x3  }
0x255: {  	[tilespmem:$0x18310] =	vst v32  }
0x256: {  	v32 =	vld.idx.msk [tilespmem:v56+s14+$0x0], $0xffff  }
0x257: {  	v57 =	vor.u32 s7, v27;
	_ =	sdelay $0x3  }
0x258: {  	[tilespmem:$0x18320] =	vst v32  }
0x259: {  	v32 =	vld.idx.msk [tilespmem:v57+s14+$0x0], $0xffff;
	_ =	sdelay $0x3  }
0x25a: {  	v58 =	vor.u32 s6, v28  }
0x25b: {  	s24 =	simm.s32 $0x8;
	[tilespmem:$0x18330] =	vst v32  }
0x25c: {  	_ =	swait.ge [sflag:s24], $0x2000  }
0x25d: {  	[sflag:s24] =	ssyncset.done $0x0  }
0x25e: {  	[sflag:s24] =	ssyncadd.s32 $0xFFFFE000  }
0x25f: {  	v59 =	vld.idx.msk [tilespmem:v58+s14+$0x0], $0xffff  }
0x260: {  	v60 =	vor.u32 s6, v29;
	_ =	sdelay $0x3  }
0x261: {  	[tilespmem:$0x18380] =	vst v59  }
0x262: {  	v32 =	vld.idx.msk [tilespmem:v60+s14+$0x0], $0xffff  }
0x263: {  	v61 =	vor.u32 s6, v30;
	_ =	sdelay $0x3  }
0x264: {  	[tilespmem:$0x18390] =	vst v32  }
0x265: {  	v32 =	vld.idx.msk [tilespmem:v61+s14+$0x0], $0xffff  }
0x266: {  	v62 =	vor.u32 s6, v31;
	_ =	sdelay $0x3  }
0x267: {  	[tilespmem:$0x183A0] =	vst v32  }
0x268: {  	v32 =	vld.idx.msk [tilespmem:v62+s14+$0x0], $0xffff;
	_ =	sdelay $0x3  }
0x269: {  	s26 =	simm.s32 $0x10400  }
0x26a: {  	s31 =	simm.s32 $0xA;
	s25 =	simm.s32 $0x0;
	s5 =	rddreg [dreg:$0x8];
	[tilespmem:$0x183B0] =	vst v32  }
0x26b: {  	[hbm4b:s5+s25] =	stream.linear.scatter [tilespmem:s26], [sflag:$0xA], $0x8000, $0x38;
	[tilespmem:$0x18400] =	vst v63  }
0x26c: {  	_ =	swait.ge [sflag:s31], $0x8000  }
0x26d: {  	[sflag:s31] =	ssyncset.done $0x0  }
0x26e: {  	s6 =	simm.s32 $0x200;
	[sflag:s31] =	ssyncadd.s32 $0xFFFF8000  }
0x26f: {  	v63 =	vld [tilespmem:s6+$0x0];
	_ =	sdelay $0x4  }
0x270: {  	v32 =	vshll.u32 v63, $0x4  }
0x271: {  	(v2sf) =	vpush v32, $0x0  }
0x272: {  	(v2sf) =	vpush v32, $0x1  }
0x273: {  	(v2sf) =	vpush v32, $0x2;
	_ =	sdelay $0x1  }
0x274: {  	(v2sf) =	vpush v32, $0x4;
	_ =	sdelay $0x1  }
0x275: {  	s7 =	simm.s32 $0x2000;
	(v2sf) =	vpush v32, $0x3  }
0x276: {  	s28 =	simm.s32 $0x6;
	s29 =	simm.s32 $0x7;
	s30 =	simm.s32 $0x8;
	(v2sf) =	vpush v32, $0x5  }
0x277: {  	s5 =	simm.s32 $0x0;
	s25 =	simm.s32 $0x4;
	s26 =	simm.s32 $0x5;
	(v2sf) =	vpush v32, $0x6  }
.LBB2_4:
0x278: {  	p0 =	sne.s32 s7, $0x1E000  }
0x279: {  	s17 =	sadd.s32 $0x10480, s5;
	s10 =	sadd.s32 $0x10980, s5;
	s2 =	smov.u32 s7  }
0x27a: {  	s7 =	sadd.s32 $0x2000, s7;
	s15 =	sadd.s32 $0x10780, s5;
	s8 =	sadd.s32 $0x10A00, s5;
	(v2sf) =	vpush v32, $0x7  }
0x27b: {  	s16 =	sadd.s32 $0x10680, s5;
	s12 =	sadd.s32 $0x10800, s5;
	s9 =	sadd.s32 $0x10A80, s5  }
0x27c: {  	s18 =	sadd.s32 $0x10400, s5;
	s19 =	sadd.s32 $0x10600, s5;
	(v2sf) =	vpush v32, $0x8  }
0x27d: {  	s20 =	sadd.s32 $0x10700, s5;
	s6 =	sadd.s32 $0x10, s6  }
0x27e: {  	s21 =	sadd.s32 $0x10500, s5;
	s11 =	sadd.s32 $0x10900, s5;
	s31 =	spop (v2sf);
	(v2sf) =	vpush v32, $0x9  }
0x27f: {  	s22 =	sand.u32 $0x1FFFFFF0, s31;
	s31 =	sadd.s32 $0x10880, s5;
	s23 =	spop (v2sf)  }
0x280: {  	s22 =	sadd.s32 s4, s22;
	s23 =	sand.u32 $0x1FFFFFF0, s23;
	s24 =	spop (v2sf);
	(v2sf) =	vpush v32, $0xA  }
0x281: {  	[tilespmem:s18], [sflag:$0x9] =	stream.linear.gather [hbm4b:s22+s3], $0x80, $0x38;
	[tilespmem:$0x18400] =	vst v63  }
0x282: {  	s18 =	sadd.s32 s4, s23;
	s22 =	sadd.s32 $0x10580, s5;
	s23 =	spop (v2sf);
	(v2sf) =	vpush v32, $0xB  }
0x283: {  	[tilespmem:s17], [sflag:$0x9] =	stream.linear.gather [hbm4b:s18+s3], $0x80, $0x38;
	[tilespmem:$0x18400] =	vst v63  }
0x284: {  	s17 =	sand.u32 $0x1FFFFFF0, s24;
	s18 =	sand.u32 $0x1FFFFFF0, s23;
	s23 =	spop (v2sf);
	(v2sf) =	vpush v32, $0xC  }
0x285: {  	s17 =	sadd.s32 s4, s17;
	s23 =	sand.u32 $0x1FFFFFF0, s23;
	s24 =	spop (v2sf)  }
0x286: {  	[tilespmem:s21], [sflag:$0x9] =	stream.linear.gather [hbm4b:s17+s3], $0x80, $0x38;
	(v2sf) =	vpush v32, $0xD;
	[tilespmem:$0x18400] =	vst v63  }
0x287: {  	s17 =	sadd.s32 s4, s23;
	s21 =	sand.u32 $0x1FFFFFF0, s24;
	s23 =	spop (v2sf)  }
0x288: {  	[tilespmem:s22], [sflag:$0x9] =	stream.linear.gather [hbm4b:s17+s3], $0x80, $0x38;
	(v2sf) =	vpush v32, $0xE;
	[tilespmem:$0x18400] =	vst v63  }
0x289: {  	s17 =	sadd.s32 s4, s18;
	s18 =	sand.u32 $0x1FFFFFF0, s23;
	s22 =	spop (v2sf)  }
0x28a: {  	[tilespmem:s19], [sflag:$0x9] =	stream.linear.gather [hbm4b:s17+s3], $0x80, $0x38;
	(v2sf) =	vpush v32, $0xF;
	[tilespmem:$0x18400] =	vst v63  }
0x28b: {  	s17 =	sadd.s32 s4, s21;
	s19 =	sand.u32 $0x1FFFFFF0, s22;
	s21 =	spop (v2sf)  }
0x28c: {  	[tilespmem:s16], [sflag:$0x9] =	stream.linear.gather [hbm4b:s17+s3], $0x80, $0x38;
	[tilespmem:$0x18400] =	vst v63  }
0x28d: {  	s16 =	sadd.s32 s4, s18;
	s17 =	sand.u32 $0x1FFFFFF0, s21;
	s18 =	spop (v2sf)  }
0x28e: {  	[tilespmem:s20], [sflag:$0x9] =	stream.linear.gather [hbm4b:s16+s3], $0x80, $0x38;
	[tilespmem:$0x18400] =	vst v63  }
0x28f: {  	s16 =	sadd.s32 s4, s19;
	s18 =	sand.u32 $0x1FFFFFF0, s18;
	s19 =	spop (v2sf)  }
0x290: {  	[tilespmem:s15], [sflag:$0x9] =	stream.linear.gather [hbm4b:s16+s3], $0x80, $0x38;
	[tilespmem:$0x18400] =	vst v63  }
0x291: {  	s15 =	sadd.s32 s4, s17;
	s16 =	sand.u32 $0x1FFFFFF0, s19;
	s17 =	spop (v2sf)  }
0x292: {  	[tilespmem:s12], [sflag:$0x9] =	stream.linear.gather [hbm4b:s15+s3], $0x80, $0x38;
	[tilespmem:$0x18400] =	vst v63  }
0x293: {  	s12 =	sadd.s32 s4, s18;
	s15 =	sand.u32 $0x1FFFFFF0, s17;
	s17 =	spop (v2sf)  }
0x294: {  	[tilespmem:s31], [sflag:$0x9] =	stream.linear.gather [hbm4b:s12+s3], $0x80, $0x38;
	[tilespmem:$0x18400] =	vst v63  }
0x295: {  	s12 =	sadd.s32 s4, s16;
	s16 =	sand.u32 $0x1FFFFFF0, s17;
	s17 =	spop (v2sf)  }
0x296: {  	[tilespmem:s11], [sflag:$0x9] =	stream.linear.gather [hbm4b:s12+s3], $0x80, $0x38;
	[tilespmem:$0x18400] =	vst v63  }
0x297: {  	s11 =	sadd.s32 s4, s15;
	s12 =	sand.u32 $0x1FFFFFF0, s17;
	s15 =	spop (v2sf)  }
0x298: {  	[tilespmem:s10], [sflag:$0x9] =	stream.linear.gather [hbm4b:s11+s3], $0x80, $0x38;
	[tilespmem:$0x18400] =	vst v63  }
0x299: {  	s10 =	sadd.s32 s4, s16;
	s11 =	sand.u32 $0x1FFFFFF0, s15;
	s15 =	spop (v2sf)  }
0x29a: {  	[tilespmem:s8], [sflag:$0x9] =	stream.linear.gather [hbm4b:s10+s3], $0x80, $0x38;
	[tilespmem:$0x18400] =	vst v63  }
0x29b: {  	s8 =	sadd.s32 s4, s12;
	s10 =	sand.u32 $0x1FFFFFF0, s15  }
0x29c: {  	[tilespmem:s9], [sflag:$0x9] =	stream.linear.gather [hbm4b:s8+s3], $0x80, $0x38;
	[tilespmem:$0x18400] =	vst v63  }
0x29d: {  	s8 =	sadd.s32 $0x10B00, s5;
	s9 =	sadd.s32 s4, s11  }
0x29e: {  	[tilespmem:s8], [sflag:$0x9] =	stream.linear.gather [hbm4b:s9+s3], $0x80, $0x38;
	[tilespmem:$0x18400] =	vst v63  }
0x29f: {  	s5 =	sadd.s32 $0x10B80, s5;
	s8 =	sadd.s32 s4, s10  }
0x2a0: {  	[tilespmem:s5], [sflag:$0x9] =	stream.linear.gather [hbm4b:s8+s3], $0x80, $0x38;
	[tilespmem:$0x18400] =	vst v63  }
0x2a1: {  	v32 =	vld [tilespmem:s6+$0x0];
	_ =	sdelay $0x4  }
0x2a2: {  	v32 =	vshll.u32 v32, $0x4  }
0x2a3: {  	(v2sf) =	vpush v32, $0x0  }
0x2a4: {  	(v2sf) =	vpush v32, $0x1  }
0x2a5: {  	(v2sf) =	vpush v32, $0x2;
	_ =	sdelay $0x1  }
0x2a6: {  	(v2sf) =	vpush v32, $0x4  }
.Ltmp1:
0x2a7: {  	(pc) =	sbr.rel @p0 .LBB2_4-.Ltmp1, $3  }
0x2a8: {  	(v2sf) =	vpush v32, $0x3  }
0x2a9: {  	(v2sf) =	vpush v32, $0x5;
	_ =	sdelay $0x1  }
0x2aa: {  	s5 =	sshra.s32 s2, $0x2;
	(v2sf) =	vpush v32, $0x6  }
0x2ab: {  	_ =	sdelay $0x1  }
0x2ac: {  	s8 =	sadd.s32 $0x10480, s5;
	s7 =	sadd.s32 $0x10980, s5  }
0x2ad: {  	s9 =	sadd.s32 $0x10780, s5;
	s2 =	sadd.s32 $0x10A00, s5;
	(v2sf) =	vpush v32, $0x7;
	s10 =	sadd.s32 $0x10680, s5  }
0x2ae: {  	s11 =	sadd.s32 $0x10800, s5;
	s6 =	sadd.s32 $0x10A80, s5;
	s12 =	sadd.s32 $0x10400, s5  }
0x2af: {  	s15 =	sadd.s32 $0x10600, s5;
	s16 =	sadd.s32 $0x10700, s5;
	(v2sf) =	vpush v32, $0x8;
	s17 =	spop (v2sf)  }
0x2b0: {  	s18 =	sadd.s32 $0x10500, s5;
	s17 =	sand.u32 $0x1FFFFFF0, s17;
	s19 =	spop (v2sf)  }
0x2b1: {  	(v2sf) =	vpush v32, $0x9;
	s17 =	sadd.s32 s4, s17;
	s19 =	sand.u32 $0x1FFFFFF0, s19;
	s20 =	spop (v2sf)  }
0x2b2: {  	[tilespmem:s12], [sflag:$0x9] =	stream.linear.gather [hbm4b:s17+s3], $0x80, $0x38;
	[tilespmem:$0x18400] =	vst v63  }
0x2b3: {  	s21 =	sadd.s32 $0x10580, s5;
	(v2sf) =	vpush v32, $0xA;
	s23 =	sadd.s32 s4, s19;
	s24 =	spop (v2sf)  }
0x2b4: {  	[tilespmem:s8], [sflag:$0x9] =	stream.linear.gather [hbm4b:s23+s3], $0x80, $0x38;
	[tilespmem:$0x18400] =	vst v63  }
0x2b5: {  	s12 =	sadd.s32 $0x10900, s5;
	s31 =	sand.u32 $0x1FFFFFF0, s20;
	(v2sf) =	vpush v32, $0xB;
	s1 =	spop (v2sf)  }
0x2b6: {  	s17 =	sadd.s32 s4, s31;
	s8 =	sadd.s32 $0x10880, s5;
	s20 =	sand.u32 $0x1FFFFFF0, s1  }
0x2b7: {  	(v2sf) =	vpush v32, $0xC;
	[tilespmem:s18], [sflag:$0x9] =	stream.linear.gather [hbm4b:s17+s3], $0x80, $0x38;
	[tilespmem:$0x18400] =	vst v63  }
0x2b8: {  	s22 =	sand.u32 $0x1FFFFFF0, s24;
	s23 =	spop (v2sf);
	s24 =	sadd.s32 s4, s20  }
0x2b9: {  	(v2sf) =	vpush v32, $0xD;
	[tilespmem:s21], [sflag:$0x9] =	stream.linear.gather [hbm4b:s24+s3], $0x80, $0x38;
	[tilespmem:$0x18400] =	vst v63  }
0x2ba: {  	s17 =	sadd.s32 s4, s22;
	s18 =	sand.u32 $0x1FFFFFF0, s23;
	s31 =	spop (v2sf)  }
0x2bb: {  	(v2sf) =	vpush v32, $0xE;
	[tilespmem:s15], [sflag:$0x9] =	stream.linear.gather [hbm4b:s17+s3], $0x80, $0x38;
	[tilespmem:$0x18400] =	vst v63  }
0x2bc: {  	s18 =	sadd.s32 s4, s18;
	s1 =	sand.u32 $0x1FFFFFF0, s31;
	s19 =	spop (v2sf)  }
0x2bd: {  	(v2sf) =	vpush v32, $0xF;
	[tilespmem:s10], [sflag:$0x9] =	stream.linear.gather [hbm4b:s18+s3], $0x80, $0x38;
	[tilespmem:$0x18400] =	vst v63  }
0x2be: {  	s20 =	sand.u32 $0x1FFFFFF0, s19;
	s21 =	spop (v2sf);
	s15 =	sadd.s32 s4, s1  }
0x2bf: {  	[tilespmem:s16], [sflag:$0x9] =	stream.linear.gather [hbm4b:s15+s3], $0x80, $0x38;
	[tilespmem:$0x18400] =	vst v63  }
0x2c0: {  	s22 =	sand.u32 $0x1FFFFFF0, s21;
	s10 =	sadd.s32 s4, s20;
	s23 =	spop (v2sf)  }
0x2c1: {  	[tilespmem:s9], [sflag:$0x9] =	stream.linear.gather [hbm4b:s10+s3], $0x80, $0x38;
	[tilespmem:$0x18400] =	vst v63  }
0x2c2: {  	s15 =	sadd.s32 s4, s22;
	s24 =	sand.u32 $0x1FFFFFF0, s23;
	s31 =	spop (v2sf)  }
0x2c3: {  	[tilespmem:s11], [sflag:$0x9] =	stream.linear.gather [hbm4b:s15+s3], $0x80, $0x38;
	[tilespmem:$0x18400] =	vst v63  }
0x2c4: {  	s10 =	sand.u32 $0x1FFFFFF0, s31;
	s9 =	sadd.s32 s4, s24;
	s1 =	spop (v2sf)  }
0x2c5: {  	[tilespmem:s8], [sflag:$0x9] =	stream.linear.gather [hbm4b:s9+s3], $0x80, $0x38;
	[tilespmem:$0x18400] =	vst v63  }
0x2c6: {  	s10 =	sadd.s32 s4, s10;
	s15 =	sand.u32 $0x1FFFFFF0, s1;
	s16 =	spop (v2sf)  }
0x2c7: {  	[tilespmem:s12], [sflag:$0x9] =	stream.linear.gather [hbm4b:s10+s3], $0x80, $0x38;
	[tilespmem:$0x18400] =	vst v63  }
0x2c8: {  	s8 =	sadd.s32 s4, s15;
	s9 =	sand.u32 $0x1FFFFFF0, s16;
	s17 =	spop (v2sf)  }
0x2c9: {  	[tilespmem:s7], [sflag:$0x9] =	stream.linear.gather [hbm4b:s8+s3], $0x80, $0x38;
	[tilespmem:$0x18400] =	vst v63  }
0x2ca: {  	s18 =	sand.u32 $0x1FFFFFF0, s17;
	s9 =	sadd.s32 s4, s9;
	s19 =	spop (v2sf)  }
0x2cb: {  	[tilespmem:s2], [sflag:$0x9] =	stream.linear.gather [hbm4b:s9+s3], $0x80, $0x38;
	[tilespmem:$0x18400] =	vst v63  }
0x2cc: {  	s20 =	sand.u32 $0x1FFFFFF0, s19;
	s21 =	spop (v2sf);
	s7 =	sadd.s32 s4, s18  }
0x2cd: {  	[tilespmem:s6], [sflag:$0x9] =	stream.linear.gather [hbm4b:s7+s3], $0x80, $0x38;
	[tilespmem:$0x18400] =	vst v63  }
0x2ce: {  	s23 =	sadd.s32 $0x10B00, s5;
	s22 =	sand.u32 $0x1FFFFFF0, s21;
	s2 =	sadd.s32 s4, s20  }
0x2cf: {  	[tilespmem:s23], [sflag:$0x9] =	stream.linear.gather [hbm4b:s2+s3], $0x80, $0x38;
	[tilespmem:$0x18400] =	vst v63  }
0x2d0: {  	s24 =	sadd.s32 $0x10B80, s5;
	s31 =	sadd.s32 s4, s22  }
0x2d1: {  	[tilespmem:s24], [sflag:$0x9] =	stream.linear.gather [hbm4b:s31+s3], $0x80, $0x38;
	[tilespmem:$0x18400] =	vst v63  }
0x2d2: {  	_ =	swait.ge [sflag:s0], $0x80  }
0x2d3: {  	s2 =	simm.s32 $0xFF;
	[sflag:s0] =	ssyncset.done $0x0  }
.LBB2_6:
0x2d4: {  	p0 =	sne.s32 s2, $0x1;
	s2 =	sadd.s32 $0xFFFFFFFF, s2;
	[sflag:s0] =	ssyncadd.s32 $0xFFFFFF80  }
.Ltmp2:
0x2d5: {  	(pc) =	sbr.rel @p0 .LBB2_6-.Ltmp2, $3  }
0x2d6: {  	_ =	sdelay $0x1  }
0x2d7: {  	_ =	swait.ge [sflag:s0], $0x80  }
0x2d8: {  	[sflag:s0] =	ssyncset.done $0x0  }
0x2d9: {  	[sflag:s0] =	ssyncadd.s32 $0xFFFFFF80;
	s2 =	simm.s32 $0x0  }
0x2da: {  	s5 =	rddreg [dreg:$0x9];
	s6 =	simm.s32 $0x10400;
	s31 =	simm.s32 $0xA  }
0x2db: {  	[hbm4b:s5+s2] =	stream.linear.scatter [tilespmem:s6], [sflag:$0xA], $0x8000, $0x38;
	[tilespmem:$0x18400] =	vst v63  }
0x2dc: {  	_ =	swait.ge [sflag:s31], $0x8000  }
0x2dd: {  	[sflag:s31] =	ssyncset.done $0x0  }
0x2de: {  	s6 =	simm.s32 $0x300;
	[sflag:s31] =	ssyncadd.s32 $0xFFFF8000  }
0x2df: {  	v32 =	vld [tilespmem:s6+$0x0];
	_ =	sdelay $0x4  }
0x2e0: {  	v32 =	vshll.u32 v32, $0x4  }
0x2e1: {  	(v2sf) =	vpush v32, $0x0  }
0x2e2: {  	(v2sf) =	vpush v32, $0x1  }
0x2e3: {  	(v2sf) =	vpush v32, $0x2;
	_ =	sdelay $0x1  }
0x2e4: {  	(v2sf) =	vpush v32, $0x4;
	_ =	sdelay $0x1  }
0x2e5: {  	(v2sf) =	vpush v32, $0x3  }
0x2e6: {  	(v2sf) =	vpush v32, $0x5  }
0x2e7: {  	s7 =	simm.s32 $0x2000;
	s5 =	simm.s32 $0x0;
	(v2sf) =	vpush v32, $0x6  }
.LBB2_8:
0x2e8: {  	p0 =	sne.s32 s7, $0x1E000  }
0x2e9: {  	s17 =	sadd.s32 $0x10480, s5;
	s10 =	sadd.s32 $0x10980, s5;
	s2 =	smov.u32 s7  }
0x2ea: {  	s7 =	sadd.s32 $0x2000, s7;
	s15 =	sadd.s32 $0x10780, s5;
	s8 =	sadd.s32 $0x10A00, s5;
	(v2sf) =	vpush v32, $0x7  }
0x2eb: {  	s16 =	sadd.s32 $0x10680, s5;
	s12 =	sadd.s32 $0x10800, s5;
	s9 =	sadd.s32 $0x10A80, s5  }
0x2ec: {  	s18 =	sadd.s32 $0x10400, s5;
	s19 =	sadd.s32 $0x10600, s5;
	(v2sf) =	vpush v32, $0x8  }
0x2ed: {  	s20 =	sadd.s32 $0x10700, s5;
	s6 =	sadd.s32 $0x10, s6  }
0x2ee: {  	s21 =	sadd.s32 $0x10500, s5;
	s11 =	sadd.s32 $0x10900, s5;
	s22 =	spop (v2sf);
	(v2sf) =	vpush v32, $0x9  }
0x2ef: {  	s31 =	sadd.s32 $0x10880, s5;
	s22 =	sand.u32 $0x1FFFFFF0, s22;
	s23 =	spop (v2sf)  }
0x2f0: {  	s22 =	sadd.s32 s4, s22;
	s23 =	sand.u32 $0x1FFFFFF0, s23;
	s24 =	spop (v2sf);
	(v2sf) =	vpush v32, $0xA  }
0x2f1: {  	[tilespmem:s18], [sflag:$0x9] =	stream.linear.gather [hbm4b:s22+s3], $0x80, $0x38;
	[tilespmem:$0x18400] =	vst v63  }
0x2f2: {  	s18 =	sadd.s32 s4, s23;
	s22 =	sadd.s32 $0x10580, s5;
	s23 =	spop (v2sf);
	(v2sf) =	vpush v32, $0xB  }
0x2f3: {  	[tilespmem:s17], [sflag:$0x9] =	stream.linear.gather [hbm4b:s18+s3], $0x80, $0x38;
	[tilespmem:$0x18400] =	vst v63  }
0x2f4: {  	s17 =	sand.u32 $0x1FFFFFF0, s24;
	s18 =	sand.u32 $0x1FFFFFF0, s23;
	s23 =	spop (v2sf);
	(v2sf) =	vpush v32, $0xC  }
0x2f5: {  	s17 =	sadd.s32 s4, s17;
	s23 =	sand.u32 $0x1FFFFFF0, s23;
	s24 =	spop (v2sf)  }
0x2f6: {  	[tilespmem:s21], [sflag:$0x9] =	stream.linear.gather [hbm4b:s17+s3], $0x80, $0x38;
	(v2sf) =	vpush v32, $0xD;
	[tilespmem:$0x18400] =	vst v63  }
0x2f7: {  	s17 =	sadd.s32 s4, s23;
	s21 =	sand.u32 $0x1FFFFFF0, s24;
	s23 =	spop (v2sf)  }
0x2f8: {  	[tilespmem:s22], [sflag:$0x9] =	stream.linear.gather [hbm4b:s17+s3], $0x80, $0x38;
	(v2sf) =	vpush v32, $0xE;
	[tilespmem:$0x18400] =	vst v63  }
0x2f9: {  	s17 =	sadd.s32 s4, s18;
	s18 =	sand.u32 $0x1FFFFFF0, s23;
	s22 =	spop (v2sf)  }
0x2fa: {  	[tilespmem:s19], [sflag:$0x9] =	stream.linear.gather [hbm4b:s17+s3], $0x80, $0x38;
	(v2sf) =	vpush v32, $0xF;
	[tilespmem:$0x18400] =	vst v63  }
0x2fb: {  	s17 =	sadd.s32 s4, s21;
	s19 =	sand.u32 $0x1FFFFFF0, s22;
	s21 =	spop (v2sf)  }
0x2fc: {  	[tilespmem:s16], [sflag:$0x9] =	stream.linear.gather [hbm4b:s17+s3], $0x80, $0x38;
	[tilespmem:$0x18400] =	vst v63  }
0x2fd: {  	s16 =	sadd.s32 s4, s18;
	s17 =	sand.u32 $0x1FFFFFF0, s21;
	s18 =	spop (v2sf)  }
0x2fe: {  	[tilespmem:s20], [sflag:$0x9] =	stream.linear.gather [hbm4b:s16+s3], $0x80, $0x38;
	[tilespmem:$0x18400] =	vst v63  }
0x2ff: {  	s16 =	sadd.s32 s4, s19;
	s18 =	sand.u32 $0x1FFFFFF0, s18;
	s19 =	spop (v2sf)  }
0x300: {  	[tilespmem:s15], [sflag:$0x9] =	stream.linear.gather [hbm4b:s16+s3], $0x80, $0x38;
	[tilespmem:$0x18400] =	vst v63  }
0x301: {  	s15 =	sadd.s32 s4, s17;
	s16 =	sand.u32 $0x1FFFFFF0, s19;
	s17 =	spop (v2sf)  }
0x302: {  	[tilespmem:s12], [sflag:$0x9] =	stream.linear.gather [hbm4b:s15+s3], $0x80, $0x38;
	[tilespmem:$0x18400] =	vst v63  }
0x303: {  	s12 =	sadd.s32 s4, s18;
	s15 =	sand.u32 $0x1FFFFFF0, s17;
	s17 =	spop (v2sf)  }
0x304: {  	[tilespmem:s31], [sflag:$0x9] =	stream.linear.gather [hbm4b:s12+s3], $0x80, $0x38;
	[tilespmem:$0x18400] =	vst v63  }
0x305: {  	s12 =	sadd.s32 s4, s16;
	s16 =	sand.u32 $0x1FFFFFF0, s17;
	s17 =	spop (v2sf)  }
0x306: {  	[tilespmem:s11], [sflag:$0x9] =	stream.linear.gather [hbm4b:s12+s3], $0x80, $0x38;
	[tilespmem:$0x18400] =	vst v63  }
0x307: {  	s11 =	sadd.s32 s4, s15;
	s12 =	sand.u32 $0x1FFFFFF0, s17;
	s15 =	spop (v2sf)  }
0x308: {  	[tilespmem:s10], [sflag:$0x9] =	stream.linear.gather [hbm4b:s11+s3], $0x80, $0x38;
	[tilespmem:$0x18400] =	vst v63  }
0x309: {  	s10 =	sadd.s32 s4, s16;
	s11 =	sand.u32 $0x1FFFFFF0, s15;
	s15 =	spop (v2sf)  }
0x30a: {  	[tilespmem:s8], [sflag:$0x9] =	stream.linear.gather [hbm4b:s10+s3], $0x80, $0x38;
	[tilespmem:$0x18400] =	vst v63  }
0x30b: {  	s8 =	sadd.s32 s4, s12;
	s10 =	sand.u32 $0x1FFFFFF0, s15  }
0x30c: {  	[tilespmem:s9], [sflag:$0x9] =	stream.linear.gather [hbm4b:s8+s3], $0x80, $0x38;
	[tilespmem:$0x18400] =	vst v63  }
0x30d: {  	s8 =	sadd.s32 $0x10B00, s5;
	s9 =	sadd.s32 s4, s11  }
0x30e: {  	[tilespmem:s8], [sflag:$0x9] =	stream.linear.gather [hbm4b:s9+s3], $0x80, $0x38;
	[tilespmem:$0x18400] =	vst v63  }
0x30f: {  	s5 =	sadd.s32 $0x10B80, s5;
	s8 =	sadd.s32 s4, s10  }
0x310: {  	[tilespmem:s5], [sflag:$0x9] =	stream.linear.gather [hbm4b:s8+s3], $0x80, $0x38;
	[tilespmem:$0x18400] =	vst v63  }
0x311: {  	v32 =	vld [tilespmem:s6+$0x0];
	_ =	sdelay $0x4  }
0x312: {  	v32 =	vshll.u32 v32, $0x4  }
0x313: {  	(v2sf) =	vpush v32, $0x0  }
0x314: {  	(v2sf) =	vpush v32, $0x1  }
0x315: {  	(v2sf) =	vpush v32, $0x2;
	_ =	sdelay $0x1  }
0x316: {  	(v2sf) =	vpush v32, $0x4  }
.Ltmp3:
0x317: {  	(pc) =	sbr.rel @p0 .LBB2_8-.Ltmp3, $3  }
0x318: {  	(v2sf) =	vpush v32, $0x3  }
0x319: {  	(v2sf) =	vpush v32, $0x5;
	_ =	sdelay $0x1  }
0x31a: {  	s5 =	sshra.s32 s2, $0x2;
	(v2sf) =	vpush v32, $0x6  }
0x31b: {  	_ =	sdelay $0x1  }
0x31c: {  	s8 =	sadd.s32 $0x10480, s5;
	s7 =	sadd.s32 $0x10980, s5  }
0x31d: {  	s9 =	sadd.s32 $0x10780, s5;
	s2 =	sadd.s32 $0x10A00, s5;
	(v2sf) =	vpush v32, $0x7;
	s10 =	sadd.s32 $0x10680, s5  }
0x31e: {  	s11 =	sadd.s32 $0x10800, s5;
	s6 =	sadd.s32 $0x10A80, s5;
	s12 =	sadd.s32 $0x10400, s5  }
0x31f: {  	s15 =	sadd.s32 $0x10600, s5;
	s16 =	sadd.s32 $0x10700, s5;
	(v2sf) =	vpush v32, $0x8;
	s17 =	spop (v2sf)  }
0x320: {  	s18 =	sadd.s32 $0x10500, s5;
	s17 =	sand.u32 $0x1FFFFFF0, s17;
	s19 =	spop (v2sf)  }
0x321: {  	(v2sf) =	vpush v32, $0x9;
	s17 =	sadd.s32 s4, s17;
	s19 =	sand.u32 $0x1FFFFFF0, s19;
	s20 =	spop (v2sf)  }
0x322: {  	[tilespmem:s12], [sflag:$0x9] =	stream.linear.gather [hbm4b:s17+s3], $0x80, $0x38;
	[tilespmem:$0x18400] =	vst v63  }
0x323: {  	s21 =	sadd.s32 $0x10580, s5;
	(v2sf) =	vpush v32, $0xA;
	s23 =	sadd.s32 s4, s19;
	s24 =	spop (v2sf)  }
0x324: {  	[tilespmem:s8], [sflag:$0x9] =	stream.linear.gather [hbm4b:s23+s3], $0x80, $0x38;
	[tilespmem:$0x18400] =	vst v63  }
0x325: {  	s12 =	sadd.s32 $0x10900, s5;
	s31 =	sand.u32 $0x1FFFFFF0, s20;
	(v2sf) =	vpush v32, $0xB;
	s1 =	spop (v2sf)  }
0x326: {  	s17 =	sadd.s32 s4, s31;
	s8 =	sadd.s32 $0x10880, s5;
	s20 =	sand.u32 $0x1FFFFFF0, s1  }
0x327: {  	(v2sf) =	vpush v32, $0xC;
	[tilespmem:s18], [sflag:$0x9] =	stream.linear.gather [hbm4b:s17+s3], $0x80, $0x38;
	[tilespmem:$0x18400] =	vst v63  }
0x328: {  	s22 =	sand.u32 $0x1FFFFFF0, s24;
	s23 =	spop (v2sf);
	s24 =	sadd.s32 s4, s20  }
0x329: {  	(v2sf) =	vpush v32, $0xD;
	[tilespmem:s21], [sflag:$0x9] =	stream.linear.gather [hbm4b:s24+s3], $0x80, $0x38;
	[tilespmem:$0x18400] =	vst v63  }
0x32a: {  	s17 =	sadd.s32 s4, s22;
	s18 =	sand.u32 $0x1FFFFFF0, s23;
	s31 =	spop (v2sf)  }
0x32b: {  	(v2sf) =	vpush v32, $0xE;
	[tilespmem:s15], [sflag:$0x9] =	stream.linear.gather [hbm4b:s17+s3], $0x80, $0x38;
	[tilespmem:$0x18400] =	vst v63  }
0x32c: {  	s18 =	sadd.s32 s4, s18;
	s1 =	sand.u32 $0x1FFFFFF0, s31;
	s19 =	spop (v2sf)  }
0x32d: {  	(v2sf) =	vpush v32, $0xF;
	[tilespmem:s10], [sflag:$0x9] =	stream.linear.gather [hbm4b:s18+s3], $0x80, $0x38;
	[tilespmem:$0x18400] =	vst v63  }
0x32e: {  	s20 =	sand.u32 $0x1FFFFFF0, s19;
	s21 =	spop (v2sf);
	s15 =	sadd.s32 s4, s1  }
0x32f: {  	[tilespmem:s16], [sflag:$0x9] =	stream.linear.gather [hbm4b:s15+s3], $0x80, $0x38;
	[tilespmem:$0x18400] =	vst v63  }
0x330: {  	s22 =	sand.u32 $0x1FFFFFF0, s21;
	s10 =	sadd.s32 s4, s20;
	s23 =	spop (v2sf)  }
0x331: {  	[tilespmem:s9], [sflag:$0x9] =	stream.linear.gather [hbm4b:s10+s3], $0x80, $0x38;
	[tilespmem:$0x18400] =	vst v63  }
0x332: {  	s15 =	sadd.s32 s4, s22;
	s24 =	sand.u32 $0x1FFFFFF0, s23;
	s31 =	spop (v2sf)  }
0x333: {  	[tilespmem:s11], [sflag:$0x9] =	stream.linear.gather [hbm4b:s15+s3], $0x80, $0x38;
	[tilespmem:$0x18400] =	vst v63  }
0x334: {  	s10 =	sand.u32 $0x1FFFFFF0, s31;
	s9 =	sadd.s32 s4, s24;
	s1 =	spop (v2sf)  }
0x335: {  	[tilespmem:s8], [sflag:$0x9] =	stream.linear.gather [hbm4b:s9+s3], $0x80, $0x38;
	[tilespmem:$0x18400] =	vst v63  }
0x336: {  	s10 =	sadd.s32 s4, s10;
	s15 =	sand.u32 $0x1FFFFFF0, s1;
	s16 =	spop (v2sf)  }
0x337: {  	[tilespmem:s12], [sflag:$0x9] =	stream.linear.gather [hbm4b:s10+s3], $0x80, $0x38;
	[tilespmem:$0x18400] =	vst v63  }
0x338: {  	s8 =	sadd.s32 s4, s15;
	s9 =	sand.u32 $0x1FFFFFF0, s16;
	s17 =	spop (v2sf)  }
0x339: {  	[tilespmem:s7], [sflag:$0x9] =	stream.linear.gather [hbm4b:s8+s3], $0x80, $0x38;
	[tilespmem:$0x18400] =	vst v63  }
0x33a: {  	s18 =	sand.u32 $0x1FFFFFF0, s17;
	s9 =	sadd.s32 s4, s9;
	s19 =	spop (v2sf)  }
0x33b: {  	[tilespmem:s2], [sflag:$0x9] =	stream.linear.gather [hbm4b:s9+s3], $0x80, $0x38;
	[tilespmem:$0x18400] =	vst v63  }
0x33c: {  	s20 =	sand.u32 $0x1FFFFFF0, s19;
	s21 =	spop (v2sf);
	s7 =	sadd.s32 s4, s18  }
0x33d: {  	[tilespmem:s6], [sflag:$0x9] =	stream.linear.gather [hbm4b:s7+s3], $0x80, $0x38;
	[tilespmem:$0x18400] =	vst v63  }
0x33e: {  	s23 =	sadd.s32 $0x10B00, s5;
	s22 =	sand.u32 $0x1FFFFFF0, s21;
	s2 =	sadd.s32 s4, s20  }
0x33f: {  	[tilespmem:s23], [sflag:$0x9] =	stream.linear.gather [hbm4b:s2+s3], $0x80, $0x38;
	[tilespmem:$0x18400] =	vst v63  }
0x340: {  	s24 =	sadd.s32 $0x10B80, s5;
	s31 =	sadd.s32 s4, s22  }
0x341: {  	[tilespmem:s24], [sflag:$0x9] =	stream.linear.gather [hbm4b:s31+s3], $0x80, $0x38;
	[tilespmem:$0x18400] =	vst v63  }
0x342: {  	_ =	swait.ge [sflag:s0], $0x80  }
0x343: {  	s2 =	simm.s32 $0xFF;
	[sflag:s0] =	ssyncset.done $0x0  }
.LBB2_10:
0x344: {  	p0 =	sne.s32 s2, $0x1;
	s2 =	sadd.s32 $0xFFFFFFFF, s2;
	[sflag:s0] =	ssyncadd.s32 $0xFFFFFF80  }
.Ltmp4:
0x345: {  	(pc) =	sbr.rel @p0 .LBB2_10-.Ltmp4, $3  }
0x346: {  	_ =	sdelay $0x1  }
0x347: {  	_ =	swait.ge [sflag:s0], $0x80  }
0x348: {  	[sflag:s0] =	ssyncset.done $0x0  }
0x349: {  	[sflag:s0] =	ssyncadd.s32 $0xFFFFFF80  }
0x34a: {  	s2 =	rddreg [dreg:$0xa];
	s5 =	simm.s32 $0x10400;
	s7 =	simm.s32 $0xA  }
0x34b: {  	[hbm4b:s2+s3] =	stream.linear.scatter [tilespmem:s5], [sflag:$0xA], $0x8000, $0x38;
	[tilespmem:$0x18400] =	vst v63  }
0x34c: {  	_ =	swait.ge [sflag:s7], $0x8000  }
0x34d: {  	s24 =	rddreg [dreg:$0xc]  }
0x34e: {  	s31 =	rddreg [dreg:$0xb];
	s5 =	sadd.s32 $0x1, s24  }
0x34f: {  	p0 =	sne.s32 s5, s31  }
.Ltmp5:
0x350: {  	_ = 	snop;
	(pc) =	sbr.rel @p0 .LBB2_1-.Ltmp5, $3  }
0x351: {  	_ =	sdelay $0x1  }
0x352: {  	s15 =	simm.s32 $0x1;
	s16 =	simm.s32 $0x2;
	[sflag:s7] =	ssyncset.done $0x0  }
0x353: {  	s17 =	simm.s32 $0x3;
	s23 =	simm.s32 $0x7A1400;
	[sflag:s7] =	ssyncadd.s32 $0xFFFF8000  }
0x354: {  	_ =	sfence.sel $0x180000  }
0x355: {  	[bflag:$0x0] =	sbarrier.arrive $0xFFFF  }
0x356: {  	_ =	strace $0x90000047  }
0x357: {  	s0 =	stileid.u32;
	[bflag:$0x2] =	sbarrier.arrive $0xFFFF  }
0x358: {  	p0 =	sne.s32 s0, $0x0;
	s0 =	rddreg [dreg:$0x4]  }
0x359: {  	s0 =	sadd.s32 @!p0 $0x100000, s0  }
0x35a: {  	[sflag:s0] =	ssyncadd.tile.s32 @!p0 $0x1;
	_ =	shalt  }
.Lfunc_end2:
_tile_overlayer_lowered:
.L_overlay_start_2:
0x35b: {  	(tag) =	ssettag $0x2  }
0x35c: {  	s0 =	rddreg [dreg:$0x0];
	s2 =	stileid.u32  }
0x35d: {  	s1 =	rddreg [dreg:$0x1];
	p0 =	sne.s32 s2, $0x0  }
0x35e: {  	s3 =	rddreg [dreg:$0x2];
	[bflag:$0x3] =	sbarrier.arrive $0xFFFF;
	s2 =	simm.s32 @!p0 $0x1C0A  }
0x35f: {  	[timem:s3], [sflag:s2] =	dma.local @!p0 [hbm:s0], s1  }
0x360: {  	s0 =	simm.s32 @!p0 $0xA  }
0x361: {  	_ =	swait.ge @!p0 [sflag:s0], s1  }
0x362: {  	s1 =	ssub.s32 @!p0 $0x0, s1;
	[sflag:s0] =	ssyncset.done @!p0 $0x0  }
0x363: {  	[sflag:s0] =	ssyncadd.s32 @!p0 s1  }
0x364: {  	[bflag:$0x3] =	sbarrier.arrive $0xFFFF  }
0x365: {  	_ =	shalt  }

</sc_bundles>
